<compile_context>
chip_gen: v7x
topology: tpu7x:2x2x1
jax: 0.10.2.dev20260603
libtpu: 0.0.44.dev20260713+nightly
codegen_flags: <defaults>
</compile_context>

<pallas_src>
import math

import jax
import jax.numpy as jnp
from jax import lax
from jax.experimental import pallas as pl
from jax.experimental.pallas import tpu as pltpu
from jax.experimental.pallas import tpu_sc as plsc

B = 2
T = 2048
D_MODEL = 1024
SKILL_DIM = 128
MAX_SKILLS = 4096
TOP_K = 8

NC = 2
NS = 16
L = 16
CHUNK = MAX_SKILLS // NS
NV = CHUNK // L
NEG = float("-inf")



def _scores_kernel(h_last_ref, wq_ref, bq_ref, embeds_ref, wk_ref, bk_ref,
                   scores_ref):
    q = h_last_ref[...] @ wq_ref[...] + bq_ref[...]
    keys = embeds_ref[...] @ wk_ref[...] + bk_ref[...]
    scores_ref[...] = (q @ keys.T) * (1.0 / math.sqrt(SKILL_DIM))



def _xlane(x, sh):
    perm = (lax.iota(jnp.int32, L) ^ sh).reshape(L, 1)
    return lax.gather(
        x, perm,
        dimension_numbers=lax.GatherDimensionNumbers(
            offset_dims=(), collapsed_slice_dims=(0,), start_index_map=(0,)),
        slice_sizes=(1,),
        unique_indices=True,
        mode=lax.GatherScatterMode.PROMISE_IN_BOUNDS)


def _bcast_max(x):
    for sh in (8, 4, 2, 1):
        x = jnp.maximum(x, _xlane(x, sh))
    return x


def _bcast_min(x):
    for sh in (8, 4, 2, 1):
        x = jnp.minimum(x, _xlane(x, sh))
    return x


def _bcast_sum(x):
    for sh in (8, 4, 2, 1):
        x = x + _xlane(x, sh)
    return x


def _sc_topk_body(scores_hbm, embeds_hbm, skill_hbm, cand_vals_hbm,
                  cand_idx_hbm, chunk_v, stage_v, stage_i, merge_v, merge_i,
                  rows_v, idx_v, skill_row, sem):
    c = lax.axis_index("c")
    s = lax.axis_index("s")
    w = c * NS + s

    pltpu.sync_copy(scores_hbm.at[pl.ds(w * CHUNK, CHUNK)], chunk_v)
    vs = [chunk_v[pl.ds(i * L, L)] for i in range(NV)]
    base = s * CHUNK
    gidx = [lax.iota(jnp.int32, L) + (base + i * L) for i in range(NV)]

    val_vec = jnp.full((L,), NEG, dtype=jnp.float32)
    idx_vec = jnp.zeros((L,), dtype=jnp.int32)
    lane = lax.iota(jnp.int32, L)
    for k in range(TOP_K):
        m = vs[0]
        for i in range(1, NV):
            m = jnp.maximum(m, vs[i])
        mx = _bcast_max(m)
        cmin = jnp.where(vs[0] == mx, gidx[0], MAX_SKILLS)
        for i in range(1, NV):
            cmin = jnp.minimum(cmin, jnp.where(vs[i] == mx, gidx[i], MAX_SKILLS))
        amin = _bcast_min(cmin)
        val_vec = jnp.where(lane == k, mx, val_vec)
        idx_vec = jnp.where(lane == k, amin, idx_vec)
        vs = [jnp.where(gidx[i] == amin, NEG, vs[i]) for i in range(NV)]

    stage_v[...] = val_vec
    stage_i[...] = idx_vec
    pltpu.sync_copy(stage_v, cand_vals_hbm.at[pl.ds(w * L, L)])
    pltpu.sync_copy(stage_i, cand_idx_hbm.at[pl.ds(w * L, L)])
    plsc.subcore_barrier()

    @pl.when(s == 0)
    def _merge():
        pltpu.sync_copy(cand_vals_hbm.at[pl.ds(c * NS * L, NS * L)], merge_v)
        pltpu.sync_copy(cand_idx_hbm.at[pl.ds(c * NS * L, NS * L)], merge_i)
        cur = [merge_v[pl.ds(i * L, L)] for i in range(NS)]
        mis = [merge_i[pl.ds(i * L, L)] for i in range(NS)]

        tval = jnp.full((L,), NEG, dtype=jnp.float32)
        tidx = jnp.zeros((L,), dtype=jnp.int32)
        for k in range(TOP_K):
            m = cur[0]
            for i in range(1, NS):
                m = jnp.maximum(m, cur[i])
            mx = _bcast_max(m)
            cmin = jnp.where(cur[0] == mx, mis[0], MAX_SKILLS)
            for i in range(1, NS):
                cmin = jnp.minimum(cmin, jnp.where(cur[i] == mx, mis[i], MAX_SKILLS))
            amin = _bcast_min(cmin)
            tval = jnp.where(lane == k, mx, tval)
            tidx = jnp.where(lane == k, amin, tidx)
            cur = [jnp.where(mis[i] == amin, NEG, cur[i]) for i in range(NS)]

        mx0 = _bcast_max(tval)
        ex = jnp.exp(tval - mx0)
        wn = ex / _bcast_sum(ex)
        idx_v[...] = tidx

        pltpu.async_copy(embeds_hbm.at[idx_v], rows_v, sem).wait()
        for t in range(SKILL_DIM // L):
            acc = jnp.zeros((L,), dtype=jnp.float32)
            for r in range(TOP_K):
                acc = acc + wn[r] * rows_v[r, pl.ds(t * L, L)]
            skill_row[pl.ds(t * L, L)] = acc
        pltpu.sync_copy(skill_row, skill_hbm.at[pl.ds(c * SKILL_DIM, SKILL_DIM)])


def _sc_topk(scores, embeds):
    mesh = plsc.VectorSubcoreMesh(core_axis_name="c", subcore_axis_name="s",
                                  num_cores=NC, num_subcores=NS)
    skill_flat, _cv, _ci = pl.kernel(
        _sc_topk_body,
        out_type=(
            jax.ShapeDtypeStruct((B * SKILL_DIM,), jnp.float32),
            jax.ShapeDtypeStruct((B * NS * L,), jnp.float32),
            jax.ShapeDtypeStruct((B * NS * L,), jnp.int32),
        ),
        mesh=mesh,
        scratch_types=[
            pltpu.VMEM((CHUNK,), jnp.float32),
            pltpu.VMEM((L,), jnp.float32),
            pltpu.VMEM((L,), jnp.int32),
            pltpu.VMEM((NS * L,), jnp.float32),
            pltpu.VMEM((NS * L,), jnp.int32),
            pltpu.VMEM((L, SKILL_DIM), jnp.float32),
            pltpu.VMEM((L,), jnp.int32),
            pltpu.VMEM((SKILL_DIM,), jnp.float32),
            pltpu.SemaphoreType.DMA,
        ],
    )(scores.reshape(-1), embeds)
    return skill_flat.reshape(B, SKILL_DIM)



def _project_kernel(skill_ref, wkv_ref, bkv_ref, wo_ref, h_exec_ref):
    v = skill_ref[...] @ wkv_ref[...] + bkv_ref[...]
    row = v @ wo_ref[...]
    h_exec_ref[...] = jnp.broadcast_to(row[:, None, :], (B, T, D_MODEL))


def kernel(h, embeds, Wq_r, bq_r, Wk_r, bk_r, Wc, bc, gate, Wkv, bkv, Wq_a, Wo):
    scores = pl.pallas_call(
        _scores_kernel,
        grid=(1,),
        in_specs=[
            pl.BlockSpec((B, D_MODEL), lambda i: (0, 0)),
            pl.BlockSpec((D_MODEL, SKILL_DIM), lambda i: (0, 0)),
            pl.BlockSpec((1, SKILL_DIM), lambda i: (0, 0)),
            pl.BlockSpec((MAX_SKILLS, SKILL_DIM), lambda i: (0, 0)),
            pl.BlockSpec((SKILL_DIM, SKILL_DIM), lambda i: (0, 0)),
            pl.BlockSpec((1, SKILL_DIM), lambda i: (0, 0)),
        ],
        out_specs=pl.BlockSpec((B, MAX_SKILLS), lambda i: (0, 0)),
        out_shape=jax.ShapeDtypeStruct((B, MAX_SKILLS), jnp.float32),
    )(h[:, -1], Wq_r, bq_r.reshape(1, SKILL_DIM), embeds, Wk_r,
      bk_r.reshape(1, SKILL_DIM))

    skill = _sc_topk(scores, embeds)

    h_exec = pl.pallas_call(
        _project_kernel,
        grid=(1,),
        in_specs=[
            pl.BlockSpec((B, SKILL_DIM), lambda i: (0, 0)),
            pl.BlockSpec((SKILL_DIM, D_MODEL), lambda i: (0, 1)),
            pl.BlockSpec((1, D_MODEL), lambda i: (0, 1)),
            pl.BlockSpec((D_MODEL, D_MODEL), lambda i: (0, 0)),
        ],
        out_specs=pl.BlockSpec((B, T, D_MODEL), lambda i: (0, 0, 0)),
        out_shape=jax.ShapeDtypeStruct((B, T, D_MODEL), jnp.float32),
    )(skill, Wkv, bkv.reshape(1, 2 * D_MODEL), Wo)
    return (h_exec, skill)

# --- scband reference (transcript-rebuilt; emitter-appended) ---
"""Pipeline reference for scband-skill-registry-8581344657493 (READ-ONLY COPY).

The authoritative reference and input builder live on the scoring server;
editing this copy changes nothing except your own understanding.
"""

import jax, jax.numpy as jnp
import numpy as np
import math

B = 2
T = 2048
D_MODEL = 1024
SKILL_DIM = 128
MAX_SKILLS = 4096
TOP_K = 8
N_HEADS = 16
HEAD_DIM = D_MODEL // N_HEADS


def setup_inputs(seed: int = 0) -> dict:
    key = jax.random.key(seed)
    ks = jax.random.split(key, 10)
    s = 0.02
    return {
        "h": jax.random.normal(ks[0], (B, T, D_MODEL), dtype=jnp.float32),
        "embeds": jax.random.normal(ks[1], (MAX_SKILLS, SKILL_DIM), dtype=jnp.float32) * 0.02,
        "Wq_r": jax.random.normal(ks[2], (D_MODEL, SKILL_DIM), dtype=jnp.float32) * s,
        "bq_r": jnp.zeros((SKILL_DIM,), dtype=jnp.float32),
        "Wk_r": jax.random.normal(ks[3], (SKILL_DIM, SKILL_DIM), dtype=jnp.float32) * s,
        "bk_r": jnp.zeros((SKILL_DIM,), dtype=jnp.float32),
        "Wc": jax.random.normal(ks[4], (D_MODEL + SKILL_DIM, D_MODEL), dtype=jnp.float32) * s,
        "bc": jnp.zeros((D_MODEL,), dtype=jnp.float32),
        "gate": jnp.ones((1,), dtype=jnp.float32) * 0.1,
        "Wkv": jax.random.normal(ks[5], (SKILL_DIM, 2 * D_MODEL), dtype=jnp.float32) * s,
        "bkv": jnp.zeros((2 * D_MODEL,), dtype=jnp.float32),
        "Wq_a": jax.random.normal(ks[6], (D_MODEL, D_MODEL), dtype=jnp.float32) * s,
        "Wo": jax.random.normal(ks[7], (D_MODEL, D_MODEL), dtype=jnp.float32) * s,
    }


def reference(h, embeds, Wq_r, bq_r, Wk_r, bk_r, Wc, bc, gate, Wkv, bkv, Wq_a, Wo):
    b, t, d = h.shape
    # --- SkillRetriever (skill_ids is None path) ---
    query = h[:, -1] @ Wq_r + bq_r                      # [b, skill_dim]
    keys = embeds @ Wk_r + bk_r                          # [max_skills, skill_dim]
    scores = (query @ keys.T) / math.sqrt(SKILL_DIM)     # [b, max_skills]
    top_scores, top_idx = jax.lax.top_k(scores, TOP_K)   # [b, k]
    weights = jax.nn.softmax(top_scores, axis=-1)        # [b, k]
    gathered = embeds[top_idx]                           # [b, k, skill_dim]
    skill = jnp.sum(weights[..., None] * gathered, axis=-2)  # [b, skill_dim]
    # --- SkillController ---
    skill_exp = jnp.broadcast_to(skill[:, None, :], (b, t, SKILL_DIM))
    control = jnp.concatenate([h, skill_exp], axis=-1) @ Wc + bc
    h_ctrl = h + jnp.tanh(gate) * control
    # --- SkillExecutionAdapter ---
    kv = skill @ Wkv + bkv                               # [b, 2*d]
    k_, v_ = jnp.split(kv, 2, axis=-1)                   # [b, d] each
    k_ = jnp.broadcast_to(k_[:, None, :], (b, t, d)).reshape(b, t, N_HEADS, HEAD_DIM).transpose(0, 2, 1, 3)
    v_ = jnp.broadcast_to(v_[:, None, :], (b, t, d)).reshape(b, t, N_HEADS, HEAD_DIM).transpose(0, 2, 1, 3)
    q = (h_ctrl @ Wq_a).reshape(b, t, N_HEADS, HEAD_DIM).transpose(0, 2, 1, 3)
    attn = (q @ k_.transpose(0, 1, 3, 2)) / math.sqrt(HEAD_DIM)  # [b, H, t, t]
    attn = jax.nn.softmax(attn, axis=-1)
    out = (attn @ v_).transpose(0, 2, 1, 3).reshape(b, t, d)
    h_exec = out @ Wo
    return (h_exec, skill)

if __name__ == "__main__":
    import jax
    _d = setup_inputs()
    print(jax.jit(kernel)(*tuple(_d.values())))

</pallas_src>

<mosaic_0001>
#map = affine_map<(d0, d1) -> (0)>
#map1 = affine_map<(d0, d1) -> (0, 0)>
module attributes {stable_mosaic.version = 14 : i64} {
  func.func @_sc_topk_body(%arg0: i32, %arg1: i32, %arg2: memref<8192xf32, #tpu.memory_space<hbm>>, %arg3: memref<4096x128xf32, #tpu.memory_space<hbm>>, %arg4: memref<256xf32, #tpu.memory_space<hbm>>, %arg5: memref<512xf32, #tpu.memory_space<hbm>>, %arg6: memref<512xi32, #tpu.memory_space<hbm>>, %arg7: memref<256xf32, #tpu.memory_space<vmem>>, %arg8: memref<16xf32, #tpu.memory_space<vmem>>, %arg9: memref<16xi32, #tpu.memory_space<vmem>>, %arg10: memref<256xf32, #tpu.memory_space<vmem>>, %arg11: memref<256xi32, #tpu.memory_space<vmem>>, %arg12: memref<16x128xf32, #tpu.memory_space<vmem>>, %arg13: memref<16xi32, #tpu.memory_space<vmem>>, %arg14: memref<128xf32, #tpu.memory_space<vmem>>, %arg15: memref<!tpu.dma_semaphore, #tpu.memory_space<semaphore_mem>>) attributes {dimension_semantics = [#tpu.dimension_semantics<core_parallel>, #tpu.dimension_semantics<subcore_parallel>], iteration_bounds = array<i64: 2, 16>, scalar_prefetch = 0 : i64, scratch_operands = 9 : i64, tpu.core_type = #tpu.core_type<sc_vector_subcore>, window_params = [{transform_indices = #map}, {transform_indices = #map1}, {transform_indices = #map}, {transform_indices = #map}, {transform_indices = #map}]} {
    %mul3A = arith.constant 16 : i32
    %mul3A_0 = arith.muli %arg0, %mul3A : i32
    %add3A = arith.addi %mul3A_0, %arg1 : i32
    %mul3A_1 = arith.constant 256 : i32
    %mul3A_2 = arith.muli %add3A, %mul3A_1 : i32
    "tpu.region"() ({
      %run_scoped3A = tpu.sem_alloc : memref<!tpu.dma_semaphore, #tpu.memory_space<semaphore_mem>>
      %dma_start3A = tpu.memref_slice %arg2[%mul3A_2] : memref<8192xf32, #tpu.memory_space<hbm>> -> memref<256xf32, #tpu.memory_space<hbm>>
      %dma_start3A_1981 = tpu.memref_slice %arg2[%mul3A_2] : memref<8192xf32, #tpu.memory_space<hbm>> -> memref<256xf32, #tpu.memory_space<hbm>>
      tpu.enqueue_dma source(%dma_start3A_1981 : memref<256xf32, #tpu.memory_space<hbm>>) target(%arg7 : memref<256xf32, #tpu.memory_space<vmem>>) target_semaphore(%run_scoped3A : memref<!tpu.dma_semaphore, #tpu.memory_space<semaphore_mem>>)
      %dma_wait3A = tpu.memref_slice %arg2[%mul3A_2] : memref<8192xf32, #tpu.memory_space<hbm>> -> memref<256xf32, #tpu.memory_space<hbm>>
      %dma_wait3A_1982 = tpu.memref_slice %arg2[%mul3A_2] : memref<8192xf32, #tpu.memory_space<hbm>> -> memref<256xf32, #tpu.memory_space<hbm>>
      tpu.wait_dma2 semaphore(%run_scoped3A : memref<!tpu.dma_semaphore, #tpu.memory_space<semaphore_mem>>) src(%dma_wait3A_1982 : memref<256xf32, #tpu.memory_space<hbm>>) dst(%arg7 : memref<256xf32, #tpu.memory_space<vmem>>)
      tpu.yield
    }) : () -> ()
    %get3A = arith.constant 0 : index
    %get3A_3 = tpu.vector_load %arg7[%get3A] {strides = array<i32>} : memref<256xf32, #tpu.memory_space<vmem>>, vector<16xf32>,
    %get3A_4 = vector.shape_cast %get3A_3 : vector<16xf32> to vector<16xf32>
    %get3A_5 = arith.constant 16 : index
    %get3A_6 = tpu.vector_load %arg7[%get3A_5] {strides = array<i32>} : memref<256xf32, #tpu.memory_space<vmem>>, vector<16xf32>,
    %get3A_7 = vector.shape_cast %get3A_6 : vector<16xf32> to vector<16xf32>
    %get3A_8 = arith.constant 32 : index
    %get3A_9 = tpu.vector_load %arg7[%get3A_8] {strides = array<i32>} : memref<256xf32, #tpu.memory_space<vmem>>, vector<16xf32>,
    %get3A_10 = vector.shape_cast %get3A_9 : vector<16xf32> to vector<16xf32>
    %get3A_11 = arith.constant 48 : index
    %get3A_12 = tpu.vector_load %arg7[%get3A_11] {strides = array<i32>} : memref<256xf32, #tpu.memory_space<vmem>>, vector<16xf32>,
    %get3A_13 = vector.shape_cast %get3A_12 : vector<16xf32> to vector<16xf32>
    %get3A_14 = arith.constant 64 : index
    %get3A_15 = tpu.vector_load %arg7[%get3A_14] {strides = array<i32>} : memref<256xf32, #tpu.memory_space<vmem>>, vector<16xf32>,
    %get3A_16 = vector.shape_cast %get3A_15 : vector<16xf32> to vector<16xf32>
    %get3A_17 = arith.constant 80 : index
    %get3A_18 = tpu.vector_load %arg7[%get3A_17] {strides = array<i32>} : memref<256xf32, #tpu.memory_space<vmem>>, vector<16xf32>,
    %get3A_19 = vector.shape_cast %get3A_18 : vector<16xf32> to vector<16xf32>
    %get3A_20 = arith.constant 96 : index
    %get3A_21 = tpu.vector_load %arg7[%get3A_20] {strides = array<i32>} : memref<256xf32, #tpu.memory_space<vmem>>, vector<16xf32>,
    %get3A_22 = vector.shape_cast %get3A_21 : vector<16xf32> to vector<16xf32>
    %get3A_23 = arith.constant 112 : index
    %get3A_24 = tpu.vector_load %arg7[%get3A_23] {strides = array<i32>} : memref<256xf32, #tpu.memory_space<vmem>>, vector<16xf32>,
    %get3A_25 = vector.shape_cast %get3A_24 : vector<16xf32> to vector<16xf32>
    %get3A_26 = arith.constant 128 : index
    %get3A_27 = tpu.vector_load %arg7[%get3A_26] {strides = array<i32>} : memref<256xf32, #tpu.memory_space<vmem>>, vector<16xf32>,
    %get3A_28 = vector.shape_cast %get3A_27 : vector<16xf32> to vector<16xf32>
    %get3A_29 = arith.constant 144 : index
    %get3A_30 = tpu.vector_load %arg7[%get3A_29] {strides = array<i32>} : memref<256xf32, #tpu.memory_space<vmem>>, vector<16xf32>,
    %get3A_31 = vector.shape_cast %get3A_30 : vector<16xf32> to vector<16xf32>
    %get3A_32 = arith.constant 160 : index
    %get3A_33 = tpu.vector_load %arg7[%get3A_32] {strides = array<i32>} : memref<256xf32, #tpu.memory_space<vmem>>, vector<16xf32>,
    %get3A_34 = vector.shape_cast %get3A_33 : vector<16xf32> to vector<16xf32>
    %get3A_35 = arith.constant 176 : index
    %get3A_36 = tpu.vector_load %arg7[%get3A_35] {strides = array<i32>} : memref<256xf32, #tpu.memory_space<vmem>>, vector<16xf32>,
    %get3A_37 = vector.shape_cast %get3A_36 : vector<16xf32> to vector<16xf32>
    %get3A_38 = arith.constant 192 : index
    %get3A_39 = tpu.vector_load %arg7[%get3A_38] {strides = array<i32>} : memref<256xf32, #tpu.memory_space<vmem>>, vector<16xf32>,
    %get3A_40 = vector.shape_cast %get3A_39 : vector<16xf32> to vector<16xf32>
    %get3A_41 = arith.constant 208 : index
    %get3A_42 = tpu.vector_load %arg7[%get3A_41] {strides = array<i32>} : memref<256xf32, #tpu.memory_space<vmem>>, vector<16xf32>,
    %get3A_43 = vector.shape_cast %get3A_42 : vector<16xf32> to vector<16xf32>
    %get3A_44 = arith.constant 224 : index
    %get3A_45 = tpu.vector_load %arg7[%get3A_44] {strides = array<i32>} : memref<256xf32, #tpu.memory_space<vmem>>, vector<16xf32>,
    %get3A_46 = vector.shape_cast %get3A_45 : vector<16xf32> to vector<16xf32>
    %get3A_47 = arith.constant 240 : index
    %get3A_48 = tpu.vector_load %arg7[%get3A_47] {strides = array<i32>} : memref<256xf32, #tpu.memory_space<vmem>>, vector<16xf32>,
    %get3A_49 = vector.shape_cast %get3A_48 : vector<16xf32> to vector<16xf32>
    %mul3A_50 = arith.constant 256 : i32
    %mul3A_51 = arith.muli %arg1, %mul3A_50 : i32
    %iota3A = tpu.iota {dimensions = array<i32: 0>} : vector<16xi32>
    %add3A_52 = arith.constant 0 : i32
    %add3A_53 = arith.addi %mul3A_51, %add3A_52 : i32
    %add3A_54 = vector.broadcast %add3A_53 : i32 to vector<16xi32>
    %add3A_55 = arith.addi %iota3A, %add3A_54 : vector<16xi32>
    %iota3A_56 = tpu.iota {dimensions = array<i32: 0>} : vector<16xi32>
    %add3A_57 = arith.constant 16 : i32
    %add3A_58 = arith.addi %mul3A_51, %add3A_57 : i32
    %add3A_59 = vector.broadcast %add3A_58 : i32 to vector<16xi32>
    %add3A_60 = arith.addi %iota3A_56, %add3A_59 : vector<16xi32>
    %iota3A_61 = tpu.iota {dimensions = array<i32: 0>} : vector<16xi32>
    %add3A_62 = arith.constant 32 : i32
    %add3A_63 = arith.addi %mul3A_51, %add3A_62 : i32
    %add3A_64 = vector.broadcast %add3A_63 : i32 to vector<16xi32>
    %add3A_65 = arith.addi %iota3A_61, %add3A_64 : vector<16xi32>
    %iota3A_66 = tpu.iota {dimensions = array<i32: 0>} : vector<16xi32>
    %add3A_67 = arith.constant 48 : i32
    %add3A_68 = arith.addi %mul3A_51, %add3A_67 : i32
    %add3A_69 = vector.broadcast %add3A_68 : i32 to vector<16xi32>
    %add3A_70 = arith.addi %iota3A_66, %add3A_69 : vector<16xi32>
    %iota3A_71 = tpu.iota {dimensions = array<i32: 0>} : vector<16xi32>
    %add3A_72 = arith.constant 64 : i32
    %add3A_73 = arith.addi %mul3A_51, %add3A_72 : i32
    %add3A_74 = vector.broadcast %add3A_73 : i32 to vector<16xi32>
    %add3A_75 = arith.addi %iota3A_71, %add3A_74 : vector<16xi32>
    %iota3A_76 = tpu.iota {dimensions = array<i32: 0>} : vector<16xi32>
    %add3A_77 = arith.constant 80 : i32
    %add3A_78 = arith.addi %mul3A_51, %add3A_77 : i32
    %add3A_79 = vector.broadcast %add3A_78 : i32 to vector<16xi32>
    %add3A_80 = arith.addi %iota3A_76, %add3A_79 : vector<16xi32>
    %iota3A_81 = tpu.iota {dimensions = array<i32: 0>} : vector<16xi32>
    %add3A_82 = arith.constant 96 : i32
    %add3A_83 = arith.addi %mul3A_51, %add3A_82 : i32
    %add3A_84 = vector.broadcast %add3A_83 : i32 to vector<16xi32>
    %add3A_85 = arith.addi %iota3A_81, %add3A_84 : vector<16xi32>
    %iota3A_86 = tpu.iota {dimensions = array<i32: 0>} : vector<16xi32>
    %add3A_87 = arith.constant 112 : i32
    %add3A_88 = arith.addi %mul3A_51, %add3A_87 : i32
    %add3A_89 = vector.broadcast %add3A_88 : i32 to vector<16xi32>
    %add3A_90 = arith.addi %iota3A_86, %add3A_89 : vector<16xi32>
    %iota3A_91 = tpu.iota {dimensions = array<i32: 0>} : vector<16xi32>
    %add3A_92 = arith.constant 128 : i32
    %add3A_93 = arith.addi %mul3A_51, %add3A_92 : i32
    %add3A_94 = vector.broadcast %add3A_93 : i32 to vector<16xi32>
    %add3A_95 = arith.addi %iota3A_91, %add3A_94 : vector<16xi32>
    %iota3A_96 = tpu.iota {dimensions = array<i32: 0>} : vector<16xi32>
    %add3A_97 = arith.constant 144 : i32
    %add3A_98 = arith.addi %mul3A_51, %add3A_97 : i32
    %add3A_99 = vector.broadcast %add3A_98 : i32 to vector<16xi32>
    %add3A_100 = arith.addi %iota3A_96, %add3A_99 : vector<16xi32>
    %iota3A_101 = tpu.iota {dimensions = array<i32: 0>} : vector<16xi32>
    %add3A_102 = arith.constant 160 : i32
    %add3A_103 = arith.addi %mul3A_51, %add3A_102 : i32
    %add3A_104 = vector.broadcast %add3A_103 : i32 to vector<16xi32>
    %add3A_105 = arith.addi %iota3A_101, %add3A_104 : vector<16xi32>
    %iota3A_106 = tpu.iota {dimensions = array<i32: 0>} : vector<16xi32>
    %add3A_107 = arith.constant 176 : i32
    %add3A_108 = arith.addi %mul3A_51, %add3A_107 : i32
    %add3A_109 = vector.broadcast %add3A_108 : i32 to vector<16xi32>
    %add3A_110 = arith.addi %iota3A_106, %add3A_109 : vector<16xi32>
    %iota3A_111 = tpu.iota {dimensions = array<i32: 0>} : vector<16xi32>
    %add3A_112 = arith.constant 192 : i32
    %add3A_113 = arith.addi %mul3A_51, %add3A_112 : i32
    %add3A_114 = vector.broadcast %add3A_113 : i32 to vector<16xi32>
    %add3A_115 = arith.addi %iota3A_111, %add3A_114 : vector<16xi32>
    %iota3A_116 = tpu.iota {dimensions = array<i32: 0>} : vector<16xi32>
    %add3A_117 = arith.constant 208 : i32
    %add3A_118 = arith.addi %mul3A_51, %add3A_117 : i32
    %add3A_119 = vector.broadcast %add3A_118 : i32 to vector<16xi32>
    %add3A_120 = arith.addi %iota3A_116, %add3A_119 : vector<16xi32>
    %iota3A_121 = tpu.iota {dimensions = array<i32: 0>} : vector<16xi32>
    %add3A_122 = arith.constant 224 : i32
    %add3A_123 = arith.addi %mul3A_51, %add3A_122 : i32
    %add3A_124 = vector.broadcast %add3A_123 : i32 to vector<16xi32>
    %add3A_125 = arith.addi %iota3A_121, %add3A_124 : vector<16xi32>
    %iota3A_126 = tpu.iota {dimensions = array<i32: 0>} : vector<16xi32>
    %add3A_127 = arith.constant 240 : i32
    %add3A_128 = arith.addi %mul3A_51, %add3A_127 : i32
    %add3A_129 = vector.broadcast %add3A_128 : i32 to vector<16xi32>
    %add3A_130 = arith.addi %iota3A_126, %add3A_129 : vector<16xi32>
    %broadcast_in_dim3A = arith.constant 0xFF800000 : f32
    %broadcast_in_dim3A_131 = vector.broadcast %broadcast_in_dim3A : f32 to vector<16xf32>
    %broadcast_in_dim3A_132 = arith.constant 0 : i32
    %broadcast_in_dim3A_133 = vector.broadcast %broadcast_in_dim3A_132 : i32 to vector<16xi32>
    %iota3A_134 = tpu.iota {dimensions = array<i32: 0>} : vector<16xi32>
    %max3A = arith.maximumf %get3A_4, %get3A_7 : vector<16xf32>
    %max3A_135 = arith.maximumf %max3A, %get3A_10 : vector<16xf32>
    %max3A_136 = arith.maximumf %max3A_135, %get3A_13 : vector<16xf32>
    %max3A_137 = arith.maximumf %max3A_136, %get3A_16 : vector<16xf32>
    %max3A_138 = arith.maximumf %max3A_137, %get3A_19 : vector<16xf32>
    %max3A_139 = arith.maximumf %max3A_138, %get3A_22 : vector<16xf32>
    %max3A_140 = arith.maximumf %max3A_139, %get3A_25 : vector<16xf32>
    %max3A_141 = arith.maximumf %max3A_140, %get3A_28 : vector<16xf32>
    %max3A_142 = arith.maximumf %max3A_141, %get3A_31 : vector<16xf32>
    %max3A_143 = arith.maximumf %max3A_142, %get3A_34 : vector<16xf32>
    %max3A_144 = arith.maximumf %max3A_143, %get3A_37 : vector<16xf32>
    %max3A_145 = arith.maximumf %max3A_144, %get3A_40 : vector<16xf32>
    %max3A_146 = arith.maximumf %max3A_145, %get3A_43 : vector<16xf32>
    %max3A_147 = arith.maximumf %max3A_146, %get3A_46 : vector<16xf32>
    %max3A_148 = arith.maximumf %max3A_147, %get3A_49 : vector<16xf32>
    %iota3A_149 = tpu.iota {dimensions = array<i32: 0>} : vector<16xi32>
    %xor3A = arith.constant 8 : i32
    %xor3A_150 = vector.broadcast %xor3A : i32 to vector<16xi32>
    %xor3A_151 = arith.xori %iota3A_149, %xor3A_150 : vector<16xi32>
    %reshape3A = vector.shape_cast %xor3A_151 : vector<16xi32> to vector<16x1xi32>
    %gather3A = vector.shape_cast %reshape3A : vector<16x1xi32> to vector<16xi32>
    %gather3A_152 = tpu.dynamic_gather %max3A_148[%gather3A] in [0] : vector<16xf32>, vector<16xi32> -> vector<16xf32>
    %max3A_153 = arith.maximumf %max3A_148, %gather3A_152 : vector<16xf32>
    %iota3A_154 = tpu.iota {dimensions = array<i32: 0>} : vector<16xi32>
    %xor3A_155 = arith.constant 4 : i32
    %xor3A_156 = vector.broadcast %xor3A_155 : i32 to vector<16xi32>
    %xor3A_157 = arith.xori %iota3A_154, %xor3A_156 : vector<16xi32>
    %reshape3A_158 = vector.shape_cast %xor3A_157 : vector<16xi32> to vector<16x1xi32>
    %gather3A_159 = vector.shape_cast %reshape3A_158 : vector<16x1xi32> to vector<16xi32>
    %gather3A_160 = tpu.dynamic_gather %max3A_153[%gather3A_159] in [0] : vector<16xf32>, vector<16xi32> -> vector<16xf32>
    %max3A_161 = arith.maximumf %max3A_153, %gather3A_160 : vector<16xf32>
    %iota3A_162 = tpu.iota {dimensions = array<i32: 0>} : vector<16xi32>
    %xor3A_163 = arith.constant 2 : i32
    %xor3A_164 = vector.broadcast %xor3A_163 : i32 to vector<16xi32>
    %xor3A_165 = arith.xori %iota3A_162, %xor3A_164 : vector<16xi32>
    %reshape3A_166 = vector.shape_cast %xor3A_165 : vector<16xi32> to vector<16x1xi32>
    %gather3A_167 = vector.shape_cast %reshape3A_166 : vector<16x1xi32> to vector<16xi32>
    %gather3A_168 = tpu.dynamic_gather %max3A_161[%gather3A_167] in [0] : vector<16xf32>, vector<16xi32> -> vector<16xf32>
    %max3A_169 = arith.maximumf %max3A_161, %gather3A_168 : vector<16xf32>
    %iota3A_170 = tpu.iota {dimensions = array<i32: 0>} : vector<16xi32>
    %xor3A_171 = arith.constant 1 : i32
    %xor3A_172 = vector.broadcast %xor3A_171 : i32 to vector<16xi32>
    %xor3A_173 = arith.xori %iota3A_170, %xor3A_172 : vector<16xi32>
    %reshape3A_174 = vector.shape_cast %xor3A_173 : vector<16xi32> to vector<16x1xi32>
    %gather3A_175 = vector.shape_cast %reshape3A_174 : vector<16x1xi32> to vector<16xi32>
    %gather3A_176 = tpu.dynamic_gather %max3A_169[%gather3A_175] in [0] : vector<16xf32>, vector<16xi32> -> vector<16xf32>
    %max3A_177 = arith.maximumf %max3A_169, %gather3A_176 : vector<16xf32>
    %eq3A = arith.cmpf oeq, %get3A_4, %max3A_177 : vector<16xf32>
    %jit3A = arith.constant 4096 : i32
    %broadcast_in_dim3A_178 = vector.broadcast %jit3A : i32 to vector<16xi32>
    %select_n3A = arith.select %eq3A, %add3A_55, %broadcast_in_dim3A_178 : vector<16xi1>, vector<16xi32>
    %eq3A_179 = arith.cmpf oeq, %get3A_7, %max3A_177 : vector<16xf32>
    %jit3A_180 = arith.constant 4096 : i32
    %broadcast_in_dim3A_181 = vector.broadcast %jit3A_180 : i32 to vector<16xi32>
    %select_n3A_182 = arith.select %eq3A_179, %add3A_60, %broadcast_in_dim3A_181 : vector<16xi1>, vector<16xi32>
    %min3A = arith.minsi %select_n3A, %select_n3A_182 : vector<16xi32>
    %eq3A_183 = arith.cmpf oeq, %get3A_10, %max3A_177 : vector<16xf32>
    %jit3A_184 = arith.constant 4096 : i32
    %broadcast_in_dim3A_185 = vector.broadcast %jit3A_184 : i32 to vector<16xi32>
    %select_n3A_186 = arith.select %eq3A_183, %add3A_65, %broadcast_in_dim3A_185 : vector<16xi1>, vector<16xi32>
    %min3A_187 = arith.minsi %min3A, %select_n3A_186 : vector<16xi32>
    %eq3A_188 = arith.cmpf oeq, %get3A_13, %max3A_177 : vector<16xf32>
    %jit3A_189 = arith.constant 4096 : i32
    %broadcast_in_dim3A_190 = vector.broadcast %jit3A_189 : i32 to vector<16xi32>
    %select_n3A_191 = arith.select %eq3A_188, %add3A_70, %broadcast_in_dim3A_190 : vector<16xi1>, vector<16xi32>
    %min3A_192 = arith.minsi %min3A_187, %select_n3A_191 : vector<16xi32>
    %eq3A_193 = arith.cmpf oeq, %get3A_16, %max3A_177 : vector<16xf32>
    %jit3A_194 = arith.constant 4096 : i32
    %broadcast_in_dim3A_195 = vector.broadcast %jit3A_194 : i32 to vector<16xi32>
    %select_n3A_196 = arith.select %eq3A_193, %add3A_75, %broadcast_in_dim3A_195 : vector<16xi1>, vector<16xi32>
    %min3A_197 = arith.minsi %min3A_192, %select_n3A_196 : vector<16xi32>
    %eq3A_198 = arith.cmpf oeq, %get3A_19, %max3A_177 : vector<16xf32>
    %jit3A_199 = arith.constant 4096 : i32
    %broadcast_in_dim3A_200 = vector.broadcast %jit3A_199 : i32 to vector<16xi32>
    %select_n3A_201 = arith.select %eq3A_198, %add3A_80, %broadcast_in_dim3A_200 : vector<16xi1>, vector<16xi32>
    %min3A_202 = arith.minsi %min3A_197, %select_n3A_201 : vector<16xi32>
    %eq3A_203 = arith.cmpf oeq, %get3A_22, %max3A_177 : vector<16xf32>
    %jit3A_204 = arith.constant 4096 : i32
    %broadcast_in_dim3A_205 = vector.broadcast %jit3A_204 : i32 to vector<16xi32>
    %select_n3A_206 = arith.select %eq3A_203, %add3A_85, %broadcast_in_dim3A_205 : vector<16xi1>, vector<16xi32>
    %min3A_207 = arith.minsi %min3A_202, %select_n3A_206 : vector<16xi32>
    %eq3A_208 = arith.cmpf oeq, %get3A_25, %max3A_177 : vector<16xf32>
    %jit3A_209 = arith.constant 4096 : i32
    %broadcast_in_dim3A_210 = vector.broadcast %jit3A_209 : i32 to vector<16xi32>
    %select_n3A_211 = arith.select %eq3A_208, %add3A_90, %broadcast_in_dim3A_210 : vector<16xi1>, vector<16xi32>
    %min3A_212 = arith.minsi %min3A_207, %select_n3A_211 : vector<16xi32>
    %eq3A_213 = arith.cmpf oeq, %get3A_28, %max3A_177 : vector<16xf32>
    %jit3A_214 = arith.constant 4096 : i32
    %broadcast_in_dim3A_215 = vector.broadcast %jit3A_214 : i32 to vector<16xi32>
    %select_n3A_216 = arith.select %eq3A_213, %add3A_95, %broadcast_in_dim3A_215 : vector<16xi1>, vector<16xi32>
    %min3A_217 = arith.minsi %min3A_212, %select_n3A_216 : vector<16xi32>
    %eq3A_218 = arith.cmpf oeq, %get3A_31, %max3A_177 : vector<16xf32>
    %jit3A_219 = arith.constant 4096 : i32
    %broadcast_in_dim3A_220 = vector.broadcast %jit3A_219 : i32 to vector<16xi32>
    %select_n3A_221 = arith.select %eq3A_218, %add3A_100, %broadcast_in_dim3A_220 : vector<16xi1>, vector<16xi32>
    %min3A_222 = arith.minsi %min3A_217, %select_n3A_221 : vector<16xi32>
    %eq3A_223 = arith.cmpf oeq, %get3A_34, %max3A_177 : vector<16xf32>
    %jit3A_224 = arith.constant 4096 : i32
    %broadcast_in_dim3A_225 = vector.broadcast %jit3A_224 : i32 to vector<16xi32>
    %select_n3A_226 = arith.select %eq3A_223, %add3A_105, %broadcast_in_dim3A_225 : vector<16xi1>, vector<16xi32>
    %min3A_227 = arith.minsi %min3A_222, %select_n3A_226 : vector<16xi32>
    %eq3A_228 = arith.cmpf oeq, %get3A_37, %max3A_177 : vector<16xf32>
    %jit3A_229 = arith.constant 4096 : i32
    %broadcast_in_dim3A_230 = vector.broadcast %jit3A_229 : i32 to vector<16xi32>
    %select_n3A_231 = arith.select %eq3A_228, %add3A_110, %broadcast_in_dim3A_230 : vector<16xi1>, vector<16xi32>
    %min3A_232 = arith.minsi %min3A_227, %select_n3A_231 : vector<16xi32>
    %eq3A_233 = arith.cmpf oeq, %get3A_40, %max3A_177 : vector<16xf32>
    %jit3A_234 = arith.constant 4096 : i32
    %broadcast_in_dim3A_235 = vector.broadcast %jit3A_234 : i32 to vector<16xi32>
    %select_n3A_236 = arith.select %eq3A_233, %add3A_115, %broadcast_in_dim3A_235 : vector<16xi1>, vector<16xi32>
    %min3A_237 = arith.minsi %min3A_232, %select_n3A_236 : vector<16xi32>
    %eq3A_238 = arith.cmpf oeq, %get3A_43, %max3A_177 : vector<16xf32>
    %jit3A_239 = arith.constant 4096 : i32
    %broadcast_in_dim3A_240 = vector.broadcast %jit3A_239 : i32 to vector<16xi32>
    %select_n3A_241 = arith.select %eq3A_238, %add3A_120, %broadcast_in_dim3A_240 : vector<16xi1>, vector<16xi32>
    %min3A_242 = arith.minsi %min3A_237, %select_n3A_241 : vector<16xi32>
    %eq3A_243 = arith.cmpf oeq, %get3A_46, %max3A_177 : vector<16xf32>
    %jit3A_244 = arith.constant 4096 : i32
    %broadcast_in_dim3A_245 = vector.broadcast %jit3A_244 : i32 to vector<16xi32>
    %select_n3A_246 = arith.select %eq3A_243, %add3A_125, %broadcast_in_dim3A_245 : vector<16xi1>, vector<16xi32>
    %min3A_247 = arith.minsi %min3A_242, %select_n3A_246 : vector<16xi32>
    %eq3A_248 = arith.cmpf oeq, %get3A_49, %max3A_177 : vector<16xf32>
    %jit3A_249 = arith.constant 4096 : i32
    %broadcast_in_dim3A_250 = vector.broadcast %jit3A_249 : i32 to vector<16xi32>
    %select_n3A_251 = arith.select %eq3A_248, %add3A_130, %broadcast_in_dim3A_250 : vector<16xi1>, vector<16xi32>
    %min3A_252 = arith.minsi %min3A_247, %select_n3A_251 : vector<16xi32>
    %iota3A_253 = tpu.iota {dimensions = array<i32: 0>} : vector<16xi32>
    %xor3A_254 = arith.constant 8 : i32
    %xor3A_255 = vector.broadcast %xor3A_254 : i32 to vector<16xi32>
    %xor3A_256 = arith.xori %iota3A_253, %xor3A_255 : vector<16xi32>
    %reshape3A_257 = vector.shape_cast %xor3A_256 : vector<16xi32> to vector<16x1xi32>
    %gather3A_258 = vector.shape_cast %reshape3A_257 : vector<16x1xi32> to vector<16xi32>
    %gather3A_259 = tpu.dynamic_gather %min3A_252[%gather3A_258] in [0] : vector<16xi32>, vector<16xi32> -> vector<16xi32>
    %min3A_260 = arith.minsi %min3A_252, %gather3A_259 : vector<16xi32>
    %iota3A_261 = tpu.iota {dimensions = array<i32: 0>} : vector<16xi32>
    %xor3A_262 = arith.constant 4 : i32
    %xor3A_263 = vector.broadcast %xor3A_262 : i32 to vector<16xi32>
    %xor3A_264 = arith.xori %iota3A_261, %xor3A_263 : vector<16xi32>
    %reshape3A_265 = vector.shape_cast %xor3A_264 : vector<16xi32> to vector<16x1xi32>
    %gather3A_266 = vector.shape_cast %reshape3A_265 : vector<16x1xi32> to vector<16xi32>
    %gather3A_267 = tpu.dynamic_gather %min3A_260[%gather3A_266] in [0] : vector<16xi32>, vector<16xi32> -> vector<16xi32>
    %min3A_268 = arith.minsi %min3A_260, %gather3A_267 : vector<16xi32>
    %iota3A_269 = tpu.iota {dimensions = array<i32: 0>} : vector<16xi32>
    %xor3A_270 = arith.constant 2 : i32
    %xor3A_271 = vector.broadcast %xor3A_270 : i32 to vector<16xi32>
    %xor3A_272 = arith.xori %iota3A_269, %xor3A_271 : vector<16xi32>
    %reshape3A_273 = vector.shape_cast %xor3A_272 : vector<16xi32> to vector<16x1xi32>
    %gather3A_274 = vector.shape_cast %reshape3A_273 : vector<16x1xi32> to vector<16xi32>
    %gather3A_275 = tpu.dynamic_gather %min3A_268[%gather3A_274] in [0] : vector<16xi32>, vector<16xi32> -> vector<16xi32>
    %min3A_276 = arith.minsi %min3A_268, %gather3A_275 : vector<16xi32>
    %iota3A_277 = tpu.iota {dimensions = array<i32: 0>} : vector<16xi32>
    %xor3A_278 = arith.constant 1 : i32
    %xor3A_279 = vector.broadcast %xor3A_278 : i32 to vector<16xi32>
    %xor3A_280 = arith.xori %iota3A_277, %xor3A_279 : vector<16xi32>
    %reshape3A_281 = vector.shape_cast %xor3A_280 : vector<16xi32> to vector<16x1xi32>
    %gather3A_282 = vector.shape_cast %reshape3A_281 : vector<16x1xi32> to vector<16xi32>
    %gather3A_283 = tpu.dynamic_gather %min3A_276[%gather3A_282] in [0] : vector<16xi32>, vector<16xi32> -> vector<16xi32>
    %min3A_284 = arith.minsi %min3A_276, %gather3A_283 : vector<16xi32>
    %eq3A_285 = arith.constant 0 : i32
    %eq3A_286 = vector.broadcast %eq3A_285 : i32 to vector<16xi32>
    %eq3A_287 = arith.cmpi eq, %iota3A_134, %eq3A_286 : vector<16xi32>
    %select_n3A_288 = arith.select %eq3A_287, %max3A_177, %broadcast_in_dim3A_131 : vector<16xi1>, vector<16xf32>
    %eq3A_289 = arith.constant 0 : i32
    %eq3A_290 = vector.broadcast %eq3A_289 : i32 to vector<16xi32>
    %eq3A_291 = arith.cmpi eq, %iota3A_134, %eq3A_290 : vector<16xi32>
    %select_n3A_292 = arith.select %eq3A_291, %min3A_284, %broadcast_in_dim3A_133 : vector<16xi1>, vector<16xi32>
    %eq3A_293 = arith.cmpi eq, %add3A_55, %min3A_284 : vector<16xi32>
    %jit3A_294 = arith.constant 0xFF800000 : f32
    %broadcast_in_dim3A_295 = vector.broadcast %jit3A_294 : f32 to vector<16xf32>
    %select_n3A_296 = arith.select %eq3A_293, %broadcast_in_dim3A_295, %get3A_4 : vector<16xi1>, vector<16xf32>
    %eq3A_297 = arith.cmpi eq, %add3A_60, %min3A_284 : vector<16xi32>
    %jit3A_298 = arith.constant 0xFF800000 : f32
    %broadcast_in_dim3A_299 = vector.broadcast %jit3A_298 : f32 to vector<16xf32>
    %select_n3A_300 = arith.select %eq3A_297, %broadcast_in_dim3A_299, %get3A_7 : vector<16xi1>, vector<16xf32>
    %eq3A_301 = arith.cmpi eq, %add3A_65, %min3A_284 : vector<16xi32>
    %jit3A_302 = arith.constant 0xFF800000 : f32
    %broadcast_in_dim3A_303 = vector.broadcast %jit3A_302 : f32 to vector<16xf32>
    %select_n3A_304 = arith.select %eq3A_301, %broadcast_in_dim3A_303, %get3A_10 : vector<16xi1>, vector<16xf32>
    %eq3A_305 = arith.cmpi eq, %add3A_70, %min3A_284 : vector<16xi32>
    %jit3A_306 = arith.constant 0xFF800000 : f32
    %broadcast_in_dim3A_307 = vector.broadcast %jit3A_306 : f32 to vector<16xf32>
    %select_n3A_308 = arith.select %eq3A_305, %broadcast_in_dim3A_307, %get3A_13 : vector<16xi1>, vector<16xf32>
    %eq3A_309 = arith.cmpi eq, %add3A_75, %min3A_284 : vector<16xi32>
    %jit3A_310 = arith.constant 0xFF800000 : f32
    %broadcast_in_dim3A_311 = vector.broadcast %jit3A_310 : f32 to vector<16xf32>
    %select_n3A_312 = arith.select %eq3A_309, %broadcast_in_dim3A_311, %get3A_16 : vector<16xi1>, vector<16xf32>
    %eq3A_313 = arith.cmpi eq, %add3A_80, %min3A_284 : vector<16xi32>
    %jit3A_314 = arith.constant 0xFF800000 : f32
    %broadcast_in_dim3A_315 = vector.broadcast %jit3A_314 : f32 to vector<16xf32>
    %select_n3A_316 = arith.select %eq3A_313, %broadcast_in_dim3A_315, %get3A_19 : vector<16xi1>, vector<16xf32>
    %eq3A_317 = arith.cmpi eq, %add3A_85, %min3A_284 : vector<16xi32>
    %jit3A_318 = arith.constant 0xFF800000 : f32
    %broadcast_in_dim3A_319 = vector.broadcast %jit3A_318 : f32 to vector<16xf32>
    %select_n3A_320 = arith.select %eq3A_317, %broadcast_in_dim3A_319, %get3A_22 : vector<16xi1>, vector<16xf32>
    %eq3A_321 = arith.cmpi eq, %add3A_90, %min3A_284 : vector<16xi32>
    %jit3A_322 = arith.constant 0xFF800000 : f32
    %broadcast_in_dim3A_323 = vector.broadcast %jit3A_322 : f32 to vector<16xf32>
    %select_n3A_324 = arith.select %eq3A_321, %broadcast_in_dim3A_323, %get3A_25 : vector<16xi1>, vector<16xf32>
    %eq3A_325 = arith.cmpi eq, %add3A_95, %min3A_284 : vector<16xi32>
    %jit3A_326 = arith.constant 0xFF800000 : f32
    %broadcast_in_dim3A_327 = vector.broadcast %jit3A_326 : f32 to vector<16xf32>
    %select_n3A_328 = arith.select %eq3A_325, %broadcast_in_dim3A_327, %get3A_28 : vector<16xi1>, vector<16xf32>
    %eq3A_329 = arith.cmpi eq, %add3A_100, %min3A_284 : vector<16xi32>
    %jit3A_330 = arith.constant 0xFF800000 : f32
    %broadcast_in_dim3A_331 = vector.broadcast %jit3A_330 : f32 to vector<16xf32>
    %select_n3A_332 = arith.select %eq3A_329, %broadcast_in_dim3A_331, %get3A_31 : vector<16xi1>, vector<16xf32>
    %eq3A_333 = arith.cmpi eq, %add3A_105, %min3A_284 : vector<16xi32>
    %jit3A_334 = arith.constant 0xFF800000 : f32
    %broadcast_in_dim3A_335 = vector.broadcast %jit3A_334 : f32 to vector<16xf32>
    %select_n3A_336 = arith.select %eq3A_333, %broadcast_in_dim3A_335, %get3A_34 : vector<16xi1>, vector<16xf32>
    %eq3A_337 = arith.cmpi eq, %add3A_110, %min3A_284 : vector<16xi32>
    %jit3A_338 = arith.constant 0xFF800000 : f32
    %broadcast_in_dim3A_339 = vector.broadcast %jit3A_338 : f32 to vector<16xf32>
    %select_n3A_340 = arith.select %eq3A_337, %broadcast_in_dim3A_339, %get3A_37 : vector<16xi1>, vector<16xf32>
    %eq3A_341 = arith.cmpi eq, %add3A_115, %min3A_284 : vector<16xi32>
    %jit3A_342 = arith.constant 0xFF800000 : f32
    %broadcast_in_dim3A_343 = vector.broadcast %jit3A_342 : f32 to vector<16xf32>
    %select_n3A_344 = arith.select %eq3A_341, %broadcast_in_dim3A_343, %get3A_40 : vector<16xi1>, vector<16xf32>
    %eq3A_345 = arith.cmpi eq, %add3A_120, %min3A_284 : vector<16xi32>
    %jit3A_346 = arith.constant 0xFF800000 : f32
    %broadcast_in_dim3A_347 = vector.broadcast %jit3A_346 : f32 to vector<16xf32>
    %select_n3A_348 = arith.select %eq3A_345, %broadcast_in_dim3A_347, %get3A_43 : vector<16xi1>, vector<16xf32>
    %eq3A_349 = arith.cmpi eq, %add3A_125, %min3A_284 : vector<16xi32>
    %jit3A_350 = arith.constant 0xFF800000 : f32
    %broadcast_in_dim3A_351 = vector.broadcast %jit3A_350 : f32 to vector<16xf32>
    %select_n3A_352 = arith.select %eq3A_349, %broadcast_in_dim3A_351, %get3A_46 : vector<16xi1>, vector<16xf32>
    %eq3A_353 = arith.cmpi eq, %add3A_130, %min3A_284 : vector<16xi32>
    %jit3A_354 = arith.constant 0xFF800000 : f32
    %broadcast_in_dim3A_355 = vector.broadcast %jit3A_354 : f32 to vector<16xf32>
    %select_n3A_356 = arith.select %eq3A_353, %broadcast_in_dim3A_355, %get3A_49 : vector<16xi1>, vector<16xf32>
    %max3A_357 = arith.maximumf %select_n3A_296, %select_n3A_300 : vector<16xf32>
    %max3A_358 = arith.maximumf %max3A_357, %select_n3A_304 : vector<16xf32>
    %max3A_359 = arith.maximumf %max3A_358, %select_n3A_308 : vector<16xf32>
    %max3A_360 = arith.maximumf %max3A_359, %select_n3A_312 : vector<16xf32>
    %max3A_361 = arith.maximumf %max3A_360, %select_n3A_316 : vector<16xf32>
    %max3A_362 = arith.maximumf %max3A_361, %select_n3A_320 : vector<16xf32>
    %max3A_363 = arith.maximumf %max3A_362, %select_n3A_324 : vector<16xf32>
    %max3A_364 = arith.maximumf %max3A_363, %select_n3A_328 : vector<16xf32>
    %max3A_365 = arith.maximumf %max3A_364, %select_n3A_332 : vector<16xf32>
    %max3A_366 = arith.maximumf %max3A_365, %select_n3A_336 : vector<16xf32>
    %max3A_367 = arith.maximumf %max3A_366, %select_n3A_340 : vector<16xf32>
    %max3A_368 = arith.maximumf %max3A_367, %select_n3A_344 : vector<16xf32>
    %max3A_369 = arith.maximumf %max3A_368, %select_n3A_348 : vector<16xf32>
    %max3A_370 = arith.maximumf %max3A_369, %select_n3A_352 : vector<16xf32>
    %max3A_371 = arith.maximumf %max3A_370, %select_n3A_356 : vector<16xf32>
    %iota3A_372 = tpu.iota {dimensions = array<i32: 0>} : vector<16xi32>
    %xor3A_373 = arith.constant 8 : i32
    %xor3A_374 = vector.broadcast %xor3A_373 : i32 to vector<16xi32>
    %xor3A_375 = arith.xori %iota3A_372, %xor3A_374 : vector<16xi32>
    %reshape3A_376 = vector.shape_cast %xor3A_375 : vector<16xi32> to vector<16x1xi32>
    %gather3A_377 = vector.shape_cast %reshape3A_376 : vector<16x1xi32> to vector<16xi32>
    %gather3A_378 = tpu.dynamic_gather %max3A_371[%gather3A_377] in [0] : vector<16xf32>, vector<16xi32> -> vector<16xf32>
    %max3A_379 = arith.maximumf %max3A_371, %gather3A_378 : vector<16xf32>
    %iota3A_380 = tpu.iota {dimensions = array<i32: 0>} : vector<16xi32>
    %xor3A_381 = arith.constant 4 : i32
    %xor3A_382 = vector.broadcast %xor3A_381 : i32 to vector<16xi32>
    %xor3A_383 = arith.xori %iota3A_380, %xor3A_382 : vector<16xi32>
    %reshape3A_384 = vector.shape_cast %xor3A_383 : vector<16xi32> to vector<16x1xi32>
    %gather3A_385 = vector.shape_cast %reshape3A_384 : vector<16x1xi32> to vector<16xi32>
    %gather3A_386 = tpu.dynamic_gather %max3A_379[%gather3A_385] in [0] : vector<16xf32>, vector<16xi32> -> vector<16xf32>
    %max3A_387 = arith.maximumf %max3A_379, %gather3A_386 : vector<16xf32>
    %iota3A_388 = tpu.iota {dimensions = array<i32: 0>} : vector<16xi32>
    %xor3A_389 = arith.constant 2 : i32
    %xor3A_390 = vector.broadcast %xor3A_389 : i32 to vector<16xi32>
    %xor3A_391 = arith.xori %iota3A_388, %xor3A_390 : vector<16xi32>
    %reshape3A_392 = vector.shape_cast %xor3A_391 : vector<16xi32> to vector<16x1xi32>
    %gather3A_393 = vector.shape_cast %reshape3A_392 : vector<16x1xi32> to vector<16xi32>
    %gather3A_394 = tpu.dynamic_gather %max3A_387[%gather3A_393] in [0] : vector<16xf32>, vector<16xi32> -> vector<16xf32>
    %max3A_395 = arith.maximumf %max3A_387, %gather3A_394 : vector<16xf32>
    %iota3A_396 = tpu.iota {dimensions = array<i32: 0>} : vector<16xi32>
    %xor3A_397 = arith.constant 1 : i32
    %xor3A_398 = vector.broadcast %xor3A_397 : i32 to vector<16xi32>
    %xor3A_399 = arith.xori %iota3A_396, %xor3A_398 : vector<16xi32>
    %reshape3A_400 = vector.shape_cast %xor3A_399 : vector<16xi32> to vector<16x1xi32>
    %gather3A_401 = vector.shape_cast %reshape3A_400 : vector<16x1xi32> to vector<16xi32>
    %gather3A_402 = tpu.dynamic_gather %max3A_395[%gather3A_401] in [0] : vector<16xf32>, vector<16xi32> -> vector<16xf32>
    %max3A_403 = arith.maximumf %max3A_395, %gather3A_402 : vector<16xf32>
    %eq3A_404 = arith.cmpf oeq, %select_n3A_296, %max3A_403 : vector<16xf32>
    %jit3A_405 = arith.constant 4096 : i32
    %broadcast_in_dim3A_406 = vector.broadcast %jit3A_405 : i32 to vector<16xi32>
    %select_n3A_407 = arith.select %eq3A_404, %add3A_55, %broadcast_in_dim3A_406 : vector<16xi1>, vector<16xi32>
    %eq3A_408 = arith.cmpf oeq, %select_n3A_300, %max3A_403 : vector<16xf32>
    %jit3A_409 = arith.constant 4096 : i32
    %broadcast_in_dim3A_410 = vector.broadcast %jit3A_409 : i32 to vector<16xi32>
    %select_n3A_411 = arith.select %eq3A_408, %add3A_60, %broadcast_in_dim3A_410 : vector<16xi1>, vector<16xi32>
    %min3A_412 = arith.minsi %select_n3A_407, %select_n3A_411 : vector<16xi32>
    %eq3A_413 = arith.cmpf oeq, %select_n3A_304, %max3A_403 : vector<16xf32>
    %jit3A_414 = arith.constant 4096 : i32
    %broadcast_in_dim3A_415 = vector.broadcast %jit3A_414 : i32 to vector<16xi32>
    %select_n3A_416 = arith.select %eq3A_413, %add3A_65, %broadcast_in_dim3A_415 : vector<16xi1>, vector<16xi32>
    %min3A_417 = arith.minsi %min3A_412, %select_n3A_416 : vector<16xi32>
    %eq3A_418 = arith.cmpf oeq, %select_n3A_308, %max3A_403 : vector<16xf32>
    %jit3A_419 = arith.constant 4096 : i32
    %broadcast_in_dim3A_420 = vector.broadcast %jit3A_419 : i32 to vector<16xi32>
    %select_n3A_421 = arith.select %eq3A_418, %add3A_70, %broadcast_in_dim3A_420 : vector<16xi1>, vector<16xi32>
    %min3A_422 = arith.minsi %min3A_417, %select_n3A_421 : vector<16xi32>
    %eq3A_423 = arith.cmpf oeq, %select_n3A_312, %max3A_403 : vector<16xf32>
    %jit3A_424 = arith.constant 4096 : i32
    %broadcast_in_dim3A_425 = vector.broadcast %jit3A_424 : i32 to vector<16xi32>
    %select_n3A_426 = arith.select %eq3A_423, %add3A_75, %broadcast_in_dim3A_425 : vector<16xi1>, vector<16xi32>
    %min3A_427 = arith.minsi %min3A_422, %select_n3A_426 : vector<16xi32>
    %eq3A_428 = arith.cmpf oeq, %select_n3A_316, %max3A_403 : vector<16xf32>
    %jit3A_429 = arith.constant 4096 : i32
    %broadcast_in_dim3A_430 = vector.broadcast %jit3A_429 : i32 to vector<16xi32>
    %select_n3A_431 = arith.select %eq3A_428, %add3A_80, %broadcast_in_dim3A_430 : vector<16xi1>, vector<16xi32>
    %min3A_432 = arith.minsi %min3A_427, %select_n3A_431 : vector<16xi32>
    %eq3A_433 = arith.cmpf oeq, %select_n3A_320, %max3A_403 : vector<16xf32>
    %jit3A_434 = arith.constant 4096 : i32
    %broadcast_in_dim3A_435 = vector.broadcast %jit3A_434 : i32 to vector<16xi32>
    %select_n3A_436 = arith.select %eq3A_433, %add3A_85, %broadcast_in_dim3A_435 : vector<16xi1>, vector<16xi32>
    %min3A_437 = arith.minsi %min3A_432, %select_n3A_436 : vector<16xi32>
    %eq3A_438 = arith.cmpf oeq, %select_n3A_324, %max3A_403 : vector<16xf32>
    %jit3A_439 = arith.constant 4096 : i32
    %broadcast_in_dim3A_440 = vector.broadcast %jit3A_439 : i32 to vector<16xi32>
    %select_n3A_441 = arith.select %eq3A_438, %add3A_90, %broadcast_in_dim3A_440 : vector<16xi1>, vector<16xi32>
    %min3A_442 = arith.minsi %min3A_437, %select_n3A_441 : vector<16xi32>
    %eq3A_443 = arith.cmpf oeq, %select_n3A_328, %max3A_403 : vector<16xf32>
    %jit3A_444 = arith.constant 4096 : i32
    %broadcast_in_dim3A_445 = vector.broadcast %jit3A_444 : i32 to vector<16xi32>
    %select_n3A_446 = arith.select %eq3A_443, %add3A_95, %broadcast_in_dim3A_445 : vector<16xi1>, vector<16xi32>
    %min3A_447 = arith.minsi %min3A_442, %select_n3A_446 : vector<16xi32>
    %eq3A_448 = arith.cmpf oeq, %select_n3A_332, %max3A_403 : vector<16xf32>
    %jit3A_449 = arith.constant 4096 : i32
    %broadcast_in_dim3A_450 = vector.broadcast %jit3A_449 : i32 to vector<16xi32>
    %select_n3A_451 = arith.select %eq3A_448, %add3A_100, %broadcast_in_dim3A_450 : vector<16xi1>, vector<16xi32>
    %min3A_452 = arith.minsi %min3A_447, %select_n3A_451 : vector<16xi32>
    %eq3A_453 = arith.cmpf oeq, %select_n3A_336, %max3A_403 : vector<16xf32>
    %jit3A_454 = arith.constant 4096 : i32
    %broadcast_in_dim3A_455 = vector.broadcast %jit3A_454 : i32 to vector<16xi32>
    %select_n3A_456 = arith.select %eq3A_453, %add3A_105, %broadcast_in_dim3A_455 : vector<16xi1>, vector<16xi32>
    %min3A_457 = arith.minsi %min3A_452, %select_n3A_456 : vector<16xi32>
    %eq3A_458 = arith.cmpf oeq, %select_n3A_340, %max3A_403 : vector<16xf32>
    %jit3A_459 = arith.constant 4096 : i32
    %broadcast_in_dim3A_460 = vector.broadcast %jit3A_459 : i32 to vector<16xi32>
    %select_n3A_461 = arith.select %eq3A_458, %add3A_110, %broadcast_in_dim3A_460 : vector<16xi1>, vector<16xi32>
    %min3A_462 = arith.minsi %min3A_457, %select_n3A_461 : vector<16xi32>
    %eq3A_463 = arith.cmpf oeq, %select_n3A_344, %max3A_403 : vector<16xf32>
    %jit3A_464 = arith.constant 4096 : i32
    %broadcast_in_dim3A_465 = vector.broadcast %jit3A_464 : i32 to vector<16xi32>
    %select_n3A_466 = arith.select %eq3A_463, %add3A_115, %broadcast_in_dim3A_465 : vector<16xi1>, vector<16xi32>
    %min3A_467 = arith.minsi %min3A_462, %select_n3A_466 : vector<16xi32>
    %eq3A_468 = arith.cmpf oeq, %select_n3A_348, %max3A_403 : vector<16xf32>
    %jit3A_469 = arith.constant 4096 : i32
    %broadcast_in_dim3A_470 = vector.broadcast %jit3A_469 : i32 to vector<16xi32>
    %select_n3A_471 = arith.select %eq3A_468, %add3A_120, %broadcast_in_dim3A_470 : vector<16xi1>, vector<16xi32>
    %min3A_472 = arith.minsi %min3A_467, %select_n3A_471 : vector<16xi32>
    %eq3A_473 = arith.cmpf oeq, %select_n3A_352, %max3A_403 : vector<16xf32>
    %jit3A_474 = arith.constant 4096 : i32
    %broadcast_in_dim3A_475 = vector.broadcast %jit3A_474 : i32 to vector<16xi32>
    %select_n3A_476 = arith.select %eq3A_473, %add3A_125, %broadcast_in_dim3A_475 : vector<16xi1>, vector<16xi32>
    %min3A_477 = arith.minsi %min3A_472, %select_n3A_476 : vector<16xi32>
    %eq3A_478 = arith.cmpf oeq, %select_n3A_356, %max3A_403 : vector<16xf32>
    %jit3A_479 = arith.constant 4096 : i32
    %broadcast_in_dim3A_480 = vector.broadcast %jit3A_479 : i32 to vector<16xi32>
    %select_n3A_481 = arith.select %eq3A_478, %add3A_130, %broadcast_in_dim3A_480 : vector<16xi1>, vector<16xi32>
    %min3A_482 = arith.minsi %min3A_477, %select_n3A_481 : vector<16xi32>
    %iota3A_483 = tpu.iota {dimensions = array<i32: 0>} : vector<16xi32>
    %xor3A_484 = arith.constant 8 : i32
    %xor3A_485 = vector.broadcast %xor3A_484 : i32 to vector<16xi32>
    %xor3A_486 = arith.xori %iota3A_483, %xor3A_485 : vector<16xi32>
    %reshape3A_487 = vector.shape_cast %xor3A_486 : vector<16xi32> to vector<16x1xi32>
    %gather3A_488 = vector.shape_cast %reshape3A_487 : vector<16x1xi32> to vector<16xi32>
    %gather3A_489 = tpu.dynamic_gather %min3A_482[%gather3A_488] in [0] : vector<16xi32>, vector<16xi32> -> vector<16xi32>
    %min3A_490 = arith.minsi %min3A_482, %gather3A_489 : vector<16xi32>
    %iota3A_491 = tpu.iota {dimensions = array<i32: 0>} : vector<16xi32>
    %xor3A_492 = arith.constant 4 : i32
    %xor3A_493 = vector.broadcast %xor3A_492 : i32 to vector<16xi32>
    %xor3A_494 = arith.xori %iota3A_491, %xor3A_493 : vector<16xi32>
    %reshape3A_495 = vector.shape_cast %xor3A_494 : vector<16xi32> to vector<16x1xi32>
    %gather3A_496 = vector.shape_cast %reshape3A_495 : vector<16x1xi32> to vector<16xi32>
    %gather3A_497 = tpu.dynamic_gather %min3A_490[%gather3A_496] in [0] : vector<16xi32>, vector<16xi32> -> vector<16xi32>
    %min3A_498 = arith.minsi %min3A_490, %gather3A_497 : vector<16xi32>
    %iota3A_499 = tpu.iota {dimensions = array<i32: 0>} : vector<16xi32>
    %xor3A_500 = arith.constant 2 : i32
    %xor3A_501 = vector.broadcast %xor3A_500 : i32 to vector<16xi32>
    %xor3A_502 = arith.xori %iota3A_499, %xor3A_501 : vector<16xi32>
    %reshape3A_503 = vector.shape_cast %xor3A_502 : vector<16xi32> to vector<16x1xi32>
    %gather3A_504 = vector.shape_cast %reshape3A_503 : vector<16x1xi32> to vector<16xi32>
    %gather3A_505 = tpu.dynamic_gather %min3A_498[%gather3A_504] in [0] : vector<16xi32>, vector<16xi32> -> vector<16xi32>
    %min3A_506 = arith.minsi %min3A_498, %gather3A_505 : vector<16xi32>
    %iota3A_507 = tpu.iota {dimensions = array<i32: 0>} : vector<16xi32>
    %xor3A_508 = arith.constant 1 : i32
    %xor3A_509 = vector.broadcast %xor3A_508 : i32 to vector<16xi32>
    %xor3A_510 = arith.xori %iota3A_507, %xor3A_509 : vector<16xi32>
    %reshape3A_511 = vector.shape_cast %xor3A_510 : vector<16xi32> to vector<16x1xi32>
    %gather3A_512 = vector.shape_cast %reshape3A_511 : vector<16x1xi32> to vector<16xi32>
    %gather3A_513 = tpu.dynamic_gather %min3A_506[%gather3A_512] in [0] : vector<16xi32>, vector<16xi32> -> vector<16xi32>
    %min3A_514 = arith.minsi %min3A_506, %gather3A_513 : vector<16xi32>
    %eq3A_515 = arith.constant 1 : i32
    %eq3A_516 = vector.broadcast %eq3A_515 : i32 to vector<16xi32>
    %eq3A_517 = arith.cmpi eq, %iota3A_134, %eq3A_516 : vector<16xi32>
    %select_n3A_518 = arith.select %eq3A_517, %max3A_403, %select_n3A_288 : vector<16xi1>, vector<16xf32>
    %eq3A_519 = arith.constant 1 : i32
    %eq3A_520 = vector.broadcast %eq3A_519 : i32 to vector<16xi32>
    %eq3A_521 = arith.cmpi eq, %iota3A_134, %eq3A_520 : vector<16xi32>
    %select_n3A_522 = arith.select %eq3A_521, %min3A_514, %select_n3A_292 : vector<16xi1>, vector<16xi32>
    %eq3A_523 = arith.cmpi eq, %add3A_55, %min3A_514 : vector<16xi32>
    %jit3A_524 = arith.constant 0xFF800000 : f32
    %broadcast_in_dim3A_525 = vector.broadcast %jit3A_524 : f32 to vector<16xf32>
    %select_n3A_526 = arith.select %eq3A_523, %broadcast_in_dim3A_525, %select_n3A_296 : vector<16xi1>, vector<16xf32>
    %eq3A_527 = arith.cmpi eq, %add3A_60, %min3A_514 : vector<16xi32>
    %jit3A_528 = arith.constant 0xFF800000 : f32
    %broadcast_in_dim3A_529 = vector.broadcast %jit3A_528 : f32 to vector<16xf32>
    %select_n3A_530 = arith.select %eq3A_527, %broadcast_in_dim3A_529, %select_n3A_300 : vector<16xi1>, vector<16xf32>
    %eq3A_531 = arith.cmpi eq, %add3A_65, %min3A_514 : vector<16xi32>
    %jit3A_532 = arith.constant 0xFF800000 : f32
    %broadcast_in_dim3A_533 = vector.broadcast %jit3A_532 : f32 to vector<16xf32>
    %select_n3A_534 = arith.select %eq3A_531, %broadcast_in_dim3A_533, %select_n3A_304 : vector<16xi1>, vector<16xf32>
    %eq3A_535 = arith.cmpi eq, %add3A_70, %min3A_514 : vector<16xi32>
    %jit3A_536 = arith.constant 0xFF800000 : f32
    %broadcast_in_dim3A_537 = vector.broadcast %jit3A_536 : f32 to vector<16xf32>
    %select_n3A_538 = arith.select %eq3A_535, %broadcast_in_dim3A_537, %select_n3A_308 : vector<16xi1>, vector<16xf32>
    %eq3A_539 = arith.cmpi eq, %add3A_75, %min3A_514 : vector<16xi32>
    %jit3A_540 = arith.constant 0xFF800000 : f32
    %broadcast_in_dim3A_541 = vector.broadcast %jit3A_540 : f32 to vector<16xf32>
    %select_n3A_542 = arith.select %eq3A_539, %broadcast_in_dim3A_541, %select_n3A_312 : vector<16xi1>, vector<16xf32>
    %eq3A_543 = arith.cmpi eq, %add3A_80, %min3A_514 : vector<16xi32>
    %jit3A_544 = arith.constant 0xFF800000 : f32
    %broadcast_in_dim3A_545 = vector.broadcast %jit3A_544 : f32 to vector<16xf32>
    %select_n3A_546 = arith.select %eq3A_543, %broadcast_in_dim3A_545, %select_n3A_316 : vector<16xi1>, vector<16xf32>
    %eq3A_547 = arith.cmpi eq, %add3A_85, %min3A_514 : vector<16xi32>
    %jit3A_548 = arith.constant 0xFF800000 : f32
    %broadcast_in_dim3A_549 = vector.broadcast %jit3A_548 : f32 to vector<16xf32>
    %select_n3A_550 = arith.select %eq3A_547, %broadcast_in_dim3A_549, %select_n3A_320 : vector<16xi1>, vector<16xf32>
    %eq3A_551 = arith.cmpi eq, %add3A_90, %min3A_514 : vector<16xi32>
    %jit3A_552 = arith.constant 0xFF800000 : f32
    %broadcast_in_dim3A_553 = vector.broadcast %jit3A_552 : f32 to vector<16xf32>
    %select_n3A_554 = arith.select %eq3A_551, %broadcast_in_dim3A_553, %select_n3A_324 : vector<16xi1>, vector<16xf32>
    %eq3A_555 = arith.cmpi eq, %add3A_95, %min3A_514 : vector<16xi32>
    %jit3A_556 = arith.constant 0xFF800000 : f32
    %broadcast_in_dim3A_557 = vector.broadcast %jit3A_556 : f32 to vector<16xf32>
    %select_n3A_558 = arith.select %eq3A_555, %broadcast_in_dim3A_557, %select_n3A_328 : vector<16xi1>, vector<16xf32>
    %eq3A_559 = arith.cmpi eq, %add3A_100, %min3A_514 : vector<16xi32>
    %jit3A_560 = arith.constant 0xFF800000 : f32
    %broadcast_in_dim3A_561 = vector.broadcast %jit3A_560 : f32 to vector<16xf32>
    %select_n3A_562 = arith.select %eq3A_559, %broadcast_in_dim3A_561, %select_n3A_332 : vector<16xi1>, vector<16xf32>
    %eq3A_563 = arith.cmpi eq, %add3A_105, %min3A_514 : vector<16xi32>
    %jit3A_564 = arith.constant 0xFF800000 : f32
    %broadcast_in_dim3A_565 = vector.broadcast %jit3A_564 : f32 to vector<16xf32>
    %select_n3A_566 = arith.select %eq3A_563, %broadcast_in_dim3A_565, %select_n3A_336 : vector<16xi1>, vector<16xf32>
    %eq3A_567 = arith.cmpi eq, %add3A_110, %min3A_514 : vector<16xi32>
    %jit3A_568 = arith.constant 0xFF800000 : f32
    %broadcast_in_dim3A_569 = vector.broadcast %jit3A_568 : f32 to vector<16xf32>
    %select_n3A_570 = arith.select %eq3A_567, %broadcast_in_dim3A_569, %select_n3A_340 : vector<16xi1>, vector<16xf32>
    %eq3A_571 = arith.cmpi eq, %add3A_115, %min3A_514 : vector<16xi32>
    %jit3A_572 = arith.constant 0xFF800000 : f32
    %broadcast_in_dim3A_573 = vector.broadcast %jit3A_572 : f32 to vector<16xf32>
    %select_n3A_574 = arith.select %eq3A_571, %broadcast_in_dim3A_573, %select_n3A_344 : vector<16xi1>, vector<16xf32>
    %eq3A_575 = arith.cmpi eq, %add3A_120, %min3A_514 : vector<16xi32>
    %jit3A_576 = arith.constant 0xFF800000 : f32
    %broadcast_in_dim3A_577 = vector.broadcast %jit3A_576 : f32 to vector<16xf32>
    %select_n3A_578 = arith.select %eq3A_575, %broadcast_in_dim3A_577, %select_n3A_348 : vector<16xi1>, vector<16xf32>
    %eq3A_579 = arith.cmpi eq, %add3A_125, %min3A_514 : vector<16xi32>
    %jit3A_580 = arith.constant 0xFF800000 : f32
    %broadcast_in_dim3A_581 = vector.broadcast %jit3A_580 : f32 to vector<16xf32>
    %select_n3A_582 = arith.select %eq3A_579, %broadcast_in_dim3A_581, %select_n3A_352 : vector<16xi1>, vector<16xf32>
    %eq3A_583 = arith.cmpi eq, %add3A_130, %min3A_514 : vector<16xi32>
    %jit3A_584 = arith.constant 0xFF800000 : f32
    %broadcast_in_dim3A_585 = vector.broadcast %jit3A_584 : f32 to vector<16xf32>
    %select_n3A_586 = arith.select %eq3A_583, %broadcast_in_dim3A_585, %select_n3A_356 : vector<16xi1>, vector<16xf32>
    %max3A_587 = arith.maximumf %select_n3A_526, %select_n3A_530 : vector<16xf32>
    %max3A_588 = arith.maximumf %max3A_587, %select_n3A_534 : vector<16xf32>
    %max3A_589 = arith.maximumf %max3A_588, %select_n3A_538 : vector<16xf32>
    %max3A_590 = arith.maximumf %max3A_589, %select_n3A_542 : vector<16xf32>
    %max3A_591 = arith.maximumf %max3A_590, %select_n3A_546 : vector<16xf32>
    %max3A_592 = arith.maximumf %max3A_591, %select_n3A_550 : vector<16xf32>
    %max3A_593 = arith.maximumf %max3A_592, %select_n3A_554 : vector<16xf32>
    %max3A_594 = arith.maximumf %max3A_593, %select_n3A_558 : vector<16xf32>
    %max3A_595 = arith.maximumf %max3A_594, %select_n3A_562 : vector<16xf32>
    %max3A_596 = arith.maximumf %max3A_595, %select_n3A_566 : vector<16xf32>
    %max3A_597 = arith.maximumf %max3A_596, %select_n3A_570 : vector<16xf32>
    %max3A_598 = arith.maximumf %max3A_597, %select_n3A_574 : vector<16xf32>
    %max3A_599 = arith.maximumf %max3A_598, %select_n3A_578 : vector<16xf32>
    %max3A_600 = arith.maximumf %max3A_599, %select_n3A_582 : vector<16xf32>
    %max3A_601 = arith.maximumf %max3A_600, %select_n3A_586 : vector<16xf32>
    %iota3A_602 = tpu.iota {dimensions = array<i32: 0>} : vector<16xi32>
    %xor3A_603 = arith.constant 8 : i32
    %xor3A_604 = vector.broadcast %xor3A_603 : i32 to vector<16xi32>
    %xor3A_605 = arith.xori %iota3A_602, %xor3A_604 : vector<16xi32>
    %reshape3A_606 = vector.shape_cast %xor3A_605 : vector<16xi32> to vector<16x1xi32>
    %gather3A_607 = vector.shape_cast %reshape3A_606 : vector<16x1xi32> to vector<16xi32>
    %gather3A_608 = tpu.dynamic_gather %max3A_601[%gather3A_607] in [0] : vector<16xf32>, vector<16xi32> -> vector<16xf32>
    %max3A_609 = arith.maximumf %max3A_601, %gather3A_608 : vector<16xf32>
    %iota3A_610 = tpu.iota {dimensions = array<i32: 0>} : vector<16xi32>
    %xor3A_611 = arith.constant 4 : i32
    %xor3A_612 = vector.broadcast %xor3A_611 : i32 to vector<16xi32>
    %xor3A_613 = arith.xori %iota3A_610, %xor3A_612 : vector<16xi32>
    %reshape3A_614 = vector.shape_cast %xor3A_613 : vector<16xi32> to vector<16x1xi32>
    %gather3A_615 = vector.shape_cast %reshape3A_614 : vector<16x1xi32> to vector<16xi32>
    %gather3A_616 = tpu.dynamic_gather %max3A_609[%gather3A_615] in [0] : vector<16xf32>, vector<16xi32> -> vector<16xf32>
    %max3A_617 = arith.maximumf %max3A_609, %gather3A_616 : vector<16xf32>
    %iota3A_618 = tpu.iota {dimensions = array<i32: 0>} : vector<16xi32>
    %xor3A_619 = arith.constant 2 : i32
    %xor3A_620 = vector.broadcast %xor3A_619 : i32 to vector<16xi32>
    %xor3A_621 = arith.xori %iota3A_618, %xor3A_620 : vector<16xi32>
    %reshape3A_622 = vector.shape_cast %xor3A_621 : vector<16xi32> to vector<16x1xi32>
    %gather3A_623 = vector.shape_cast %reshape3A_622 : vector<16x1xi32> to vector<16xi32>
    %gather3A_624 = tpu.dynamic_gather %max3A_617[%gather3A_623] in [0] : vector<16xf32>, vector<16xi32> -> vector<16xf32>
    %max3A_625 = arith.maximumf %max3A_617, %gather3A_624 : vector<16xf32>
    %iota3A_626 = tpu.iota {dimensions = array<i32: 0>} : vector<16xi32>
    %xor3A_627 = arith.constant 1 : i32
    %xor3A_628 = vector.broadcast %xor3A_627 : i32 to vector<16xi32>
    %xor3A_629 = arith.xori %iota3A_626, %xor3A_628 : vector<16xi32>
    %reshape3A_630 = vector.shape_cast %xor3A_629 : vector<16xi32> to vector<16x1xi32>
    %gather3A_631 = vector.shape_cast %reshape3A_630 : vector<16x1xi32> to vector<16xi32>
    %gather3A_632 = tpu.dynamic_gather %max3A_625[%gather3A_631] in [0] : vector<16xf32>, vector<16xi32> -> vector<16xf32>
    %max3A_633 = arith.maximumf %max3A_625, %gather3A_632 : vector<16xf32>
    %eq3A_634 = arith.cmpf oeq, %select_n3A_526, %max3A_633 : vector<16xf32>
    %jit3A_635 = arith.constant 4096 : i32
    %broadcast_in_dim3A_636 = vector.broadcast %jit3A_635 : i32 to vector<16xi32>
    %select_n3A_637 = arith.select %eq3A_634, %add3A_55, %broadcast_in_dim3A_636 : vector<16xi1>, vector<16xi32>
    %eq3A_638 = arith.cmpf oeq, %select_n3A_530, %max3A_633 : vector<16xf32>
    %jit3A_639 = arith.constant 4096 : i32
    %broadcast_in_dim3A_640 = vector.broadcast %jit3A_639 : i32 to vector<16xi32>
    %select_n3A_641 = arith.select %eq3A_638, %add3A_60, %broadcast_in_dim3A_640 : vector<16xi1>, vector<16xi32>
    %min3A_642 = arith.minsi %select_n3A_637, %select_n3A_641 : vector<16xi32>
    %eq3A_643 = arith.cmpf oeq, %select_n3A_534, %max3A_633 : vector<16xf32>
    %jit3A_644 = arith.constant 4096 : i32
    %broadcast_in_dim3A_645 = vector.broadcast %jit3A_644 : i32 to vector<16xi32>
    %select_n3A_646 = arith.select %eq3A_643, %add3A_65, %broadcast_in_dim3A_645 : vector<16xi1>, vector<16xi32>
    %min3A_647 = arith.minsi %min3A_642, %select_n3A_646 : vector<16xi32>
    %eq3A_648 = arith.cmpf oeq, %select_n3A_538, %max3A_633 : vector<16xf32>
    %jit3A_649 = arith.constant 4096 : i32
    %broadcast_in_dim3A_650 = vector.broadcast %jit3A_649 : i32 to vector<16xi32>
    %select_n3A_651 = arith.select %eq3A_648, %add3A_70, %broadcast_in_dim3A_650 : vector<16xi1>, vector<16xi32>
    %min3A_652 = arith.minsi %min3A_647, %select_n3A_651 : vector<16xi32>
    %eq3A_653 = arith.cmpf oeq, %select_n3A_542, %max3A_633 : vector<16xf32>
    %jit3A_654 = arith.constant 4096 : i32
    %broadcast_in_dim3A_655 = vector.broadcast %jit3A_654 : i32 to vector<16xi32>
    %select_n3A_656 = arith.select %eq3A_653, %add3A_75, %broadcast_in_dim3A_655 : vector<16xi1>, vector<16xi32>
    %min3A_657 = arith.minsi %min3A_652, %select_n3A_656 : vector<16xi32>
    %eq3A_658 = arith.cmpf oeq, %select_n3A_546, %max3A_633 : vector<16xf32>
    %jit3A_659 = arith.constant 4096 : i32
    %broadcast_in_dim3A_660 = vector.broadcast %jit3A_659 : i32 to vector<16xi32>
    %select_n3A_661 = arith.select %eq3A_658, %add3A_80, %broadcast_in_dim3A_660 : vector<16xi1>, vector<16xi32>
    %min3A_662 = arith.minsi %min3A_657, %select_n3A_661 : vector<16xi32>
    %eq3A_663 = arith.cmpf oeq, %select_n3A_550, %max3A_633 : vector<16xf32>
    %jit3A_664 = arith.constant 4096 : i32
    %broadcast_in_dim3A_665 = vector.broadcast %jit3A_664 : i32 to vector<16xi32>
    %select_n3A_666 = arith.select %eq3A_663, %add3A_85, %broadcast_in_dim3A_665 : vector<16xi1>, vector<16xi32>
    %min3A_667 = arith.minsi %min3A_662, %select_n3A_666 : vector<16xi32>
    %eq3A_668 = arith.cmpf oeq, %select_n3A_554, %max3A_633 : vector<16xf32>
    %jit3A_669 = arith.constant 4096 : i32
    %broadcast_in_dim3A_670 = vector.broadcast %jit3A_669 : i32 to vector<16xi32>
    %select_n3A_671 = arith.select %eq3A_668, %add3A_90, %broadcast_in_dim3A_670 : vector<16xi1>, vector<16xi32>
    %min3A_672 = arith.minsi %min3A_667, %select_n3A_671 : vector<16xi32>
    %eq3A_673 = arith.cmpf oeq, %select_n3A_558, %max3A_633 : vector<16xf32>
    %jit3A_674 = arith.constant 4096 : i32
    %broadcast_in_dim3A_675 = vector.broadcast %jit3A_674 : i32 to vector<16xi32>
    %select_n3A_676 = arith.select %eq3A_673, %add3A_95, %broadcast_in_dim3A_675 : vector<16xi1>, vector<16xi32>
    %min3A_677 = arith.minsi %min3A_672, %select_n3A_676 : vector<16xi32>
    %eq3A_678 = arith.cmpf oeq, %select_n3A_562, %max3A_633 : vector<16xf32>
    %jit3A_679 = arith.constant 4096 : i32
    %broadcast_in_dim3A_680 = vector.broadcast %jit3A_679 : i32 to vector<16xi32>
    %select_n3A_681 = arith.select %eq3A_678, %add3A_100, %broadcast_in_dim3A_680 : vector<16xi1>, vector<16xi32>
    %min3A_682 = arith.minsi %min3A_677, %select_n3A_681 : vector<16xi32>
    %eq3A_683 = arith.cmpf oeq, %select_n3A_566, %max3A_633 : vector<16xf32>
    %jit3A_684 = arith.constant 4096 : i32
    %broadcast_in_dim3A_685 = vector.broadcast %jit3A_684 : i32 to vector<16xi32>
    %select_n3A_686 = arith.select %eq3A_683, %add3A_105, %broadcast_in_dim3A_685 : vector<16xi1>, vector<16xi32>
    %min3A_687 = arith.minsi %min3A_682, %select_n3A_686 : vector<16xi32>
    %eq3A_688 = arith.cmpf oeq, %select_n3A_570, %max3A_633 : vector<16xf32>
    %jit3A_689 = arith.constant 4096 : i32
    %broadcast_in_dim3A_690 = vector.broadcast %jit3A_689 : i32 to vector<16xi32>
    %select_n3A_691 = arith.select %eq3A_688, %add3A_110, %broadcast_in_dim3A_690 : vector<16xi1>, vector<16xi32>
    %min3A_692 = arith.minsi %min3A_687, %select_n3A_691 : vector<16xi32>
    %eq3A_693 = arith.cmpf oeq, %select_n3A_574, %max3A_633 : vector<16xf32>
    %jit3A_694 = arith.constant 4096 : i32
    %broadcast_in_dim3A_695 = vector.broadcast %jit3A_694 : i32 to vector<16xi32>
    %select_n3A_696 = arith.select %eq3A_693, %add3A_115, %broadcast_in_dim3A_695 : vector<16xi1>, vector<16xi32>
    %min3A_697 = arith.minsi %min3A_692, %select_n3A_696 : vector<16xi32>
    %eq3A_698 = arith.cmpf oeq, %select_n3A_578, %max3A_633 : vector<16xf32>
    %jit3A_699 = arith.constant 4096 : i32
    %broadcast_in_dim3A_700 = vector.broadcast %jit3A_699 : i32 to vector<16xi32>
    %select_n3A_701 = arith.select %eq3A_698, %add3A_120, %broadcast_in_dim3A_700 : vector<16xi1>, vector<16xi32>
    %min3A_702 = arith.minsi %min3A_697, %select_n3A_701 : vector<16xi32>
    %eq3A_703 = arith.cmpf oeq, %select_n3A_582, %max3A_633 : vector<16xf32>
    %jit3A_704 = arith.constant 4096 : i32
    %broadcast_in_dim3A_705 = vector.broadcast %jit3A_704 : i32 to vector<16xi32>
    %select_n3A_706 = arith.select %eq3A_703, %add3A_125, %broadcast_in_dim3A_705 : vector<16xi1>, vector<16xi32>
    %min3A_707 = arith.minsi %min3A_702, %select_n3A_706 : vector<16xi32>
    %eq3A_708 = arith.cmpf oeq, %select_n3A_586, %max3A_633 : vector<16xf32>
    %jit3A_709 = arith.constant 4096 : i32
    %broadcast_in_dim3A_710 = vector.broadcast %jit3A_709 : i32 to vector<16xi32>
    %select_n3A_711 = arith.select %eq3A_708, %add3A_130, %broadcast_in_dim3A_710 : vector<16xi1>, vector<16xi32>
    %min3A_712 = arith.minsi %min3A_707, %select_n3A_711 : vector<16xi32>
    %iota3A_713 = tpu.iota {dimensions = array<i32: 0>} : vector<16xi32>
    %xor3A_714 = arith.constant 8 : i32
    %xor3A_715 = vector.broadcast %xor3A_714 : i32 to vector<16xi32>
    %xor3A_716 = arith.xori %iota3A_713, %xor3A_715 : vector<16xi32>
    %reshape3A_717 = vector.shape_cast %xor3A_716 : vector<16xi32> to vector<16x1xi32>
    %gather3A_718 = vector.shape_cast %reshape3A_717 : vector<16x1xi32> to vector<16xi32>
    %gather3A_719 = tpu.dynamic_gather %min3A_712[%gather3A_718] in [0] : vector<16xi32>, vector<16xi32> -> vector<16xi32>
    %min3A_720 = arith.minsi %min3A_712, %gather3A_719 : vector<16xi32>
    %iota3A_721 = tpu.iota {dimensions = array<i32: 0>} : vector<16xi32>
    %xor3A_722 = arith.constant 4 : i32
    %xor3A_723 = vector.broadcast %xor3A_722 : i32 to vector<16xi32>
    %xor3A_724 = arith.xori %iota3A_721, %xor3A_723 : vector<16xi32>
    %reshape3A_725 = vector.shape_cast %xor3A_724 : vector<16xi32> to vector<16x1xi32>
    %gather3A_726 = vector.shape_cast %reshape3A_725 : vector<16x1xi32> to vector<16xi32>
    %gather3A_727 = tpu.dynamic_gather %min3A_720[%gather3A_726] in [0] : vector<16xi32>, vector<16xi32> -> vector<16xi32>
    %min3A_728 = arith.minsi %min3A_720, %gather3A_727 : vector<16xi32>
    %iota3A_729 = tpu.iota {dimensions = array<i32: 0>} : vector<16xi32>
    %xor3A_730 = arith.constant 2 : i32
    %xor3A_731 = vector.broadcast %xor3A_730 : i32 to vector<16xi32>
    %xor3A_732 = arith.xori %iota3A_729, %xor3A_731 : vector<16xi32>
    %reshape3A_733 = vector.shape_cast %xor3A_732 : vector<16xi32> to vector<16x1xi32>
    %gather3A_734 = vector.shape_cast %reshape3A_733 : vector<16x1xi32> to vector<16xi32>
    %gather3A_735 = tpu.dynamic_gather %min3A_728[%gather3A_734] in [0] : vector<16xi32>, vector<16xi32> -> vector<16xi32>
    %min3A_736 = arith.minsi %min3A_728, %gather3A_735 : vector<16xi32>
    %iota3A_737 = tpu.iota {dimensions = array<i32: 0>} : vector<16xi32>
    %xor3A_738 = arith.constant 1 : i32
    %xor3A_739 = vector.broadcast %xor3A_738 : i32 to vector<16xi32>
    %xor3A_740 = arith.xori %iota3A_737, %xor3A_739 : vector<16xi32>
    %reshape3A_741 = vector.shape_cast %xor3A_740 : vector<16xi32> to vector<16x1xi32>
    %gather3A_742 = vector.shape_cast %reshape3A_741 : vector<16x1xi32> to vector<16xi32>
    %gather3A_743 = tpu.dynamic_gather %min3A_736[%gather3A_742] in [0] : vector<16xi32>, vector<16xi32> -> vector<16xi32>
    %min3A_744 = arith.minsi %min3A_736, %gather3A_743 : vector<16xi32>
    %eq3A_745 = arith.constant 2 : i32
    %eq3A_746 = vector.broadcast %eq3A_745 : i32 to vector<16xi32>
    %eq3A_747 = arith.cmpi eq, %iota3A_134, %eq3A_746 : vector<16xi32>
    %select_n3A_748 = arith.select %eq3A_747, %max3A_633, %select_n3A_518 : vector<16xi1>, vector<16xf32>
    %eq3A_749 = arith.constant 2 : i32
    %eq3A_750 = vector.broadcast %eq3A_749 : i32 to vector<16xi32>
    %eq3A_751 = arith.cmpi eq, %iota3A_134, %eq3A_750 : vector<16xi32>
    %select_n3A_752 = arith.select %eq3A_751, %min3A_744, %select_n3A_522 : vector<16xi1>, vector<16xi32>
    %eq3A_753 = arith.cmpi eq, %add3A_55, %min3A_744 : vector<16xi32>
    %jit3A_754 = arith.constant 0xFF800000 : f32
    %broadcast_in_dim3A_755 = vector.broadcast %jit3A_754 : f32 to vector<16xf32>
    %select_n3A_756 = arith.select %eq3A_753, %broadcast_in_dim3A_755, %select_n3A_526 : vector<16xi1>, vector<16xf32>
    %eq3A_757 = arith.cmpi eq, %add3A_60, %min3A_744 : vector<16xi32>
    %jit3A_758 = arith.constant 0xFF800000 : f32
    %broadcast_in_dim3A_759 = vector.broadcast %jit3A_758 : f32 to vector<16xf32>
    %select_n3A_760 = arith.select %eq3A_757, %broadcast_in_dim3A_759, %select_n3A_530 : vector<16xi1>, vector<16xf32>
    %eq3A_761 = arith.cmpi eq, %add3A_65, %min3A_744 : vector<16xi32>
    %jit3A_762 = arith.constant 0xFF800000 : f32
    %broadcast_in_dim3A_763 = vector.broadcast %jit3A_762 : f32 to vector<16xf32>
    %select_n3A_764 = arith.select %eq3A_761, %broadcast_in_dim3A_763, %select_n3A_534 : vector<16xi1>, vector<16xf32>
    %eq3A_765 = arith.cmpi eq, %add3A_70, %min3A_744 : vector<16xi32>
    %jit3A_766 = arith.constant 0xFF800000 : f32
    %broadcast_in_dim3A_767 = vector.broadcast %jit3A_766 : f32 to vector<16xf32>
    %select_n3A_768 = arith.select %eq3A_765, %broadcast_in_dim3A_767, %select_n3A_538 : vector<16xi1>, vector<16xf32>
    %eq3A_769 = arith.cmpi eq, %add3A_75, %min3A_744 : vector<16xi32>
    %jit3A_770 = arith.constant 0xFF800000 : f32
    %broadcast_in_dim3A_771 = vector.broadcast %jit3A_770 : f32 to vector<16xf32>
    %select_n3A_772 = arith.select %eq3A_769, %broadcast_in_dim3A_771, %select_n3A_542 : vector<16xi1>, vector<16xf32>
    %eq3A_773 = arith.cmpi eq, %add3A_80, %min3A_744 : vector<16xi32>
    %jit3A_774 = arith.constant 0xFF800000 : f32
    %broadcast_in_dim3A_775 = vector.broadcast %jit3A_774 : f32 to vector<16xf32>
    %select_n3A_776 = arith.select %eq3A_773, %broadcast_in_dim3A_775, %select_n3A_546 : vector<16xi1>, vector<16xf32>
    %eq3A_777 = arith.cmpi eq, %add3A_85, %min3A_744 : vector<16xi32>
    %jit3A_778 = arith.constant 0xFF800000 : f32
    %broadcast_in_dim3A_779 = vector.broadcast %jit3A_778 : f32 to vector<16xf32>
    %select_n3A_780 = arith.select %eq3A_777, %broadcast_in_dim3A_779, %select_n3A_550 : vector<16xi1>, vector<16xf32>
    %eq3A_781 = arith.cmpi eq, %add3A_90, %min3A_744 : vector<16xi32>
    %jit3A_782 = arith.constant 0xFF800000 : f32
    %broadcast_in_dim3A_783 = vector.broadcast %jit3A_782 : f32 to vector<16xf32>
    %select_n3A_784 = arith.select %eq3A_781, %broadcast_in_dim3A_783, %select_n3A_554 : vector<16xi1>, vector<16xf32>
    %eq3A_785 = arith.cmpi eq, %add3A_95, %min3A_744 : vector<16xi32>
    %jit3A_786 = arith.constant 0xFF800000 : f32
    %broadcast_in_dim3A_787 = vector.broadcast %jit3A_786 : f32 to vector<16xf32>
    %select_n3A_788 = arith.select %eq3A_785, %broadcast_in_dim3A_787, %select_n3A_558 : vector<16xi1>, vector<16xf32>
    %eq3A_789 = arith.cmpi eq, %add3A_100, %min3A_744 : vector<16xi32>
    %jit3A_790 = arith.constant 0xFF800000 : f32
    %broadcast_in_dim3A_791 = vector.broadcast %jit3A_790 : f32 to vector<16xf32>
    %select_n3A_792 = arith.select %eq3A_789, %broadcast_in_dim3A_791, %select_n3A_562 : vector<16xi1>, vector<16xf32>
    %eq3A_793 = arith.cmpi eq, %add3A_105, %min3A_744 : vector<16xi32>
    %jit3A_794 = arith.constant 0xFF800000 : f32
    %broadcast_in_dim3A_795 = vector.broadcast %jit3A_794 : f32 to vector<16xf32>
    %select_n3A_796 = arith.select %eq3A_793, %broadcast_in_dim3A_795, %select_n3A_566 : vector<16xi1>, vector<16xf32>
    %eq3A_797 = arith.cmpi eq, %add3A_110, %min3A_744 : vector<16xi32>
    %jit3A_798 = arith.constant 0xFF800000 : f32
    %broadcast_in_dim3A_799 = vector.broadcast %jit3A_798 : f32 to vector<16xf32>
    %select_n3A_800 = arith.select %eq3A_797, %broadcast_in_dim3A_799, %select_n3A_570 : vector<16xi1>, vector<16xf32>
    %eq3A_801 = arith.cmpi eq, %add3A_115, %min3A_744 : vector<16xi32>
    %jit3A_802 = arith.constant 0xFF800000 : f32
    %broadcast_in_dim3A_803 = vector.broadcast %jit3A_802 : f32 to vector<16xf32>
    %select_n3A_804 = arith.select %eq3A_801, %broadcast_in_dim3A_803, %select_n3A_574 : vector<16xi1>, vector<16xf32>
    %eq3A_805 = arith.cmpi eq, %add3A_120, %min3A_744 : vector<16xi32>
    %jit3A_806 = arith.constant 0xFF800000 : f32
    %broadcast_in_dim3A_807 = vector.broadcast %jit3A_806 : f32 to vector<16xf32>
    %select_n3A_808 = arith.select %eq3A_805, %broadcast_in_dim3A_807, %select_n3A_578 : vector<16xi1>, vector<16xf32>
    %eq3A_809 = arith.cmpi eq, %add3A_125, %min3A_744 : vector<16xi32>
    %jit3A_810 = arith.constant 0xFF800000 : f32
    %broadcast_in_dim3A_811 = vector.broadcast %jit3A_810 : f32 to vector<16xf32>
    %select_n3A_812 = arith.select %eq3A_809, %broadcast_in_dim3A_811, %select_n3A_582 : vector<16xi1>, vector<16xf32>
    %eq3A_813 = arith.cmpi eq, %add3A_130, %min3A_744 : vector<16xi32>
    %jit3A_814 = arith.constant 0xFF800000 : f32
    %broadcast_in_dim3A_815 = vector.broadcast %jit3A_814 : f32 to vector<16xf32>
    %select_n3A_816 = arith.select %eq3A_813, %broadcast_in_dim3A_815, %select_n3A_586 : vector<16xi1>, vector<16xf32>
    %max3A_817 = arith.maximumf %select_n3A_756, %select_n3A_760 : vector<16xf32>
    %max3A_818 = arith.maximumf %max3A_817, %select_n3A_764 : vector<16xf32>
    %max3A_819 = arith.maximumf %max3A_818, %select_n3A_768 : vector<16xf32>
    %max3A_820 = arith.maximumf %max3A_819, %select_n3A_772 : vector<16xf32>
    %max3A_821 = arith.maximumf %max3A_820, %select_n3A_776 : vector<16xf32>
    %max3A_822 = arith.maximumf %max3A_821, %select_n3A_780 : vector<16xf32>
    %max3A_823 = arith.maximumf %max3A_822, %select_n3A_784 : vector<16xf32>
    %max3A_824 = arith.maximumf %max3A_823, %select_n3A_788 : vector<16xf32>
    %max3A_825 = arith.maximumf %max3A_824, %select_n3A_792 : vector<16xf32>
    %max3A_826 = arith.maximumf %max3A_825, %select_n3A_796 : vector<16xf32>
    %max3A_827 = arith.maximumf %max3A_826, %select_n3A_800 : vector<16xf32>
    %max3A_828 = arith.maximumf %max3A_827, %select_n3A_804 : vector<16xf32>
    %max3A_829 = arith.maximumf %max3A_828, %select_n3A_808 : vector<16xf32>
    %max3A_830 = arith.maximumf %max3A_829, %select_n3A_812 : vector<16xf32>
    %max3A_831 = arith.maximumf %max3A_830, %select_n3A_816 : vector<16xf32>
    %iota3A_832 = tpu.iota {dimensions = array<i32: 0>} : vector<16xi32>
    %xor3A_833 = arith.constant 8 : i32
    %xor3A_834 = vector.broadcast %xor3A_833 : i32 to vector<16xi32>
    %xor3A_835 = arith.xori %iota3A_832, %xor3A_834 : vector<16xi32>
    %reshape3A_836 = vector.shape_cast %xor3A_835 : vector<16xi32> to vector<16x1xi32>
    %gather3A_837 = vector.shape_cast %reshape3A_836 : vector<16x1xi32> to vector<16xi32>
    %gather3A_838 = tpu.dynamic_gather %max3A_831[%gather3A_837] in [0] : vector<16xf32>, vector<16xi32> -> vector<16xf32>
    %max3A_839 = arith.maximumf %max3A_831, %gather3A_838 : vector<16xf32>
    %iota3A_840 = tpu.iota {dimensions = array<i32: 0>} : vector<16xi32>
    %xor3A_841 = arith.constant 4 : i32
    %xor3A_842 = vector.broadcast %xor3A_841 : i32 to vector<16xi32>
    %xor3A_843 = arith.xori %iota3A_840, %xor3A_842 : vector<16xi32>
    %reshape3A_844 = vector.shape_cast %xor3A_843 : vector<16xi32> to vector<16x1xi32>
    %gather3A_845 = vector.shape_cast %reshape3A_844 : vector<16x1xi32> to vector<16xi32>
    %gather3A_846 = tpu.dynamic_gather %max3A_839[%gather3A_845] in [0] : vector<16xf32>, vector<16xi32> -> vector<16xf32>
    %max3A_847 = arith.maximumf %max3A_839, %gather3A_846 : vector<16xf32>
    %iota3A_848 = tpu.iota {dimensions = array<i32: 0>} : vector<16xi32>
    %xor3A_849 = arith.constant 2 : i32
    %xor3A_850 = vector.broadcast %xor3A_849 : i32 to vector<16xi32>
    %xor3A_851 = arith.xori %iota3A_848, %xor3A_850 : vector<16xi32>
    %reshape3A_852 = vector.shape_cast %xor3A_851 : vector<16xi32> to vector<16x1xi32>
    %gather3A_853 = vector.shape_cast %reshape3A_852 : vector<16x1xi32> to vector<16xi32>
    %gather3A_854 = tpu.dynamic_gather %max3A_847[%gather3A_853] in [0] : vector<16xf32>, vector<16xi32> -> vector<16xf32>
    %max3A_855 = arith.maximumf %max3A_847, %gather3A_854 : vector<16xf32>
    %iota3A_856 = tpu.iota {dimensions = array<i32: 0>} : vector<16xi32>
    %xor3A_857 = arith.constant 1 : i32
    %xor3A_858 = vector.broadcast %xor3A_857 : i32 to vector<16xi32>
    %xor3A_859 = arith.xori %iota3A_856, %xor3A_858 : vector<16xi32>
    %reshape3A_860 = vector.shape_cast %xor3A_859 : vector<16xi32> to vector<16x1xi32>
    %gather3A_861 = vector.shape_cast %reshape3A_860 : vector<16x1xi32> to vector<16xi32>
    %gather3A_862 = tpu.dynamic_gather %max3A_855[%gather3A_861] in [0] : vector<16xf32>, vector<16xi32> -> vector<16xf32>
    %max3A_863 = arith.maximumf %max3A_855, %gather3A_862 : vector<16xf32>
    %eq3A_864 = arith.cmpf oeq, %select_n3A_756, %max3A_863 : vector<16xf32>
    %jit3A_865 = arith.constant 4096 : i32
    %broadcast_in_dim3A_866 = vector.broadcast %jit3A_865 : i32 to vector<16xi32>
    %select_n3A_867 = arith.select %eq3A_864, %add3A_55, %broadcast_in_dim3A_866 : vector<16xi1>, vector<16xi32>
    %eq3A_868 = arith.cmpf oeq, %select_n3A_760, %max3A_863 : vector<16xf32>
    %jit3A_869 = arith.constant 4096 : i32
    %broadcast_in_dim3A_870 = vector.broadcast %jit3A_869 : i32 to vector<16xi32>
    %select_n3A_871 = arith.select %eq3A_868, %add3A_60, %broadcast_in_dim3A_870 : vector<16xi1>, vector<16xi32>
    %min3A_872 = arith.minsi %select_n3A_867, %select_n3A_871 : vector<16xi32>
    %eq3A_873 = arith.cmpf oeq, %select_n3A_764, %max3A_863 : vector<16xf32>
    %jit3A_874 = arith.constant 4096 : i32
    %broadcast_in_dim3A_875 = vector.broadcast %jit3A_874 : i32 to vector<16xi32>
    %select_n3A_876 = arith.select %eq3A_873, %add3A_65, %broadcast_in_dim3A_875 : vector<16xi1>, vector<16xi32>
    %min3A_877 = arith.minsi %min3A_872, %select_n3A_876 : vector<16xi32>
    %eq3A_878 = arith.cmpf oeq, %select_n3A_768, %max3A_863 : vector<16xf32>
    %jit3A_879 = arith.constant 4096 : i32
    %broadcast_in_dim3A_880 = vector.broadcast %jit3A_879 : i32 to vector<16xi32>
    %select_n3A_881 = arith.select %eq3A_878, %add3A_70, %broadcast_in_dim3A_880 : vector<16xi1>, vector<16xi32>
    %min3A_882 = arith.minsi %min3A_877, %select_n3A_881 : vector<16xi32>
    %eq3A_883 = arith.cmpf oeq, %select_n3A_772, %max3A_863 : vector<16xf32>
    %jit3A_884 = arith.constant 4096 : i32
    %broadcast_in_dim3A_885 = vector.broadcast %jit3A_884 : i32 to vector<16xi32>
    %select_n3A_886 = arith.select %eq3A_883, %add3A_75, %broadcast_in_dim3A_885 : vector<16xi1>, vector<16xi32>
    %min3A_887 = arith.minsi %min3A_882, %select_n3A_886 : vector<16xi32>
    %eq3A_888 = arith.cmpf oeq, %select_n3A_776, %max3A_863 : vector<16xf32>
    %jit3A_889 = arith.constant 4096 : i32
    %broadcast_in_dim3A_890 = vector.broadcast %jit3A_889 : i32 to vector<16xi32>
    %select_n3A_891 = arith.select %eq3A_888, %add3A_80, %broadcast_in_dim3A_890 : vector<16xi1>, vector<16xi32>
    %min3A_892 = arith.minsi %min3A_887, %select_n3A_891 : vector<16xi32>
    %eq3A_893 = arith.cmpf oeq, %select_n3A_780, %max3A_863 : vector<16xf32>
    %jit3A_894 = arith.constant 4096 : i32
    %broadcast_in_dim3A_895 = vector.broadcast %jit3A_894 : i32 to vector<16xi32>
    %select_n3A_896 = arith.select %eq3A_893, %add3A_85, %broadcast_in_dim3A_895 : vector<16xi1>, vector<16xi32>
    %min3A_897 = arith.minsi %min3A_892, %select_n3A_896 : vector<16xi32>
    %eq3A_898 = arith.cmpf oeq, %select_n3A_784, %max3A_863 : vector<16xf32>
    %jit3A_899 = arith.constant 4096 : i32
    %broadcast_in_dim3A_900 = vector.broadcast %jit3A_899 : i32 to vector<16xi32>
    %select_n3A_901 = arith.select %eq3A_898, %add3A_90, %broadcast_in_dim3A_900 : vector<16xi1>, vector<16xi32>
    %min3A_902 = arith.minsi %min3A_897, %select_n3A_901 : vector<16xi32>
    %eq3A_903 = arith.cmpf oeq, %select_n3A_788, %max3A_863 : vector<16xf32>
    %jit3A_904 = arith.constant 4096 : i32
    %broadcast_in_dim3A_905 = vector.broadcast %jit3A_904 : i32 to vector<16xi32>
    %select_n3A_906 = arith.select %eq3A_903, %add3A_95, %broadcast_in_dim3A_905 : vector<16xi1>, vector<16xi32>
    %min3A_907 = arith.minsi %min3A_902, %select_n3A_906 : vector<16xi32>
    %eq3A_908 = arith.cmpf oeq, %select_n3A_792, %max3A_863 : vector<16xf32>
    %jit3A_909 = arith.constant 4096 : i32
    %broadcast_in_dim3A_910 = vector.broadcast %jit3A_909 : i32 to vector<16xi32>
    %select_n3A_911 = arith.select %eq3A_908, %add3A_100, %broadcast_in_dim3A_910 : vector<16xi1>, vector<16xi32>
    %min3A_912 = arith.minsi %min3A_907, %select_n3A_911 : vector<16xi32>
    %eq3A_913 = arith.cmpf oeq, %select_n3A_796, %max3A_863 : vector<16xf32>
    %jit3A_914 = arith.constant 4096 : i32
    %broadcast_in_dim3A_915 = vector.broadcast %jit3A_914 : i32 to vector<16xi32>
    %select_n3A_916 = arith.select %eq3A_913, %add3A_105, %broadcast_in_dim3A_915 : vector<16xi1>, vector<16xi32>
    %min3A_917 = arith.minsi %min3A_912, %select_n3A_916 : vector<16xi32>
    %eq3A_918 = arith.cmpf oeq, %select_n3A_800, %max3A_863 : vector<16xf32>
    %jit3A_919 = arith.constant 4096 : i32
    %broadcast_in_dim3A_920 = vector.broadcast %jit3A_919 : i32 to vector<16xi32>
    %select_n3A_921 = arith.select %eq3A_918, %add3A_110, %broadcast_in_dim3A_920 : vector<16xi1>, vector<16xi32>
    %min3A_922 = arith.minsi %min3A_917, %select_n3A_921 : vector<16xi32>
    %eq3A_923 = arith.cmpf oeq, %select_n3A_804, %max3A_863 : vector<16xf32>
    %jit3A_924 = arith.constant 4096 : i32
    %broadcast_in_dim3A_925 = vector.broadcast %jit3A_924 : i32 to vector<16xi32>
    %select_n3A_926 = arith.select %eq3A_923, %add3A_115, %broadcast_in_dim3A_925 : vector<16xi1>, vector<16xi32>
    %min3A_927 = arith.minsi %min3A_922, %select_n3A_926 : vector<16xi32>
    %eq3A_928 = arith.cmpf oeq, %select_n3A_808, %max3A_863 : vector<16xf32>
    %jit3A_929 = arith.constant 4096 : i32
    %broadcast_in_dim3A_930 = vector.broadcast %jit3A_929 : i32 to vector<16xi32>
    %select_n3A_931 = arith.select %eq3A_928, %add3A_120, %broadcast_in_dim3A_930 : vector<16xi1>, vector<16xi32>
    %min3A_932 = arith.minsi %min3A_927, %select_n3A_931 : vector<16xi32>
    %eq3A_933 = arith.cmpf oeq, %select_n3A_812, %max3A_863 : vector<16xf32>
    %jit3A_934 = arith.constant 4096 : i32
    %broadcast_in_dim3A_935 = vector.broadcast %jit3A_934 : i32 to vector<16xi32>
    %select_n3A_936 = arith.select %eq3A_933, %add3A_125, %broadcast_in_dim3A_935 : vector<16xi1>, vector<16xi32>
    %min3A_937 = arith.minsi %min3A_932, %select_n3A_936 : vector<16xi32>
    %eq3A_938 = arith.cmpf oeq, %select_n3A_816, %max3A_863 : vector<16xf32>
    %jit3A_939 = arith.constant 4096 : i32
    %broadcast_in_dim3A_940 = vector.broadcast %jit3A_939 : i32 to vector<16xi32>
    %select_n3A_941 = arith.select %eq3A_938, %add3A_130, %broadcast_in_dim3A_940 : vector<16xi1>, vector<16xi32>
    %min3A_942 = arith.minsi %min3A_937, %select_n3A_941 : vector<16xi32>
    %iota3A_943 = tpu.iota {dimensions = array<i32: 0>} : vector<16xi32>
    %xor3A_944 = arith.constant 8 : i32
    %xor3A_945 = vector.broadcast %xor3A_944 : i32 to vector<16xi32>
    %xor3A_946 = arith.xori %iota3A_943, %xor3A_945 : vector<16xi32>
    %reshape3A_947 = vector.shape_cast %xor3A_946 : vector<16xi32> to vector<16x1xi32>
    %gather3A_948 = vector.shape_cast %reshape3A_947 : vector<16x1xi32> to vector<16xi32>
    %gather3A_949 = tpu.dynamic_gather %min3A_942[%gather3A_948] in [0] : vector<16xi32>, vector<16xi32> -> vector<16xi32>
    %min3A_950 = arith.minsi %min3A_942, %gather3A_949 : vector<16xi32>
    %iota3A_951 = tpu.iota {dimensions = array<i32: 0>} : vector<16xi32>
    %xor3A_952 = arith.constant 4 : i32
    %xor3A_953 = vector.broadcast %xor3A_952 : i32 to vector<16xi32>
    %xor3A_954 = arith.xori %iota3A_951, %xor3A_953 : vector<16xi32>
    %reshape3A_955 = vector.shape_cast %xor3A_954 : vector<16xi32> to vector<16x1xi32>
    %gather3A_956 = vector.shape_cast %reshape3A_955 : vector<16x1xi32> to vector<16xi32>
    %gather3A_957 = tpu.dynamic_gather %min3A_950[%gather3A_956] in [0] : vector<16xi32>, vector<16xi32> -> vector<16xi32>
    %min3A_958 = arith.minsi %min3A_950, %gather3A_957 : vector<16xi32>
    %iota3A_959 = tpu.iota {dimensions = array<i32: 0>} : vector<16xi32>
    %xor3A_960 = arith.constant 2 : i32
    %xor3A_961 = vector.broadcast %xor3A_960 : i32 to vector<16xi32>
    %xor3A_962 = arith.xori %iota3A_959, %xor3A_961 : vector<16xi32>
    %reshape3A_963 = vector.shape_cast %xor3A_962 : vector<16xi32> to vector<16x1xi32>
    %gather3A_964 = vector.shape_cast %reshape3A_963 : vector<16x1xi32> to vector<16xi32>
    %gather3A_965 = tpu.dynamic_gather %min3A_958[%gather3A_964] in [0] : vector<16xi32>, vector<16xi32> -> vector<16xi32>
    %min3A_966 = arith.minsi %min3A_958, %gather3A_965 : vector<16xi32>
    %iota3A_967 = tpu.iota {dimensions = array<i32: 0>} : vector<16xi32>
    %xor3A_968 = arith.constant 1 : i32
    %xor3A_969 = vector.broadcast %xor3A_968 : i32 to vector<16xi32>
    %xor3A_970 = arith.xori %iota3A_967, %xor3A_969 : vector<16xi32>
    %reshape3A_971 = vector.shape_cast %xor3A_970 : vector<16xi32> to vector<16x1xi32>
    %gather3A_972 = vector.shape_cast %reshape3A_971 : vector<16x1xi32> to vector<16xi32>
    %gather3A_973 = tpu.dynamic_gather %min3A_966[%gather3A_972] in [0] : vector<16xi32>, vector<16xi32> -> vector<16xi32>
    %min3A_974 = arith.minsi %min3A_966, %gather3A_973 : vector<16xi32>
    %eq3A_975 = arith.constant 3 : i32
    %eq3A_976 = vector.broadcast %eq3A_975 : i32 to vector<16xi32>
    %eq3A_977 = arith.cmpi eq, %iota3A_134, %eq3A_976 : vector<16xi32>
    %select_n3A_978 = arith.select %eq3A_977, %max3A_863, %select_n3A_748 : vector<16xi1>, vector<16xf32>
    %eq3A_979 = arith.constant 3 : i32
    %eq3A_980 = vector.broadcast %eq3A_979 : i32 to vector<16xi32>
    %eq3A_981 = arith.cmpi eq, %iota3A_134, %eq3A_980 : vector<16xi32>
    %select_n3A_982 = arith.select %eq3A_981, %min3A_974, %select_n3A_752 : vector<16xi1>, vector<16xi32>
    %eq3A_983 = arith.cmpi eq, %add3A_55, %min3A_974 : vector<16xi32>
    %jit3A_984 = arith.constant 0xFF800000 : f32
    %broadcast_in_dim3A_985 = vector.broadcast %jit3A_984 : f32 to vector<16xf32>
    %select_n3A_986 = arith.select %eq3A_983, %broadcast_in_dim3A_985, %select_n3A_756 : vector<16xi1>, vector<16xf32>
    %eq3A_987 = arith.cmpi eq, %add3A_60, %min3A_974 : vector<16xi32>
    %jit3A_988 = arith.constant 0xFF800000 : f32
    %broadcast_in_dim3A_989 = vector.broadcast %jit3A_988 : f32 to vector<16xf32>
    %select_n3A_990 = arith.select %eq3A_987, %broadcast_in_dim3A_989, %select_n3A_760 : vector<16xi1>, vector<16xf32>
    %eq3A_991 = arith.cmpi eq, %add3A_65, %min3A_974 : vector<16xi32>
    %jit3A_992 = arith.constant 0xFF800000 : f32
    %broadcast_in_dim3A_993 = vector.broadcast %jit3A_992 : f32 to vector<16xf32>
    %select_n3A_994 = arith.select %eq3A_991, %broadcast_in_dim3A_993, %select_n3A_764 : vector<16xi1>, vector<16xf32>
    %eq3A_995 = arith.cmpi eq, %add3A_70, %min3A_974 : vector<16xi32>
    %jit3A_996 = arith.constant 0xFF800000 : f32
    %broadcast_in_dim3A_997 = vector.broadcast %jit3A_996 : f32 to vector<16xf32>
    %select_n3A_998 = arith.select %eq3A_995, %broadcast_in_dim3A_997, %select_n3A_768 : vector<16xi1>, vector<16xf32>
    %eq3A_999 = arith.cmpi eq, %add3A_75, %min3A_974 : vector<16xi32>
    %jit3A_1000 = arith.constant 0xFF800000 : f32
    %broadcast_in_dim3A_1001 = vector.broadcast %jit3A_1000 : f32 to vector<16xf32>
    %select_n3A_1002 = arith.select %eq3A_999, %broadcast_in_dim3A_1001, %select_n3A_772 : vector<16xi1>, vector<16xf32>
    %eq3A_1003 = arith.cmpi eq, %add3A_80, %min3A_974 : vector<16xi32>
    %jit3A_1004 = arith.constant 0xFF800000 : f32
    %broadcast_in_dim3A_1005 = vector.broadcast %jit3A_1004 : f32 to vector<16xf32>
    %select_n3A_1006 = arith.select %eq3A_1003, %broadcast_in_dim3A_1005, %select_n3A_776 : vector<16xi1>, vector<16xf32>
    %eq3A_1007 = arith.cmpi eq, %add3A_85, %min3A_974 : vector<16xi32>
    %jit3A_1008 = arith.constant 0xFF800000 : f32
    %broadcast_in_dim3A_1009 = vector.broadcast %jit3A_1008 : f32 to vector<16xf32>
    %select_n3A_1010 = arith.select %eq3A_1007, %broadcast_in_dim3A_1009, %select_n3A_780 : vector<16xi1>, vector<16xf32>
    %eq3A_1011 = arith.cmpi eq, %add3A_90, %min3A_974 : vector<16xi32>
    %jit3A_1012 = arith.constant 0xFF800000 : f32
    %broadcast_in_dim3A_1013 = vector.broadcast %jit3A_1012 : f32 to vector<16xf32>
    %select_n3A_1014 = arith.select %eq3A_1011, %broadcast_in_dim3A_1013, %select_n3A_784 : vector<16xi1>, vector<16xf32>
    %eq3A_1015 = arith.cmpi eq, %add3A_95, %min3A_974 : vector<16xi32>
    %jit3A_1016 = arith.constant 0xFF800000 : f32
    %broadcast_in_dim3A_1017 = vector.broadcast %jit3A_1016 : f32 to vector<16xf32>
    %select_n3A_1018 = arith.select %eq3A_1015, %broadcast_in_dim3A_1017, %select_n3A_788 : vector<16xi1>, vector<16xf32>
    %eq3A_1019 = arith.cmpi eq, %add3A_100, %min3A_974 : vector<16xi32>
    %jit3A_1020 = arith.constant 0xFF800000 : f32
    %broadcast_in_dim3A_1021 = vector.broadcast %jit3A_1020 : f32 to vector<16xf32>
    %select_n3A_1022 = arith.select %eq3A_1019, %broadcast_in_dim3A_1021, %select_n3A_792 : vector<16xi1>, vector<16xf32>
    %eq3A_1023 = arith.cmpi eq, %add3A_105, %min3A_974 : vector<16xi32>
    %jit3A_1024 = arith.constant 0xFF800000 : f32
    %broadcast_in_dim3A_1025 = vector.broadcast %jit3A_1024 : f32 to vector<16xf32>
    %select_n3A_1026 = arith.select %eq3A_1023, %broadcast_in_dim3A_1025, %select_n3A_796 : vector<16xi1>, vector<16xf32>
    %eq3A_1027 = arith.cmpi eq, %add3A_110, %min3A_974 : vector<16xi32>
    %jit3A_1028 = arith.constant 0xFF800000 : f32
    %broadcast_in_dim3A_1029 = vector.broadcast %jit3A_1028 : f32 to vector<16xf32>
    %select_n3A_1030 = arith.select %eq3A_1027, %broadcast_in_dim3A_1029, %select_n3A_800 : vector<16xi1>, vector<16xf32>
    %eq3A_1031 = arith.cmpi eq, %add3A_115, %min3A_974 : vector<16xi32>
    %jit3A_1032 = arith.constant 0xFF800000 : f32
    %broadcast_in_dim3A_1033 = vector.broadcast %jit3A_1032 : f32 to vector<16xf32>
    %select_n3A_1034 = arith.select %eq3A_1031, %broadcast_in_dim3A_1033, %select_n3A_804 : vector<16xi1>, vector<16xf32>
    %eq3A_1035 = arith.cmpi eq, %add3A_120, %min3A_974 : vector<16xi32>
    %jit3A_1036 = arith.constant 0xFF800000 : f32
    %broadcast_in_dim3A_1037 = vector.broadcast %jit3A_1036 : f32 to vector<16xf32>
    %select_n3A_1038 = arith.select %eq3A_1035, %broadcast_in_dim3A_1037, %select_n3A_808 : vector<16xi1>, vector<16xf32>
    %eq3A_1039 = arith.cmpi eq, %add3A_125, %min3A_974 : vector<16xi32>
    %jit3A_1040 = arith.constant 0xFF800000 : f32
    %broadcast_in_dim3A_1041 = vector.broadcast %jit3A_1040 : f32 to vector<16xf32>
    %select_n3A_1042 = arith.select %eq3A_1039, %broadcast_in_dim3A_1041, %select_n3A_812 : vector<16xi1>, vector<16xf32>
    %eq3A_1043 = arith.cmpi eq, %add3A_130, %min3A_974 : vector<16xi32>
    %jit3A_1044 = arith.constant 0xFF800000 : f32
    %broadcast_in_dim3A_1045 = vector.broadcast %jit3A_1044 : f32 to vector<16xf32>
    %select_n3A_1046 = arith.select %eq3A_1043, %broadcast_in_dim3A_1045, %select_n3A_816 : vector<16xi1>, vector<16xf32>
    %max3A_1047 = arith.maximumf %select_n3A_986, %select_n3A_990 : vector<16xf32>
    %max3A_1048 = arith.maximumf %max3A_1047, %select_n3A_994 : vector<16xf32>
    %max3A_1049 = arith.maximumf %max3A_1048, %select_n3A_998 : vector<16xf32>
    %max3A_1050 = arith.maximumf %max3A_1049, %select_n3A_1002 : vector<16xf32>
    %max3A_1051 = arith.maximumf %max3A_1050, %select_n3A_1006 : vector<16xf32>
    %max3A_1052 = arith.maximumf %max3A_1051, %select_n3A_1010 : vector<16xf32>
    %max3A_1053 = arith.maximumf %max3A_1052, %select_n3A_1014 : vector<16xf32>
    %max3A_1054 = arith.maximumf %max3A_1053, %select_n3A_1018 : vector<16xf32>
    %max3A_1055 = arith.maximumf %max3A_1054, %select_n3A_1022 : vector<16xf32>
    %max3A_1056 = arith.maximumf %max3A_1055, %select_n3A_1026 : vector<16xf32>
    %max3A_1057 = arith.maximumf %max3A_1056, %select_n3A_1030 : vector<16xf32>
    %max3A_1058 = arith.maximumf %max3A_1057, %select_n3A_1034 : vector<16xf32>
    %max3A_1059 = arith.maximumf %max3A_1058, %select_n3A_1038 : vector<16xf32>
    %max3A_1060 = arith.maximumf %max3A_1059, %select_n3A_1042 : vector<16xf32>
    %max3A_1061 = arith.maximumf %max3A_1060, %select_n3A_1046 : vector<16xf32>
    %iota3A_1062 = tpu.iota {dimensions = array<i32: 0>} : vector<16xi32>
    %xor3A_1063 = arith.constant 8 : i32
    %xor3A_1064 = vector.broadcast %xor3A_1063 : i32 to vector<16xi32>
    %xor3A_1065 = arith.xori %iota3A_1062, %xor3A_1064 : vector<16xi32>
    %reshape3A_1066 = vector.shape_cast %xor3A_1065 : vector<16xi32> to vector<16x1xi32>
    %gather3A_1067 = vector.shape_cast %reshape3A_1066 : vector<16x1xi32> to vector<16xi32>
    %gather3A_1068 = tpu.dynamic_gather %max3A_1061[%gather3A_1067] in [0] : vector<16xf32>, vector<16xi32> -> vector<16xf32>
    %max3A_1069 = arith.maximumf %max3A_1061, %gather3A_1068 : vector<16xf32>
    %iota3A_1070 = tpu.iota {dimensions = array<i32: 0>} : vector<16xi32>
    %xor3A_1071 = arith.constant 4 : i32
    %xor3A_1072 = vector.broadcast %xor3A_1071 : i32 to vector<16xi32>
    %xor3A_1073 = arith.xori %iota3A_1070, %xor3A_1072 : vector<16xi32>
    %reshape3A_1074 = vector.shape_cast %xor3A_1073 : vector<16xi32> to vector<16x1xi32>
    %gather3A_1075 = vector.shape_cast %reshape3A_1074 : vector<16x1xi32> to vector<16xi32>
    %gather3A_1076 = tpu.dynamic_gather %max3A_1069[%gather3A_1075] in [0] : vector<16xf32>, vector<16xi32> -> vector<16xf32>
    %max3A_1077 = arith.maximumf %max3A_1069, %gather3A_1076 : vector<16xf32>
    %iota3A_1078 = tpu.iota {dimensions = array<i32: 0>} : vector<16xi32>
    %xor3A_1079 = arith.constant 2 : i32
    %xor3A_1080 = vector.broadcast %xor3A_1079 : i32 to vector<16xi32>
    %xor3A_1081 = arith.xori %iota3A_1078, %xor3A_1080 : vector<16xi32>
    %reshape3A_1082 = vector.shape_cast %xor3A_1081 : vector<16xi32> to vector<16x1xi32>
    %gather3A_1083 = vector.shape_cast %reshape3A_1082 : vector<16x1xi32> to vector<16xi32>
    %gather3A_1084 = tpu.dynamic_gather %max3A_1077[%gather3A_1083] in [0] : vector<16xf32>, vector<16xi32> -> vector<16xf32>
    %max3A_1085 = arith.maximumf %max3A_1077, %gather3A_1084 : vector<16xf32>
    %iota3A_1086 = tpu.iota {dimensions = array<i32: 0>} : vector<16xi32>
    %xor3A_1087 = arith.constant 1 : i32
    %xor3A_1088 = vector.broadcast %xor3A_1087 : i32 to vector<16xi32>
    %xor3A_1089 = arith.xori %iota3A_1086, %xor3A_1088 : vector<16xi32>
    %reshape3A_1090 = vector.shape_cast %xor3A_1089 : vector<16xi32> to vector<16x1xi32>
    %gather3A_1091 = vector.shape_cast %reshape3A_1090 : vector<16x1xi32> to vector<16xi32>
    %gather3A_1092 = tpu.dynamic_gather %max3A_1085[%gather3A_1091] in [0] : vector<16xf32>, vector<16xi32> -> vector<16xf32>
    %max3A_1093 = arith.maximumf %max3A_1085, %gather3A_1092 : vector<16xf32>
    %eq3A_1094 = arith.cmpf oeq, %select_n3A_986, %max3A_1093 : vector<16xf32>
    %jit3A_1095 = arith.constant 4096 : i32
    %broadcast_in_dim3A_1096 = vector.broadcast %jit3A_1095 : i32 to vector<16xi32>
    %select_n3A_1097 = arith.select %eq3A_1094, %add3A_55, %broadcast_in_dim3A_1096 : vector<16xi1>, vector<16xi32>
    %eq3A_1098 = arith.cmpf oeq, %select_n3A_990, %max3A_1093 : vector<16xf32>
    %jit3A_1099 = arith.constant 4096 : i32
    %broadcast_in_dim3A_1100 = vector.broadcast %jit3A_1099 : i32 to vector<16xi32>
    %select_n3A_1101 = arith.select %eq3A_1098, %add3A_60, %broadcast_in_dim3A_1100 : vector<16xi1>, vector<16xi32>
    %min3A_1102 = arith.minsi %select_n3A_1097, %select_n3A_1101 : vector<16xi32>
    %eq3A_1103 = arith.cmpf oeq, %select_n3A_994, %max3A_1093 : vector<16xf32>
    %jit3A_1104 = arith.constant 4096 : i32
    %broadcast_in_dim3A_1105 = vector.broadcast %jit3A_1104 : i32 to vector<16xi32>
    %select_n3A_1106 = arith.select %eq3A_1103, %add3A_65, %broadcast_in_dim3A_1105 : vector<16xi1>, vector<16xi32>
    %min3A_1107 = arith.minsi %min3A_1102, %select_n3A_1106 : vector<16xi32>
    %eq3A_1108 = arith.cmpf oeq, %select_n3A_998, %max3A_1093 : vector<16xf32>
    %jit3A_1109 = arith.constant 4096 : i32
    %broadcast_in_dim3A_1110 = vector.broadcast %jit3A_1109 : i32 to vector<16xi32>
    %select_n3A_1111 = arith.select %eq3A_1108, %add3A_70, %broadcast_in_dim3A_1110 : vector<16xi1>, vector<16xi32>
    %min3A_1112 = arith.minsi %min3A_1107, %select_n3A_1111 : vector<16xi32>
    %eq3A_1113 = arith.cmpf oeq, %select_n3A_1002, %max3A_1093 : vector<16xf32>
    %jit3A_1114 = arith.constant 4096 : i32
    %broadcast_in_dim3A_1115 = vector.broadcast %jit3A_1114 : i32 to vector<16xi32>
    %select_n3A_1116 = arith.select %eq3A_1113, %add3A_75, %broadcast_in_dim3A_1115 : vector<16xi1>, vector<16xi32>
    %min3A_1117 = arith.minsi %min3A_1112, %select_n3A_1116 : vector<16xi32>
    %eq3A_1118 = arith.cmpf oeq, %select_n3A_1006, %max3A_1093 : vector<16xf32>
    %jit3A_1119 = arith.constant 4096 : i32
    %broadcast_in_dim3A_1120 = vector.broadcast %jit3A_1119 : i32 to vector<16xi32>
    %select_n3A_1121 = arith.select %eq3A_1118, %add3A_80, %broadcast_in_dim3A_1120 : vector<16xi1>, vector<16xi32>
    %min3A_1122 = arith.minsi %min3A_1117, %select_n3A_1121 : vector<16xi32>
    %eq3A_1123 = arith.cmpf oeq, %select_n3A_1010, %max3A_1093 : vector<16xf32>
    %jit3A_1124 = arith.constant 4096 : i32
    %broadcast_in_dim3A_1125 = vector.broadcast %jit3A_1124 : i32 to vector<16xi32>
    %select_n3A_1126 = arith.select %eq3A_1123, %add3A_85, %broadcast_in_dim3A_1125 : vector<16xi1>, vector<16xi32>
    %min3A_1127 = arith.minsi %min3A_1122, %select_n3A_1126 : vector<16xi32>
    %eq3A_1128 = arith.cmpf oeq, %select_n3A_1014, %max3A_1093 : vector<16xf32>
    %jit3A_1129 = arith.constant 4096 : i32
    %broadcast_in_dim3A_1130 = vector.broadcast %jit3A_1129 : i32 to vector<16xi32>
    %select_n3A_1131 = arith.select %eq3A_1128, %add3A_90, %broadcast_in_dim3A_1130 : vector<16xi1>, vector<16xi32>
    %min3A_1132 = arith.minsi %min3A_1127, %select_n3A_1131 : vector<16xi32>
    %eq3A_1133 = arith.cmpf oeq, %select_n3A_1018, %max3A_1093 : vector<16xf32>
    %jit3A_1134 = arith.constant 4096 : i32
    %broadcast_in_dim3A_1135 = vector.broadcast %jit3A_1134 : i32 to vector<16xi32>
    %select_n3A_1136 = arith.select %eq3A_1133, %add3A_95, %broadcast_in_dim3A_1135 : vector<16xi1>, vector<16xi32>
    %min3A_1137 = arith.minsi %min3A_1132, %select_n3A_1136 : vector<16xi32>
    %eq3A_1138 = arith.cmpf oeq, %select_n3A_1022, %max3A_1093 : vector<16xf32>
    %jit3A_1139 = arith.constant 4096 : i32
    %broadcast_in_dim3A_1140 = vector.broadcast %jit3A_1139 : i32 to vector<16xi32>
    %select_n3A_1141 = arith.select %eq3A_1138, %add3A_100, %broadcast_in_dim3A_1140 : vector<16xi1>, vector<16xi32>
    %min3A_1142 = arith.minsi %min3A_1137, %select_n3A_1141 : vector<16xi32>
    %eq3A_1143 = arith.cmpf oeq, %select_n3A_1026, %max3A_1093 : vector<16xf32>
    %jit3A_1144 = arith.constant 4096 : i32
    %broadcast_in_dim3A_1145 = vector.broadcast %jit3A_1144 : i32 to vector<16xi32>
    %select_n3A_1146 = arith.select %eq3A_1143, %add3A_105, %broadcast_in_dim3A_1145 : vector<16xi1>, vector<16xi32>
    %min3A_1147 = arith.minsi %min3A_1142, %select_n3A_1146 : vector<16xi32>
    %eq3A_1148 = arith.cmpf oeq, %select_n3A_1030, %max3A_1093 : vector<16xf32>
    %jit3A_1149 = arith.constant 4096 : i32
    %broadcast_in_dim3A_1150 = vector.broadcast %jit3A_1149 : i32 to vector<16xi32>
    %select_n3A_1151 = arith.select %eq3A_1148, %add3A_110, %broadcast_in_dim3A_1150 : vector<16xi1>, vector<16xi32>
    %min3A_1152 = arith.minsi %min3A_1147, %select_n3A_1151 : vector<16xi32>
    %eq3A_1153 = arith.cmpf oeq, %select_n3A_1034, %max3A_1093 : vector<16xf32>
    %jit3A_1154 = arith.constant 4096 : i32
    %broadcast_in_dim3A_1155 = vector.broadcast %jit3A_1154 : i32 to vector<16xi32>
    %select_n3A_1156 = arith.select %eq3A_1153, %add3A_115, %broadcast_in_dim3A_1155 : vector<16xi1>, vector<16xi32>
    %min3A_1157 = arith.minsi %min3A_1152, %select_n3A_1156 : vector<16xi32>
    %eq3A_1158 = arith.cmpf oeq, %select_n3A_1038, %max3A_1093 : vector<16xf32>
    %jit3A_1159 = arith.constant 4096 : i32
    %broadcast_in_dim3A_1160 = vector.broadcast %jit3A_1159 : i32 to vector<16xi32>
    %select_n3A_1161 = arith.select %eq3A_1158, %add3A_120, %broadcast_in_dim3A_1160 : vector<16xi1>, vector<16xi32>
    %min3A_1162 = arith.minsi %min3A_1157, %select_n3A_1161 : vector<16xi32>
    %eq3A_1163 = arith.cmpf oeq, %select_n3A_1042, %max3A_1093 : vector<16xf32>
    %jit3A_1164 = arith.constant 4096 : i32
    %broadcast_in_dim3A_1165 = vector.broadcast %jit3A_1164 : i32 to vector<16xi32>
    %select_n3A_1166 = arith.select %eq3A_1163, %add3A_125, %broadcast_in_dim3A_1165 : vector<16xi1>, vector<16xi32>
    %min3A_1167 = arith.minsi %min3A_1162, %select_n3A_1166 : vector<16xi32>
    %eq3A_1168 = arith.cmpf oeq, %select_n3A_1046, %max3A_1093 : vector<16xf32>
    %jit3A_1169 = arith.constant 4096 : i32
    %broadcast_in_dim3A_1170 = vector.broadcast %jit3A_1169 : i32 to vector<16xi32>
    %select_n3A_1171 = arith.select %eq3A_1168, %add3A_130, %broadcast_in_dim3A_1170 : vector<16xi1>, vector<16xi32>
    %min3A_1172 = arith.minsi %min3A_1167, %select_n3A_1171 : vector<16xi32>
    %iota3A_1173 = tpu.iota {dimensions = array<i32: 0>} : vector<16xi32>
    %xor3A_1174 = arith.constant 8 : i32
    %xor3A_1175 = vector.broadcast %xor3A_1174 : i32 to vector<16xi32>
    %xor3A_1176 = arith.xori %iota3A_1173, %xor3A_1175 : vector<16xi32>
    %reshape3A_1177 = vector.shape_cast %xor3A_1176 : vector<16xi32> to vector<16x1xi32>
    %gather3A_1178 = vector.shape_cast %reshape3A_1177 : vector<16x1xi32> to vector<16xi32>
    %gather3A_1179 = tpu.dynamic_gather %min3A_1172[%gather3A_1178] in [0] : vector<16xi32>, vector<16xi32> -> vector<16xi32>
    %min3A_1180 = arith.minsi %min3A_1172, %gather3A_1179 : vector<16xi32>
    %iota3A_1181 = tpu.iota {dimensions = array<i32: 0>} : vector<16xi32>
    %xor3A_1182 = arith.constant 4 : i32
    %xor3A_1183 = vector.broadcast %xor3A_1182 : i32 to vector<16xi32>
    %xor3A_1184 = arith.xori %iota3A_1181, %xor3A_1183 : vector<16xi32>
    %reshape3A_1185 = vector.shape_cast %xor3A_1184 : vector<16xi32> to vector<16x1xi32>
    %gather3A_1186 = vector.shape_cast %reshape3A_1185 : vector<16x1xi32> to vector<16xi32>
    %gather3A_1187 = tpu.dynamic_gather %min3A_1180[%gather3A_1186] in [0] : vector<16xi32>, vector<16xi32> -> vector<16xi32>
    %min3A_1188 = arith.minsi %min3A_1180, %gather3A_1187 : vector<16xi32>
    %iota3A_1189 = tpu.iota {dimensions = array<i32: 0>} : vector<16xi32>
    %xor3A_1190 = arith.constant 2 : i32
    %xor3A_1191 = vector.broadcast %xor3A_1190 : i32 to vector<16xi32>
    %xor3A_1192 = arith.xori %iota3A_1189, %xor3A_1191 : vector<16xi32>
    %reshape3A_1193 = vector.shape_cast %xor3A_1192 : vector<16xi32> to vector<16x1xi32>
    %gather3A_1194 = vector.shape_cast %reshape3A_1193 : vector<16x1xi32> to vector<16xi32>
    %gather3A_1195 = tpu.dynamic_gather %min3A_1188[%gather3A_1194] in [0] : vector<16xi32>, vector<16xi32> -> vector<16xi32>
    %min3A_1196 = arith.minsi %min3A_1188, %gather3A_1195 : vector<16xi32>
    %iota3A_1197 = tpu.iota {dimensions = array<i32: 0>} : vector<16xi32>
    %xor3A_1198 = arith.constant 1 : i32
    %xor3A_1199 = vector.broadcast %xor3A_1198 : i32 to vector<16xi32>
    %xor3A_1200 = arith.xori %iota3A_1197, %xor3A_1199 : vector<16xi32>
    %reshape3A_1201 = vector.shape_cast %xor3A_1200 : vector<16xi32> to vector<16x1xi32>
    %gather3A_1202 = vector.shape_cast %reshape3A_1201 : vector<16x1xi32> to vector<16xi32>
    %gather3A_1203 = tpu.dynamic_gather %min3A_1196[%gather3A_1202] in [0] : vector<16xi32>, vector<16xi32> -> vector<16xi32>
    %min3A_1204 = arith.minsi %min3A_1196, %gather3A_1203 : vector<16xi32>
    %eq3A_1205 = arith.constant 4 : i32
    %eq3A_1206 = vector.broadcast %eq3A_1205 : i32 to vector<16xi32>
    %eq3A_1207 = arith.cmpi eq, %iota3A_134, %eq3A_1206 : vector<16xi32>
    %select_n3A_1208 = arith.select %eq3A_1207, %max3A_1093, %select_n3A_978 : vector<16xi1>, vector<16xf32>
    %eq3A_1209 = arith.constant 4 : i32
    %eq3A_1210 = vector.broadcast %eq3A_1209 : i32 to vector<16xi32>
    %eq3A_1211 = arith.cmpi eq, %iota3A_134, %eq3A_1210 : vector<16xi32>
    %select_n3A_1212 = arith.select %eq3A_1211, %min3A_1204, %select_n3A_982 : vector<16xi1>, vector<16xi32>
    %eq3A_1213 = arith.cmpi eq, %add3A_55, %min3A_1204 : vector<16xi32>
    %jit3A_1214 = arith.constant 0xFF800000 : f32
    %broadcast_in_dim3A_1215 = vector.broadcast %jit3A_1214 : f32 to vector<16xf32>
    %select_n3A_1216 = arith.select %eq3A_1213, %broadcast_in_dim3A_1215, %select_n3A_986 : vector<16xi1>, vector<16xf32>
    %eq3A_1217 = arith.cmpi eq, %add3A_60, %min3A_1204 : vector<16xi32>
    %jit3A_1218 = arith.constant 0xFF800000 : f32
    %broadcast_in_dim3A_1219 = vector.broadcast %jit3A_1218 : f32 to vector<16xf32>
    %select_n3A_1220 = arith.select %eq3A_1217, %broadcast_in_dim3A_1219, %select_n3A_990 : vector<16xi1>, vector<16xf32>
    %eq3A_1221 = arith.cmpi eq, %add3A_65, %min3A_1204 : vector<16xi32>
    %jit3A_1222 = arith.constant 0xFF800000 : f32
    %broadcast_in_dim3A_1223 = vector.broadcast %jit3A_1222 : f32 to vector<16xf32>
    %select_n3A_1224 = arith.select %eq3A_1221, %broadcast_in_dim3A_1223, %select_n3A_994 : vector<16xi1>, vector<16xf32>
    %eq3A_1225 = arith.cmpi eq, %add3A_70, %min3A_1204 : vector<16xi32>
    %jit3A_1226 = arith.constant 0xFF800000 : f32
    %broadcast_in_dim3A_1227 = vector.broadcast %jit3A_1226 : f32 to vector<16xf32>
    %select_n3A_1228 = arith.select %eq3A_1225, %broadcast_in_dim3A_1227, %select_n3A_998 : vector<16xi1>, vector<16xf32>
    %eq3A_1229 = arith.cmpi eq, %add3A_75, %min3A_1204 : vector<16xi32>
    %jit3A_1230 = arith.constant 0xFF800000 : f32
    %broadcast_in_dim3A_1231 = vector.broadcast %jit3A_1230 : f32 to vector<16xf32>
    %select_n3A_1232 = arith.select %eq3A_1229, %broadcast_in_dim3A_1231, %select_n3A_1002 : vector<16xi1>, vector<16xf32>
    %eq3A_1233 = arith.cmpi eq, %add3A_80, %min3A_1204 : vector<16xi32>
    %jit3A_1234 = arith.constant 0xFF800000 : f32
    %broadcast_in_dim3A_1235 = vector.broadcast %jit3A_1234 : f32 to vector<16xf32>
    %select_n3A_1236 = arith.select %eq3A_1233, %broadcast_in_dim3A_1235, %select_n3A_1006 : vector<16xi1>, vector<16xf32>
    %eq3A_1237 = arith.cmpi eq, %add3A_85, %min3A_1204 : vector<16xi32>
    %jit3A_1238 = arith.constant 0xFF800000 : f32
    %broadcast_in_dim3A_1239 = vector.broadcast %jit3A_1238 : f32 to vector<16xf32>
    %select_n3A_1240 = arith.select %eq3A_1237, %broadcast_in_dim3A_1239, %select_n3A_1010 : vector<16xi1>, vector<16xf32>
    %eq3A_1241 = arith.cmpi eq, %add3A_90, %min3A_1204 : vector<16xi32>
    %jit3A_1242 = arith.constant 0xFF800000 : f32
    %broadcast_in_dim3A_1243 = vector.broadcast %jit3A_1242 : f32 to vector<16xf32>
    %select_n3A_1244 = arith.select %eq3A_1241, %broadcast_in_dim3A_1243, %select_n3A_1014 : vector<16xi1>, vector<16xf32>
    %eq3A_1245 = arith.cmpi eq, %add3A_95, %min3A_1204 : vector<16xi32>
    %jit3A_1246 = arith.constant 0xFF800000 : f32
    %broadcast_in_dim3A_1247 = vector.broadcast %jit3A_1246 : f32 to vector<16xf32>
    %select_n3A_1248 = arith.select %eq3A_1245, %broadcast_in_dim3A_1247, %select_n3A_1018 : vector<16xi1>, vector<16xf32>
    %eq3A_1249 = arith.cmpi eq, %add3A_100, %min3A_1204 : vector<16xi32>
    %jit3A_1250 = arith.constant 0xFF800000 : f32
    %broadcast_in_dim3A_1251 = vector.broadcast %jit3A_1250 : f32 to vector<16xf32>
    %select_n3A_1252 = arith.select %eq3A_1249, %broadcast_in_dim3A_1251, %select_n3A_1022 : vector<16xi1>, vector<16xf32>
    %eq3A_1253 = arith.cmpi eq, %add3A_105, %min3A_1204 : vector<16xi32>
    %jit3A_1254 = arith.constant 0xFF800000 : f32
    %broadcast_in_dim3A_1255 = vector.broadcast %jit3A_1254 : f32 to vector<16xf32>
    %select_n3A_1256 = arith.select %eq3A_1253, %broadcast_in_dim3A_1255, %select_n3A_1026 : vector<16xi1>, vector<16xf32>
    %eq3A_1257 = arith.cmpi eq, %add3A_110, %min3A_1204 : vector<16xi32>
    %jit3A_1258 = arith.constant 0xFF800000 : f32
    %broadcast_in_dim3A_1259 = vector.broadcast %jit3A_1258 : f32 to vector<16xf32>
    %select_n3A_1260 = arith.select %eq3A_1257, %broadcast_in_dim3A_1259, %select_n3A_1030 : vector<16xi1>, vector<16xf32>
    %eq3A_1261 = arith.cmpi eq, %add3A_115, %min3A_1204 : vector<16xi32>
    %jit3A_1262 = arith.constant 0xFF800000 : f32
    %broadcast_in_dim3A_1263 = vector.broadcast %jit3A_1262 : f32 to vector<16xf32>
    %select_n3A_1264 = arith.select %eq3A_1261, %broadcast_in_dim3A_1263, %select_n3A_1034 : vector<16xi1>, vector<16xf32>
    %eq3A_1265 = arith.cmpi eq, %add3A_120, %min3A_1204 : vector<16xi32>
    %jit3A_1266 = arith.constant 0xFF800000 : f32
    %broadcast_in_dim3A_1267 = vector.broadcast %jit3A_1266 : f32 to vector<16xf32>
    %select_n3A_1268 = arith.select %eq3A_1265, %broadcast_in_dim3A_1267, %select_n3A_1038 : vector<16xi1>, vector<16xf32>
    %eq3A_1269 = arith.cmpi eq, %add3A_125, %min3A_1204 : vector<16xi32>
    %jit3A_1270 = arith.constant 0xFF800000 : f32
    %broadcast_in_dim3A_1271 = vector.broadcast %jit3A_1270 : f32 to vector<16xf32>
    %select_n3A_1272 = arith.select %eq3A_1269, %broadcast_in_dim3A_1271, %select_n3A_1042 : vector<16xi1>, vector<16xf32>
    %eq3A_1273 = arith.cmpi eq, %add3A_130, %min3A_1204 : vector<16xi32>
    %jit3A_1274 = arith.constant 0xFF800000 : f32
    %broadcast_in_dim3A_1275 = vector.broadcast %jit3A_1274 : f32 to vector<16xf32>
    %select_n3A_1276 = arith.select %eq3A_1273, %broadcast_in_dim3A_1275, %select_n3A_1046 : vector<16xi1>, vector<16xf32>
    %max3A_1277 = arith.maximumf %select_n3A_1216, %select_n3A_1220 : vector<16xf32>
    %max3A_1278 = arith.maximumf %max3A_1277, %select_n3A_1224 : vector<16xf32>
    %max3A_1279 = arith.maximumf %max3A_1278, %select_n3A_1228 : vector<16xf32>
    %max3A_1280 = arith.maximumf %max3A_1279, %select_n3A_1232 : vector<16xf32>
    %max3A_1281 = arith.maximumf %max3A_1280, %select_n3A_1236 : vector<16xf32>
    %max3A_1282 = arith.maximumf %max3A_1281, %select_n3A_1240 : vector<16xf32>
    %max3A_1283 = arith.maximumf %max3A_1282, %select_n3A_1244 : vector<16xf32>
    %max3A_1284 = arith.maximumf %max3A_1283, %select_n3A_1248 : vector<16xf32>
    %max3A_1285 = arith.maximumf %max3A_1284, %select_n3A_1252 : vector<16xf32>
    %max3A_1286 = arith.maximumf %max3A_1285, %select_n3A_1256 : vector<16xf32>
    %max3A_1287 = arith.maximumf %max3A_1286, %select_n3A_1260 : vector<16xf32>
    %max3A_1288 = arith.maximumf %max3A_1287, %select_n3A_1264 : vector<16xf32>
    %max3A_1289 = arith.maximumf %max3A_1288, %select_n3A_1268 : vector<16xf32>
    %max3A_1290 = arith.maximumf %max3A_1289, %select_n3A_1272 : vector<16xf32>
    %max3A_1291 = arith.maximumf %max3A_1290, %select_n3A_1276 : vector<16xf32>
    %iota3A_1292 = tpu.iota {dimensions = array<i32: 0>} : vector<16xi32>
    %xor3A_1293 = arith.constant 8 : i32
    %xor3A_1294 = vector.broadcast %xor3A_1293 : i32 to vector<16xi32>
    %xor3A_1295 = arith.xori %iota3A_1292, %xor3A_1294 : vector<16xi32>
    %reshape3A_1296 = vector.shape_cast %xor3A_1295 : vector<16xi32> to vector<16x1xi32>
    %gather3A_1297 = vector.shape_cast %reshape3A_1296 : vector<16x1xi32> to vector<16xi32>
    %gather3A_1298 = tpu.dynamic_gather %max3A_1291[%gather3A_1297] in [0] : vector<16xf32>, vector<16xi32> -> vector<16xf32>
    %max3A_1299 = arith.maximumf %max3A_1291, %gather3A_1298 : vector<16xf32>
    %iota3A_1300 = tpu.iota {dimensions = array<i32: 0>} : vector<16xi32>
    %xor3A_1301 = arith.constant 4 : i32
    %xor3A_1302 = vector.broadcast %xor3A_1301 : i32 to vector<16xi32>
    %xor3A_1303 = arith.xori %iota3A_1300, %xor3A_1302 : vector<16xi32>
    %reshape3A_1304 = vector.shape_cast %xor3A_1303 : vector<16xi32> to vector<16x1xi32>
    %gather3A_1305 = vector.shape_cast %reshape3A_1304 : vector<16x1xi32> to vector<16xi32>
    %gather3A_1306 = tpu.dynamic_gather %max3A_1299[%gather3A_1305] in [0] : vector<16xf32>, vector<16xi32> -> vector<16xf32>
    %max3A_1307 = arith.maximumf %max3A_1299, %gather3A_1306 : vector<16xf32>
    %iota3A_1308 = tpu.iota {dimensions = array<i32: 0>} : vector<16xi32>
    %xor3A_1309 = arith.constant 2 : i32
    %xor3A_1310 = vector.broadcast %xor3A_1309 : i32 to vector<16xi32>
    %xor3A_1311 = arith.xori %iota3A_1308, %xor3A_1310 : vector<16xi32>
    %reshape3A_1312 = vector.shape_cast %xor3A_1311 : vector<16xi32> to vector<16x1xi32>
    %gather3A_1313 = vector.shape_cast %reshape3A_1312 : vector<16x1xi32> to vector<16xi32>
    %gather3A_1314 = tpu.dynamic_gather %max3A_1307[%gather3A_1313] in [0] : vector<16xf32>, vector<16xi32> -> vector<16xf32>
    %max3A_1315 = arith.maximumf %max3A_1307, %gather3A_1314 : vector<16xf32>
    %iota3A_1316 = tpu.iota {dimensions = array<i32: 0>} : vector<16xi32>
    %xor3A_1317 = arith.constant 1 : i32
    %xor3A_1318 = vector.broadcast %xor3A_1317 : i32 to vector<16xi32>
    %xor3A_1319 = arith.xori %iota3A_1316, %xor3A_1318 : vector<16xi32>
    %reshape3A_1320 = vector.shape_cast %xor3A_1319 : vector<16xi32> to vector<16x1xi32>
    %gather3A_1321 = vector.shape_cast %reshape3A_1320 : vector<16x1xi32> to vector<16xi32>
    %gather3A_1322 = tpu.dynamic_gather %max3A_1315[%gather3A_1321] in [0] : vector<16xf32>, vector<16xi32> -> vector<16xf32>
    %max3A_1323 = arith.maximumf %max3A_1315, %gather3A_1322 : vector<16xf32>
    %eq3A_1324 = arith.cmpf oeq, %select_n3A_1216, %max3A_1323 : vector<16xf32>
    %jit3A_1325 = arith.constant 4096 : i32
    %broadcast_in_dim3A_1326 = vector.broadcast %jit3A_1325 : i32 to vector<16xi32>
    %select_n3A_1327 = arith.select %eq3A_1324, %add3A_55, %broadcast_in_dim3A_1326 : vector<16xi1>, vector<16xi32>
    %eq3A_1328 = arith.cmpf oeq, %select_n3A_1220, %max3A_1323 : vector<16xf32>
    %jit3A_1329 = arith.constant 4096 : i32
    %broadcast_in_dim3A_1330 = vector.broadcast %jit3A_1329 : i32 to vector<16xi32>
    %select_n3A_1331 = arith.select %eq3A_1328, %add3A_60, %broadcast_in_dim3A_1330 : vector<16xi1>, vector<16xi32>
    %min3A_1332 = arith.minsi %select_n3A_1327, %select_n3A_1331 : vector<16xi32>
    %eq3A_1333 = arith.cmpf oeq, %select_n3A_1224, %max3A_1323 : vector<16xf32>
    %jit3A_1334 = arith.constant 4096 : i32
    %broadcast_in_dim3A_1335 = vector.broadcast %jit3A_1334 : i32 to vector<16xi32>
    %select_n3A_1336 = arith.select %eq3A_1333, %add3A_65, %broadcast_in_dim3A_1335 : vector<16xi1>, vector<16xi32>
    %min3A_1337 = arith.minsi %min3A_1332, %select_n3A_1336 : vector<16xi32>
    %eq3A_1338 = arith.cmpf oeq, %select_n3A_1228, %max3A_1323 : vector<16xf32>
    %jit3A_1339 = arith.constant 4096 : i32
    %broadcast_in_dim3A_1340 = vector.broadcast %jit3A_1339 : i32 to vector<16xi32>
    %select_n3A_1341 = arith.select %eq3A_1338, %add3A_70, %broadcast_in_dim3A_1340 : vector<16xi1>, vector<16xi32>
    %min3A_1342 = arith.minsi %min3A_1337, %select_n3A_1341 : vector<16xi32>
    %eq3A_1343 = arith.cmpf oeq, %select_n3A_1232, %max3A_1323 : vector<16xf32>
    %jit3A_1344 = arith.constant 4096 : i32
    %broadcast_in_dim3A_1345 = vector.broadcast %jit3A_1344 : i32 to vector<16xi32>
    %select_n3A_1346 = arith.select %eq3A_1343, %add3A_75, %broadcast_in_dim3A_1345 : vector<16xi1>, vector<16xi32>
    %min3A_1347 = arith.minsi %min3A_1342, %select_n3A_1346 : vector<16xi32>
    %eq3A_1348 = arith.cmpf oeq, %select_n3A_1236, %max3A_1323 : vector<16xf32>
    %jit3A_1349 = arith.constant 4096 : i32
    %broadcast_in_dim3A_1350 = vector.broadcast %jit3A_1349 : i32 to vector<16xi32>
    %select_n3A_1351 = arith.select %eq3A_1348, %add3A_80, %broadcast_in_dim3A_1350 : vector<16xi1>, vector<16xi32>
    %min3A_1352 = arith.minsi %min3A_1347, %select_n3A_1351 : vector<16xi32>
    %eq3A_1353 = arith.cmpf oeq, %select_n3A_1240, %max3A_1323 : vector<16xf32>
    %jit3A_1354 = arith.constant 4096 : i32
    %broadcast_in_dim3A_1355 = vector.broadcast %jit3A_1354 : i32 to vector<16xi32>
    %select_n3A_1356 = arith.select %eq3A_1353, %add3A_85, %broadcast_in_dim3A_1355 : vector<16xi1>, vector<16xi32>
    %min3A_1357 = arith.minsi %min3A_1352, %select_n3A_1356 : vector<16xi32>
    %eq3A_1358 = arith.cmpf oeq, %select_n3A_1244, %max3A_1323 : vector<16xf32>
    %jit3A_1359 = arith.constant 4096 : i32
    %broadcast_in_dim3A_1360 = vector.broadcast %jit3A_1359 : i32 to vector<16xi32>
    %select_n3A_1361 = arith.select %eq3A_1358, %add3A_90, %broadcast_in_dim3A_1360 : vector<16xi1>, vector<16xi32>
    %min3A_1362 = arith.minsi %min3A_1357, %select_n3A_1361 : vector<16xi32>
    %eq3A_1363 = arith.cmpf oeq, %select_n3A_1248, %max3A_1323 : vector<16xf32>
    %jit3A_1364 = arith.constant 4096 : i32
    %broadcast_in_dim3A_1365 = vector.broadcast %jit3A_1364 : i32 to vector<16xi32>
    %select_n3A_1366 = arith.select %eq3A_1363, %add3A_95, %broadcast_in_dim3A_1365 : vector<16xi1>, vector<16xi32>
    %min3A_1367 = arith.minsi %min3A_1362, %select_n3A_1366 : vector<16xi32>
    %eq3A_1368 = arith.cmpf oeq, %select_n3A_1252, %max3A_1323 : vector<16xf32>
    %jit3A_1369 = arith.constant 4096 : i32
    %broadcast_in_dim3A_1370 = vector.broadcast %jit3A_1369 : i32 to vector<16xi32>
    %select_n3A_1371 = arith.select %eq3A_1368, %add3A_100, %broadcast_in_dim3A_1370 : vector<16xi1>, vector<16xi32>
    %min3A_1372 = arith.minsi %min3A_1367, %select_n3A_1371 : vector<16xi32>
    %eq3A_1373 = arith.cmpf oeq, %select_n3A_1256, %max3A_1323 : vector<16xf32>
    %jit3A_1374 = arith.constant 4096 : i32
    %broadcast_in_dim3A_1375 = vector.broadcast %jit3A_1374 : i32 to vector<16xi32>
    %select_n3A_1376 = arith.select %eq3A_1373, %add3A_105, %broadcast_in_dim3A_1375 : vector<16xi1>, vector<16xi32>
    %min3A_1377 = arith.minsi %min3A_1372, %select_n3A_1376 : vector<16xi32>
    %eq3A_1378 = arith.cmpf oeq, %select_n3A_1260, %max3A_1323 : vector<16xf32>
    %jit3A_1379 = arith.constant 4096 : i32
    %broadcast_in_dim3A_1380 = vector.broadcast %jit3A_1379 : i32 to vector<16xi32>
    %select_n3A_1381 = arith.select %eq3A_1378, %add3A_110, %broadcast_in_dim3A_1380 : vector<16xi1>, vector<16xi32>
    %min3A_1382 = arith.minsi %min3A_1377, %select_n3A_1381 : vector<16xi32>
    %eq3A_1383 = arith.cmpf oeq, %select_n3A_1264, %max3A_1323 : vector<16xf32>
    %jit3A_1384 = arith.constant 4096 : i32
    %broadcast_in_dim3A_1385 = vector.broadcast %jit3A_1384 : i32 to vector<16xi32>
    %select_n3A_1386 = arith.select %eq3A_1383, %add3A_115, %broadcast_in_dim3A_1385 : vector<16xi1>, vector<16xi32>
    %min3A_1387 = arith.minsi %min3A_1382, %select_n3A_1386 : vector<16xi32>
    %eq3A_1388 = arith.cmpf oeq, %select_n3A_1268, %max3A_1323 : vector<16xf32>
    %jit3A_1389 = arith.constant 4096 : i32
    %broadcast_in_dim3A_1390 = vector.broadcast %jit3A_1389 : i32 to vector<16xi32>
    %select_n3A_1391 = arith.select %eq3A_1388, %add3A_120, %broadcast_in_dim3A_1390 : vector<16xi1>, vector<16xi32>
    %min3A_1392 = arith.minsi %min3A_1387, %select_n3A_1391 : vector<16xi32>
    %eq3A_1393 = arith.cmpf oeq, %select_n3A_1272, %max3A_1323 : vector<16xf32>
    %jit3A_1394 = arith.constant 4096 : i32
    %broadcast_in_dim3A_1395 = vector.broadcast %jit3A_1394 : i32 to vector<16xi32>
    %select_n3A_1396 = arith.select %eq3A_1393, %add3A_125, %broadcast_in_dim3A_1395 : vector<16xi1>, vector<16xi32>
    %min3A_1397 = arith.minsi %min3A_1392, %select_n3A_1396 : vector<16xi32>
    %eq3A_1398 = arith.cmpf oeq, %select_n3A_1276, %max3A_1323 : vector<16xf32>
    %jit3A_1399 = arith.constant 4096 : i32
    %broadcast_in_dim3A_1400 = vector.broadcast %jit3A_1399 : i32 to vector<16xi32>
    %select_n3A_1401 = arith.select %eq3A_1398, %add3A_130, %broadcast_in_dim3A_1400 : vector<16xi1>, vector<16xi32>
    %min3A_1402 = arith.minsi %min3A_1397, %select_n3A_1401 : vector<16xi32>
    %iota3A_1403 = tpu.iota {dimensions = array<i32: 0>} : vector<16xi32>
    %xor3A_1404 = arith.constant 8 : i32
    %xor3A_1405 = vector.broadcast %xor3A_1404 : i32 to vector<16xi32>
    %xor3A_1406 = arith.xori %iota3A_1403, %xor3A_1405 : vector<16xi32>
    %reshape3A_1407 = vector.shape_cast %xor3A_1406 : vector<16xi32> to vector<16x1xi32>
    %gather3A_1408 = vector.shape_cast %reshape3A_1407 : vector<16x1xi32> to vector<16xi32>
    %gather3A_1409 = tpu.dynamic_gather %min3A_1402[%gather3A_1408] in [0] : vector<16xi32>, vector<16xi32> -> vector<16xi32>
    %min3A_1410 = arith.minsi %min3A_1402, %gather3A_1409 : vector<16xi32>
    %iota3A_1411 = tpu.iota {dimensions = array<i32: 0>} : vector<16xi32>
    %xor3A_1412 = arith.constant 4 : i32
    %xor3A_1413 = vector.broadcast %xor3A_1412 : i32 to vector<16xi32>
    %xor3A_1414 = arith.xori %iota3A_1411, %xor3A_1413 : vector<16xi32>
    %reshape3A_1415 = vector.shape_cast %xor3A_1414 : vector<16xi32> to vector<16x1xi32>
    %gather3A_1416 = vector.shape_cast %reshape3A_1415 : vector<16x1xi32> to vector<16xi32>
    %gather3A_1417 = tpu.dynamic_gather %min3A_1410[%gather3A_1416] in [0] : vector<16xi32>, vector<16xi32> -> vector<16xi32>
    %min3A_1418 = arith.minsi %min3A_1410, %gather3A_1417 : vector<16xi32>
    %iota3A_1419 = tpu.iota {dimensions = array<i32: 0>} : vector<16xi32>
    %xor3A_1420 = arith.constant 2 : i32
    %xor3A_1421 = vector.broadcast %xor3A_1420 : i32 to vector<16xi32>
    %xor3A_1422 = arith.xori %iota3A_1419, %xor3A_1421 : vector<16xi32>
    %reshape3A_1423 = vector.shape_cast %xor3A_1422 : vector<16xi32> to vector<16x1xi32>
    %gather3A_1424 = vector.shape_cast %reshape3A_1423 : vector<16x1xi32> to vector<16xi32>
    %gather3A_1425 = tpu.dynamic_gather %min3A_1418[%gather3A_1424] in [0] : vector<16xi32>, vector<16xi32> -> vector<16xi32>
    %min3A_1426 = arith.minsi %min3A_1418, %gather3A_1425 : vector<16xi32>
    %iota3A_1427 = tpu.iota {dimensions = array<i32: 0>} : vector<16xi32>
    %xor3A_1428 = arith.constant 1 : i32
    %xor3A_1429 = vector.broadcast %xor3A_1428 : i32 to vector<16xi32>
    %xor3A_1430 = arith.xori %iota3A_1427, %xor3A_1429 : vector<16xi32>
    %reshape3A_1431 = vector.shape_cast %xor3A_1430 : vector<16xi32> to vector<16x1xi32>
    %gather3A_1432 = vector.shape_cast %reshape3A_1431 : vector<16x1xi32> to vector<16xi32>
    %gather3A_1433 = tpu.dynamic_gather %min3A_1426[%gather3A_1432] in [0] : vector<16xi32>, vector<16xi32> -> vector<16xi32>
    %min3A_1434 = arith.minsi %min3A_1426, %gather3A_1433 : vector<16xi32>
    %eq3A_1435 = arith.constant 5 : i32
    %eq3A_1436 = vector.broadcast %eq3A_1435 : i32 to vector<16xi32>
    %eq3A_1437 = arith.cmpi eq, %iota3A_134, %eq3A_1436 : vector<16xi32>
    %select_n3A_1438 = arith.select %eq3A_1437, %max3A_1323, %select_n3A_1208 : vector<16xi1>, vector<16xf32>
    %eq3A_1439 = arith.constant 5 : i32
    %eq3A_1440 = vector.broadcast %eq3A_1439 : i32 to vector<16xi32>
    %eq3A_1441 = arith.cmpi eq, %iota3A_134, %eq3A_1440 : vector<16xi32>
    %select_n3A_1442 = arith.select %eq3A_1441, %min3A_1434, %select_n3A_1212 : vector<16xi1>, vector<16xi32>
    %eq3A_1443 = arith.cmpi eq, %add3A_55, %min3A_1434 : vector<16xi32>
    %jit3A_1444 = arith.constant 0xFF800000 : f32
    %broadcast_in_dim3A_1445 = vector.broadcast %jit3A_1444 : f32 to vector<16xf32>
    %select_n3A_1446 = arith.select %eq3A_1443, %broadcast_in_dim3A_1445, %select_n3A_1216 : vector<16xi1>, vector<16xf32>
    %eq3A_1447 = arith.cmpi eq, %add3A_60, %min3A_1434 : vector<16xi32>
    %jit3A_1448 = arith.constant 0xFF800000 : f32
    %broadcast_in_dim3A_1449 = vector.broadcast %jit3A_1448 : f32 to vector<16xf32>
    %select_n3A_1450 = arith.select %eq3A_1447, %broadcast_in_dim3A_1449, %select_n3A_1220 : vector<16xi1>, vector<16xf32>
    %eq3A_1451 = arith.cmpi eq, %add3A_65, %min3A_1434 : vector<16xi32>
    %jit3A_1452 = arith.constant 0xFF800000 : f32
    %broadcast_in_dim3A_1453 = vector.broadcast %jit3A_1452 : f32 to vector<16xf32>
    %select_n3A_1454 = arith.select %eq3A_1451, %broadcast_in_dim3A_1453, %select_n3A_1224 : vector<16xi1>, vector<16xf32>
    %eq3A_1455 = arith.cmpi eq, %add3A_70, %min3A_1434 : vector<16xi32>
    %jit3A_1456 = arith.constant 0xFF800000 : f32
    %broadcast_in_dim3A_1457 = vector.broadcast %jit3A_1456 : f32 to vector<16xf32>
    %select_n3A_1458 = arith.select %eq3A_1455, %broadcast_in_dim3A_1457, %select_n3A_1228 : vector<16xi1>, vector<16xf32>
    %eq3A_1459 = arith.cmpi eq, %add3A_75, %min3A_1434 : vector<16xi32>
    %jit3A_1460 = arith.constant 0xFF800000 : f32
    %broadcast_in_dim3A_1461 = vector.broadcast %jit3A_1460 : f32 to vector<16xf32>
    %select_n3A_1462 = arith.select %eq3A_1459, %broadcast_in_dim3A_1461, %select_n3A_1232 : vector<16xi1>, vector<16xf32>
    %eq3A_1463 = arith.cmpi eq, %add3A_80, %min3A_1434 : vector<16xi32>
    %jit3A_1464 = arith.constant 0xFF800000 : f32
    %broadcast_in_dim3A_1465 = vector.broadcast %jit3A_1464 : f32 to vector<16xf32>
    %select_n3A_1466 = arith.select %eq3A_1463, %broadcast_in_dim3A_1465, %select_n3A_1236 : vector<16xi1>, vector<16xf32>
    %eq3A_1467 = arith.cmpi eq, %add3A_85, %min3A_1434 : vector<16xi32>
    %jit3A_1468 = arith.constant 0xFF800000 : f32
    %broadcast_in_dim3A_1469 = vector.broadcast %jit3A_1468 : f32 to vector<16xf32>
    %select_n3A_1470 = arith.select %eq3A_1467, %broadcast_in_dim3A_1469, %select_n3A_1240 : vector<16xi1>, vector<16xf32>
    %eq3A_1471 = arith.cmpi eq, %add3A_90, %min3A_1434 : vector<16xi32>
    %jit3A_1472 = arith.constant 0xFF800000 : f32
    %broadcast_in_dim3A_1473 = vector.broadcast %jit3A_1472 : f32 to vector<16xf32>
    %select_n3A_1474 = arith.select %eq3A_1471, %broadcast_in_dim3A_1473, %select_n3A_1244 : vector<16xi1>, vector<16xf32>
    %eq3A_1475 = arith.cmpi eq, %add3A_95, %min3A_1434 : vector<16xi32>
    %jit3A_1476 = arith.constant 0xFF800000 : f32
    %broadcast_in_dim3A_1477 = vector.broadcast %jit3A_1476 : f32 to vector<16xf32>
    %select_n3A_1478 = arith.select %eq3A_1475, %broadcast_in_dim3A_1477, %select_n3A_1248 : vector<16xi1>, vector<16xf32>
    %eq3A_1479 = arith.cmpi eq, %add3A_100, %min3A_1434 : vector<16xi32>
    %jit3A_1480 = arith.constant 0xFF800000 : f32
    %broadcast_in_dim3A_1481 = vector.broadcast %jit3A_1480 : f32 to vector<16xf32>
    %select_n3A_1482 = arith.select %eq3A_1479, %broadcast_in_dim3A_1481, %select_n3A_1252 : vector<16xi1>, vector<16xf32>
    %eq3A_1483 = arith.cmpi eq, %add3A_105, %min3A_1434 : vector<16xi32>
    %jit3A_1484 = arith.constant 0xFF800000 : f32
    %broadcast_in_dim3A_1485 = vector.broadcast %jit3A_1484 : f32 to vector<16xf32>
    %select_n3A_1486 = arith.select %eq3A_1483, %broadcast_in_dim3A_1485, %select_n3A_1256 : vector<16xi1>, vector<16xf32>
    %eq3A_1487 = arith.cmpi eq, %add3A_110, %min3A_1434 : vector<16xi32>
    %jit3A_1488 = arith.constant 0xFF800000 : f32
    %broadcast_in_dim3A_1489 = vector.broadcast %jit3A_1488 : f32 to vector<16xf32>
    %select_n3A_1490 = arith.select %eq3A_1487, %broadcast_in_dim3A_1489, %select_n3A_1260 : vector<16xi1>, vector<16xf32>
    %eq3A_1491 = arith.cmpi eq, %add3A_115, %min3A_1434 : vector<16xi32>
    %jit3A_1492 = arith.constant 0xFF800000 : f32
    %broadcast_in_dim3A_1493 = vector.broadcast %jit3A_1492 : f32 to vector<16xf32>
    %select_n3A_1494 = arith.select %eq3A_1491, %broadcast_in_dim3A_1493, %select_n3A_1264 : vector<16xi1>, vector<16xf32>
    %eq3A_1495 = arith.cmpi eq, %add3A_120, %min3A_1434 : vector<16xi32>
    %jit3A_1496 = arith.constant 0xFF800000 : f32
    %broadcast_in_dim3A_1497 = vector.broadcast %jit3A_1496 : f32 to vector<16xf32>
    %select_n3A_1498 = arith.select %eq3A_1495, %broadcast_in_dim3A_1497, %select_n3A_1268 : vector<16xi1>, vector<16xf32>
    %eq3A_1499 = arith.cmpi eq, %add3A_125, %min3A_1434 : vector<16xi32>
    %jit3A_1500 = arith.constant 0xFF800000 : f32
    %broadcast_in_dim3A_1501 = vector.broadcast %jit3A_1500 : f32 to vector<16xf32>
    %select_n3A_1502 = arith.select %eq3A_1499, %broadcast_in_dim3A_1501, %select_n3A_1272 : vector<16xi1>, vector<16xf32>
    %eq3A_1503 = arith.cmpi eq, %add3A_130, %min3A_1434 : vector<16xi32>
    %jit3A_1504 = arith.constant 0xFF800000 : f32
    %broadcast_in_dim3A_1505 = vector.broadcast %jit3A_1504 : f32 to vector<16xf32>
    %select_n3A_1506 = arith.select %eq3A_1503, %broadcast_in_dim3A_1505, %select_n3A_1276 : vector<16xi1>, vector<16xf32>
    %max3A_1507 = arith.maximumf %select_n3A_1446, %select_n3A_1450 : vector<16xf32>
    %max3A_1508 = arith.maximumf %max3A_1507, %select_n3A_1454 : vector<16xf32>
    %max3A_1509 = arith.maximumf %max3A_1508, %select_n3A_1458 : vector<16xf32>
    %max3A_1510 = arith.maximumf %max3A_1509, %select_n3A_1462 : vector<16xf32>
    %max3A_1511 = arith.maximumf %max3A_1510, %select_n3A_1466 : vector<16xf32>
    %max3A_1512 = arith.maximumf %max3A_1511, %select_n3A_1470 : vector<16xf32>
    %max3A_1513 = arith.maximumf %max3A_1512, %select_n3A_1474 : vector<16xf32>
    %max3A_1514 = arith.maximumf %max3A_1513, %select_n3A_1478 : vector<16xf32>
    %max3A_1515 = arith.maximumf %max3A_1514, %select_n3A_1482 : vector<16xf32>
    %max3A_1516 = arith.maximumf %max3A_1515, %select_n3A_1486 : vector<16xf32>
    %max3A_1517 = arith.maximumf %max3A_1516, %select_n3A_1490 : vector<16xf32>
    %max3A_1518 = arith.maximumf %max3A_1517, %select_n3A_1494 : vector<16xf32>
    %max3A_1519 = arith.maximumf %max3A_1518, %select_n3A_1498 : vector<16xf32>
    %max3A_1520 = arith.maximumf %max3A_1519, %select_n3A_1502 : vector<16xf32>
    %max3A_1521 = arith.maximumf %max3A_1520, %select_n3A_1506 : vector<16xf32>
    %iota3A_1522 = tpu.iota {dimensions = array<i32: 0>} : vector<16xi32>
    %xor3A_1523 = arith.constant 8 : i32
    %xor3A_1524 = vector.broadcast %xor3A_1523 : i32 to vector<16xi32>
    %xor3A_1525 = arith.xori %iota3A_1522, %xor3A_1524 : vector<16xi32>
    %reshape3A_1526 = vector.shape_cast %xor3A_1525 : vector<16xi32> to vector<16x1xi32>
    %gather3A_1527 = vector.shape_cast %reshape3A_1526 : vector<16x1xi32> to vector<16xi32>
    %gather3A_1528 = tpu.dynamic_gather %max3A_1521[%gather3A_1527] in [0] : vector<16xf32>, vector<16xi32> -> vector<16xf32>
    %max3A_1529 = arith.maximumf %max3A_1521, %gather3A_1528 : vector<16xf32>
    %iota3A_1530 = tpu.iota {dimensions = array<i32: 0>} : vector<16xi32>
    %xor3A_1531 = arith.constant 4 : i32
    %xor3A_1532 = vector.broadcast %xor3A_1531 : i32 to vector<16xi32>
    %xor3A_1533 = arith.xori %iota3A_1530, %xor3A_1532 : vector<16xi32>
    %reshape3A_1534 = vector.shape_cast %xor3A_1533 : vector<16xi32> to vector<16x1xi32>
    %gather3A_1535 = vector.shape_cast %reshape3A_1534 : vector<16x1xi32> to vector<16xi32>
    %gather3A_1536 = tpu.dynamic_gather %max3A_1529[%gather3A_1535] in [0] : vector<16xf32>, vector<16xi32> -> vector<16xf32>
    %max3A_1537 = arith.maximumf %max3A_1529, %gather3A_1536 : vector<16xf32>
    %iota3A_1538 = tpu.iota {dimensions = array<i32: 0>} : vector<16xi32>
    %xor3A_1539 = arith.constant 2 : i32
    %xor3A_1540 = vector.broadcast %xor3A_1539 : i32 to vector<16xi32>
    %xor3A_1541 = arith.xori %iota3A_1538, %xor3A_1540 : vector<16xi32>
    %reshape3A_1542 = vector.shape_cast %xor3A_1541 : vector<16xi32> to vector<16x1xi32>
    %gather3A_1543 = vector.shape_cast %reshape3A_1542 : vector<16x1xi32> to vector<16xi32>
    %gather3A_1544 = tpu.dynamic_gather %max3A_1537[%gather3A_1543] in [0] : vector<16xf32>, vector<16xi32> -> vector<16xf32>
    %max3A_1545 = arith.maximumf %max3A_1537, %gather3A_1544 : vector<16xf32>
    %iota3A_1546 = tpu.iota {dimensions = array<i32: 0>} : vector<16xi32>
    %xor3A_1547 = arith.constant 1 : i32
    %xor3A_1548 = vector.broadcast %xor3A_1547 : i32 to vector<16xi32>
    %xor3A_1549 = arith.xori %iota3A_1546, %xor3A_1548 : vector<16xi32>
    %reshape3A_1550 = vector.shape_cast %xor3A_1549 : vector<16xi32> to vector<16x1xi32>
    %gather3A_1551 = vector.shape_cast %reshape3A_1550 : vector<16x1xi32> to vector<16xi32>
    %gather3A_1552 = tpu.dynamic_gather %max3A_1545[%gather3A_1551] in [0] : vector<16xf32>, vector<16xi32> -> vector<16xf32>
    %max3A_1553 = arith.maximumf %max3A_1545, %gather3A_1552 : vector<16xf32>
    %eq3A_1554 = arith.cmpf oeq, %select_n3A_1446, %max3A_1553 : vector<16xf32>
    %jit3A_1555 = arith.constant 4096 : i32
    %broadcast_in_dim3A_1556 = vector.broadcast %jit3A_1555 : i32 to vector<16xi32>
    %select_n3A_1557 = arith.select %eq3A_1554, %add3A_55, %broadcast_in_dim3A_1556 : vector<16xi1>, vector<16xi32>
    %eq3A_1558 = arith.cmpf oeq, %select_n3A_1450, %max3A_1553 : vector<16xf32>
    %jit3A_1559 = arith.constant 4096 : i32
    %broadcast_in_dim3A_1560 = vector.broadcast %jit3A_1559 : i32 to vector<16xi32>
    %select_n3A_1561 = arith.select %eq3A_1558, %add3A_60, %broadcast_in_dim3A_1560 : vector<16xi1>, vector<16xi32>
    %min3A_1562 = arith.minsi %select_n3A_1557, %select_n3A_1561 : vector<16xi32>
    %eq3A_1563 = arith.cmpf oeq, %select_n3A_1454, %max3A_1553 : vector<16xf32>
    %jit3A_1564 = arith.constant 4096 : i32
    %broadcast_in_dim3A_1565 = vector.broadcast %jit3A_1564 : i32 to vector<16xi32>
    %select_n3A_1566 = arith.select %eq3A_1563, %add3A_65, %broadcast_in_dim3A_1565 : vector<16xi1>, vector<16xi32>
    %min3A_1567 = arith.minsi %min3A_1562, %select_n3A_1566 : vector<16xi32>
    %eq3A_1568 = arith.cmpf oeq, %select_n3A_1458, %max3A_1553 : vector<16xf32>
    %jit3A_1569 = arith.constant 4096 : i32
    %broadcast_in_dim3A_1570 = vector.broadcast %jit3A_1569 : i32 to vector<16xi32>
    %select_n3A_1571 = arith.select %eq3A_1568, %add3A_70, %broadcast_in_dim3A_1570 : vector<16xi1>, vector<16xi32>
    %min3A_1572 = arith.minsi %min3A_1567, %select_n3A_1571 : vector<16xi32>
    %eq3A_1573 = arith.cmpf oeq, %select_n3A_1462, %max3A_1553 : vector<16xf32>
    %jit3A_1574 = arith.constant 4096 : i32
    %broadcast_in_dim3A_1575 = vector.broadcast %jit3A_1574 : i32 to vector<16xi32>
    %select_n3A_1576 = arith.select %eq3A_1573, %add3A_75, %broadcast_in_dim3A_1575 : vector<16xi1>, vector<16xi32>
    %min3A_1577 = arith.minsi %min3A_1572, %select_n3A_1576 : vector<16xi32>
    %eq3A_1578 = arith.cmpf oeq, %select_n3A_1466, %max3A_1553 : vector<16xf32>
    %jit3A_1579 = arith.constant 4096 : i32
    %broadcast_in_dim3A_1580 = vector.broadcast %jit3A_1579 : i32 to vector<16xi32>
    %select_n3A_1581 = arith.select %eq3A_1578, %add3A_80, %broadcast_in_dim3A_1580 : vector<16xi1>, vector<16xi32>
    %min3A_1582 = arith.minsi %min3A_1577, %select_n3A_1581 : vector<16xi32>
    %eq3A_1583 = arith.cmpf oeq, %select_n3A_1470, %max3A_1553 : vector<16xf32>
    %jit3A_1584 = arith.constant 4096 : i32
    %broadcast_in_dim3A_1585 = vector.broadcast %jit3A_1584 : i32 to vector<16xi32>
    %select_n3A_1586 = arith.select %eq3A_1583, %add3A_85, %broadcast_in_dim3A_1585 : vector<16xi1>, vector<16xi32>
    %min3A_1587 = arith.minsi %min3A_1582, %select_n3A_1586 : vector<16xi32>
    %eq3A_1588 = arith.cmpf oeq, %select_n3A_1474, %max3A_1553 : vector<16xf32>
    %jit3A_1589 = arith.constant 4096 : i32
    %broadcast_in_dim3A_1590 = vector.broadcast %jit3A_1589 : i32 to vector<16xi32>
    %select_n3A_1591 = arith.select %eq3A_1588, %add3A_90, %broadcast_in_dim3A_1590 : vector<16xi1>, vector<16xi32>
    %min3A_1592 = arith.minsi %min3A_1587, %select_n3A_1591 : vector<16xi32>
    %eq3A_1593 = arith.cmpf oeq, %select_n3A_1478, %max3A_1553 : vector<16xf32>
    %jit3A_1594 = arith.constant 4096 : i32
    %broadcast_in_dim3A_1595 = vector.broadcast %jit3A_1594 : i32 to vector<16xi32>
    %select_n3A_1596 = arith.select %eq3A_1593, %add3A_95, %broadcast_in_dim3A_1595 : vector<16xi1>, vector<16xi32>
    %min3A_1597 = arith.minsi %min3A_1592, %select_n3A_1596 : vector<16xi32>
    %eq3A_1598 = arith.cmpf oeq, %select_n3A_1482, %max3A_1553 : vector<16xf32>
    %jit3A_1599 = arith.constant 4096 : i32
    %broadcast_in_dim3A_1600 = vector.broadcast %jit3A_1599 : i32 to vector<16xi32>
    %select_n3A_1601 = arith.select %eq3A_1598, %add3A_100, %broadcast_in_dim3A_1600 : vector<16xi1>, vector<16xi32>
    %min3A_1602 = arith.minsi %min3A_1597, %select_n3A_1601 : vector<16xi32>
    %eq3A_1603 = arith.cmpf oeq, %select_n3A_1486, %max3A_1553 : vector<16xf32>
    %jit3A_1604 = arith.constant 4096 : i32
    %broadcast_in_dim3A_1605 = vector.broadcast %jit3A_1604 : i32 to vector<16xi32>
    %select_n3A_1606 = arith.select %eq3A_1603, %add3A_105, %broadcast_in_dim3A_1605 : vector<16xi1>, vector<16xi32>
    %min3A_1607 = arith.minsi %min3A_1602, %select_n3A_1606 : vector<16xi32>
    %eq3A_1608 = arith.cmpf oeq, %select_n3A_1490, %max3A_1553 : vector<16xf32>
    %jit3A_1609 = arith.constant 4096 : i32
    %broadcast_in_dim3A_1610 = vector.broadcast %jit3A_1609 : i32 to vector<16xi32>
    %select_n3A_1611 = arith.select %eq3A_1608, %add3A_110, %broadcast_in_dim3A_1610 : vector<16xi1>, vector<16xi32>
    %min3A_1612 = arith.minsi %min3A_1607, %select_n3A_1611 : vector<16xi32>
    %eq3A_1613 = arith.cmpf oeq, %select_n3A_1494, %max3A_1553 : vector<16xf32>
    %jit3A_1614 = arith.constant 4096 : i32
    %broadcast_in_dim3A_1615 = vector.broadcast %jit3A_1614 : i32 to vector<16xi32>
    %select_n3A_1616 = arith.select %eq3A_1613, %add3A_115, %broadcast_in_dim3A_1615 : vector<16xi1>, vector<16xi32>
    %min3A_1617 = arith.minsi %min3A_1612, %select_n3A_1616 : vector<16xi32>
    %eq3A_1618 = arith.cmpf oeq, %select_n3A_1498, %max3A_1553 : vector<16xf32>
    %jit3A_1619 = arith.constant 4096 : i32
    %broadcast_in_dim3A_1620 = vector.broadcast %jit3A_1619 : i32 to vector<16xi32>
    %select_n3A_1621 = arith.select %eq3A_1618, %add3A_120, %broadcast_in_dim3A_1620 : vector<16xi1>, vector<16xi32>
    %min3A_1622 = arith.minsi %min3A_1617, %select_n3A_1621 : vector<16xi32>
    %eq3A_1623 = arith.cmpf oeq, %select_n3A_1502, %max3A_1553 : vector<16xf32>
    %jit3A_1624 = arith.constant 4096 : i32
    %broadcast_in_dim3A_1625 = vector.broadcast %jit3A_1624 : i32 to vector<16xi32>
    %select_n3A_1626 = arith.select %eq3A_1623, %add3A_125, %broadcast_in_dim3A_1625 : vector<16xi1>, vector<16xi32>
    %min3A_1627 = arith.minsi %min3A_1622, %select_n3A_1626 : vector<16xi32>
    %eq3A_1628 = arith.cmpf oeq, %select_n3A_1506, %max3A_1553 : vector<16xf32>
    %jit3A_1629 = arith.constant 4096 : i32
    %broadcast_in_dim3A_1630 = vector.broadcast %jit3A_1629 : i32 to vector<16xi32>
    %select_n3A_1631 = arith.select %eq3A_1628, %add3A_130, %broadcast_in_dim3A_1630 : vector<16xi1>, vector<16xi32>
    %min3A_1632 = arith.minsi %min3A_1627, %select_n3A_1631 : vector<16xi32>
    %iota3A_1633 = tpu.iota {dimensions = array<i32: 0>} : vector<16xi32>
    %xor3A_1634 = arith.constant 8 : i32
    %xor3A_1635 = vector.broadcast %xor3A_1634 : i32 to vector<16xi32>
    %xor3A_1636 = arith.xori %iota3A_1633, %xor3A_1635 : vector<16xi32>
    %reshape3A_1637 = vector.shape_cast %xor3A_1636 : vector<16xi32> to vector<16x1xi32>
    %gather3A_1638 = vector.shape_cast %reshape3A_1637 : vector<16x1xi32> to vector<16xi32>
    %gather3A_1639 = tpu.dynamic_gather %min3A_1632[%gather3A_1638] in [0] : vector<16xi32>, vector<16xi32> -> vector<16xi32>
    %min3A_1640 = arith.minsi %min3A_1632, %gather3A_1639 : vector<16xi32>
    %iota3A_1641 = tpu.iota {dimensions = array<i32: 0>} : vector<16xi32>
    %xor3A_1642 = arith.constant 4 : i32
    %xor3A_1643 = vector.broadcast %xor3A_1642 : i32 to vector<16xi32>
    %xor3A_1644 = arith.xori %iota3A_1641, %xor3A_1643 : vector<16xi32>
    %reshape3A_1645 = vector.shape_cast %xor3A_1644 : vector<16xi32> to vector<16x1xi32>
    %gather3A_1646 = vector.shape_cast %reshape3A_1645 : vector<16x1xi32> to vector<16xi32>
    %gather3A_1647 = tpu.dynamic_gather %min3A_1640[%gather3A_1646] in [0] : vector<16xi32>, vector<16xi32> -> vector<16xi32>
    %min3A_1648 = arith.minsi %min3A_1640, %gather3A_1647 : vector<16xi32>
    %iota3A_1649 = tpu.iota {dimensions = array<i32: 0>} : vector<16xi32>
    %xor3A_1650 = arith.constant 2 : i32
    %xor3A_1651 = vector.broadcast %xor3A_1650 : i32 to vector<16xi32>
    %xor3A_1652 = arith.xori %iota3A_1649, %xor3A_1651 : vector<16xi32>
    %reshape3A_1653 = vector.shape_cast %xor3A_1652 : vector<16xi32> to vector<16x1xi32>
    %gather3A_1654 = vector.shape_cast %reshape3A_1653 : vector<16x1xi32> to vector<16xi32>
    %gather3A_1655 = tpu.dynamic_gather %min3A_1648[%gather3A_1654] in [0] : vector<16xi32>, vector<16xi32> -> vector<16xi32>
    %min3A_1656 = arith.minsi %min3A_1648, %gather3A_1655 : vector<16xi32>
    %iota3A_1657 = tpu.iota {dimensions = array<i32: 0>} : vector<16xi32>
    %xor3A_1658 = arith.constant 1 : i32
    %xor3A_1659 = vector.broadcast %xor3A_1658 : i32 to vector<16xi32>
    %xor3A_1660 = arith.xori %iota3A_1657, %xor3A_1659 : vector<16xi32>
    %reshape3A_1661 = vector.shape_cast %xor3A_1660 : vector<16xi32> to vector<16x1xi32>
    %gather3A_1662 = vector.shape_cast %reshape3A_1661 : vector<16x1xi32> to vector<16xi32>
    %gather3A_1663 = tpu.dynamic_gather %min3A_1656[%gather3A_1662] in [0] : vector<16xi32>, vector<16xi32> -> vector<16xi32>
    %min3A_1664 = arith.minsi %min3A_1656, %gather3A_1663 : vector<16xi32>
    %eq3A_1665 = arith.constant 6 : i32
    %eq3A_1666 = vector.broadcast %eq3A_1665 : i32 to vector<16xi32>
    %eq3A_1667 = arith.cmpi eq, %iota3A_134, %eq3A_1666 : vector<16xi32>
    %select_n3A_1668 = arith.select %eq3A_1667, %max3A_1553, %select_n3A_1438 : vector<16xi1>, vector<16xf32>
    %eq3A_1669 = arith.constant 6 : i32
    %eq3A_1670 = vector.broadcast %eq3A_1669 : i32 to vector<16xi32>
    %eq3A_1671 = arith.cmpi eq, %iota3A_134, %eq3A_1670 : vector<16xi32>
    %select_n3A_1672 = arith.select %eq3A_1671, %min3A_1664, %select_n3A_1442 : vector<16xi1>, vector<16xi32>
    %eq3A_1673 = arith.cmpi eq, %add3A_55, %min3A_1664 : vector<16xi32>
    %jit3A_1674 = arith.constant 0xFF800000 : f32
    %broadcast_in_dim3A_1675 = vector.broadcast %jit3A_1674 : f32 to vector<16xf32>
    %select_n3A_1676 = arith.select %eq3A_1673, %broadcast_in_dim3A_1675, %select_n3A_1446 : vector<16xi1>, vector<16xf32>
    %eq3A_1677 = arith.cmpi eq, %add3A_60, %min3A_1664 : vector<16xi32>
    %jit3A_1678 = arith.constant 0xFF800000 : f32
    %broadcast_in_dim3A_1679 = vector.broadcast %jit3A_1678 : f32 to vector<16xf32>
    %select_n3A_1680 = arith.select %eq3A_1677, %broadcast_in_dim3A_1679, %select_n3A_1450 : vector<16xi1>, vector<16xf32>
    %eq3A_1681 = arith.cmpi eq, %add3A_65, %min3A_1664 : vector<16xi32>
    %jit3A_1682 = arith.constant 0xFF800000 : f32
    %broadcast_in_dim3A_1683 = vector.broadcast %jit3A_1682 : f32 to vector<16xf32>
    %select_n3A_1684 = arith.select %eq3A_1681, %broadcast_in_dim3A_1683, %select_n3A_1454 : vector<16xi1>, vector<16xf32>
    %eq3A_1685 = arith.cmpi eq, %add3A_70, %min3A_1664 : vector<16xi32>
    %jit3A_1686 = arith.constant 0xFF800000 : f32
    %broadcast_in_dim3A_1687 = vector.broadcast %jit3A_1686 : f32 to vector<16xf32>
    %select_n3A_1688 = arith.select %eq3A_1685, %broadcast_in_dim3A_1687, %select_n3A_1458 : vector<16xi1>, vector<16xf32>
    %eq3A_1689 = arith.cmpi eq, %add3A_75, %min3A_1664 : vector<16xi32>
    %jit3A_1690 = arith.constant 0xFF800000 : f32
    %broadcast_in_dim3A_1691 = vector.broadcast %jit3A_1690 : f32 to vector<16xf32>
    %select_n3A_1692 = arith.select %eq3A_1689, %broadcast_in_dim3A_1691, %select_n3A_1462 : vector<16xi1>, vector<16xf32>
    %eq3A_1693 = arith.cmpi eq, %add3A_80, %min3A_1664 : vector<16xi32>
    %jit3A_1694 = arith.constant 0xFF800000 : f32
    %broadcast_in_dim3A_1695 = vector.broadcast %jit3A_1694 : f32 to vector<16xf32>
    %select_n3A_1696 = arith.select %eq3A_1693, %broadcast_in_dim3A_1695, %select_n3A_1466 : vector<16xi1>, vector<16xf32>
    %eq3A_1697 = arith.cmpi eq, %add3A_85, %min3A_1664 : vector<16xi32>
    %jit3A_1698 = arith.constant 0xFF800000 : f32
    %broadcast_in_dim3A_1699 = vector.broadcast %jit3A_1698 : f32 to vector<16xf32>
    %select_n3A_1700 = arith.select %eq3A_1697, %broadcast_in_dim3A_1699, %select_n3A_1470 : vector<16xi1>, vector<16xf32>
    %eq3A_1701 = arith.cmpi eq, %add3A_90, %min3A_1664 : vector<16xi32>
    %jit3A_1702 = arith.constant 0xFF800000 : f32
    %broadcast_in_dim3A_1703 = vector.broadcast %jit3A_1702 : f32 to vector<16xf32>
    %select_n3A_1704 = arith.select %eq3A_1701, %broadcast_in_dim3A_1703, %select_n3A_1474 : vector<16xi1>, vector<16xf32>
    %eq3A_1705 = arith.cmpi eq, %add3A_95, %min3A_1664 : vector<16xi32>
    %jit3A_1706 = arith.constant 0xFF800000 : f32
    %broadcast_in_dim3A_1707 = vector.broadcast %jit3A_1706 : f32 to vector<16xf32>
    %select_n3A_1708 = arith.select %eq3A_1705, %broadcast_in_dim3A_1707, %select_n3A_1478 : vector<16xi1>, vector<16xf32>
    %eq3A_1709 = arith.cmpi eq, %add3A_100, %min3A_1664 : vector<16xi32>
    %jit3A_1710 = arith.constant 0xFF800000 : f32
    %broadcast_in_dim3A_1711 = vector.broadcast %jit3A_1710 : f32 to vector<16xf32>
    %select_n3A_1712 = arith.select %eq3A_1709, %broadcast_in_dim3A_1711, %select_n3A_1482 : vector<16xi1>, vector<16xf32>
    %eq3A_1713 = arith.cmpi eq, %add3A_105, %min3A_1664 : vector<16xi32>
    %jit3A_1714 = arith.constant 0xFF800000 : f32
    %broadcast_in_dim3A_1715 = vector.broadcast %jit3A_1714 : f32 to vector<16xf32>
    %select_n3A_1716 = arith.select %eq3A_1713, %broadcast_in_dim3A_1715, %select_n3A_1486 : vector<16xi1>, vector<16xf32>
    %eq3A_1717 = arith.cmpi eq, %add3A_110, %min3A_1664 : vector<16xi32>
    %jit3A_1718 = arith.constant 0xFF800000 : f32
    %broadcast_in_dim3A_1719 = vector.broadcast %jit3A_1718 : f32 to vector<16xf32>
    %select_n3A_1720 = arith.select %eq3A_1717, %broadcast_in_dim3A_1719, %select_n3A_1490 : vector<16xi1>, vector<16xf32>
    %eq3A_1721 = arith.cmpi eq, %add3A_115, %min3A_1664 : vector<16xi32>
    %jit3A_1722 = arith.constant 0xFF800000 : f32
    %broadcast_in_dim3A_1723 = vector.broadcast %jit3A_1722 : f32 to vector<16xf32>
    %select_n3A_1724 = arith.select %eq3A_1721, %broadcast_in_dim3A_1723, %select_n3A_1494 : vector<16xi1>, vector<16xf32>
    %eq3A_1725 = arith.cmpi eq, %add3A_120, %min3A_1664 : vector<16xi32>
    %jit3A_1726 = arith.constant 0xFF800000 : f32
    %broadcast_in_dim3A_1727 = vector.broadcast %jit3A_1726 : f32 to vector<16xf32>
    %select_n3A_1728 = arith.select %eq3A_1725, %broadcast_in_dim3A_1727, %select_n3A_1498 : vector<16xi1>, vector<16xf32>
    %eq3A_1729 = arith.cmpi eq, %add3A_125, %min3A_1664 : vector<16xi32>
    %jit3A_1730 = arith.constant 0xFF800000 : f32
    %broadcast_in_dim3A_1731 = vector.broadcast %jit3A_1730 : f32 to vector<16xf32>
    %select_n3A_1732 = arith.select %eq3A_1729, %broadcast_in_dim3A_1731, %select_n3A_1502 : vector<16xi1>, vector<16xf32>
    %eq3A_1733 = arith.cmpi eq, %add3A_130, %min3A_1664 : vector<16xi32>
    %jit3A_1734 = arith.constant 0xFF800000 : f32
    %broadcast_in_dim3A_1735 = vector.broadcast %jit3A_1734 : f32 to vector<16xf32>
    %select_n3A_1736 = arith.select %eq3A_1733, %broadcast_in_dim3A_1735, %select_n3A_1506 : vector<16xi1>, vector<16xf32>
    %max3A_1737 = arith.maximumf %select_n3A_1676, %select_n3A_1680 : vector<16xf32>
    %max3A_1738 = arith.maximumf %max3A_1737, %select_n3A_1684 : vector<16xf32>
    %max3A_1739 = arith.maximumf %max3A_1738, %select_n3A_1688 : vector<16xf32>
    %max3A_1740 = arith.maximumf %max3A_1739, %select_n3A_1692 : vector<16xf32>
    %max3A_1741 = arith.maximumf %max3A_1740, %select_n3A_1696 : vector<16xf32>
    %max3A_1742 = arith.maximumf %max3A_1741, %select_n3A_1700 : vector<16xf32>
    %max3A_1743 = arith.maximumf %max3A_1742, %select_n3A_1704 : vector<16xf32>
    %max3A_1744 = arith.maximumf %max3A_1743, %select_n3A_1708 : vector<16xf32>
    %max3A_1745 = arith.maximumf %max3A_1744, %select_n3A_1712 : vector<16xf32>
    %max3A_1746 = arith.maximumf %max3A_1745, %select_n3A_1716 : vector<16xf32>
    %max3A_1747 = arith.maximumf %max3A_1746, %select_n3A_1720 : vector<16xf32>
    %max3A_1748 = arith.maximumf %max3A_1747, %select_n3A_1724 : vector<16xf32>
    %max3A_1749 = arith.maximumf %max3A_1748, %select_n3A_1728 : vector<16xf32>
    %max3A_1750 = arith.maximumf %max3A_1749, %select_n3A_1732 : vector<16xf32>
    %max3A_1751 = arith.maximumf %max3A_1750, %select_n3A_1736 : vector<16xf32>
    %iota3A_1752 = tpu.iota {dimensions = array<i32: 0>} : vector<16xi32>
    %xor3A_1753 = arith.constant 8 : i32
    %xor3A_1754 = vector.broadcast %xor3A_1753 : i32 to vector<16xi32>
    %xor3A_1755 = arith.xori %iota3A_1752, %xor3A_1754 : vector<16xi32>
    %reshape3A_1756 = vector.shape_cast %xor3A_1755 : vector<16xi32> to vector<16x1xi32>
    %gather3A_1757 = vector.shape_cast %reshape3A_1756 : vector<16x1xi32> to vector<16xi32>
    %gather3A_1758 = tpu.dynamic_gather %max3A_1751[%gather3A_1757] in [0] : vector<16xf32>, vector<16xi32> -> vector<16xf32>
    %max3A_1759 = arith.maximumf %max3A_1751, %gather3A_1758 : vector<16xf32>
    %iota3A_1760 = tpu.iota {dimensions = array<i32: 0>} : vector<16xi32>
    %xor3A_1761 = arith.constant 4 : i32
    %xor3A_1762 = vector.broadcast %xor3A_1761 : i32 to vector<16xi32>
    %xor3A_1763 = arith.xori %iota3A_1760, %xor3A_1762 : vector<16xi32>
    %reshape3A_1764 = vector.shape_cast %xor3A_1763 : vector<16xi32> to vector<16x1xi32>
    %gather3A_1765 = vector.shape_cast %reshape3A_1764 : vector<16x1xi32> to vector<16xi32>
    %gather3A_1766 = tpu.dynamic_gather %max3A_1759[%gather3A_1765] in [0] : vector<16xf32>, vector<16xi32> -> vector<16xf32>
    %max3A_1767 = arith.maximumf %max3A_1759, %gather3A_1766 : vector<16xf32>
    %iota3A_1768 = tpu.iota {dimensions = array<i32: 0>} : vector<16xi32>
    %xor3A_1769 = arith.constant 2 : i32
    %xor3A_1770 = vector.broadcast %xor3A_1769 : i32 to vector<16xi32>
    %xor3A_1771 = arith.xori %iota3A_1768, %xor3A_1770 : vector<16xi32>
    %reshape3A_1772 = vector.shape_cast %xor3A_1771 : vector<16xi32> to vector<16x1xi32>
    %gather3A_1773 = vector.shape_cast %reshape3A_1772 : vector<16x1xi32> to vector<16xi32>
    %gather3A_1774 = tpu.dynamic_gather %max3A_1767[%gather3A_1773] in [0] : vector<16xf32>, vector<16xi32> -> vector<16xf32>
    %max3A_1775 = arith.maximumf %max3A_1767, %gather3A_1774 : vector<16xf32>
    %iota3A_1776 = tpu.iota {dimensions = array<i32: 0>} : vector<16xi32>
    %xor3A_1777 = arith.constant 1 : i32
    %xor3A_1778 = vector.broadcast %xor3A_1777 : i32 to vector<16xi32>
    %xor3A_1779 = arith.xori %iota3A_1776, %xor3A_1778 : vector<16xi32>
    %reshape3A_1780 = vector.shape_cast %xor3A_1779 : vector<16xi32> to vector<16x1xi32>
    %gather3A_1781 = vector.shape_cast %reshape3A_1780 : vector<16x1xi32> to vector<16xi32>
    %gather3A_1782 = tpu.dynamic_gather %max3A_1775[%gather3A_1781] in [0] : vector<16xf32>, vector<16xi32> -> vector<16xf32>
    %max3A_1783 = arith.maximumf %max3A_1775, %gather3A_1782 : vector<16xf32>
    %eq3A_1784 = arith.cmpf oeq, %select_n3A_1676, %max3A_1783 : vector<16xf32>
    %jit3A_1785 = arith.constant 4096 : i32
    %broadcast_in_dim3A_1786 = vector.broadcast %jit3A_1785 : i32 to vector<16xi32>
    %select_n3A_1787 = arith.select %eq3A_1784, %add3A_55, %broadcast_in_dim3A_1786 : vector<16xi1>, vector<16xi32>
    %eq3A_1788 = arith.cmpf oeq, %select_n3A_1680, %max3A_1783 : vector<16xf32>
    %jit3A_1789 = arith.constant 4096 : i32
    %broadcast_in_dim3A_1790 = vector.broadcast %jit3A_1789 : i32 to vector<16xi32>
    %select_n3A_1791 = arith.select %eq3A_1788, %add3A_60, %broadcast_in_dim3A_1790 : vector<16xi1>, vector<16xi32>
    %min3A_1792 = arith.minsi %select_n3A_1787, %select_n3A_1791 : vector<16xi32>
    %eq3A_1793 = arith.cmpf oeq, %select_n3A_1684, %max3A_1783 : vector<16xf32>
    %jit3A_1794 = arith.constant 4096 : i32
    %broadcast_in_dim3A_1795 = vector.broadcast %jit3A_1794 : i32 to vector<16xi32>
    %select_n3A_1796 = arith.select %eq3A_1793, %add3A_65, %broadcast_in_dim3A_1795 : vector<16xi1>, vector<16xi32>
    %min3A_1797 = arith.minsi %min3A_1792, %select_n3A_1796 : vector<16xi32>
    %eq3A_1798 = arith.cmpf oeq, %select_n3A_1688, %max3A_1783 : vector<16xf32>
    %jit3A_1799 = arith.constant 4096 : i32
    %broadcast_in_dim3A_1800 = vector.broadcast %jit3A_1799 : i32 to vector<16xi32>
    %select_n3A_1801 = arith.select %eq3A_1798, %add3A_70, %broadcast_in_dim3A_1800 : vector<16xi1>, vector<16xi32>
    %min3A_1802 = arith.minsi %min3A_1797, %select_n3A_1801 : vector<16xi32>
    %eq3A_1803 = arith.cmpf oeq, %select_n3A_1692, %max3A_1783 : vector<16xf32>
    %jit3A_1804 = arith.constant 4096 : i32
    %broadcast_in_dim3A_1805 = vector.broadcast %jit3A_1804 : i32 to vector<16xi32>
    %select_n3A_1806 = arith.select %eq3A_1803, %add3A_75, %broadcast_in_dim3A_1805 : vector<16xi1>, vector<16xi32>
    %min3A_1807 = arith.minsi %min3A_1802, %select_n3A_1806 : vector<16xi32>
    %eq3A_1808 = arith.cmpf oeq, %select_n3A_1696, %max3A_1783 : vector<16xf32>
    %jit3A_1809 = arith.constant 4096 : i32
    %broadcast_in_dim3A_1810 = vector.broadcast %jit3A_1809 : i32 to vector<16xi32>
    %select_n3A_1811 = arith.select %eq3A_1808, %add3A_80, %broadcast_in_dim3A_1810 : vector<16xi1>, vector<16xi32>
    %min3A_1812 = arith.minsi %min3A_1807, %select_n3A_1811 : vector<16xi32>
    %eq3A_1813 = arith.cmpf oeq, %select_n3A_1700, %max3A_1783 : vector<16xf32>
    %jit3A_1814 = arith.constant 4096 : i32
    %broadcast_in_dim3A_1815 = vector.broadcast %jit3A_1814 : i32 to vector<16xi32>
    %select_n3A_1816 = arith.select %eq3A_1813, %add3A_85, %broadcast_in_dim3A_1815 : vector<16xi1>, vector<16xi32>
    %min3A_1817 = arith.minsi %min3A_1812, %select_n3A_1816 : vector<16xi32>
    %eq3A_1818 = arith.cmpf oeq, %select_n3A_1704, %max3A_1783 : vector<16xf32>
    %jit3A_1819 = arith.constant 4096 : i32
    %broadcast_in_dim3A_1820 = vector.broadcast %jit3A_1819 : i32 to vector<16xi32>
    %select_n3A_1821 = arith.select %eq3A_1818, %add3A_90, %broadcast_in_dim3A_1820 : vector<16xi1>, vector<16xi32>
    %min3A_1822 = arith.minsi %min3A_1817, %select_n3A_1821 : vector<16xi32>
    %eq3A_1823 = arith.cmpf oeq, %select_n3A_1708, %max3A_1783 : vector<16xf32>
    %jit3A_1824 = arith.constant 4096 : i32
    %broadcast_in_dim3A_1825 = vector.broadcast %jit3A_1824 : i32 to vector<16xi32>
    %select_n3A_1826 = arith.select %eq3A_1823, %add3A_95, %broadcast_in_dim3A_1825 : vector<16xi1>, vector<16xi32>
    %min3A_1827 = arith.minsi %min3A_1822, %select_n3A_1826 : vector<16xi32>
    %eq3A_1828 = arith.cmpf oeq, %select_n3A_1712, %max3A_1783 : vector<16xf32>
    %jit3A_1829 = arith.constant 4096 : i32
    %broadcast_in_dim3A_1830 = vector.broadcast %jit3A_1829 : i32 to vector<16xi32>
    %select_n3A_1831 = arith.select %eq3A_1828, %add3A_100, %broadcast_in_dim3A_1830 : vector<16xi1>, vector<16xi32>
    %min3A_1832 = arith.minsi %min3A_1827, %select_n3A_1831 : vector<16xi32>
    %eq3A_1833 = arith.cmpf oeq, %select_n3A_1716, %max3A_1783 : vector<16xf32>
    %jit3A_1834 = arith.constant 4096 : i32
    %broadcast_in_dim3A_1835 = vector.broadcast %jit3A_1834 : i32 to vector<16xi32>
    %select_n3A_1836 = arith.select %eq3A_1833, %add3A_105, %broadcast_in_dim3A_1835 : vector<16xi1>, vector<16xi32>
    %min3A_1837 = arith.minsi %min3A_1832, %select_n3A_1836 : vector<16xi32>
    %eq3A_1838 = arith.cmpf oeq, %select_n3A_1720, %max3A_1783 : vector<16xf32>
    %jit3A_1839 = arith.constant 4096 : i32
    %broadcast_in_dim3A_1840 = vector.broadcast %jit3A_1839 : i32 to vector<16xi32>
    %select_n3A_1841 = arith.select %eq3A_1838, %add3A_110, %broadcast_in_dim3A_1840 : vector<16xi1>, vector<16xi32>
    %min3A_1842 = arith.minsi %min3A_1837, %select_n3A_1841 : vector<16xi32>
    %eq3A_1843 = arith.cmpf oeq, %select_n3A_1724, %max3A_1783 : vector<16xf32>
    %jit3A_1844 = arith.constant 4096 : i32
    %broadcast_in_dim3A_1845 = vector.broadcast %jit3A_1844 : i32 to vector<16xi32>
    %select_n3A_1846 = arith.select %eq3A_1843, %add3A_115, %broadcast_in_dim3A_1845 : vector<16xi1>, vector<16xi32>
    %min3A_1847 = arith.minsi %min3A_1842, %select_n3A_1846 : vector<16xi32>
    %eq3A_1848 = arith.cmpf oeq, %select_n3A_1728, %max3A_1783 : vector<16xf32>
    %jit3A_1849 = arith.constant 4096 : i32
    %broadcast_in_dim3A_1850 = vector.broadcast %jit3A_1849 : i32 to vector<16xi32>
    %select_n3A_1851 = arith.select %eq3A_1848, %add3A_120, %broadcast_in_dim3A_1850 : vector<16xi1>, vector<16xi32>
    %min3A_1852 = arith.minsi %min3A_1847, %select_n3A_1851 : vector<16xi32>
    %eq3A_1853 = arith.cmpf oeq, %select_n3A_1732, %max3A_1783 : vector<16xf32>
    %jit3A_1854 = arith.constant 4096 : i32
    %broadcast_in_dim3A_1855 = vector.broadcast %jit3A_1854 : i32 to vector<16xi32>
    %select_n3A_1856 = arith.select %eq3A_1853, %add3A_125, %broadcast_in_dim3A_1855 : vector<16xi1>, vector<16xi32>
    %min3A_1857 = arith.minsi %min3A_1852, %select_n3A_1856 : vector<16xi32>
    %eq3A_1858 = arith.cmpf oeq, %select_n3A_1736, %max3A_1783 : vector<16xf32>
    %jit3A_1859 = arith.constant 4096 : i32
    %broadcast_in_dim3A_1860 = vector.broadcast %jit3A_1859 : i32 to vector<16xi32>
    %select_n3A_1861 = arith.select %eq3A_1858, %add3A_130, %broadcast_in_dim3A_1860 : vector<16xi1>, vector<16xi32>
    %min3A_1862 = arith.minsi %min3A_1857, %select_n3A_1861 : vector<16xi32>
    %iota3A_1863 = tpu.iota {dimensions = array<i32: 0>} : vector<16xi32>
    %xor3A_1864 = arith.constant 8 : i32
    %xor3A_1865 = vector.broadcast %xor3A_1864 : i32 to vector<16xi32>
    %xor3A_1866 = arith.xori %iota3A_1863, %xor3A_1865 : vector<16xi32>
    %reshape3A_1867 = vector.shape_cast %xor3A_1866 : vector<16xi32> to vector<16x1xi32>
    %gather3A_1868 = vector.shape_cast %reshape3A_1867 : vector<16x1xi32> to vector<16xi32>
    %gather3A_1869 = tpu.dynamic_gather %min3A_1862[%gather3A_1868] in [0] : vector<16xi32>, vector<16xi32> -> vector<16xi32>
    %min3A_1870 = arith.minsi %min3A_1862, %gather3A_1869 : vector<16xi32>
    %iota3A_1871 = tpu.iota {dimensions = array<i32: 0>} : vector<16xi32>
    %xor3A_1872 = arith.constant 4 : i32
    %xor3A_1873 = vector.broadcast %xor3A_1872 : i32 to vector<16xi32>
    %xor3A_1874 = arith.xori %iota3A_1871, %xor3A_1873 : vector<16xi32>
    %reshape3A_1875 = vector.shape_cast %xor3A_1874 : vector<16xi32> to vector<16x1xi32>
    %gather3A_1876 = vector.shape_cast %reshape3A_1875 : vector<16x1xi32> to vector<16xi32>
    %gather3A_1877 = tpu.dynamic_gather %min3A_1870[%gather3A_1876] in [0] : vector<16xi32>, vector<16xi32> -> vector<16xi32>
    %min3A_1878 = arith.minsi %min3A_1870, %gather3A_1877 : vector<16xi32>
    %iota3A_1879 = tpu.iota {dimensions = array<i32: 0>} : vector<16xi32>
    %xor3A_1880 = arith.constant 2 : i32
    %xor3A_1881 = vector.broadcast %xor3A_1880 : i32 to vector<16xi32>
    %xor3A_1882 = arith.xori %iota3A_1879, %xor3A_1881 : vector<16xi32>
    %reshape3A_1883 = vector.shape_cast %xor3A_1882 : vector<16xi32> to vector<16x1xi32>
    %gather3A_1884 = vector.shape_cast %reshape3A_1883 : vector<16x1xi32> to vector<16xi32>
    %gather3A_1885 = tpu.dynamic_gather %min3A_1878[%gather3A_1884] in [0] : vector<16xi32>, vector<16xi32> -> vector<16xi32>
    %min3A_1886 = arith.minsi %min3A_1878, %gather3A_1885 : vector<16xi32>
    %iota3A_1887 = tpu.iota {dimensions = array<i32: 0>} : vector<16xi32>
    %xor3A_1888 = arith.constant 1 : i32
    %xor3A_1889 = vector.broadcast %xor3A_1888 : i32 to vector<16xi32>
    %xor3A_1890 = arith.xori %iota3A_1887, %xor3A_1889 : vector<16xi32>
    %reshape3A_1891 = vector.shape_cast %xor3A_1890 : vector<16xi32> to vector<16x1xi32>
    %gather3A_1892 = vector.shape_cast %reshape3A_1891 : vector<16x1xi32> to vector<16xi32>
    %gather3A_1893 = tpu.dynamic_gather %min3A_1886[%gather3A_1892] in [0] : vector<16xi32>, vector<16xi32> -> vector<16xi32>
    %min3A_1894 = arith.minsi %min3A_1886, %gather3A_1893 : vector<16xi32>
    %eq3A_1895 = arith.constant 7 : i32
    %eq3A_1896 = vector.broadcast %eq3A_1895 : i32 to vector<16xi32>
    %eq3A_1897 = arith.cmpi eq, %iota3A_134, %eq3A_1896 : vector<16xi32>
    %select_n3A_1898 = arith.select %eq3A_1897, %max3A_1783, %select_n3A_1668 : vector<16xi1>, vector<16xf32>
    %eq3A_1899 = arith.constant 7 : i32
    %eq3A_1900 = vector.broadcast %eq3A_1899 : i32 to vector<16xi32>
    %eq3A_1901 = arith.cmpi eq, %iota3A_134, %eq3A_1900 : vector<16xi32>
    %select_n3A_1902 = arith.select %eq3A_1901, %min3A_1894, %select_n3A_1672 : vector<16xi1>, vector<16xi32>
    %eq3A_1903 = arith.cmpi eq, %add3A_55, %min3A_1894 : vector<16xi32>
    %jit3A_1904 = arith.constant 0xFF800000 : f32
    %broadcast_in_dim3A_1905 = vector.broadcast %jit3A_1904 : f32 to vector<16xf32>
    %select_n3A_1906 = arith.select %eq3A_1903, %broadcast_in_dim3A_1905, %select_n3A_1676 : vector<16xi1>, vector<16xf32>
    %eq3A_1907 = arith.cmpi eq, %add3A_60, %min3A_1894 : vector<16xi32>
    %jit3A_1908 = arith.constant 0xFF800000 : f32
    %broadcast_in_dim3A_1909 = vector.broadcast %jit3A_1908 : f32 to vector<16xf32>
    %select_n3A_1910 = arith.select %eq3A_1907, %broadcast_in_dim3A_1909, %select_n3A_1680 : vector<16xi1>, vector<16xf32>
    %eq3A_1911 = arith.cmpi eq, %add3A_65, %min3A_1894 : vector<16xi32>
    %jit3A_1912 = arith.constant 0xFF800000 : f32
    %broadcast_in_dim3A_1913 = vector.broadcast %jit3A_1912 : f32 to vector<16xf32>
    %select_n3A_1914 = arith.select %eq3A_1911, %broadcast_in_dim3A_1913, %select_n3A_1684 : vector<16xi1>, vector<16xf32>
    %eq3A_1915 = arith.cmpi eq, %add3A_70, %min3A_1894 : vector<16xi32>
    %jit3A_1916 = arith.constant 0xFF800000 : f32
    %broadcast_in_dim3A_1917 = vector.broadcast %jit3A_1916 : f32 to vector<16xf32>
    %select_n3A_1918 = arith.select %eq3A_1915, %broadcast_in_dim3A_1917, %select_n3A_1688 : vector<16xi1>, vector<16xf32>
    %eq3A_1919 = arith.cmpi eq, %add3A_75, %min3A_1894 : vector<16xi32>
    %jit3A_1920 = arith.constant 0xFF800000 : f32
    %broadcast_in_dim3A_1921 = vector.broadcast %jit3A_1920 : f32 to vector<16xf32>
    %select_n3A_1922 = arith.select %eq3A_1919, %broadcast_in_dim3A_1921, %select_n3A_1692 : vector<16xi1>, vector<16xf32>
    %eq3A_1923 = arith.cmpi eq, %add3A_80, %min3A_1894 : vector<16xi32>
    %jit3A_1924 = arith.constant 0xFF800000 : f32
    %broadcast_in_dim3A_1925 = vector.broadcast %jit3A_1924 : f32 to vector<16xf32>
    %select_n3A_1926 = arith.select %eq3A_1923, %broadcast_in_dim3A_1925, %select_n3A_1696 : vector<16xi1>, vector<16xf32>
    %eq3A_1927 = arith.cmpi eq, %add3A_85, %min3A_1894 : vector<16xi32>
    %jit3A_1928 = arith.constant 0xFF800000 : f32
    %broadcast_in_dim3A_1929 = vector.broadcast %jit3A_1928 : f32 to vector<16xf32>
    %select_n3A_1930 = arith.select %eq3A_1927, %broadcast_in_dim3A_1929, %select_n3A_1700 : vector<16xi1>, vector<16xf32>
    %eq3A_1931 = arith.cmpi eq, %add3A_90, %min3A_1894 : vector<16xi32>
    %jit3A_1932 = arith.constant 0xFF800000 : f32
    %broadcast_in_dim3A_1933 = vector.broadcast %jit3A_1932 : f32 to vector<16xf32>
    %select_n3A_1934 = arith.select %eq3A_1931, %broadcast_in_dim3A_1933, %select_n3A_1704 : vector<16xi1>, vector<16xf32>
    %eq3A_1935 = arith.cmpi eq, %add3A_95, %min3A_1894 : vector<16xi32>
    %jit3A_1936 = arith.constant 0xFF800000 : f32
    %broadcast_in_dim3A_1937 = vector.broadcast %jit3A_1936 : f32 to vector<16xf32>
    %select_n3A_1938 = arith.select %eq3A_1935, %broadcast_in_dim3A_1937, %select_n3A_1708 : vector<16xi1>, vector<16xf32>
    %eq3A_1939 = arith.cmpi eq, %add3A_100, %min3A_1894 : vector<16xi32>
    %jit3A_1940 = arith.constant 0xFF800000 : f32
    %broadcast_in_dim3A_1941 = vector.broadcast %jit3A_1940 : f32 to vector<16xf32>
    %select_n3A_1942 = arith.select %eq3A_1939, %broadcast_in_dim3A_1941, %select_n3A_1712 : vector<16xi1>, vector<16xf32>
    %eq3A_1943 = arith.cmpi eq, %add3A_105, %min3A_1894 : vector<16xi32>
    %jit3A_1944 = arith.constant 0xFF800000 : f32
    %broadcast_in_dim3A_1945 = vector.broadcast %jit3A_1944 : f32 to vector<16xf32>
    %select_n3A_1946 = arith.select %eq3A_1943, %broadcast_in_dim3A_1945, %select_n3A_1716 : vector<16xi1>, vector<16xf32>
    %eq3A_1947 = arith.cmpi eq, %add3A_110, %min3A_1894 : vector<16xi32>
    %jit3A_1948 = arith.constant 0xFF800000 : f32
    %broadcast_in_dim3A_1949 = vector.broadcast %jit3A_1948 : f32 to vector<16xf32>
    %select_n3A_1950 = arith.select %eq3A_1947, %broadcast_in_dim3A_1949, %select_n3A_1720 : vector<16xi1>, vector<16xf32>
    %eq3A_1951 = arith.cmpi eq, %add3A_115, %min3A_1894 : vector<16xi32>
    %jit3A_1952 = arith.constant 0xFF800000 : f32
    %broadcast_in_dim3A_1953 = vector.broadcast %jit3A_1952 : f32 to vector<16xf32>
    %select_n3A_1954 = arith.select %eq3A_1951, %broadcast_in_dim3A_1953, %select_n3A_1724 : vector<16xi1>, vector<16xf32>
    %eq3A_1955 = arith.cmpi eq, %add3A_120, %min3A_1894 : vector<16xi32>
    %jit3A_1956 = arith.constant 0xFF800000 : f32
    %broadcast_in_dim3A_1957 = vector.broadcast %jit3A_1956 : f32 to vector<16xf32>
    %select_n3A_1958 = arith.select %eq3A_1955, %broadcast_in_dim3A_1957, %select_n3A_1728 : vector<16xi1>, vector<16xf32>
    %eq3A_1959 = arith.cmpi eq, %add3A_125, %min3A_1894 : vector<16xi32>
    %jit3A_1960 = arith.constant 0xFF800000 : f32
    %broadcast_in_dim3A_1961 = vector.broadcast %jit3A_1960 : f32 to vector<16xf32>
    %select_n3A_1962 = arith.select %eq3A_1959, %broadcast_in_dim3A_1961, %select_n3A_1732 : vector<16xi1>, vector<16xf32>
    %eq3A_1963 = arith.cmpi eq, %add3A_130, %min3A_1894 : vector<16xi32>
    %jit3A_1964 = arith.constant 0xFF800000 : f32
    %broadcast_in_dim3A_1965 = vector.broadcast %jit3A_1964 : f32 to vector<16xf32>
    %select_n3A_1966 = arith.select %eq3A_1963, %broadcast_in_dim3A_1965, %select_n3A_1736 : vector<16xi1>, vector<16xf32>
    %swap3A = arith.constant 0 : index
    %swap3A_1967 = tpu.vector_load %arg8[%swap3A] {strides = array<i32>} : memref<16xf32, #tpu.memory_space<vmem>>, vector<16xf32>,
    %swap3A_1968 = vector.shape_cast %swap3A_1967 : vector<16xf32> to vector<16xf32>
    %swap3A_1969 = vector.shape_cast %select_n3A_1898 : vector<16xf32> to vector<16xf32>
    tpu.vector_store %arg8[%swap3A], %swap3A_1969 {strides = array<i32>} : memref<16xf32, #tpu.memory_space<vmem>>, vector<16xf32>,
    %swap3A_1970 = arith.constant 0 : index
    %swap3A_1971 = tpu.vector_load %arg9[%swap3A_1970] {strides = array<i32>} : memref<16xi32, #tpu.memory_space<vmem>>, vector<16xi32>,
    %swap3A_1972 = vector.shape_cast %swap3A_1971 : vector<16xi32> to vector<16xi32>
    %swap3A_1973 = vector.shape_cast %select_n3A_1902 : vector<16xi32> to vector<16xi32>
    tpu.vector_store %arg9[%swap3A_1970], %swap3A_1973 {strides = array<i32>} : memref<16xi32, #tpu.memory_space<vmem>>, vector<16xi32>,
    %mul3A_1974 = arith.constant 16 : i32
    %mul3A_1975 = arith.muli %add3A, %mul3A_1974 : i32
    "tpu.region"() ({
      %run_scoped3A = tpu.sem_alloc : memref<!tpu.dma_semaphore, #tpu.memory_space<semaphore_mem>>
      %dma_start3A = tpu.memref_slice %arg5[%mul3A_1975] : memref<512xf32, #tpu.memory_space<hbm>> -> memref<16xf32, #tpu.memory_space<hbm>>
      %dma_start3A_1981 = tpu.memref_slice %arg5[%mul3A_1975] : memref<512xf32, #tpu.memory_space<hbm>> -> memref<16xf32, #tpu.memory_space<hbm>>
      tpu.enqueue_dma source(%arg8 : memref<16xf32, #tpu.memory_space<vmem>>) target(%dma_start3A_1981 : memref<16xf32, #tpu.memory_space<hbm>>) target_semaphore(%run_scoped3A : memref<!tpu.dma_semaphore, #tpu.memory_space<semaphore_mem>>)
      %dma_wait3A = tpu.memref_slice %arg5[%mul3A_1975] : memref<512xf32, #tpu.memory_space<hbm>> -> memref<16xf32, #tpu.memory_space<hbm>>
      %dma_wait3A_1982 = tpu.memref_slice %arg5[%mul3A_1975] : memref<512xf32, #tpu.memory_space<hbm>> -> memref<16xf32, #tpu.memory_space<hbm>>
      tpu.wait_dma2 semaphore(%run_scoped3A : memref<!tpu.dma_semaphore, #tpu.memory_space<semaphore_mem>>) src(%arg8 : memref<16xf32, #tpu.memory_space<vmem>>) dst(%dma_wait3A_1982 : memref<16xf32, #tpu.memory_space<hbm>>)
      tpu.yield
    }) : () -> ()
    %mul3A_1976 = arith.constant 16 : i32
    %mul3A_1977 = arith.muli %add3A, %mul3A_1976 : i32
    "tpu.region"() ({
      %run_scoped3A = tpu.sem_alloc : memref<!tpu.dma_semaphore, #tpu.memory_space<semaphore_mem>>
      %dma_start3A = tpu.memref_slice %arg6[%mul3A_1977] : memref<512xi32, #tpu.memory_space<hbm>> -> memref<16xi32, #tpu.memory_space<hbm>>
      %dma_start3A_1981 = tpu.memref_slice %arg6[%mul3A_1977] : memref<512xi32, #tpu.memory_space<hbm>> -> memref<16xi32, #tpu.memory_space<hbm>>
      tpu.enqueue_dma source(%arg9 : memref<16xi32, #tpu.memory_space<vmem>>) target(%dma_start3A_1981 : memref<16xi32, #tpu.memory_space<hbm>>) target_semaphore(%run_scoped3A : memref<!tpu.dma_semaphore, #tpu.memory_space<semaphore_mem>>)
      %dma_wait3A = tpu.memref_slice %arg6[%mul3A_1977] : memref<512xi32, #tpu.memory_space<hbm>> -> memref<16xi32, #tpu.memory_space<hbm>>
      %dma_wait3A_1982 = tpu.memref_slice %arg6[%mul3A_1977] : memref<512xi32, #tpu.memory_space<hbm>> -> memref<16xi32, #tpu.memory_space<hbm>>
      tpu.wait_dma2 semaphore(%run_scoped3A : memref<!tpu.dma_semaphore, #tpu.memory_space<semaphore_mem>>) src(%arg9 : memref<16xi32, #tpu.memory_space<vmem>>) dst(%dma_wait3A_1982 : memref<16xi32, #tpu.memory_space<hbm>>)
      tpu.yield
    }) : () -> ()
    %barrier3A = arith.constant 0 : index
    tpu.barrier barrier_id(%barrier3A)
    %eq3A_1978 = arith.constant 0 : i32
    %eq3A_1979 = arith.cmpi eq, %arg1, %eq3A_1978 : i32
    %convert_element_type3A = arith.extui %eq3A_1979 : i1 to i32
    %cond3A = arith.constant 0 : i32
    %cond3A_1980 = arith.cmpi ne, %convert_element_type3A, %cond3A : i32
    scf.if %cond3A_1980 {
      %mul3A_1981 = arith.constant 16 : i32
      %mul3A_1982 = arith.muli %arg0, %mul3A_1981 : i32
      %mul3A_1983 = arith.constant 16 : i32
      %mul3A_1984 = arith.muli %mul3A_1982, %mul3A_1983 : i32
      "tpu.region"() ({
        %run_scoped3A = tpu.sem_alloc : memref<!tpu.dma_semaphore, #tpu.memory_space<semaphore_mem>>
        %dma_start3A_4689 = tpu.memref_slice %arg5[%mul3A_1984] : memref<512xf32, #tpu.memory_space<hbm>> -> memref<256xf32, #tpu.memory_space<hbm>>
        %dma_start3A_4690 = tpu.memref_slice %arg5[%mul3A_1984] : memref<512xf32, #tpu.memory_space<hbm>> -> memref<256xf32, #tpu.memory_space<hbm>>
        tpu.enqueue_dma source(%dma_start3A_4690 : memref<256xf32, #tpu.memory_space<hbm>>) target(%arg10 : memref<256xf32, #tpu.memory_space<vmem>>) target_semaphore(%run_scoped3A : memref<!tpu.dma_semaphore, #tpu.memory_space<semaphore_mem>>)
        %dma_wait3A_4691 = tpu.memref_slice %arg5[%mul3A_1984] : memref<512xf32, #tpu.memory_space<hbm>> -> memref<256xf32, #tpu.memory_space<hbm>>
        %dma_wait3A_4692 = tpu.memref_slice %arg5[%mul3A_1984] : memref<512xf32, #tpu.memory_space<hbm>> -> memref<256xf32, #tpu.memory_space<hbm>>
        tpu.wait_dma2 semaphore(%run_scoped3A : memref<!tpu.dma_semaphore, #tpu.memory_space<semaphore_mem>>) src(%dma_wait3A_4692 : memref<256xf32, #tpu.memory_space<hbm>>) dst(%arg10 : memref<256xf32, #tpu.memory_space<vmem>>)
        tpu.yield
      }) : () -> ()
      %mul3A_1985 = arith.constant 16 : i32
      %mul3A_1986 = arith.muli %arg0, %mul3A_1985 : i32
      %mul3A_1987 = arith.constant 16 : i32
      %mul3A_1988 = arith.muli %mul3A_1986, %mul3A_1987 : i32
      "tpu.region"() ({
        %run_scoped3A = tpu.sem_alloc : memref<!tpu.dma_semaphore, #tpu.memory_space<semaphore_mem>>
        %dma_start3A_4689 = tpu.memref_slice %arg6[%mul3A_1988] : memref<512xi32, #tpu.memory_space<hbm>> -> memref<256xi32, #tpu.memory_space<hbm>>
        %dma_start3A_4690 = tpu.memref_slice %arg6[%mul3A_1988] : memref<512xi32, #tpu.memory_space<hbm>> -> memref<256xi32, #tpu.memory_space<hbm>>
        tpu.enqueue_dma source(%dma_start3A_4690 : memref<256xi32, #tpu.memory_space<hbm>>) target(%arg11 : memref<256xi32, #tpu.memory_space<vmem>>) target_semaphore(%run_scoped3A : memref<!tpu.dma_semaphore, #tpu.memory_space<semaphore_mem>>)
        %dma_wait3A_4691 = tpu.memref_slice %arg6[%mul3A_1988] : memref<512xi32, #tpu.memory_space<hbm>> -> memref<256xi32, #tpu.memory_space<hbm>>
        %dma_wait3A_4692 = tpu.memref_slice %arg6[%mul3A_1988] : memref<512xi32, #tpu.memory_space<hbm>> -> memref<256xi32, #tpu.memory_space<hbm>>
        tpu.wait_dma2 semaphore(%run_scoped3A : memref<!tpu.dma_semaphore, #tpu.memory_space<semaphore_mem>>) src(%dma_wait3A_4692 : memref<256xi32, #tpu.memory_space<hbm>>) dst(%arg11 : memref<256xi32, #tpu.memory_space<vmem>>)
        tpu.yield
      }) : () -> ()
      %get3A_1989 = arith.constant 0 : index
      %get3A_1990 = tpu.vector_load %arg10[%get3A_1989] {strides = array<i32>} : memref<256xf32, #tpu.memory_space<vmem>>, vector<16xf32>,
      %get3A_1991 = vector.shape_cast %get3A_1990 : vector<16xf32> to vector<16xf32>
      %get3A_1992 = arith.constant 16 : index
      %get3A_1993 = tpu.vector_load %arg10[%get3A_1992] {strides = array<i32>} : memref<256xf32, #tpu.memory_space<vmem>>, vector<16xf32>,
      %get3A_1994 = vector.shape_cast %get3A_1993 : vector<16xf32> to vector<16xf32>
      %get3A_1995 = arith.constant 32 : index
      %get3A_1996 = tpu.vector_load %arg10[%get3A_1995] {strides = array<i32>} : memref<256xf32, #tpu.memory_space<vmem>>, vector<16xf32>,
      %get3A_1997 = vector.shape_cast %get3A_1996 : vector<16xf32> to vector<16xf32>
      %get3A_1998 = arith.constant 48 : index
      %get3A_1999 = tpu.vector_load %arg10[%get3A_1998] {strides = array<i32>} : memref<256xf32, #tpu.memory_space<vmem>>, vector<16xf32>,
      %get3A_2000 = vector.shape_cast %get3A_1999 : vector<16xf32> to vector<16xf32>
      %get3A_2001 = arith.constant 64 : index
      %get3A_2002 = tpu.vector_load %arg10[%get3A_2001] {strides = array<i32>} : memref<256xf32, #tpu.memory_space<vmem>>, vector<16xf32>,
      %get3A_2003 = vector.shape_cast %get3A_2002 : vector<16xf32> to vector<16xf32>
      %get3A_2004 = arith.constant 80 : index
      %get3A_2005 = tpu.vector_load %arg10[%get3A_2004] {strides = array<i32>} : memref<256xf32, #tpu.memory_space<vmem>>, vector<16xf32>,
      %get3A_2006 = vector.shape_cast %get3A_2005 : vector<16xf32> to vector<16xf32>
      %get3A_2007 = arith.constant 96 : index
      %get3A_2008 = tpu.vector_load %arg10[%get3A_2007] {strides = array<i32>} : memref<256xf32, #tpu.memory_space<vmem>>, vector<16xf32>,
      %get3A_2009 = vector.shape_cast %get3A_2008 : vector<16xf32> to vector<16xf32>
      %get3A_2010 = arith.constant 112 : index
      %get3A_2011 = tpu.vector_load %arg10[%get3A_2010] {strides = array<i32>} : memref<256xf32, #tpu.memory_space<vmem>>, vector<16xf32>,
      %get3A_2012 = vector.shape_cast %get3A_2011 : vector<16xf32> to vector<16xf32>
      %get3A_2013 = arith.constant 128 : index
      %get3A_2014 = tpu.vector_load %arg10[%get3A_2013] {strides = array<i32>} : memref<256xf32, #tpu.memory_space<vmem>>, vector<16xf32>,
      %get3A_2015 = vector.shape_cast %get3A_2014 : vector<16xf32> to vector<16xf32>
      %get3A_2016 = arith.constant 144 : index
      %get3A_2017 = tpu.vector_load %arg10[%get3A_2016] {strides = array<i32>} : memref<256xf32, #tpu.memory_space<vmem>>, vector<16xf32>,
      %get3A_2018 = vector.shape_cast %get3A_2017 : vector<16xf32> to vector<16xf32>
      %get3A_2019 = arith.constant 160 : index
      %get3A_2020 = tpu.vector_load %arg10[%get3A_2019] {strides = array<i32>} : memref<256xf32, #tpu.memory_space<vmem>>, vector<16xf32>,
      %get3A_2021 = vector.shape_cast %get3A_2020 : vector<16xf32> to vector<16xf32>
      %get3A_2022 = arith.constant 176 : index
      %get3A_2023 = tpu.vector_load %arg10[%get3A_2022] {strides = array<i32>} : memref<256xf32, #tpu.memory_space<vmem>>, vector<16xf32>,
      %get3A_2024 = vector.shape_cast %get3A_2023 : vector<16xf32> to vector<16xf32>
      %get3A_2025 = arith.constant 192 : index
      %get3A_2026 = tpu.vector_load %arg10[%get3A_2025] {strides = array<i32>} : memref<256xf32, #tpu.memory_space<vmem>>, vector<16xf32>,
      %get3A_2027 = vector.shape_cast %get3A_2026 : vector<16xf32> to vector<16xf32>
      %get3A_2028 = arith.constant 208 : index
      %get3A_2029 = tpu.vector_load %arg10[%get3A_2028] {strides = array<i32>} : memref<256xf32, #tpu.memory_space<vmem>>, vector<16xf32>,
      %get3A_2030 = vector.shape_cast %get3A_2029 : vector<16xf32> to vector<16xf32>
      %get3A_2031 = arith.constant 224 : index
      %get3A_2032 = tpu.vector_load %arg10[%get3A_2031] {strides = array<i32>} : memref<256xf32, #tpu.memory_space<vmem>>, vector<16xf32>,
      %get3A_2033 = vector.shape_cast %get3A_2032 : vector<16xf32> to vector<16xf32>
      %get3A_2034 = arith.constant 240 : index
      %get3A_2035 = tpu.vector_load %arg10[%get3A_2034] {strides = array<i32>} : memref<256xf32, #tpu.memory_space<vmem>>, vector<16xf32>,
      %get3A_2036 = vector.shape_cast %get3A_2035 : vector<16xf32> to vector<16xf32>
      %get3A_2037 = arith.constant 0 : index
      %get3A_2038 = tpu.vector_load %arg11[%get3A_2037] {strides = array<i32>} : memref<256xi32, #tpu.memory_space<vmem>>, vector<16xi32>,
      %get3A_2039 = vector.shape_cast %get3A_2038 : vector<16xi32> to vector<16xi32>
      %get3A_2040 = arith.constant 16 : index
      %get3A_2041 = tpu.vector_load %arg11[%get3A_2040] {strides = array<i32>} : memref<256xi32, #tpu.memory_space<vmem>>, vector<16xi32>,
      %get3A_2042 = vector.shape_cast %get3A_2041 : vector<16xi32> to vector<16xi32>
      %get3A_2043 = arith.constant 32 : index
      %get3A_2044 = tpu.vector_load %arg11[%get3A_2043] {strides = array<i32>} : memref<256xi32, #tpu.memory_space<vmem>>, vector<16xi32>,
      %get3A_2045 = vector.shape_cast %get3A_2044 : vector<16xi32> to vector<16xi32>
      %get3A_2046 = arith.constant 48 : index
      %get3A_2047 = tpu.vector_load %arg11[%get3A_2046] {strides = array<i32>} : memref<256xi32, #tpu.memory_space<vmem>>, vector<16xi32>,
      %get3A_2048 = vector.shape_cast %get3A_2047 : vector<16xi32> to vector<16xi32>
      %get3A_2049 = arith.constant 64 : index
      %get3A_2050 = tpu.vector_load %arg11[%get3A_2049] {strides = array<i32>} : memref<256xi32, #tpu.memory_space<vmem>>, vector<16xi32>,
      %get3A_2051 = vector.shape_cast %get3A_2050 : vector<16xi32> to vector<16xi32>
      %get3A_2052 = arith.constant 80 : index
      %get3A_2053 = tpu.vector_load %arg11[%get3A_2052] {strides = array<i32>} : memref<256xi32, #tpu.memory_space<vmem>>, vector<16xi32>,
      %get3A_2054 = vector.shape_cast %get3A_2053 : vector<16xi32> to vector<16xi32>
      %get3A_2055 = arith.constant 96 : index
      %get3A_2056 = tpu.vector_load %arg11[%get3A_2055] {strides = array<i32>} : memref<256xi32, #tpu.memory_space<vmem>>, vector<16xi32>,
      %get3A_2057 = vector.shape_cast %get3A_2056 : vector<16xi32> to vector<16xi32>
      %get3A_2058 = arith.constant 112 : index
      %get3A_2059 = tpu.vector_load %arg11[%get3A_2058] {strides = array<i32>} : memref<256xi32, #tpu.memory_space<vmem>>, vector<16xi32>,
      %get3A_2060 = vector.shape_cast %get3A_2059 : vector<16xi32> to vector<16xi32>
      %get3A_2061 = arith.constant 128 : index
      %get3A_2062 = tpu.vector_load %arg11[%get3A_2061] {strides = array<i32>} : memref<256xi32, #tpu.memory_space<vmem>>, vector<16xi32>,
      %get3A_2063 = vector.shape_cast %get3A_2062 : vector<16xi32> to vector<16xi32>
      %get3A_2064 = arith.constant 144 : index
      %get3A_2065 = tpu.vector_load %arg11[%get3A_2064] {strides = array<i32>} : memref<256xi32, #tpu.memory_space<vmem>>, vector<16xi32>,
      %get3A_2066 = vector.shape_cast %get3A_2065 : vector<16xi32> to vector<16xi32>
      %get3A_2067 = arith.constant 160 : index
      %get3A_2068 = tpu.vector_load %arg11[%get3A_2067] {strides = array<i32>} : memref<256xi32, #tpu.memory_space<vmem>>, vector<16xi32>,
      %get3A_2069 = vector.shape_cast %get3A_2068 : vector<16xi32> to vector<16xi32>
      %get3A_2070 = arith.constant 176 : index
      %get3A_2071 = tpu.vector_load %arg11[%get3A_2070] {strides = array<i32>} : memref<256xi32, #tpu.memory_space<vmem>>, vector<16xi32>,
      %get3A_2072 = vector.shape_cast %get3A_2071 : vector<16xi32> to vector<16xi32>
      %get3A_2073 = arith.constant 192 : index
      %get3A_2074 = tpu.vector_load %arg11[%get3A_2073] {strides = array<i32>} : memref<256xi32, #tpu.memory_space<vmem>>, vector<16xi32>,
      %get3A_2075 = vector.shape_cast %get3A_2074 : vector<16xi32> to vector<16xi32>
      %get3A_2076 = arith.constant 208 : index
      %get3A_2077 = tpu.vector_load %arg11[%get3A_2076] {strides = array<i32>} : memref<256xi32, #tpu.memory_space<vmem>>, vector<16xi32>,
      %get3A_2078 = vector.shape_cast %get3A_2077 : vector<16xi32> to vector<16xi32>
      %get3A_2079 = arith.constant 224 : index
      %get3A_2080 = tpu.vector_load %arg11[%get3A_2079] {strides = array<i32>} : memref<256xi32, #tpu.memory_space<vmem>>, vector<16xi32>,
      %get3A_2081 = vector.shape_cast %get3A_2080 : vector<16xi32> to vector<16xi32>
      %get3A_2082 = arith.constant 240 : index
      %get3A_2083 = tpu.vector_load %arg11[%get3A_2082] {strides = array<i32>} : memref<256xi32, #tpu.memory_space<vmem>>, vector<16xi32>,
      %get3A_2084 = vector.shape_cast %get3A_2083 : vector<16xi32> to vector<16xi32>
      %broadcast_in_dim3A_2085 = arith.constant 0xFF800000 : f32
      %broadcast_in_dim3A_2086 = vector.broadcast %broadcast_in_dim3A_2085 : f32 to vector<16xf32>
      %broadcast_in_dim3A_2087 = arith.constant 0 : i32
      %broadcast_in_dim3A_2088 = vector.broadcast %broadcast_in_dim3A_2087 : i32 to vector<16xi32>
      %max3A_2089 = arith.maximumf %get3A_1991, %get3A_1994 : vector<16xf32>
      %max3A_2090 = arith.maximumf %max3A_2089, %get3A_1997 : vector<16xf32>
      %max3A_2091 = arith.maximumf %max3A_2090, %get3A_2000 : vector<16xf32>
      %max3A_2092 = arith.maximumf %max3A_2091, %get3A_2003 : vector<16xf32>
      %max3A_2093 = arith.maximumf %max3A_2092, %get3A_2006 : vector<16xf32>
      %max3A_2094 = arith.maximumf %max3A_2093, %get3A_2009 : vector<16xf32>
      %max3A_2095 = arith.maximumf %max3A_2094, %get3A_2012 : vector<16xf32>
      %max3A_2096 = arith.maximumf %max3A_2095, %get3A_2015 : vector<16xf32>
      %max3A_2097 = arith.maximumf %max3A_2096, %get3A_2018 : vector<16xf32>
      %max3A_2098 = arith.maximumf %max3A_2097, %get3A_2021 : vector<16xf32>
      %max3A_2099 = arith.maximumf %max3A_2098, %get3A_2024 : vector<16xf32>
      %max3A_2100 = arith.maximumf %max3A_2099, %get3A_2027 : vector<16xf32>
      %max3A_2101 = arith.maximumf %max3A_2100, %get3A_2030 : vector<16xf32>
      %max3A_2102 = arith.maximumf %max3A_2101, %get3A_2033 : vector<16xf32>
      %max3A_2103 = arith.maximumf %max3A_2102, %get3A_2036 : vector<16xf32>
      %iota3A_2104 = tpu.iota {dimensions = array<i32: 0>} : vector<16xi32>
      %xor3A_2105 = arith.constant 8 : i32
      %xor3A_2106 = vector.broadcast %xor3A_2105 : i32 to vector<16xi32>
      %xor3A_2107 = arith.xori %iota3A_2104, %xor3A_2106 : vector<16xi32>
      %reshape3A_2108 = vector.shape_cast %xor3A_2107 : vector<16xi32> to vector<16x1xi32>
      %gather3A_2109 = vector.shape_cast %reshape3A_2108 : vector<16x1xi32> to vector<16xi32>
      %gather3A_2110 = tpu.dynamic_gather %max3A_2103[%gather3A_2109] in [0] : vector<16xf32>, vector<16xi32> -> vector<16xf32>
      %max3A_2111 = arith.maximumf %max3A_2103, %gather3A_2110 : vector<16xf32>
      %iota3A_2112 = tpu.iota {dimensions = array<i32: 0>} : vector<16xi32>
      %xor3A_2113 = arith.constant 4 : i32
      %xor3A_2114 = vector.broadcast %xor3A_2113 : i32 to vector<16xi32>
      %xor3A_2115 = arith.xori %iota3A_2112, %xor3A_2114 : vector<16xi32>
      %reshape3A_2116 = vector.shape_cast %xor3A_2115 : vector<16xi32> to vector<16x1xi32>
      %gather3A_2117 = vector.shape_cast %reshape3A_2116 : vector<16x1xi32> to vector<16xi32>
      %gather3A_2118 = tpu.dynamic_gather %max3A_2111[%gather3A_2117] in [0] : vector<16xf32>, vector<16xi32> -> vector<16xf32>
      %max3A_2119 = arith.maximumf %max3A_2111, %gather3A_2118 : vector<16xf32>
      %iota3A_2120 = tpu.iota {dimensions = array<i32: 0>} : vector<16xi32>
      %xor3A_2121 = arith.constant 2 : i32
      %xor3A_2122 = vector.broadcast %xor3A_2121 : i32 to vector<16xi32>
      %xor3A_2123 = arith.xori %iota3A_2120, %xor3A_2122 : vector<16xi32>
      %reshape3A_2124 = vector.shape_cast %xor3A_2123 : vector<16xi32> to vector<16x1xi32>
      %gather3A_2125 = vector.shape_cast %reshape3A_2124 : vector<16x1xi32> to vector<16xi32>
      %gather3A_2126 = tpu.dynamic_gather %max3A_2119[%gather3A_2125] in [0] : vector<16xf32>, vector<16xi32> -> vector<16xf32>
      %max3A_2127 = arith.maximumf %max3A_2119, %gather3A_2126 : vector<16xf32>
      %iota3A_2128 = tpu.iota {dimensions = array<i32: 0>} : vector<16xi32>
      %xor3A_2129 = arith.constant 1 : i32
      %xor3A_2130 = vector.broadcast %xor3A_2129 : i32 to vector<16xi32>
      %xor3A_2131 = arith.xori %iota3A_2128, %xor3A_2130 : vector<16xi32>
      %reshape3A_2132 = vector.shape_cast %xor3A_2131 : vector<16xi32> to vector<16x1xi32>
      %gather3A_2133 = vector.shape_cast %reshape3A_2132 : vector<16x1xi32> to vector<16xi32>
      %gather3A_2134 = tpu.dynamic_gather %max3A_2127[%gather3A_2133] in [0] : vector<16xf32>, vector<16xi32> -> vector<16xf32>
      %max3A_2135 = arith.maximumf %max3A_2127, %gather3A_2134 : vector<16xf32>
      %eq3A_2136 = arith.cmpf oeq, %get3A_1991, %max3A_2135 : vector<16xf32>
      %jit3A_2137 = arith.constant 4096 : i32
      %broadcast_in_dim3A_2138 = vector.broadcast %jit3A_2137 : i32 to vector<16xi32>
      %select_n3A_2139 = arith.select %eq3A_2136, %get3A_2039, %broadcast_in_dim3A_2138 : vector<16xi1>, vector<16xi32>
      %eq3A_2140 = arith.cmpf oeq, %get3A_1994, %max3A_2135 : vector<16xf32>
      %jit3A_2141 = arith.constant 4096 : i32
      %broadcast_in_dim3A_2142 = vector.broadcast %jit3A_2141 : i32 to vector<16xi32>
      %select_n3A_2143 = arith.select %eq3A_2140, %get3A_2042, %broadcast_in_dim3A_2142 : vector<16xi1>, vector<16xi32>
      %min3A_2144 = arith.minsi %select_n3A_2139, %select_n3A_2143 : vector<16xi32>
      %eq3A_2145 = arith.cmpf oeq, %get3A_1997, %max3A_2135 : vector<16xf32>
      %jit3A_2146 = arith.constant 4096 : i32
      %broadcast_in_dim3A_2147 = vector.broadcast %jit3A_2146 : i32 to vector<16xi32>
      %select_n3A_2148 = arith.select %eq3A_2145, %get3A_2045, %broadcast_in_dim3A_2147 : vector<16xi1>, vector<16xi32>
      %min3A_2149 = arith.minsi %min3A_2144, %select_n3A_2148 : vector<16xi32>
      %eq3A_2150 = arith.cmpf oeq, %get3A_2000, %max3A_2135 : vector<16xf32>
      %jit3A_2151 = arith.constant 4096 : i32
      %broadcast_in_dim3A_2152 = vector.broadcast %jit3A_2151 : i32 to vector<16xi32>
      %select_n3A_2153 = arith.select %eq3A_2150, %get3A_2048, %broadcast_in_dim3A_2152 : vector<16xi1>, vector<16xi32>
      %min3A_2154 = arith.minsi %min3A_2149, %select_n3A_2153 : vector<16xi32>
      %eq3A_2155 = arith.cmpf oeq, %get3A_2003, %max3A_2135 : vector<16xf32>
      %jit3A_2156 = arith.constant 4096 : i32
      %broadcast_in_dim3A_2157 = vector.broadcast %jit3A_2156 : i32 to vector<16xi32>
      %select_n3A_2158 = arith.select %eq3A_2155, %get3A_2051, %broadcast_in_dim3A_2157 : vector<16xi1>, vector<16xi32>
      %min3A_2159 = arith.minsi %min3A_2154, %select_n3A_2158 : vector<16xi32>
      %eq3A_2160 = arith.cmpf oeq, %get3A_2006, %max3A_2135 : vector<16xf32>
      %jit3A_2161 = arith.constant 4096 : i32
      %broadcast_in_dim3A_2162 = vector.broadcast %jit3A_2161 : i32 to vector<16xi32>
      %select_n3A_2163 = arith.select %eq3A_2160, %get3A_2054, %broadcast_in_dim3A_2162 : vector<16xi1>, vector<16xi32>
      %min3A_2164 = arith.minsi %min3A_2159, %select_n3A_2163 : vector<16xi32>
      %eq3A_2165 = arith.cmpf oeq, %get3A_2009, %max3A_2135 : vector<16xf32>
      %jit3A_2166 = arith.constant 4096 : i32
      %broadcast_in_dim3A_2167 = vector.broadcast %jit3A_2166 : i32 to vector<16xi32>
      %select_n3A_2168 = arith.select %eq3A_2165, %get3A_2057, %broadcast_in_dim3A_2167 : vector<16xi1>, vector<16xi32>
      %min3A_2169 = arith.minsi %min3A_2164, %select_n3A_2168 : vector<16xi32>
      %eq3A_2170 = arith.cmpf oeq, %get3A_2012, %max3A_2135 : vector<16xf32>
      %jit3A_2171 = arith.constant 4096 : i32
      %broadcast_in_dim3A_2172 = vector.broadcast %jit3A_2171 : i32 to vector<16xi32>
      %select_n3A_2173 = arith.select %eq3A_2170, %get3A_2060, %broadcast_in_dim3A_2172 : vector<16xi1>, vector<16xi32>
      %min3A_2174 = arith.minsi %min3A_2169, %select_n3A_2173 : vector<16xi32>
      %eq3A_2175 = arith.cmpf oeq, %get3A_2015, %max3A_2135 : vector<16xf32>
      %jit3A_2176 = arith.constant 4096 : i32
      %broadcast_in_dim3A_2177 = vector.broadcast %jit3A_2176 : i32 to vector<16xi32>
      %select_n3A_2178 = arith.select %eq3A_2175, %get3A_2063, %broadcast_in_dim3A_2177 : vector<16xi1>, vector<16xi32>
      %min3A_2179 = arith.minsi %min3A_2174, %select_n3A_2178 : vector<16xi32>
      %eq3A_2180 = arith.cmpf oeq, %get3A_2018, %max3A_2135 : vector<16xf32>
      %jit3A_2181 = arith.constant 4096 : i32
      %broadcast_in_dim3A_2182 = vector.broadcast %jit3A_2181 : i32 to vector<16xi32>
      %select_n3A_2183 = arith.select %eq3A_2180, %get3A_2066, %broadcast_in_dim3A_2182 : vector<16xi1>, vector<16xi32>
      %min3A_2184 = arith.minsi %min3A_2179, %select_n3A_2183 : vector<16xi32>
      %eq3A_2185 = arith.cmpf oeq, %get3A_2021, %max3A_2135 : vector<16xf32>
      %jit3A_2186 = arith.constant 4096 : i32
      %broadcast_in_dim3A_2187 = vector.broadcast %jit3A_2186 : i32 to vector<16xi32>
      %select_n3A_2188 = arith.select %eq3A_2185, %get3A_2069, %broadcast_in_dim3A_2187 : vector<16xi1>, vector<16xi32>
      %min3A_2189 = arith.minsi %min3A_2184, %select_n3A_2188 : vector<16xi32>
      %eq3A_2190 = arith.cmpf oeq, %get3A_2024, %max3A_2135 : vector<16xf32>
      %jit3A_2191 = arith.constant 4096 : i32
      %broadcast_in_dim3A_2192 = vector.broadcast %jit3A_2191 : i32 to vector<16xi32>
      %select_n3A_2193 = arith.select %eq3A_2190, %get3A_2072, %broadcast_in_dim3A_2192 : vector<16xi1>, vector<16xi32>
      %min3A_2194 = arith.minsi %min3A_2189, %select_n3A_2193 : vector<16xi32>
      %eq3A_2195 = arith.cmpf oeq, %get3A_2027, %max3A_2135 : vector<16xf32>
      %jit3A_2196 = arith.constant 4096 : i32
      %broadcast_in_dim3A_2197 = vector.broadcast %jit3A_2196 : i32 to vector<16xi32>
      %select_n3A_2198 = arith.select %eq3A_2195, %get3A_2075, %broadcast_in_dim3A_2197 : vector<16xi1>, vector<16xi32>
      %min3A_2199 = arith.minsi %min3A_2194, %select_n3A_2198 : vector<16xi32>
      %eq3A_2200 = arith.cmpf oeq, %get3A_2030, %max3A_2135 : vector<16xf32>
      %jit3A_2201 = arith.constant 4096 : i32
      %broadcast_in_dim3A_2202 = vector.broadcast %jit3A_2201 : i32 to vector<16xi32>
      %select_n3A_2203 = arith.select %eq3A_2200, %get3A_2078, %broadcast_in_dim3A_2202 : vector<16xi1>, vector<16xi32>
      %min3A_2204 = arith.minsi %min3A_2199, %select_n3A_2203 : vector<16xi32>
      %eq3A_2205 = arith.cmpf oeq, %get3A_2033, %max3A_2135 : vector<16xf32>
      %jit3A_2206 = arith.constant 4096 : i32
      %broadcast_in_dim3A_2207 = vector.broadcast %jit3A_2206 : i32 to vector<16xi32>
      %select_n3A_2208 = arith.select %eq3A_2205, %get3A_2081, %broadcast_in_dim3A_2207 : vector<16xi1>, vector<16xi32>
      %min3A_2209 = arith.minsi %min3A_2204, %select_n3A_2208 : vector<16xi32>
      %eq3A_2210 = arith.cmpf oeq, %get3A_2036, %max3A_2135 : vector<16xf32>
      %jit3A_2211 = arith.constant 4096 : i32
      %broadcast_in_dim3A_2212 = vector.broadcast %jit3A_2211 : i32 to vector<16xi32>
      %select_n3A_2213 = arith.select %eq3A_2210, %get3A_2084, %broadcast_in_dim3A_2212 : vector<16xi1>, vector<16xi32>
      %min3A_2214 = arith.minsi %min3A_2209, %select_n3A_2213 : vector<16xi32>
      %iota3A_2215 = tpu.iota {dimensions = array<i32: 0>} : vector<16xi32>
      %xor3A_2216 = arith.constant 8 : i32
      %xor3A_2217 = vector.broadcast %xor3A_2216 : i32 to vector<16xi32>
      %xor3A_2218 = arith.xori %iota3A_2215, %xor3A_2217 : vector<16xi32>
      %reshape3A_2219 = vector.shape_cast %xor3A_2218 : vector<16xi32> to vector<16x1xi32>
      %gather3A_2220 = vector.shape_cast %reshape3A_2219 : vector<16x1xi32> to vector<16xi32>
      %gather3A_2221 = tpu.dynamic_gather %min3A_2214[%gather3A_2220] in [0] : vector<16xi32>, vector<16xi32> -> vector<16xi32>
      %min3A_2222 = arith.minsi %min3A_2214, %gather3A_2221 : vector<16xi32>
      %iota3A_2223 = tpu.iota {dimensions = array<i32: 0>} : vector<16xi32>
      %xor3A_2224 = arith.constant 4 : i32
      %xor3A_2225 = vector.broadcast %xor3A_2224 : i32 to vector<16xi32>
      %xor3A_2226 = arith.xori %iota3A_2223, %xor3A_2225 : vector<16xi32>
      %reshape3A_2227 = vector.shape_cast %xor3A_2226 : vector<16xi32> to vector<16x1xi32>
      %gather3A_2228 = vector.shape_cast %reshape3A_2227 : vector<16x1xi32> to vector<16xi32>
      %gather3A_2229 = tpu.dynamic_gather %min3A_2222[%gather3A_2228] in [0] : vector<16xi32>, vector<16xi32> -> vector<16xi32>
      %min3A_2230 = arith.minsi %min3A_2222, %gather3A_2229 : vector<16xi32>
      %iota3A_2231 = tpu.iota {dimensions = array<i32: 0>} : vector<16xi32>
      %xor3A_2232 = arith.constant 2 : i32
      %xor3A_2233 = vector.broadcast %xor3A_2232 : i32 to vector<16xi32>
      %xor3A_2234 = arith.xori %iota3A_2231, %xor3A_2233 : vector<16xi32>
      %reshape3A_2235 = vector.shape_cast %xor3A_2234 : vector<16xi32> to vector<16x1xi32>
      %gather3A_2236 = vector.shape_cast %reshape3A_2235 : vector<16x1xi32> to vector<16xi32>
      %gather3A_2237 = tpu.dynamic_gather %min3A_2230[%gather3A_2236] in [0] : vector<16xi32>, vector<16xi32> -> vector<16xi32>
      %min3A_2238 = arith.minsi %min3A_2230, %gather3A_2237 : vector<16xi32>
      %iota3A_2239 = tpu.iota {dimensions = array<i32: 0>} : vector<16xi32>
      %xor3A_2240 = arith.constant 1 : i32
      %xor3A_2241 = vector.broadcast %xor3A_2240 : i32 to vector<16xi32>
      %xor3A_2242 = arith.xori %iota3A_2239, %xor3A_2241 : vector<16xi32>
      %reshape3A_2243 = vector.shape_cast %xor3A_2242 : vector<16xi32> to vector<16x1xi32>
      %gather3A_2244 = vector.shape_cast %reshape3A_2243 : vector<16x1xi32> to vector<16xi32>
      %gather3A_2245 = tpu.dynamic_gather %min3A_2238[%gather3A_2244] in [0] : vector<16xi32>, vector<16xi32> -> vector<16xi32>
      %min3A_2246 = arith.minsi %min3A_2238, %gather3A_2245 : vector<16xi32>
      %eq3A_2247 = arith.constant 0 : i32
      %eq3A_2248 = vector.broadcast %eq3A_2247 : i32 to vector<16xi32>
      %eq3A_2249 = arith.cmpi eq, %iota3A_134, %eq3A_2248 : vector<16xi32>
      %select_n3A_2250 = arith.select %eq3A_2249, %max3A_2135, %broadcast_in_dim3A_2086 : vector<16xi1>, vector<16xf32>
      %eq3A_2251 = arith.constant 0 : i32
      %eq3A_2252 = vector.broadcast %eq3A_2251 : i32 to vector<16xi32>
      %eq3A_2253 = arith.cmpi eq, %iota3A_134, %eq3A_2252 : vector<16xi32>
      %select_n3A_2254 = arith.select %eq3A_2253, %min3A_2246, %broadcast_in_dim3A_2088 : vector<16xi1>, vector<16xi32>
      %eq3A_2255 = arith.cmpi eq, %get3A_2039, %min3A_2246 : vector<16xi32>
      %jit3A_2256 = arith.constant 0xFF800000 : f32
      %broadcast_in_dim3A_2257 = vector.broadcast %jit3A_2256 : f32 to vector<16xf32>
      %select_n3A_2258 = arith.select %eq3A_2255, %broadcast_in_dim3A_2257, %get3A_1991 : vector<16xi1>, vector<16xf32>
      %eq3A_2259 = arith.cmpi eq, %get3A_2042, %min3A_2246 : vector<16xi32>
      %jit3A_2260 = arith.constant 0xFF800000 : f32
      %broadcast_in_dim3A_2261 = vector.broadcast %jit3A_2260 : f32 to vector<16xf32>
      %select_n3A_2262 = arith.select %eq3A_2259, %broadcast_in_dim3A_2261, %get3A_1994 : vector<16xi1>, vector<16xf32>
      %eq3A_2263 = arith.cmpi eq, %get3A_2045, %min3A_2246 : vector<16xi32>
      %jit3A_2264 = arith.constant 0xFF800000 : f32
      %broadcast_in_dim3A_2265 = vector.broadcast %jit3A_2264 : f32 to vector<16xf32>
      %select_n3A_2266 = arith.select %eq3A_2263, %broadcast_in_dim3A_2265, %get3A_1997 : vector<16xi1>, vector<16xf32>
      %eq3A_2267 = arith.cmpi eq, %get3A_2048, %min3A_2246 : vector<16xi32>
      %jit3A_2268 = arith.constant 0xFF800000 : f32
      %broadcast_in_dim3A_2269 = vector.broadcast %jit3A_2268 : f32 to vector<16xf32>
      %select_n3A_2270 = arith.select %eq3A_2267, %broadcast_in_dim3A_2269, %get3A_2000 : vector<16xi1>, vector<16xf32>
      %eq3A_2271 = arith.cmpi eq, %get3A_2051, %min3A_2246 : vector<16xi32>
      %jit3A_2272 = arith.constant 0xFF800000 : f32
      %broadcast_in_dim3A_2273 = vector.broadcast %jit3A_2272 : f32 to vector<16xf32>
      %select_n3A_2274 = arith.select %eq3A_2271, %broadcast_in_dim3A_2273, %get3A_2003 : vector<16xi1>, vector<16xf32>
      %eq3A_2275 = arith.cmpi eq, %get3A_2054, %min3A_2246 : vector<16xi32>
      %jit3A_2276 = arith.constant 0xFF800000 : f32
      %broadcast_in_dim3A_2277 = vector.broadcast %jit3A_2276 : f32 to vector<16xf32>
      %select_n3A_2278 = arith.select %eq3A_2275, %broadcast_in_dim3A_2277, %get3A_2006 : vector<16xi1>, vector<16xf32>
      %eq3A_2279 = arith.cmpi eq, %get3A_2057, %min3A_2246 : vector<16xi32>
      %jit3A_2280 = arith.constant 0xFF800000 : f32
      %broadcast_in_dim3A_2281 = vector.broadcast %jit3A_2280 : f32 to vector<16xf32>
      %select_n3A_2282 = arith.select %eq3A_2279, %broadcast_in_dim3A_2281, %get3A_2009 : vector<16xi1>, vector<16xf32>
      %eq3A_2283 = arith.cmpi eq, %get3A_2060, %min3A_2246 : vector<16xi32>
      %jit3A_2284 = arith.constant 0xFF800000 : f32
      %broadcast_in_dim3A_2285 = vector.broadcast %jit3A_2284 : f32 to vector<16xf32>
      %select_n3A_2286 = arith.select %eq3A_2283, %broadcast_in_dim3A_2285, %get3A_2012 : vector<16xi1>, vector<16xf32>
      %eq3A_2287 = arith.cmpi eq, %get3A_2063, %min3A_2246 : vector<16xi32>
      %jit3A_2288 = arith.constant 0xFF800000 : f32
      %broadcast_in_dim3A_2289 = vector.broadcast %jit3A_2288 : f32 to vector<16xf32>
      %select_n3A_2290 = arith.select %eq3A_2287, %broadcast_in_dim3A_2289, %get3A_2015 : vector<16xi1>, vector<16xf32>
      %eq3A_2291 = arith.cmpi eq, %get3A_2066, %min3A_2246 : vector<16xi32>
      %jit3A_2292 = arith.constant 0xFF800000 : f32
      %broadcast_in_dim3A_2293 = vector.broadcast %jit3A_2292 : f32 to vector<16xf32>
      %select_n3A_2294 = arith.select %eq3A_2291, %broadcast_in_dim3A_2293, %get3A_2018 : vector<16xi1>, vector<16xf32>
      %eq3A_2295 = arith.cmpi eq, %get3A_2069, %min3A_2246 : vector<16xi32>
      %jit3A_2296 = arith.constant 0xFF800000 : f32
      %broadcast_in_dim3A_2297 = vector.broadcast %jit3A_2296 : f32 to vector<16xf32>
      %select_n3A_2298 = arith.select %eq3A_2295, %broadcast_in_dim3A_2297, %get3A_2021 : vector<16xi1>, vector<16xf32>
      %eq3A_2299 = arith.cmpi eq, %get3A_2072, %min3A_2246 : vector<16xi32>
      %jit3A_2300 = arith.constant 0xFF800000 : f32
      %broadcast_in_dim3A_2301 = vector.broadcast %jit3A_2300 : f32 to vector<16xf32>
      %select_n3A_2302 = arith.select %eq3A_2299, %broadcast_in_dim3A_2301, %get3A_2024 : vector<16xi1>, vector<16xf32>
      %eq3A_2303 = arith.cmpi eq, %get3A_2075, %min3A_2246 : vector<16xi32>
      %jit3A_2304 = arith.constant 0xFF800000 : f32
      %broadcast_in_dim3A_2305 = vector.broadcast %jit3A_2304 : f32 to vector<16xf32>
      %select_n3A_2306 = arith.select %eq3A_2303, %broadcast_in_dim3A_2305, %get3A_2027 : vector<16xi1>, vector<16xf32>
      %eq3A_2307 = arith.cmpi eq, %get3A_2078, %min3A_2246 : vector<16xi32>
      %jit3A_2308 = arith.constant 0xFF800000 : f32
      %broadcast_in_dim3A_2309 = vector.broadcast %jit3A_2308 : f32 to vector<16xf32>
      %select_n3A_2310 = arith.select %eq3A_2307, %broadcast_in_dim3A_2309, %get3A_2030 : vector<16xi1>, vector<16xf32>
      %eq3A_2311 = arith.cmpi eq, %get3A_2081, %min3A_2246 : vector<16xi32>
      %jit3A_2312 = arith.constant 0xFF800000 : f32
      %broadcast_in_dim3A_2313 = vector.broadcast %jit3A_2312 : f32 to vector<16xf32>
      %select_n3A_2314 = arith.select %eq3A_2311, %broadcast_in_dim3A_2313, %get3A_2033 : vector<16xi1>, vector<16xf32>
      %eq3A_2315 = arith.cmpi eq, %get3A_2084, %min3A_2246 : vector<16xi32>
      %jit3A_2316 = arith.constant 0xFF800000 : f32
      %broadcast_in_dim3A_2317 = vector.broadcast %jit3A_2316 : f32 to vector<16xf32>
      %select_n3A_2318 = arith.select %eq3A_2315, %broadcast_in_dim3A_2317, %get3A_2036 : vector<16xi1>, vector<16xf32>
      %max3A_2319 = arith.maximumf %select_n3A_2258, %select_n3A_2262 : vector<16xf32>
      %max3A_2320 = arith.maximumf %max3A_2319, %select_n3A_2266 : vector<16xf32>
      %max3A_2321 = arith.maximumf %max3A_2320, %select_n3A_2270 : vector<16xf32>
      %max3A_2322 = arith.maximumf %max3A_2321, %select_n3A_2274 : vector<16xf32>
      %max3A_2323 = arith.maximumf %max3A_2322, %select_n3A_2278 : vector<16xf32>
      %max3A_2324 = arith.maximumf %max3A_2323, %select_n3A_2282 : vector<16xf32>
      %max3A_2325 = arith.maximumf %max3A_2324, %select_n3A_2286 : vector<16xf32>
      %max3A_2326 = arith.maximumf %max3A_2325, %select_n3A_2290 : vector<16xf32>
      %max3A_2327 = arith.maximumf %max3A_2326, %select_n3A_2294 : vector<16xf32>
      %max3A_2328 = arith.maximumf %max3A_2327, %select_n3A_2298 : vector<16xf32>
      %max3A_2329 = arith.maximumf %max3A_2328, %select_n3A_2302 : vector<16xf32>
      %max3A_2330 = arith.maximumf %max3A_2329, %select_n3A_2306 : vector<16xf32>
      %max3A_2331 = arith.maximumf %max3A_2330, %select_n3A_2310 : vector<16xf32>
      %max3A_2332 = arith.maximumf %max3A_2331, %select_n3A_2314 : vector<16xf32>
      %max3A_2333 = arith.maximumf %max3A_2332, %select_n3A_2318 : vector<16xf32>
      %iota3A_2334 = tpu.iota {dimensions = array<i32: 0>} : vector<16xi32>
      %xor3A_2335 = arith.constant 8 : i32
      %xor3A_2336 = vector.broadcast %xor3A_2335 : i32 to vector<16xi32>
      %xor3A_2337 = arith.xori %iota3A_2334, %xor3A_2336 : vector<16xi32>
      %reshape3A_2338 = vector.shape_cast %xor3A_2337 : vector<16xi32> to vector<16x1xi32>
      %gather3A_2339 = vector.shape_cast %reshape3A_2338 : vector<16x1xi32> to vector<16xi32>
      %gather3A_2340 = tpu.dynamic_gather %max3A_2333[%gather3A_2339] in [0] : vector<16xf32>, vector<16xi32> -> vector<16xf32>
      %max3A_2341 = arith.maximumf %max3A_2333, %gather3A_2340 : vector<16xf32>
      %iota3A_2342 = tpu.iota {dimensions = array<i32: 0>} : vector<16xi32>
      %xor3A_2343 = arith.constant 4 : i32
      %xor3A_2344 = vector.broadcast %xor3A_2343 : i32 to vector<16xi32>
      %xor3A_2345 = arith.xori %iota3A_2342, %xor3A_2344 : vector<16xi32>
      %reshape3A_2346 = vector.shape_cast %xor3A_2345 : vector<16xi32> to vector<16x1xi32>
      %gather3A_2347 = vector.shape_cast %reshape3A_2346 : vector<16x1xi32> to vector<16xi32>
      %gather3A_2348 = tpu.dynamic_gather %max3A_2341[%gather3A_2347] in [0] : vector<16xf32>, vector<16xi32> -> vector<16xf32>
      %max3A_2349 = arith.maximumf %max3A_2341, %gather3A_2348 : vector<16xf32>
      %iota3A_2350 = tpu.iota {dimensions = array<i32: 0>} : vector<16xi32>
      %xor3A_2351 = arith.constant 2 : i32
      %xor3A_2352 = vector.broadcast %xor3A_2351 : i32 to vector<16xi32>
      %xor3A_2353 = arith.xori %iota3A_2350, %xor3A_2352 : vector<16xi32>
      %reshape3A_2354 = vector.shape_cast %xor3A_2353 : vector<16xi32> to vector<16x1xi32>
      %gather3A_2355 = vector.shape_cast %reshape3A_2354 : vector<16x1xi32> to vector<16xi32>
      %gather3A_2356 = tpu.dynamic_gather %max3A_2349[%gather3A_2355] in [0] : vector<16xf32>, vector<16xi32> -> vector<16xf32>
      %max3A_2357 = arith.maximumf %max3A_2349, %gather3A_2356 : vector<16xf32>
      %iota3A_2358 = tpu.iota {dimensions = array<i32: 0>} : vector<16xi32>
      %xor3A_2359 = arith.constant 1 : i32
      %xor3A_2360 = vector.broadcast %xor3A_2359 : i32 to vector<16xi32>
      %xor3A_2361 = arith.xori %iota3A_2358, %xor3A_2360 : vector<16xi32>
      %reshape3A_2362 = vector.shape_cast %xor3A_2361 : vector<16xi32> to vector<16x1xi32>
      %gather3A_2363 = vector.shape_cast %reshape3A_2362 : vector<16x1xi32> to vector<16xi32>
      %gather3A_2364 = tpu.dynamic_gather %max3A_2357[%gather3A_2363] in [0] : vector<16xf32>, vector<16xi32> -> vector<16xf32>
      %max3A_2365 = arith.maximumf %max3A_2357, %gather3A_2364 : vector<16xf32>
      %eq3A_2366 = arith.cmpf oeq, %select_n3A_2258, %max3A_2365 : vector<16xf32>
      %jit3A_2367 = arith.constant 4096 : i32
      %broadcast_in_dim3A_2368 = vector.broadcast %jit3A_2367 : i32 to vector<16xi32>
      %select_n3A_2369 = arith.select %eq3A_2366, %get3A_2039, %broadcast_in_dim3A_2368 : vector<16xi1>, vector<16xi32>
      %eq3A_2370 = arith.cmpf oeq, %select_n3A_2262, %max3A_2365 : vector<16xf32>
      %jit3A_2371 = arith.constant 4096 : i32
      %broadcast_in_dim3A_2372 = vector.broadcast %jit3A_2371 : i32 to vector<16xi32>
      %select_n3A_2373 = arith.select %eq3A_2370, %get3A_2042, %broadcast_in_dim3A_2372 : vector<16xi1>, vector<16xi32>
      %min3A_2374 = arith.minsi %select_n3A_2369, %select_n3A_2373 : vector<16xi32>
      %eq3A_2375 = arith.cmpf oeq, %select_n3A_2266, %max3A_2365 : vector<16xf32>
      %jit3A_2376 = arith.constant 4096 : i32
      %broadcast_in_dim3A_2377 = vector.broadcast %jit3A_2376 : i32 to vector<16xi32>
      %select_n3A_2378 = arith.select %eq3A_2375, %get3A_2045, %broadcast_in_dim3A_2377 : vector<16xi1>, vector<16xi32>
      %min3A_2379 = arith.minsi %min3A_2374, %select_n3A_2378 : vector<16xi32>
      %eq3A_2380 = arith.cmpf oeq, %select_n3A_2270, %max3A_2365 : vector<16xf32>
      %jit3A_2381 = arith.constant 4096 : i32
      %broadcast_in_dim3A_2382 = vector.broadcast %jit3A_2381 : i32 to vector<16xi32>
      %select_n3A_2383 = arith.select %eq3A_2380, %get3A_2048, %broadcast_in_dim3A_2382 : vector<16xi1>, vector<16xi32>
      %min3A_2384 = arith.minsi %min3A_2379, %select_n3A_2383 : vector<16xi32>
      %eq3A_2385 = arith.cmpf oeq, %select_n3A_2274, %max3A_2365 : vector<16xf32>
      %jit3A_2386 = arith.constant 4096 : i32
      %broadcast_in_dim3A_2387 = vector.broadcast %jit3A_2386 : i32 to vector<16xi32>
      %select_n3A_2388 = arith.select %eq3A_2385, %get3A_2051, %broadcast_in_dim3A_2387 : vector<16xi1>, vector<16xi32>
      %min3A_2389 = arith.minsi %min3A_2384, %select_n3A_2388 : vector<16xi32>
      %eq3A_2390 = arith.cmpf oeq, %select_n3A_2278, %max3A_2365 : vector<16xf32>
      %jit3A_2391 = arith.constant 4096 : i32
      %broadcast_in_dim3A_2392 = vector.broadcast %jit3A_2391 : i32 to vector<16xi32>
      %select_n3A_2393 = arith.select %eq3A_2390, %get3A_2054, %broadcast_in_dim3A_2392 : vector<16xi1>, vector<16xi32>
      %min3A_2394 = arith.minsi %min3A_2389, %select_n3A_2393 : vector<16xi32>
      %eq3A_2395 = arith.cmpf oeq, %select_n3A_2282, %max3A_2365 : vector<16xf32>
      %jit3A_2396 = arith.constant 4096 : i32
      %broadcast_in_dim3A_2397 = vector.broadcast %jit3A_2396 : i32 to vector<16xi32>
      %select_n3A_2398 = arith.select %eq3A_2395, %get3A_2057, %broadcast_in_dim3A_2397 : vector<16xi1>, vector<16xi32>
      %min3A_2399 = arith.minsi %min3A_2394, %select_n3A_2398 : vector<16xi32>
      %eq3A_2400 = arith.cmpf oeq, %select_n3A_2286, %max3A_2365 : vector<16xf32>
      %jit3A_2401 = arith.constant 4096 : i32
      %broadcast_in_dim3A_2402 = vector.broadcast %jit3A_2401 : i32 to vector<16xi32>
      %select_n3A_2403 = arith.select %eq3A_2400, %get3A_2060, %broadcast_in_dim3A_2402 : vector<16xi1>, vector<16xi32>
      %min3A_2404 = arith.minsi %min3A_2399, %select_n3A_2403 : vector<16xi32>
      %eq3A_2405 = arith.cmpf oeq, %select_n3A_2290, %max3A_2365 : vector<16xf32>
      %jit3A_2406 = arith.constant 4096 : i32
      %broadcast_in_dim3A_2407 = vector.broadcast %jit3A_2406 : i32 to vector<16xi32>
      %select_n3A_2408 = arith.select %eq3A_2405, %get3A_2063, %broadcast_in_dim3A_2407 : vector<16xi1>, vector<16xi32>
      %min3A_2409 = arith.minsi %min3A_2404, %select_n3A_2408 : vector<16xi32>
      %eq3A_2410 = arith.cmpf oeq, %select_n3A_2294, %max3A_2365 : vector<16xf32>
      %jit3A_2411 = arith.constant 4096 : i32
      %broadcast_in_dim3A_2412 = vector.broadcast %jit3A_2411 : i32 to vector<16xi32>
      %select_n3A_2413 = arith.select %eq3A_2410, %get3A_2066, %broadcast_in_dim3A_2412 : vector<16xi1>, vector<16xi32>
      %min3A_2414 = arith.minsi %min3A_2409, %select_n3A_2413 : vector<16xi32>
      %eq3A_2415 = arith.cmpf oeq, %select_n3A_2298, %max3A_2365 : vector<16xf32>
      %jit3A_2416 = arith.constant 4096 : i32
      %broadcast_in_dim3A_2417 = vector.broadcast %jit3A_2416 : i32 to vector<16xi32>
      %select_n3A_2418 = arith.select %eq3A_2415, %get3A_2069, %broadcast_in_dim3A_2417 : vector<16xi1>, vector<16xi32>
      %min3A_2419 = arith.minsi %min3A_2414, %select_n3A_2418 : vector<16xi32>
      %eq3A_2420 = arith.cmpf oeq, %select_n3A_2302, %max3A_2365 : vector<16xf32>
      %jit3A_2421 = arith.constant 4096 : i32
      %broadcast_in_dim3A_2422 = vector.broadcast %jit3A_2421 : i32 to vector<16xi32>
      %select_n3A_2423 = arith.select %eq3A_2420, %get3A_2072, %broadcast_in_dim3A_2422 : vector<16xi1>, vector<16xi32>
      %min3A_2424 = arith.minsi %min3A_2419, %select_n3A_2423 : vector<16xi32>
      %eq3A_2425 = arith.cmpf oeq, %select_n3A_2306, %max3A_2365 : vector<16xf32>
      %jit3A_2426 = arith.constant 4096 : i32
      %broadcast_in_dim3A_2427 = vector.broadcast %jit3A_2426 : i32 to vector<16xi32>
      %select_n3A_2428 = arith.select %eq3A_2425, %get3A_2075, %broadcast_in_dim3A_2427 : vector<16xi1>, vector<16xi32>
      %min3A_2429 = arith.minsi %min3A_2424, %select_n3A_2428 : vector<16xi32>
      %eq3A_2430 = arith.cmpf oeq, %select_n3A_2310, %max3A_2365 : vector<16xf32>
      %jit3A_2431 = arith.constant 4096 : i32
      %broadcast_in_dim3A_2432 = vector.broadcast %jit3A_2431 : i32 to vector<16xi32>
      %select_n3A_2433 = arith.select %eq3A_2430, %get3A_2078, %broadcast_in_dim3A_2432 : vector<16xi1>, vector<16xi32>
      %min3A_2434 = arith.minsi %min3A_2429, %select_n3A_2433 : vector<16xi32>
      %eq3A_2435 = arith.cmpf oeq, %select_n3A_2314, %max3A_2365 : vector<16xf32>
      %jit3A_2436 = arith.constant 4096 : i32
      %broadcast_in_dim3A_2437 = vector.broadcast %jit3A_2436 : i32 to vector<16xi32>
      %select_n3A_2438 = arith.select %eq3A_2435, %get3A_2081, %broadcast_in_dim3A_2437 : vector<16xi1>, vector<16xi32>
      %min3A_2439 = arith.minsi %min3A_2434, %select_n3A_2438 : vector<16xi32>
      %eq3A_2440 = arith.cmpf oeq, %select_n3A_2318, %max3A_2365 : vector<16xf32>
      %jit3A_2441 = arith.constant 4096 : i32
      %broadcast_in_dim3A_2442 = vector.broadcast %jit3A_2441 : i32 to vector<16xi32>
      %select_n3A_2443 = arith.select %eq3A_2440, %get3A_2084, %broadcast_in_dim3A_2442 : vector<16xi1>, vector<16xi32>
      %min3A_2444 = arith.minsi %min3A_2439, %select_n3A_2443 : vector<16xi32>
      %iota3A_2445 = tpu.iota {dimensions = array<i32: 0>} : vector<16xi32>
      %xor3A_2446 = arith.constant 8 : i32
      %xor3A_2447 = vector.broadcast %xor3A_2446 : i32 to vector<16xi32>
      %xor3A_2448 = arith.xori %iota3A_2445, %xor3A_2447 : vector<16xi32>
      %reshape3A_2449 = vector.shape_cast %xor3A_2448 : vector<16xi32> to vector<16x1xi32>
      %gather3A_2450 = vector.shape_cast %reshape3A_2449 : vector<16x1xi32> to vector<16xi32>
      %gather3A_2451 = tpu.dynamic_gather %min3A_2444[%gather3A_2450] in [0] : vector<16xi32>, vector<16xi32> -> vector<16xi32>
      %min3A_2452 = arith.minsi %min3A_2444, %gather3A_2451 : vector<16xi32>
      %iota3A_2453 = tpu.iota {dimensions = array<i32: 0>} : vector<16xi32>
      %xor3A_2454 = arith.constant 4 : i32
      %xor3A_2455 = vector.broadcast %xor3A_2454 : i32 to vector<16xi32>
      %xor3A_2456 = arith.xori %iota3A_2453, %xor3A_2455 : vector<16xi32>
      %reshape3A_2457 = vector.shape_cast %xor3A_2456 : vector<16xi32> to vector<16x1xi32>
      %gather3A_2458 = vector.shape_cast %reshape3A_2457 : vector<16x1xi32> to vector<16xi32>
      %gather3A_2459 = tpu.dynamic_gather %min3A_2452[%gather3A_2458] in [0] : vector<16xi32>, vector<16xi32> -> vector<16xi32>
      %min3A_2460 = arith.minsi %min3A_2452, %gather3A_2459 : vector<16xi32>
      %iota3A_2461 = tpu.iota {dimensions = array<i32: 0>} : vector<16xi32>
      %xor3A_2462 = arith.constant 2 : i32
      %xor3A_2463 = vector.broadcast %xor3A_2462 : i32 to vector<16xi32>
      %xor3A_2464 = arith.xori %iota3A_2461, %xor3A_2463 : vector<16xi32>
      %reshape3A_2465 = vector.shape_cast %xor3A_2464 : vector<16xi32> to vector<16x1xi32>
      %gather3A_2466 = vector.shape_cast %reshape3A_2465 : vector<16x1xi32> to vector<16xi32>
      %gather3A_2467 = tpu.dynamic_gather %min3A_2460[%gather3A_2466] in [0] : vector<16xi32>, vector<16xi32> -> vector<16xi32>
      %min3A_2468 = arith.minsi %min3A_2460, %gather3A_2467 : vector<16xi32>
      %iota3A_2469 = tpu.iota {dimensions = array<i32: 0>} : vector<16xi32>
      %xor3A_2470 = arith.constant 1 : i32
      %xor3A_2471 = vector.broadcast %xor3A_2470 : i32 to vector<16xi32>
      %xor3A_2472 = arith.xori %iota3A_2469, %xor3A_2471 : vector<16xi32>
      %reshape3A_2473 = vector.shape_cast %xor3A_2472 : vector<16xi32> to vector<16x1xi32>
      %gather3A_2474 = vector.shape_cast %reshape3A_2473 : vector<16x1xi32> to vector<16xi32>
      %gather3A_2475 = tpu.dynamic_gather %min3A_2468[%gather3A_2474] in [0] : vector<16xi32>, vector<16xi32> -> vector<16xi32>
      %min3A_2476 = arith.minsi %min3A_2468, %gather3A_2475 : vector<16xi32>
      %eq3A_2477 = arith.constant 1 : i32
      %eq3A_2478 = vector.broadcast %eq3A_2477 : i32 to vector<16xi32>
      %eq3A_2479 = arith.cmpi eq, %iota3A_134, %eq3A_2478 : vector<16xi32>
      %select_n3A_2480 = arith.select %eq3A_2479, %max3A_2365, %select_n3A_2250 : vector<16xi1>, vector<16xf32>
      %eq3A_2481 = arith.constant 1 : i32
      %eq3A_2482 = vector.broadcast %eq3A_2481 : i32 to vector<16xi32>
      %eq3A_2483 = arith.cmpi eq, %iota3A_134, %eq3A_2482 : vector<16xi32>
      %select_n3A_2484 = arith.select %eq3A_2483, %min3A_2476, %select_n3A_2254 : vector<16xi1>, vector<16xi32>
      %eq3A_2485 = arith.cmpi eq, %get3A_2039, %min3A_2476 : vector<16xi32>
      %jit3A_2486 = arith.constant 0xFF800000 : f32
      %broadcast_in_dim3A_2487 = vector.broadcast %jit3A_2486 : f32 to vector<16xf32>
      %select_n3A_2488 = arith.select %eq3A_2485, %broadcast_in_dim3A_2487, %select_n3A_2258 : vector<16xi1>, vector<16xf32>
      %eq3A_2489 = arith.cmpi eq, %get3A_2042, %min3A_2476 : vector<16xi32>
      %jit3A_2490 = arith.constant 0xFF800000 : f32
      %broadcast_in_dim3A_2491 = vector.broadcast %jit3A_2490 : f32 to vector<16xf32>
      %select_n3A_2492 = arith.select %eq3A_2489, %broadcast_in_dim3A_2491, %select_n3A_2262 : vector<16xi1>, vector<16xf32>
      %eq3A_2493 = arith.cmpi eq, %get3A_2045, %min3A_2476 : vector<16xi32>
      %jit3A_2494 = arith.constant 0xFF800000 : f32
      %broadcast_in_dim3A_2495 = vector.broadcast %jit3A_2494 : f32 to vector<16xf32>
      %select_n3A_2496 = arith.select %eq3A_2493, %broadcast_in_dim3A_2495, %select_n3A_2266 : vector<16xi1>, vector<16xf32>
      %eq3A_2497 = arith.cmpi eq, %get3A_2048, %min3A_2476 : vector<16xi32>
      %jit3A_2498 = arith.constant 0xFF800000 : f32
      %broadcast_in_dim3A_2499 = vector.broadcast %jit3A_2498 : f32 to vector<16xf32>
      %select_n3A_2500 = arith.select %eq3A_2497, %broadcast_in_dim3A_2499, %select_n3A_2270 : vector<16xi1>, vector<16xf32>
      %eq3A_2501 = arith.cmpi eq, %get3A_2051, %min3A_2476 : vector<16xi32>
      %jit3A_2502 = arith.constant 0xFF800000 : f32
      %broadcast_in_dim3A_2503 = vector.broadcast %jit3A_2502 : f32 to vector<16xf32>
      %select_n3A_2504 = arith.select %eq3A_2501, %broadcast_in_dim3A_2503, %select_n3A_2274 : vector<16xi1>, vector<16xf32>
      %eq3A_2505 = arith.cmpi eq, %get3A_2054, %min3A_2476 : vector<16xi32>
      %jit3A_2506 = arith.constant 0xFF800000 : f32
      %broadcast_in_dim3A_2507 = vector.broadcast %jit3A_2506 : f32 to vector<16xf32>
      %select_n3A_2508 = arith.select %eq3A_2505, %broadcast_in_dim3A_2507, %select_n3A_2278 : vector<16xi1>, vector<16xf32>
      %eq3A_2509 = arith.cmpi eq, %get3A_2057, %min3A_2476 : vector<16xi32>
      %jit3A_2510 = arith.constant 0xFF800000 : f32
      %broadcast_in_dim3A_2511 = vector.broadcast %jit3A_2510 : f32 to vector<16xf32>
      %select_n3A_2512 = arith.select %eq3A_2509, %broadcast_in_dim3A_2511, %select_n3A_2282 : vector<16xi1>, vector<16xf32>
      %eq3A_2513 = arith.cmpi eq, %get3A_2060, %min3A_2476 : vector<16xi32>
      %jit3A_2514 = arith.constant 0xFF800000 : f32
      %broadcast_in_dim3A_2515 = vector.broadcast %jit3A_2514 : f32 to vector<16xf32>
      %select_n3A_2516 = arith.select %eq3A_2513, %broadcast_in_dim3A_2515, %select_n3A_2286 : vector<16xi1>, vector<16xf32>
      %eq3A_2517 = arith.cmpi eq, %get3A_2063, %min3A_2476 : vector<16xi32>
      %jit3A_2518 = arith.constant 0xFF800000 : f32
      %broadcast_in_dim3A_2519 = vector.broadcast %jit3A_2518 : f32 to vector<16xf32>
      %select_n3A_2520 = arith.select %eq3A_2517, %broadcast_in_dim3A_2519, %select_n3A_2290 : vector<16xi1>, vector<16xf32>
      %eq3A_2521 = arith.cmpi eq, %get3A_2066, %min3A_2476 : vector<16xi32>
      %jit3A_2522 = arith.constant 0xFF800000 : f32
      %broadcast_in_dim3A_2523 = vector.broadcast %jit3A_2522 : f32 to vector<16xf32>
      %select_n3A_2524 = arith.select %eq3A_2521, %broadcast_in_dim3A_2523, %select_n3A_2294 : vector<16xi1>, vector<16xf32>
      %eq3A_2525 = arith.cmpi eq, %get3A_2069, %min3A_2476 : vector<16xi32>
      %jit3A_2526 = arith.constant 0xFF800000 : f32
      %broadcast_in_dim3A_2527 = vector.broadcast %jit3A_2526 : f32 to vector<16xf32>
      %select_n3A_2528 = arith.select %eq3A_2525, %broadcast_in_dim3A_2527, %select_n3A_2298 : vector<16xi1>, vector<16xf32>
      %eq3A_2529 = arith.cmpi eq, %get3A_2072, %min3A_2476 : vector<16xi32>
      %jit3A_2530 = arith.constant 0xFF800000 : f32
      %broadcast_in_dim3A_2531 = vector.broadcast %jit3A_2530 : f32 to vector<16xf32>
      %select_n3A_2532 = arith.select %eq3A_2529, %broadcast_in_dim3A_2531, %select_n3A_2302 : vector<16xi1>, vector<16xf32>
      %eq3A_2533 = arith.cmpi eq, %get3A_2075, %min3A_2476 : vector<16xi32>
      %jit3A_2534 = arith.constant 0xFF800000 : f32
      %broadcast_in_dim3A_2535 = vector.broadcast %jit3A_2534 : f32 to vector<16xf32>
      %select_n3A_2536 = arith.select %eq3A_2533, %broadcast_in_dim3A_2535, %select_n3A_2306 : vector<16xi1>, vector<16xf32>
      %eq3A_2537 = arith.cmpi eq, %get3A_2078, %min3A_2476 : vector<16xi32>
      %jit3A_2538 = arith.constant 0xFF800000 : f32
      %broadcast_in_dim3A_2539 = vector.broadcast %jit3A_2538 : f32 to vector<16xf32>
      %select_n3A_2540 = arith.select %eq3A_2537, %broadcast_in_dim3A_2539, %select_n3A_2310 : vector<16xi1>, vector<16xf32>
      %eq3A_2541 = arith.cmpi eq, %get3A_2081, %min3A_2476 : vector<16xi32>
      %jit3A_2542 = arith.constant 0xFF800000 : f32
      %broadcast_in_dim3A_2543 = vector.broadcast %jit3A_2542 : f32 to vector<16xf32>
      %select_n3A_2544 = arith.select %eq3A_2541, %broadcast_in_dim3A_2543, %select_n3A_2314 : vector<16xi1>, vector<16xf32>
      %eq3A_2545 = arith.cmpi eq, %get3A_2084, %min3A_2476 : vector<16xi32>
      %jit3A_2546 = arith.constant 0xFF800000 : f32
      %broadcast_in_dim3A_2547 = vector.broadcast %jit3A_2546 : f32 to vector<16xf32>
      %select_n3A_2548 = arith.select %eq3A_2545, %broadcast_in_dim3A_2547, %select_n3A_2318 : vector<16xi1>, vector<16xf32>
      %max3A_2549 = arith.maximumf %select_n3A_2488, %select_n3A_2492 : vector<16xf32>
      %max3A_2550 = arith.maximumf %max3A_2549, %select_n3A_2496 : vector<16xf32>
      %max3A_2551 = arith.maximumf %max3A_2550, %select_n3A_2500 : vector<16xf32>
      %max3A_2552 = arith.maximumf %max3A_2551, %select_n3A_2504 : vector<16xf32>
      %max3A_2553 = arith.maximumf %max3A_2552, %select_n3A_2508 : vector<16xf32>
      %max3A_2554 = arith.maximumf %max3A_2553, %select_n3A_2512 : vector<16xf32>
      %max3A_2555 = arith.maximumf %max3A_2554, %select_n3A_2516 : vector<16xf32>
      %max3A_2556 = arith.maximumf %max3A_2555, %select_n3A_2520 : vector<16xf32>
      %max3A_2557 = arith.maximumf %max3A_2556, %select_n3A_2524 : vector<16xf32>
      %max3A_2558 = arith.maximumf %max3A_2557, %select_n3A_2528 : vector<16xf32>
      %max3A_2559 = arith.maximumf %max3A_2558, %select_n3A_2532 : vector<16xf32>
      %max3A_2560 = arith.maximumf %max3A_2559, %select_n3A_2536 : vector<16xf32>
      %max3A_2561 = arith.maximumf %max3A_2560, %select_n3A_2540 : vector<16xf32>
      %max3A_2562 = arith.maximumf %max3A_2561, %select_n3A_2544 : vector<16xf32>
      %max3A_2563 = arith.maximumf %max3A_2562, %select_n3A_2548 : vector<16xf32>
      %iota3A_2564 = tpu.iota {dimensions = array<i32: 0>} : vector<16xi32>
      %xor3A_2565 = arith.constant 8 : i32
      %xor3A_2566 = vector.broadcast %xor3A_2565 : i32 to vector<16xi32>
      %xor3A_2567 = arith.xori %iota3A_2564, %xor3A_2566 : vector<16xi32>
      %reshape3A_2568 = vector.shape_cast %xor3A_2567 : vector<16xi32> to vector<16x1xi32>
      %gather3A_2569 = vector.shape_cast %reshape3A_2568 : vector<16x1xi32> to vector<16xi32>
      %gather3A_2570 = tpu.dynamic_gather %max3A_2563[%gather3A_2569] in [0] : vector<16xf32>, vector<16xi32> -> vector<16xf32>
      %max3A_2571 = arith.maximumf %max3A_2563, %gather3A_2570 : vector<16xf32>
      %iota3A_2572 = tpu.iota {dimensions = array<i32: 0>} : vector<16xi32>
      %xor3A_2573 = arith.constant 4 : i32
      %xor3A_2574 = vector.broadcast %xor3A_2573 : i32 to vector<16xi32>
      %xor3A_2575 = arith.xori %iota3A_2572, %xor3A_2574 : vector<16xi32>
      %reshape3A_2576 = vector.shape_cast %xor3A_2575 : vector<16xi32> to vector<16x1xi32>
      %gather3A_2577 = vector.shape_cast %reshape3A_2576 : vector<16x1xi32> to vector<16xi32>
      %gather3A_2578 = tpu.dynamic_gather %max3A_2571[%gather3A_2577] in [0] : vector<16xf32>, vector<16xi32> -> vector<16xf32>
      %max3A_2579 = arith.maximumf %max3A_2571, %gather3A_2578 : vector<16xf32>
      %iota3A_2580 = tpu.iota {dimensions = array<i32: 0>} : vector<16xi32>
      %xor3A_2581 = arith.constant 2 : i32
      %xor3A_2582 = vector.broadcast %xor3A_2581 : i32 to vector<16xi32>
      %xor3A_2583 = arith.xori %iota3A_2580, %xor3A_2582 : vector<16xi32>
      %reshape3A_2584 = vector.shape_cast %xor3A_2583 : vector<16xi32> to vector<16x1xi32>
      %gather3A_2585 = vector.shape_cast %reshape3A_2584 : vector<16x1xi32> to vector<16xi32>
      %gather3A_2586 = tpu.dynamic_gather %max3A_2579[%gather3A_2585] in [0] : vector<16xf32>, vector<16xi32> -> vector<16xf32>
      %max3A_2587 = arith.maximumf %max3A_2579, %gather3A_2586 : vector<16xf32>
      %iota3A_2588 = tpu.iota {dimensions = array<i32: 0>} : vector<16xi32>
      %xor3A_2589 = arith.constant 1 : i32
      %xor3A_2590 = vector.broadcast %xor3A_2589 : i32 to vector<16xi32>
      %xor3A_2591 = arith.xori %iota3A_2588, %xor3A_2590 : vector<16xi32>
      %reshape3A_2592 = vector.shape_cast %xor3A_2591 : vector<16xi32> to vector<16x1xi32>
      %gather3A_2593 = vector.shape_cast %reshape3A_2592 : vector<16x1xi32> to vector<16xi32>
      %gather3A_2594 = tpu.dynamic_gather %max3A_2587[%gather3A_2593] in [0] : vector<16xf32>, vector<16xi32> -> vector<16xf32>
      %max3A_2595 = arith.maximumf %max3A_2587, %gather3A_2594 : vector<16xf32>
      %eq3A_2596 = arith.cmpf oeq, %select_n3A_2488, %max3A_2595 : vector<16xf32>
      %jit3A_2597 = arith.constant 4096 : i32
      %broadcast_in_dim3A_2598 = vector.broadcast %jit3A_2597 : i32 to vector<16xi32>
      %select_n3A_2599 = arith.select %eq3A_2596, %get3A_2039, %broadcast_in_dim3A_2598 : vector<16xi1>, vector<16xi32>
      %eq3A_2600 = arith.cmpf oeq, %select_n3A_2492, %max3A_2595 : vector<16xf32>
      %jit3A_2601 = arith.constant 4096 : i32
      %broadcast_in_dim3A_2602 = vector.broadcast %jit3A_2601 : i32 to vector<16xi32>
      %select_n3A_2603 = arith.select %eq3A_2600, %get3A_2042, %broadcast_in_dim3A_2602 : vector<16xi1>, vector<16xi32>
      %min3A_2604 = arith.minsi %select_n3A_2599, %select_n3A_2603 : vector<16xi32>
      %eq3A_2605 = arith.cmpf oeq, %select_n3A_2496, %max3A_2595 : vector<16xf32>
      %jit3A_2606 = arith.constant 4096 : i32
      %broadcast_in_dim3A_2607 = vector.broadcast %jit3A_2606 : i32 to vector<16xi32>
      %select_n3A_2608 = arith.select %eq3A_2605, %get3A_2045, %broadcast_in_dim3A_2607 : vector<16xi1>, vector<16xi32>
      %min3A_2609 = arith.minsi %min3A_2604, %select_n3A_2608 : vector<16xi32>
      %eq3A_2610 = arith.cmpf oeq, %select_n3A_2500, %max3A_2595 : vector<16xf32>
      %jit3A_2611 = arith.constant 4096 : i32
      %broadcast_in_dim3A_2612 = vector.broadcast %jit3A_2611 : i32 to vector<16xi32>
      %select_n3A_2613 = arith.select %eq3A_2610, %get3A_2048, %broadcast_in_dim3A_2612 : vector<16xi1>, vector<16xi32>
      %min3A_2614 = arith.minsi %min3A_2609, %select_n3A_2613 : vector<16xi32>
      %eq3A_2615 = arith.cmpf oeq, %select_n3A_2504, %max3A_2595 : vector<16xf32>
      %jit3A_2616 = arith.constant 4096 : i32
      %broadcast_in_dim3A_2617 = vector.broadcast %jit3A_2616 : i32 to vector<16xi32>
      %select_n3A_2618 = arith.select %eq3A_2615, %get3A_2051, %broadcast_in_dim3A_2617 : vector<16xi1>, vector<16xi32>
      %min3A_2619 = arith.minsi %min3A_2614, %select_n3A_2618 : vector<16xi32>
      %eq3A_2620 = arith.cmpf oeq, %select_n3A_2508, %max3A_2595 : vector<16xf32>
      %jit3A_2621 = arith.constant 4096 : i32
      %broadcast_in_dim3A_2622 = vector.broadcast %jit3A_2621 : i32 to vector<16xi32>
      %select_n3A_2623 = arith.select %eq3A_2620, %get3A_2054, %broadcast_in_dim3A_2622 : vector<16xi1>, vector<16xi32>
      %min3A_2624 = arith.minsi %min3A_2619, %select_n3A_2623 : vector<16xi32>
      %eq3A_2625 = arith.cmpf oeq, %select_n3A_2512, %max3A_2595 : vector<16xf32>
      %jit3A_2626 = arith.constant 4096 : i32
      %broadcast_in_dim3A_2627 = vector.broadcast %jit3A_2626 : i32 to vector<16xi32>
      %select_n3A_2628 = arith.select %eq3A_2625, %get3A_2057, %broadcast_in_dim3A_2627 : vector<16xi1>, vector<16xi32>
      %min3A_2629 = arith.minsi %min3A_2624, %select_n3A_2628 : vector<16xi32>
      %eq3A_2630 = arith.cmpf oeq, %select_n3A_2516, %max3A_2595 : vector<16xf32>
      %jit3A_2631 = arith.constant 4096 : i32
      %broadcast_in_dim3A_2632 = vector.broadcast %jit3A_2631 : i32 to vector<16xi32>
      %select_n3A_2633 = arith.select %eq3A_2630, %get3A_2060, %broadcast_in_dim3A_2632 : vector<16xi1>, vector<16xi32>
      %min3A_2634 = arith.minsi %min3A_2629, %select_n3A_2633 : vector<16xi32>
      %eq3A_2635 = arith.cmpf oeq, %select_n3A_2520, %max3A_2595 : vector<16xf32>
      %jit3A_2636 = arith.constant 4096 : i32
      %broadcast_in_dim3A_2637 = vector.broadcast %jit3A_2636 : i32 to vector<16xi32>
      %select_n3A_2638 = arith.select %eq3A_2635, %get3A_2063, %broadcast_in_dim3A_2637 : vector<16xi1>, vector<16xi32>
      %min3A_2639 = arith.minsi %min3A_2634, %select_n3A_2638 : vector<16xi32>
      %eq3A_2640 = arith.cmpf oeq, %select_n3A_2524, %max3A_2595 : vector<16xf32>
      %jit3A_2641 = arith.constant 4096 : i32
      %broadcast_in_dim3A_2642 = vector.broadcast %jit3A_2641 : i32 to vector<16xi32>
      %select_n3A_2643 = arith.select %eq3A_2640, %get3A_2066, %broadcast_in_dim3A_2642 : vector<16xi1>, vector<16xi32>
      %min3A_2644 = arith.minsi %min3A_2639, %select_n3A_2643 : vector<16xi32>
      %eq3A_2645 = arith.cmpf oeq, %select_n3A_2528, %max3A_2595 : vector<16xf32>
      %jit3A_2646 = arith.constant 4096 : i32
      %broadcast_in_dim3A_2647 = vector.broadcast %jit3A_2646 : i32 to vector<16xi32>
      %select_n3A_2648 = arith.select %eq3A_2645, %get3A_2069, %broadcast_in_dim3A_2647 : vector<16xi1>, vector<16xi32>
      %min3A_2649 = arith.minsi %min3A_2644, %select_n3A_2648 : vector<16xi32>
      %eq3A_2650 = arith.cmpf oeq, %select_n3A_2532, %max3A_2595 : vector<16xf32>
      %jit3A_2651 = arith.constant 4096 : i32
      %broadcast_in_dim3A_2652 = vector.broadcast %jit3A_2651 : i32 to vector<16xi32>
      %select_n3A_2653 = arith.select %eq3A_2650, %get3A_2072, %broadcast_in_dim3A_2652 : vector<16xi1>, vector<16xi32>
      %min3A_2654 = arith.minsi %min3A_2649, %select_n3A_2653 : vector<16xi32>
      %eq3A_2655 = arith.cmpf oeq, %select_n3A_2536, %max3A_2595 : vector<16xf32>
      %jit3A_2656 = arith.constant 4096 : i32
      %broadcast_in_dim3A_2657 = vector.broadcast %jit3A_2656 : i32 to vector<16xi32>
      %select_n3A_2658 = arith.select %eq3A_2655, %get3A_2075, %broadcast_in_dim3A_2657 : vector<16xi1>, vector<16xi32>
      %min3A_2659 = arith.minsi %min3A_2654, %select_n3A_2658 : vector<16xi32>
      %eq3A_2660 = arith.cmpf oeq, %select_n3A_2540, %max3A_2595 : vector<16xf32>
      %jit3A_2661 = arith.constant 4096 : i32
      %broadcast_in_dim3A_2662 = vector.broadcast %jit3A_2661 : i32 to vector<16xi32>
      %select_n3A_2663 = arith.select %eq3A_2660, %get3A_2078, %broadcast_in_dim3A_2662 : vector<16xi1>, vector<16xi32>
      %min3A_2664 = arith.minsi %min3A_2659, %select_n3A_2663 : vector<16xi32>
      %eq3A_2665 = arith.cmpf oeq, %select_n3A_2544, %max3A_2595 : vector<16xf32>
      %jit3A_2666 = arith.constant 4096 : i32
      %broadcast_in_dim3A_2667 = vector.broadcast %jit3A_2666 : i32 to vector<16xi32>
      %select_n3A_2668 = arith.select %eq3A_2665, %get3A_2081, %broadcast_in_dim3A_2667 : vector<16xi1>, vector<16xi32>
      %min3A_2669 = arith.minsi %min3A_2664, %select_n3A_2668 : vector<16xi32>
      %eq3A_2670 = arith.cmpf oeq, %select_n3A_2548, %max3A_2595 : vector<16xf32>
      %jit3A_2671 = arith.constant 4096 : i32
      %broadcast_in_dim3A_2672 = vector.broadcast %jit3A_2671 : i32 to vector<16xi32>
      %select_n3A_2673 = arith.select %eq3A_2670, %get3A_2084, %broadcast_in_dim3A_2672 : vector<16xi1>, vector<16xi32>
      %min3A_2674 = arith.minsi %min3A_2669, %select_n3A_2673 : vector<16xi32>
      %iota3A_2675 = tpu.iota {dimensions = array<i32: 0>} : vector<16xi32>
      %xor3A_2676 = arith.constant 8 : i32
      %xor3A_2677 = vector.broadcast %xor3A_2676 : i32 to vector<16xi32>
      %xor3A_2678 = arith.xori %iota3A_2675, %xor3A_2677 : vector<16xi32>
      %reshape3A_2679 = vector.shape_cast %xor3A_2678 : vector<16xi32> to vector<16x1xi32>
      %gather3A_2680 = vector.shape_cast %reshape3A_2679 : vector<16x1xi32> to vector<16xi32>
      %gather3A_2681 = tpu.dynamic_gather %min3A_2674[%gather3A_2680] in [0] : vector<16xi32>, vector<16xi32> -> vector<16xi32>
      %min3A_2682 = arith.minsi %min3A_2674, %gather3A_2681 : vector<16xi32>
      %iota3A_2683 = tpu.iota {dimensions = array<i32: 0>} : vector<16xi32>
      %xor3A_2684 = arith.constant 4 : i32
      %xor3A_2685 = vector.broadcast %xor3A_2684 : i32 to vector<16xi32>
      %xor3A_2686 = arith.xori %iota3A_2683, %xor3A_2685 : vector<16xi32>
      %reshape3A_2687 = vector.shape_cast %xor3A_2686 : vector<16xi32> to vector<16x1xi32>
      %gather3A_2688 = vector.shape_cast %reshape3A_2687 : vector<16x1xi32> to vector<16xi32>
      %gather3A_2689 = tpu.dynamic_gather %min3A_2682[%gather3A_2688] in [0] : vector<16xi32>, vector<16xi32> -> vector<16xi32>
      %min3A_2690 = arith.minsi %min3A_2682, %gather3A_2689 : vector<16xi32>
      %iota3A_2691 = tpu.iota {dimensions = array<i32: 0>} : vector<16xi32>
      %xor3A_2692 = arith.constant 2 : i32
      %xor3A_2693 = vector.broadcast %xor3A_2692 : i32 to vector<16xi32>
      %xor3A_2694 = arith.xori %iota3A_2691, %xor3A_2693 : vector<16xi32>
      %reshape3A_2695 = vector.shape_cast %xor3A_2694 : vector<16xi32> to vector<16x1xi32>
      %gather3A_2696 = vector.shape_cast %reshape3A_2695 : vector<16x1xi32> to vector<16xi32>
      %gather3A_2697 = tpu.dynamic_gather %min3A_2690[%gather3A_2696] in [0] : vector<16xi32>, vector<16xi32> -> vector<16xi32>
      %min3A_2698 = arith.minsi %min3A_2690, %gather3A_2697 : vector<16xi32>
      %iota3A_2699 = tpu.iota {dimensions = array<i32: 0>} : vector<16xi32>
      %xor3A_2700 = arith.constant 1 : i32
      %xor3A_2701 = vector.broadcast %xor3A_2700 : i32 to vector<16xi32>
      %xor3A_2702 = arith.xori %iota3A_2699, %xor3A_2701 : vector<16xi32>
      %reshape3A_2703 = vector.shape_cast %xor3A_2702 : vector<16xi32> to vector<16x1xi32>
      %gather3A_2704 = vector.shape_cast %reshape3A_2703 : vector<16x1xi32> to vector<16xi32>
      %gather3A_2705 = tpu.dynamic_gather %min3A_2698[%gather3A_2704] in [0] : vector<16xi32>, vector<16xi32> -> vector<16xi32>
      %min3A_2706 = arith.minsi %min3A_2698, %gather3A_2705 : vector<16xi32>
      %eq3A_2707 = arith.constant 2 : i32
      %eq3A_2708 = vector.broadcast %eq3A_2707 : i32 to vector<16xi32>
      %eq3A_2709 = arith.cmpi eq, %iota3A_134, %eq3A_2708 : vector<16xi32>
      %select_n3A_2710 = arith.select %eq3A_2709, %max3A_2595, %select_n3A_2480 : vector<16xi1>, vector<16xf32>
      %eq3A_2711 = arith.constant 2 : i32
      %eq3A_2712 = vector.broadcast %eq3A_2711 : i32 to vector<16xi32>
      %eq3A_2713 = arith.cmpi eq, %iota3A_134, %eq3A_2712 : vector<16xi32>
      %select_n3A_2714 = arith.select %eq3A_2713, %min3A_2706, %select_n3A_2484 : vector<16xi1>, vector<16xi32>
      %eq3A_2715 = arith.cmpi eq, %get3A_2039, %min3A_2706 : vector<16xi32>
      %jit3A_2716 = arith.constant 0xFF800000 : f32
      %broadcast_in_dim3A_2717 = vector.broadcast %jit3A_2716 : f32 to vector<16xf32>
      %select_n3A_2718 = arith.select %eq3A_2715, %broadcast_in_dim3A_2717, %select_n3A_2488 : vector<16xi1>, vector<16xf32>
      %eq3A_2719 = arith.cmpi eq, %get3A_2042, %min3A_2706 : vector<16xi32>
      %jit3A_2720 = arith.constant 0xFF800000 : f32
      %broadcast_in_dim3A_2721 = vector.broadcast %jit3A_2720 : f32 to vector<16xf32>
      %select_n3A_2722 = arith.select %eq3A_2719, %broadcast_in_dim3A_2721, %select_n3A_2492 : vector<16xi1>, vector<16xf32>
      %eq3A_2723 = arith.cmpi eq, %get3A_2045, %min3A_2706 : vector<16xi32>
      %jit3A_2724 = arith.constant 0xFF800000 : f32
      %broadcast_in_dim3A_2725 = vector.broadcast %jit3A_2724 : f32 to vector<16xf32>
      %select_n3A_2726 = arith.select %eq3A_2723, %broadcast_in_dim3A_2725, %select_n3A_2496 : vector<16xi1>, vector<16xf32>
      %eq3A_2727 = arith.cmpi eq, %get3A_2048, %min3A_2706 : vector<16xi32>
      %jit3A_2728 = arith.constant 0xFF800000 : f32
      %broadcast_in_dim3A_2729 = vector.broadcast %jit3A_2728 : f32 to vector<16xf32>
      %select_n3A_2730 = arith.select %eq3A_2727, %broadcast_in_dim3A_2729, %select_n3A_2500 : vector<16xi1>, vector<16xf32>
      %eq3A_2731 = arith.cmpi eq, %get3A_2051, %min3A_2706 : vector<16xi32>
      %jit3A_2732 = arith.constant 0xFF800000 : f32
      %broadcast_in_dim3A_2733 = vector.broadcast %jit3A_2732 : f32 to vector<16xf32>
      %select_n3A_2734 = arith.select %eq3A_2731, %broadcast_in_dim3A_2733, %select_n3A_2504 : vector<16xi1>, vector<16xf32>
      %eq3A_2735 = arith.cmpi eq, %get3A_2054, %min3A_2706 : vector<16xi32>
      %jit3A_2736 = arith.constant 0xFF800000 : f32
      %broadcast_in_dim3A_2737 = vector.broadcast %jit3A_2736 : f32 to vector<16xf32>
      %select_n3A_2738 = arith.select %eq3A_2735, %broadcast_in_dim3A_2737, %select_n3A_2508 : vector<16xi1>, vector<16xf32>
      %eq3A_2739 = arith.cmpi eq, %get3A_2057, %min3A_2706 : vector<16xi32>
      %jit3A_2740 = arith.constant 0xFF800000 : f32
      %broadcast_in_dim3A_2741 = vector.broadcast %jit3A_2740 : f32 to vector<16xf32>
      %select_n3A_2742 = arith.select %eq3A_2739, %broadcast_in_dim3A_2741, %select_n3A_2512 : vector<16xi1>, vector<16xf32>
      %eq3A_2743 = arith.cmpi eq, %get3A_2060, %min3A_2706 : vector<16xi32>
      %jit3A_2744 = arith.constant 0xFF800000 : f32
      %broadcast_in_dim3A_2745 = vector.broadcast %jit3A_2744 : f32 to vector<16xf32>
      %select_n3A_2746 = arith.select %eq3A_2743, %broadcast_in_dim3A_2745, %select_n3A_2516 : vector<16xi1>, vector<16xf32>
      %eq3A_2747 = arith.cmpi eq, %get3A_2063, %min3A_2706 : vector<16xi32>
      %jit3A_2748 = arith.constant 0xFF800000 : f32
      %broadcast_in_dim3A_2749 = vector.broadcast %jit3A_2748 : f32 to vector<16xf32>
      %select_n3A_2750 = arith.select %eq3A_2747, %broadcast_in_dim3A_2749, %select_n3A_2520 : vector<16xi1>, vector<16xf32>
      %eq3A_2751 = arith.cmpi eq, %get3A_2066, %min3A_2706 : vector<16xi32>
      %jit3A_2752 = arith.constant 0xFF800000 : f32
      %broadcast_in_dim3A_2753 = vector.broadcast %jit3A_2752 : f32 to vector<16xf32>
      %select_n3A_2754 = arith.select %eq3A_2751, %broadcast_in_dim3A_2753, %select_n3A_2524 : vector<16xi1>, vector<16xf32>
      %eq3A_2755 = arith.cmpi eq, %get3A_2069, %min3A_2706 : vector<16xi32>
      %jit3A_2756 = arith.constant 0xFF800000 : f32
      %broadcast_in_dim3A_2757 = vector.broadcast %jit3A_2756 : f32 to vector<16xf32>
      %select_n3A_2758 = arith.select %eq3A_2755, %broadcast_in_dim3A_2757, %select_n3A_2528 : vector<16xi1>, vector<16xf32>
      %eq3A_2759 = arith.cmpi eq, %get3A_2072, %min3A_2706 : vector<16xi32>
      %jit3A_2760 = arith.constant 0xFF800000 : f32
      %broadcast_in_dim3A_2761 = vector.broadcast %jit3A_2760 : f32 to vector<16xf32>
      %select_n3A_2762 = arith.select %eq3A_2759, %broadcast_in_dim3A_2761, %select_n3A_2532 : vector<16xi1>, vector<16xf32>
      %eq3A_2763 = arith.cmpi eq, %get3A_2075, %min3A_2706 : vector<16xi32>
      %jit3A_2764 = arith.constant 0xFF800000 : f32
      %broadcast_in_dim3A_2765 = vector.broadcast %jit3A_2764 : f32 to vector<16xf32>
      %select_n3A_2766 = arith.select %eq3A_2763, %broadcast_in_dim3A_2765, %select_n3A_2536 : vector<16xi1>, vector<16xf32>
      %eq3A_2767 = arith.cmpi eq, %get3A_2078, %min3A_2706 : vector<16xi32>
      %jit3A_2768 = arith.constant 0xFF800000 : f32
      %broadcast_in_dim3A_2769 = vector.broadcast %jit3A_2768 : f32 to vector<16xf32>
      %select_n3A_2770 = arith.select %eq3A_2767, %broadcast_in_dim3A_2769, %select_n3A_2540 : vector<16xi1>, vector<16xf32>
      %eq3A_2771 = arith.cmpi eq, %get3A_2081, %min3A_2706 : vector<16xi32>
      %jit3A_2772 = arith.constant 0xFF800000 : f32
      %broadcast_in_dim3A_2773 = vector.broadcast %jit3A_2772 : f32 to vector<16xf32>
      %select_n3A_2774 = arith.select %eq3A_2771, %broadcast_in_dim3A_2773, %select_n3A_2544 : vector<16xi1>, vector<16xf32>
      %eq3A_2775 = arith.cmpi eq, %get3A_2084, %min3A_2706 : vector<16xi32>
      %jit3A_2776 = arith.constant 0xFF800000 : f32
      %broadcast_in_dim3A_2777 = vector.broadcast %jit3A_2776 : f32 to vector<16xf32>
      %select_n3A_2778 = arith.select %eq3A_2775, %broadcast_in_dim3A_2777, %select_n3A_2548 : vector<16xi1>, vector<16xf32>
      %max3A_2779 = arith.maximumf %select_n3A_2718, %select_n3A_2722 : vector<16xf32>
      %max3A_2780 = arith.maximumf %max3A_2779, %select_n3A_2726 : vector<16xf32>
      %max3A_2781 = arith.maximumf %max3A_2780, %select_n3A_2730 : vector<16xf32>
      %max3A_2782 = arith.maximumf %max3A_2781, %select_n3A_2734 : vector<16xf32>
      %max3A_2783 = arith.maximumf %max3A_2782, %select_n3A_2738 : vector<16xf32>
      %max3A_2784 = arith.maximumf %max3A_2783, %select_n3A_2742 : vector<16xf32>
      %max3A_2785 = arith.maximumf %max3A_2784, %select_n3A_2746 : vector<16xf32>
      %max3A_2786 = arith.maximumf %max3A_2785, %select_n3A_2750 : vector<16xf32>
      %max3A_2787 = arith.maximumf %max3A_2786, %select_n3A_2754 : vector<16xf32>
      %max3A_2788 = arith.maximumf %max3A_2787, %select_n3A_2758 : vector<16xf32>
      %max3A_2789 = arith.maximumf %max3A_2788, %select_n3A_2762 : vector<16xf32>
      %max3A_2790 = arith.maximumf %max3A_2789, %select_n3A_2766 : vector<16xf32>
      %max3A_2791 = arith.maximumf %max3A_2790, %select_n3A_2770 : vector<16xf32>
      %max3A_2792 = arith.maximumf %max3A_2791, %select_n3A_2774 : vector<16xf32>
      %max3A_2793 = arith.maximumf %max3A_2792, %select_n3A_2778 : vector<16xf32>
      %iota3A_2794 = tpu.iota {dimensions = array<i32: 0>} : vector<16xi32>
      %xor3A_2795 = arith.constant 8 : i32
      %xor3A_2796 = vector.broadcast %xor3A_2795 : i32 to vector<16xi32>
      %xor3A_2797 = arith.xori %iota3A_2794, %xor3A_2796 : vector<16xi32>
      %reshape3A_2798 = vector.shape_cast %xor3A_2797 : vector<16xi32> to vector<16x1xi32>
      %gather3A_2799 = vector.shape_cast %reshape3A_2798 : vector<16x1xi32> to vector<16xi32>
      %gather3A_2800 = tpu.dynamic_gather %max3A_2793[%gather3A_2799] in [0] : vector<16xf32>, vector<16xi32> -> vector<16xf32>
      %max3A_2801 = arith.maximumf %max3A_2793, %gather3A_2800 : vector<16xf32>
      %iota3A_2802 = tpu.iota {dimensions = array<i32: 0>} : vector<16xi32>
      %xor3A_2803 = arith.constant 4 : i32
      %xor3A_2804 = vector.broadcast %xor3A_2803 : i32 to vector<16xi32>
      %xor3A_2805 = arith.xori %iota3A_2802, %xor3A_2804 : vector<16xi32>
      %reshape3A_2806 = vector.shape_cast %xor3A_2805 : vector<16xi32> to vector<16x1xi32>
      %gather3A_2807 = vector.shape_cast %reshape3A_2806 : vector<16x1xi32> to vector<16xi32>
      %gather3A_2808 = tpu.dynamic_gather %max3A_2801[%gather3A_2807] in [0] : vector<16xf32>, vector<16xi32> -> vector<16xf32>
      %max3A_2809 = arith.maximumf %max3A_2801, %gather3A_2808 : vector<16xf32>
      %iota3A_2810 = tpu.iota {dimensions = array<i32: 0>} : vector<16xi32>
      %xor3A_2811 = arith.constant 2 : i32
      %xor3A_2812 = vector.broadcast %xor3A_2811 : i32 to vector<16xi32>
      %xor3A_2813 = arith.xori %iota3A_2810, %xor3A_2812 : vector<16xi32>
      %reshape3A_2814 = vector.shape_cast %xor3A_2813 : vector<16xi32> to vector<16x1xi32>
      %gather3A_2815 = vector.shape_cast %reshape3A_2814 : vector<16x1xi32> to vector<16xi32>
      %gather3A_2816 = tpu.dynamic_gather %max3A_2809[%gather3A_2815] in [0] : vector<16xf32>, vector<16xi32> -> vector<16xf32>
      %max3A_2817 = arith.maximumf %max3A_2809, %gather3A_2816 : vector<16xf32>
      %iota3A_2818 = tpu.iota {dimensions = array<i32: 0>} : vector<16xi32>
      %xor3A_2819 = arith.constant 1 : i32
      %xor3A_2820 = vector.broadcast %xor3A_2819 : i32 to vector<16xi32>
      %xor3A_2821 = arith.xori %iota3A_2818, %xor3A_2820 : vector<16xi32>
      %reshape3A_2822 = vector.shape_cast %xor3A_2821 : vector<16xi32> to vector<16x1xi32>
      %gather3A_2823 = vector.shape_cast %reshape3A_2822 : vector<16x1xi32> to vector<16xi32>
      %gather3A_2824 = tpu.dynamic_gather %max3A_2817[%gather3A_2823] in [0] : vector<16xf32>, vector<16xi32> -> vector<16xf32>
      %max3A_2825 = arith.maximumf %max3A_2817, %gather3A_2824 : vector<16xf32>
      %eq3A_2826 = arith.cmpf oeq, %select_n3A_2718, %max3A_2825 : vector<16xf32>
      %jit3A_2827 = arith.constant 4096 : i32
      %broadcast_in_dim3A_2828 = vector.broadcast %jit3A_2827 : i32 to vector<16xi32>
      %select_n3A_2829 = arith.select %eq3A_2826, %get3A_2039, %broadcast_in_dim3A_2828 : vector<16xi1>, vector<16xi32>
      %eq3A_2830 = arith.cmpf oeq, %select_n3A_2722, %max3A_2825 : vector<16xf32>
      %jit3A_2831 = arith.constant 4096 : i32
      %broadcast_in_dim3A_2832 = vector.broadcast %jit3A_2831 : i32 to vector<16xi32>
      %select_n3A_2833 = arith.select %eq3A_2830, %get3A_2042, %broadcast_in_dim3A_2832 : vector<16xi1>, vector<16xi32>
      %min3A_2834 = arith.minsi %select_n3A_2829, %select_n3A_2833 : vector<16xi32>
      %eq3A_2835 = arith.cmpf oeq, %select_n3A_2726, %max3A_2825 : vector<16xf32>
      %jit3A_2836 = arith.constant 4096 : i32
      %broadcast_in_dim3A_2837 = vector.broadcast %jit3A_2836 : i32 to vector<16xi32>
      %select_n3A_2838 = arith.select %eq3A_2835, %get3A_2045, %broadcast_in_dim3A_2837 : vector<16xi1>, vector<16xi32>
      %min3A_2839 = arith.minsi %min3A_2834, %select_n3A_2838 : vector<16xi32>
      %eq3A_2840 = arith.cmpf oeq, %select_n3A_2730, %max3A_2825 : vector<16xf32>
      %jit3A_2841 = arith.constant 4096 : i32
      %broadcast_in_dim3A_2842 = vector.broadcast %jit3A_2841 : i32 to vector<16xi32>
      %select_n3A_2843 = arith.select %eq3A_2840, %get3A_2048, %broadcast_in_dim3A_2842 : vector<16xi1>, vector<16xi32>
      %min3A_2844 = arith.minsi %min3A_2839, %select_n3A_2843 : vector<16xi32>
      %eq3A_2845 = arith.cmpf oeq, %select_n3A_2734, %max3A_2825 : vector<16xf32>
      %jit3A_2846 = arith.constant 4096 : i32
      %broadcast_in_dim3A_2847 = vector.broadcast %jit3A_2846 : i32 to vector<16xi32>
      %select_n3A_2848 = arith.select %eq3A_2845, %get3A_2051, %broadcast_in_dim3A_2847 : vector<16xi1>, vector<16xi32>
      %min3A_2849 = arith.minsi %min3A_2844, %select_n3A_2848 : vector<16xi32>
      %eq3A_2850 = arith.cmpf oeq, %select_n3A_2738, %max3A_2825 : vector<16xf32>
      %jit3A_2851 = arith.constant 4096 : i32
      %broadcast_in_dim3A_2852 = vector.broadcast %jit3A_2851 : i32 to vector<16xi32>
      %select_n3A_2853 = arith.select %eq3A_2850, %get3A_2054, %broadcast_in_dim3A_2852 : vector<16xi1>, vector<16xi32>
      %min3A_2854 = arith.minsi %min3A_2849, %select_n3A_2853 : vector<16xi32>
      %eq3A_2855 = arith.cmpf oeq, %select_n3A_2742, %max3A_2825 : vector<16xf32>
      %jit3A_2856 = arith.constant 4096 : i32
      %broadcast_in_dim3A_2857 = vector.broadcast %jit3A_2856 : i32 to vector<16xi32>
      %select_n3A_2858 = arith.select %eq3A_2855, %get3A_2057, %broadcast_in_dim3A_2857 : vector<16xi1>, vector<16xi32>
      %min3A_2859 = arith.minsi %min3A_2854, %select_n3A_2858 : vector<16xi32>
      %eq3A_2860 = arith.cmpf oeq, %select_n3A_2746, %max3A_2825 : vector<16xf32>
      %jit3A_2861 = arith.constant 4096 : i32
      %broadcast_in_dim3A_2862 = vector.broadcast %jit3A_2861 : i32 to vector<16xi32>
      %select_n3A_2863 = arith.select %eq3A_2860, %get3A_2060, %broadcast_in_dim3A_2862 : vector<16xi1>, vector<16xi32>
      %min3A_2864 = arith.minsi %min3A_2859, %select_n3A_2863 : vector<16xi32>
      %eq3A_2865 = arith.cmpf oeq, %select_n3A_2750, %max3A_2825 : vector<16xf32>
      %jit3A_2866 = arith.constant 4096 : i32
      %broadcast_in_dim3A_2867 = vector.broadcast %jit3A_2866 : i32 to vector<16xi32>
      %select_n3A_2868 = arith.select %eq3A_2865, %get3A_2063, %broadcast_in_dim3A_2867 : vector<16xi1>, vector<16xi32>
      %min3A_2869 = arith.minsi %min3A_2864, %select_n3A_2868 : vector<16xi32>
      %eq3A_2870 = arith.cmpf oeq, %select_n3A_2754, %max3A_2825 : vector<16xf32>
      %jit3A_2871 = arith.constant 4096 : i32
      %broadcast_in_dim3A_2872 = vector.broadcast %jit3A_2871 : i32 to vector<16xi32>
      %select_n3A_2873 = arith.select %eq3A_2870, %get3A_2066, %broadcast_in_dim3A_2872 : vector<16xi1>, vector<16xi32>
      %min3A_2874 = arith.minsi %min3A_2869, %select_n3A_2873 : vector<16xi32>
      %eq3A_2875 = arith.cmpf oeq, %select_n3A_2758, %max3A_2825 : vector<16xf32>
      %jit3A_2876 = arith.constant 4096 : i32
      %broadcast_in_dim3A_2877 = vector.broadcast %jit3A_2876 : i32 to vector<16xi32>
      %select_n3A_2878 = arith.select %eq3A_2875, %get3A_2069, %broadcast_in_dim3A_2877 : vector<16xi1>, vector<16xi32>
      %min3A_2879 = arith.minsi %min3A_2874, %select_n3A_2878 : vector<16xi32>
      %eq3A_2880 = arith.cmpf oeq, %select_n3A_2762, %max3A_2825 : vector<16xf32>
      %jit3A_2881 = arith.constant 4096 : i32
      %broadcast_in_dim3A_2882 = vector.broadcast %jit3A_2881 : i32 to vector<16xi32>
      %select_n3A_2883 = arith.select %eq3A_2880, %get3A_2072, %broadcast_in_dim3A_2882 : vector<16xi1>, vector<16xi32>
      %min3A_2884 = arith.minsi %min3A_2879, %select_n3A_2883 : vector<16xi32>
      %eq3A_2885 = arith.cmpf oeq, %select_n3A_2766, %max3A_2825 : vector<16xf32>
      %jit3A_2886 = arith.constant 4096 : i32
      %broadcast_in_dim3A_2887 = vector.broadcast %jit3A_2886 : i32 to vector<16xi32>
      %select_n3A_2888 = arith.select %eq3A_2885, %get3A_2075, %broadcast_in_dim3A_2887 : vector<16xi1>, vector<16xi32>
      %min3A_2889 = arith.minsi %min3A_2884, %select_n3A_2888 : vector<16xi32>
      %eq3A_2890 = arith.cmpf oeq, %select_n3A_2770, %max3A_2825 : vector<16xf32>
      %jit3A_2891 = arith.constant 4096 : i32
      %broadcast_in_dim3A_2892 = vector.broadcast %jit3A_2891 : i32 to vector<16xi32>
      %select_n3A_2893 = arith.select %eq3A_2890, %get3A_2078, %broadcast_in_dim3A_2892 : vector<16xi1>, vector<16xi32>
      %min3A_2894 = arith.minsi %min3A_2889, %select_n3A_2893 : vector<16xi32>
      %eq3A_2895 = arith.cmpf oeq, %select_n3A_2774, %max3A_2825 : vector<16xf32>
      %jit3A_2896 = arith.constant 4096 : i32
      %broadcast_in_dim3A_2897 = vector.broadcast %jit3A_2896 : i32 to vector<16xi32>
      %select_n3A_2898 = arith.select %eq3A_2895, %get3A_2081, %broadcast_in_dim3A_2897 : vector<16xi1>, vector<16xi32>
      %min3A_2899 = arith.minsi %min3A_2894, %select_n3A_2898 : vector<16xi32>
      %eq3A_2900 = arith.cmpf oeq, %select_n3A_2778, %max3A_2825 : vector<16xf32>
      %jit3A_2901 = arith.constant 4096 : i32
      %broadcast_in_dim3A_2902 = vector.broadcast %jit3A_2901 : i32 to vector<16xi32>
      %select_n3A_2903 = arith.select %eq3A_2900, %get3A_2084, %broadcast_in_dim3A_2902 : vector<16xi1>, vector<16xi32>
      %min3A_2904 = arith.minsi %min3A_2899, %select_n3A_2903 : vector<16xi32>
      %iota3A_2905 = tpu.iota {dimensions = array<i32: 0>} : vector<16xi32>
      %xor3A_2906 = arith.constant 8 : i32
      %xor3A_2907 = vector.broadcast %xor3A_2906 : i32 to vector<16xi32>
      %xor3A_2908 = arith.xori %iota3A_2905, %xor3A_2907 : vector<16xi32>
      %reshape3A_2909 = vector.shape_cast %xor3A_2908 : vector<16xi32> to vector<16x1xi32>
      %gather3A_2910 = vector.shape_cast %reshape3A_2909 : vector<16x1xi32> to vector<16xi32>
      %gather3A_2911 = tpu.dynamic_gather %min3A_2904[%gather3A_2910] in [0] : vector<16xi32>, vector<16xi32> -> vector<16xi32>
      %min3A_2912 = arith.minsi %min3A_2904, %gather3A_2911 : vector<16xi32>
      %iota3A_2913 = tpu.iota {dimensions = array<i32: 0>} : vector<16xi32>
      %xor3A_2914 = arith.constant 4 : i32
      %xor3A_2915 = vector.broadcast %xor3A_2914 : i32 to vector<16xi32>
      %xor3A_2916 = arith.xori %iota3A_2913, %xor3A_2915 : vector<16xi32>
      %reshape3A_2917 = vector.shape_cast %xor3A_2916 : vector<16xi32> to vector<16x1xi32>
      %gather3A_2918 = vector.shape_cast %reshape3A_2917 : vector<16x1xi32> to vector<16xi32>
      %gather3A_2919 = tpu.dynamic_gather %min3A_2912[%gather3A_2918] in [0] : vector<16xi32>, vector<16xi32> -> vector<16xi32>
      %min3A_2920 = arith.minsi %min3A_2912, %gather3A_2919 : vector<16xi32>
      %iota3A_2921 = tpu.iota {dimensions = array<i32: 0>} : vector<16xi32>
      %xor3A_2922 = arith.constant 2 : i32
      %xor3A_2923 = vector.broadcast %xor3A_2922 : i32 to vector<16xi32>
      %xor3A_2924 = arith.xori %iota3A_2921, %xor3A_2923 : vector<16xi32>
      %reshape3A_2925 = vector.shape_cast %xor3A_2924 : vector<16xi32> to vector<16x1xi32>
      %gather3A_2926 = vector.shape_cast %reshape3A_2925 : vector<16x1xi32> to vector<16xi32>
      %gather3A_2927 = tpu.dynamic_gather %min3A_2920[%gather3A_2926] in [0] : vector<16xi32>, vector<16xi32> -> vector<16xi32>
      %min3A_2928 = arith.minsi %min3A_2920, %gather3A_2927 : vector<16xi32>
      %iota3A_2929 = tpu.iota {dimensions = array<i32: 0>} : vector<16xi32>
      %xor3A_2930 = arith.constant 1 : i32
      %xor3A_2931 = vector.broadcast %xor3A_2930 : i32 to vector<16xi32>
      %xor3A_2932 = arith.xori %iota3A_2929, %xor3A_2931 : vector<16xi32>
      %reshape3A_2933 = vector.shape_cast %xor3A_2932 : vector<16xi32> to vector<16x1xi32>
      %gather3A_2934 = vector.shape_cast %reshape3A_2933 : vector<16x1xi32> to vector<16xi32>
      %gather3A_2935 = tpu.dynamic_gather %min3A_2928[%gather3A_2934] in [0] : vector<16xi32>, vector<16xi32> -> vector<16xi32>
      %min3A_2936 = arith.minsi %min3A_2928, %gather3A_2935 : vector<16xi32>
      %eq3A_2937 = arith.constant 3 : i32
      %eq3A_2938 = vector.broadcast %eq3A_2937 : i32 to vector<16xi32>
      %eq3A_2939 = arith.cmpi eq, %iota3A_134, %eq3A_2938 : vector<16xi32>
      %select_n3A_2940 = arith.select %eq3A_2939, %max3A_2825, %select_n3A_2710 : vector<16xi1>, vector<16xf32>
      %eq3A_2941 = arith.constant 3 : i32
      %eq3A_2942 = vector.broadcast %eq3A_2941 : i32 to vector<16xi32>
      %eq3A_2943 = arith.cmpi eq, %iota3A_134, %eq3A_2942 : vector<16xi32>
      %select_n3A_2944 = arith.select %eq3A_2943, %min3A_2936, %select_n3A_2714 : vector<16xi1>, vector<16xi32>
      %eq3A_2945 = arith.cmpi eq, %get3A_2039, %min3A_2936 : vector<16xi32>
      %jit3A_2946 = arith.constant 0xFF800000 : f32
      %broadcast_in_dim3A_2947 = vector.broadcast %jit3A_2946 : f32 to vector<16xf32>
      %select_n3A_2948 = arith.select %eq3A_2945, %broadcast_in_dim3A_2947, %select_n3A_2718 : vector<16xi1>, vector<16xf32>
      %eq3A_2949 = arith.cmpi eq, %get3A_2042, %min3A_2936 : vector<16xi32>
      %jit3A_2950 = arith.constant 0xFF800000 : f32
      %broadcast_in_dim3A_2951 = vector.broadcast %jit3A_2950 : f32 to vector<16xf32>
      %select_n3A_2952 = arith.select %eq3A_2949, %broadcast_in_dim3A_2951, %select_n3A_2722 : vector<16xi1>, vector<16xf32>
      %eq3A_2953 = arith.cmpi eq, %get3A_2045, %min3A_2936 : vector<16xi32>
      %jit3A_2954 = arith.constant 0xFF800000 : f32
      %broadcast_in_dim3A_2955 = vector.broadcast %jit3A_2954 : f32 to vector<16xf32>
      %select_n3A_2956 = arith.select %eq3A_2953, %broadcast_in_dim3A_2955, %select_n3A_2726 : vector<16xi1>, vector<16xf32>
      %eq3A_2957 = arith.cmpi eq, %get3A_2048, %min3A_2936 : vector<16xi32>
      %jit3A_2958 = arith.constant 0xFF800000 : f32
      %broadcast_in_dim3A_2959 = vector.broadcast %jit3A_2958 : f32 to vector<16xf32>
      %select_n3A_2960 = arith.select %eq3A_2957, %broadcast_in_dim3A_2959, %select_n3A_2730 : vector<16xi1>, vector<16xf32>
      %eq3A_2961 = arith.cmpi eq, %get3A_2051, %min3A_2936 : vector<16xi32>
      %jit3A_2962 = arith.constant 0xFF800000 : f32
      %broadcast_in_dim3A_2963 = vector.broadcast %jit3A_2962 : f32 to vector<16xf32>
      %select_n3A_2964 = arith.select %eq3A_2961, %broadcast_in_dim3A_2963, %select_n3A_2734 : vector<16xi1>, vector<16xf32>
      %eq3A_2965 = arith.cmpi eq, %get3A_2054, %min3A_2936 : vector<16xi32>
      %jit3A_2966 = arith.constant 0xFF800000 : f32
      %broadcast_in_dim3A_2967 = vector.broadcast %jit3A_2966 : f32 to vector<16xf32>
      %select_n3A_2968 = arith.select %eq3A_2965, %broadcast_in_dim3A_2967, %select_n3A_2738 : vector<16xi1>, vector<16xf32>
      %eq3A_2969 = arith.cmpi eq, %get3A_2057, %min3A_2936 : vector<16xi32>
      %jit3A_2970 = arith.constant 0xFF800000 : f32
      %broadcast_in_dim3A_2971 = vector.broadcast %jit3A_2970 : f32 to vector<16xf32>
      %select_n3A_2972 = arith.select %eq3A_2969, %broadcast_in_dim3A_2971, %select_n3A_2742 : vector<16xi1>, vector<16xf32>
      %eq3A_2973 = arith.cmpi eq, %get3A_2060, %min3A_2936 : vector<16xi32>
      %jit3A_2974 = arith.constant 0xFF800000 : f32
      %broadcast_in_dim3A_2975 = vector.broadcast %jit3A_2974 : f32 to vector<16xf32>
      %select_n3A_2976 = arith.select %eq3A_2973, %broadcast_in_dim3A_2975, %select_n3A_2746 : vector<16xi1>, vector<16xf32>
      %eq3A_2977 = arith.cmpi eq, %get3A_2063, %min3A_2936 : vector<16xi32>
      %jit3A_2978 = arith.constant 0xFF800000 : f32
      %broadcast_in_dim3A_2979 = vector.broadcast %jit3A_2978 : f32 to vector<16xf32>
      %select_n3A_2980 = arith.select %eq3A_2977, %broadcast_in_dim3A_2979, %select_n3A_2750 : vector<16xi1>, vector<16xf32>
      %eq3A_2981 = arith.cmpi eq, %get3A_2066, %min3A_2936 : vector<16xi32>
      %jit3A_2982 = arith.constant 0xFF800000 : f32
      %broadcast_in_dim3A_2983 = vector.broadcast %jit3A_2982 : f32 to vector<16xf32>
      %select_n3A_2984 = arith.select %eq3A_2981, %broadcast_in_dim3A_2983, %select_n3A_2754 : vector<16xi1>, vector<16xf32>
      %eq3A_2985 = arith.cmpi eq, %get3A_2069, %min3A_2936 : vector<16xi32>
      %jit3A_2986 = arith.constant 0xFF800000 : f32
      %broadcast_in_dim3A_2987 = vector.broadcast %jit3A_2986 : f32 to vector<16xf32>
      %select_n3A_2988 = arith.select %eq3A_2985, %broadcast_in_dim3A_2987, %select_n3A_2758 : vector<16xi1>, vector<16xf32>
      %eq3A_2989 = arith.cmpi eq, %get3A_2072, %min3A_2936 : vector<16xi32>
      %jit3A_2990 = arith.constant 0xFF800000 : f32
      %broadcast_in_dim3A_2991 = vector.broadcast %jit3A_2990 : f32 to vector<16xf32>
      %select_n3A_2992 = arith.select %eq3A_2989, %broadcast_in_dim3A_2991, %select_n3A_2762 : vector<16xi1>, vector<16xf32>
      %eq3A_2993 = arith.cmpi eq, %get3A_2075, %min3A_2936 : vector<16xi32>
      %jit3A_2994 = arith.constant 0xFF800000 : f32
      %broadcast_in_dim3A_2995 = vector.broadcast %jit3A_2994 : f32 to vector<16xf32>
      %select_n3A_2996 = arith.select %eq3A_2993, %broadcast_in_dim3A_2995, %select_n3A_2766 : vector<16xi1>, vector<16xf32>
      %eq3A_2997 = arith.cmpi eq, %get3A_2078, %min3A_2936 : vector<16xi32>
      %jit3A_2998 = arith.constant 0xFF800000 : f32
      %broadcast_in_dim3A_2999 = vector.broadcast %jit3A_2998 : f32 to vector<16xf32>
      %select_n3A_3000 = arith.select %eq3A_2997, %broadcast_in_dim3A_2999, %select_n3A_2770 : vector<16xi1>, vector<16xf32>
      %eq3A_3001 = arith.cmpi eq, %get3A_2081, %min3A_2936 : vector<16xi32>
      %jit3A_3002 = arith.constant 0xFF800000 : f32
      %broadcast_in_dim3A_3003 = vector.broadcast %jit3A_3002 : f32 to vector<16xf32>
      %select_n3A_3004 = arith.select %eq3A_3001, %broadcast_in_dim3A_3003, %select_n3A_2774 : vector<16xi1>, vector<16xf32>
      %eq3A_3005 = arith.cmpi eq, %get3A_2084, %min3A_2936 : vector<16xi32>
      %jit3A_3006 = arith.constant 0xFF800000 : f32
      %broadcast_in_dim3A_3007 = vector.broadcast %jit3A_3006 : f32 to vector<16xf32>
      %select_n3A_3008 = arith.select %eq3A_3005, %broadcast_in_dim3A_3007, %select_n3A_2778 : vector<16xi1>, vector<16xf32>
      %max3A_3009 = arith.maximumf %select_n3A_2948, %select_n3A_2952 : vector<16xf32>
      %max3A_3010 = arith.maximumf %max3A_3009, %select_n3A_2956 : vector<16xf32>
      %max3A_3011 = arith.maximumf %max3A_3010, %select_n3A_2960 : vector<16xf32>
      %max3A_3012 = arith.maximumf %max3A_3011, %select_n3A_2964 : vector<16xf32>
      %max3A_3013 = arith.maximumf %max3A_3012, %select_n3A_2968 : vector<16xf32>
      %max3A_3014 = arith.maximumf %max3A_3013, %select_n3A_2972 : vector<16xf32>
      %max3A_3015 = arith.maximumf %max3A_3014, %select_n3A_2976 : vector<16xf32>
      %max3A_3016 = arith.maximumf %max3A_3015, %select_n3A_2980 : vector<16xf32>
      %max3A_3017 = arith.maximumf %max3A_3016, %select_n3A_2984 : vector<16xf32>
      %max3A_3018 = arith.maximumf %max3A_3017, %select_n3A_2988 : vector<16xf32>
      %max3A_3019 = arith.maximumf %max3A_3018, %select_n3A_2992 : vector<16xf32>
      %max3A_3020 = arith.maximumf %max3A_3019, %select_n3A_2996 : vector<16xf32>
      %max3A_3021 = arith.maximumf %max3A_3020, %select_n3A_3000 : vector<16xf32>
      %max3A_3022 = arith.maximumf %max3A_3021, %select_n3A_3004 : vector<16xf32>
      %max3A_3023 = arith.maximumf %max3A_3022, %select_n3A_3008 : vector<16xf32>
      %iota3A_3024 = tpu.iota {dimensions = array<i32: 0>} : vector<16xi32>
      %xor3A_3025 = arith.constant 8 : i32
      %xor3A_3026 = vector.broadcast %xor3A_3025 : i32 to vector<16xi32>
      %xor3A_3027 = arith.xori %iota3A_3024, %xor3A_3026 : vector<16xi32>
      %reshape3A_3028 = vector.shape_cast %xor3A_3027 : vector<16xi32> to vector<16x1xi32>
      %gather3A_3029 = vector.shape_cast %reshape3A_3028 : vector<16x1xi32> to vector<16xi32>
      %gather3A_3030 = tpu.dynamic_gather %max3A_3023[%gather3A_3029] in [0] : vector<16xf32>, vector<16xi32> -> vector<16xf32>
      %max3A_3031 = arith.maximumf %max3A_3023, %gather3A_3030 : vector<16xf32>
      %iota3A_3032 = tpu.iota {dimensions = array<i32: 0>} : vector<16xi32>
      %xor3A_3033 = arith.constant 4 : i32
      %xor3A_3034 = vector.broadcast %xor3A_3033 : i32 to vector<16xi32>
      %xor3A_3035 = arith.xori %iota3A_3032, %xor3A_3034 : vector<16xi32>
      %reshape3A_3036 = vector.shape_cast %xor3A_3035 : vector<16xi32> to vector<16x1xi32>
      %gather3A_3037 = vector.shape_cast %reshape3A_3036 : vector<16x1xi32> to vector<16xi32>
      %gather3A_3038 = tpu.dynamic_gather %max3A_3031[%gather3A_3037] in [0] : vector<16xf32>, vector<16xi32> -> vector<16xf32>
      %max3A_3039 = arith.maximumf %max3A_3031, %gather3A_3038 : vector<16xf32>
      %iota3A_3040 = tpu.iota {dimensions = array<i32: 0>} : vector<16xi32>
      %xor3A_3041 = arith.constant 2 : i32
      %xor3A_3042 = vector.broadcast %xor3A_3041 : i32 to vector<16xi32>
      %xor3A_3043 = arith.xori %iota3A_3040, %xor3A_3042 : vector<16xi32>
      %reshape3A_3044 = vector.shape_cast %xor3A_3043 : vector<16xi32> to vector<16x1xi32>
      %gather3A_3045 = vector.shape_cast %reshape3A_3044 : vector<16x1xi32> to vector<16xi32>
      %gather3A_3046 = tpu.dynamic_gather %max3A_3039[%gather3A_3045] in [0] : vector<16xf32>, vector<16xi32> -> vector<16xf32>
      %max3A_3047 = arith.maximumf %max3A_3039, %gather3A_3046 : vector<16xf32>
      %iota3A_3048 = tpu.iota {dimensions = array<i32: 0>} : vector<16xi32>
      %xor3A_3049 = arith.constant 1 : i32
      %xor3A_3050 = vector.broadcast %xor3A_3049 : i32 to vector<16xi32>
      %xor3A_3051 = arith.xori %iota3A_3048, %xor3A_3050 : vector<16xi32>
      %reshape3A_3052 = vector.shape_cast %xor3A_3051 : vector<16xi32> to vector<16x1xi32>
      %gather3A_3053 = vector.shape_cast %reshape3A_3052 : vector<16x1xi32> to vector<16xi32>
      %gather3A_3054 = tpu.dynamic_gather %max3A_3047[%gather3A_3053] in [0] : vector<16xf32>, vector<16xi32> -> vector<16xf32>
      %max3A_3055 = arith.maximumf %max3A_3047, %gather3A_3054 : vector<16xf32>
      %eq3A_3056 = arith.cmpf oeq, %select_n3A_2948, %max3A_3055 : vector<16xf32>
      %jit3A_3057 = arith.constant 4096 : i32
      %broadcast_in_dim3A_3058 = vector.broadcast %jit3A_3057 : i32 to vector<16xi32>
      %select_n3A_3059 = arith.select %eq3A_3056, %get3A_2039, %broadcast_in_dim3A_3058 : vector<16xi1>, vector<16xi32>
      %eq3A_3060 = arith.cmpf oeq, %select_n3A_2952, %max3A_3055 : vector<16xf32>
      %jit3A_3061 = arith.constant 4096 : i32
      %broadcast_in_dim3A_3062 = vector.broadcast %jit3A_3061 : i32 to vector<16xi32>
      %select_n3A_3063 = arith.select %eq3A_3060, %get3A_2042, %broadcast_in_dim3A_3062 : vector<16xi1>, vector<16xi32>
      %min3A_3064 = arith.minsi %select_n3A_3059, %select_n3A_3063 : vector<16xi32>
      %eq3A_3065 = arith.cmpf oeq, %select_n3A_2956, %max3A_3055 : vector<16xf32>
      %jit3A_3066 = arith.constant 4096 : i32
      %broadcast_in_dim3A_3067 = vector.broadcast %jit3A_3066 : i32 to vector<16xi32>
      %select_n3A_3068 = arith.select %eq3A_3065, %get3A_2045, %broadcast_in_dim3A_3067 : vector<16xi1>, vector<16xi32>
      %min3A_3069 = arith.minsi %min3A_3064, %select_n3A_3068 : vector<16xi32>
      %eq3A_3070 = arith.cmpf oeq, %select_n3A_2960, %max3A_3055 : vector<16xf32>
      %jit3A_3071 = arith.constant 4096 : i32
      %broadcast_in_dim3A_3072 = vector.broadcast %jit3A_3071 : i32 to vector<16xi32>
      %select_n3A_3073 = arith.select %eq3A_3070, %get3A_2048, %broadcast_in_dim3A_3072 : vector<16xi1>, vector<16xi32>
      %min3A_3074 = arith.minsi %min3A_3069, %select_n3A_3073 : vector<16xi32>
      %eq3A_3075 = arith.cmpf oeq, %select_n3A_2964, %max3A_3055 : vector<16xf32>
      %jit3A_3076 = arith.constant 4096 : i32
      %broadcast_in_dim3A_3077 = vector.broadcast %jit3A_3076 : i32 to vector<16xi32>
      %select_n3A_3078 = arith.select %eq3A_3075, %get3A_2051, %broadcast_in_dim3A_3077 : vector<16xi1>, vector<16xi32>
      %min3A_3079 = arith.minsi %min3A_3074, %select_n3A_3078 : vector<16xi32>
      %eq3A_3080 = arith.cmpf oeq, %select_n3A_2968, %max3A_3055 : vector<16xf32>
      %jit3A_3081 = arith.constant 4096 : i32
      %broadcast_in_dim3A_3082 = vector.broadcast %jit3A_3081 : i32 to vector<16xi32>
      %select_n3A_3083 = arith.select %eq3A_3080, %get3A_2054, %broadcast_in_dim3A_3082 : vector<16xi1>, vector<16xi32>
      %min3A_3084 = arith.minsi %min3A_3079, %select_n3A_3083 : vector<16xi32>
      %eq3A_3085 = arith.cmpf oeq, %select_n3A_2972, %max3A_3055 : vector<16xf32>
      %jit3A_3086 = arith.constant 4096 : i32
      %broadcast_in_dim3A_3087 = vector.broadcast %jit3A_3086 : i32 to vector<16xi32>
      %select_n3A_3088 = arith.select %eq3A_3085, %get3A_2057, %broadcast_in_dim3A_3087 : vector<16xi1>, vector<16xi32>
      %min3A_3089 = arith.minsi %min3A_3084, %select_n3A_3088 : vector<16xi32>
      %eq3A_3090 = arith.cmpf oeq, %select_n3A_2976, %max3A_3055 : vector<16xf32>
      %jit3A_3091 = arith.constant 4096 : i32
      %broadcast_in_dim3A_3092 = vector.broadcast %jit3A_3091 : i32 to vector<16xi32>
      %select_n3A_3093 = arith.select %eq3A_3090, %get3A_2060, %broadcast_in_dim3A_3092 : vector<16xi1>, vector<16xi32>
      %min3A_3094 = arith.minsi %min3A_3089, %select_n3A_3093 : vector<16xi32>
      %eq3A_3095 = arith.cmpf oeq, %select_n3A_2980, %max3A_3055 : vector<16xf32>
      %jit3A_3096 = arith.constant 4096 : i32
      %broadcast_in_dim3A_3097 = vector.broadcast %jit3A_3096 : i32 to vector<16xi32>
      %select_n3A_3098 = arith.select %eq3A_3095, %get3A_2063, %broadcast_in_dim3A_3097 : vector<16xi1>, vector<16xi32>
      %min3A_3099 = arith.minsi %min3A_3094, %select_n3A_3098 : vector<16xi32>
      %eq3A_3100 = arith.cmpf oeq, %select_n3A_2984, %max3A_3055 : vector<16xf32>
      %jit3A_3101 = arith.constant 4096 : i32
      %broadcast_in_dim3A_3102 = vector.broadcast %jit3A_3101 : i32 to vector<16xi32>
      %select_n3A_3103 = arith.select %eq3A_3100, %get3A_2066, %broadcast_in_dim3A_3102 : vector<16xi1>, vector<16xi32>
      %min3A_3104 = arith.minsi %min3A_3099, %select_n3A_3103 : vector<16xi32>
      %eq3A_3105 = arith.cmpf oeq, %select_n3A_2988, %max3A_3055 : vector<16xf32>
      %jit3A_3106 = arith.constant 4096 : i32
      %broadcast_in_dim3A_3107 = vector.broadcast %jit3A_3106 : i32 to vector<16xi32>
      %select_n3A_3108 = arith.select %eq3A_3105, %get3A_2069, %broadcast_in_dim3A_3107 : vector<16xi1>, vector<16xi32>
      %min3A_3109 = arith.minsi %min3A_3104, %select_n3A_3108 : vector<16xi32>
      %eq3A_3110 = arith.cmpf oeq, %select_n3A_2992, %max3A_3055 : vector<16xf32>
      %jit3A_3111 = arith.constant 4096 : i32
      %broadcast_in_dim3A_3112 = vector.broadcast %jit3A_3111 : i32 to vector<16xi32>
      %select_n3A_3113 = arith.select %eq3A_3110, %get3A_2072, %broadcast_in_dim3A_3112 : vector<16xi1>, vector<16xi32>
      %min3A_3114 = arith.minsi %min3A_3109, %select_n3A_3113 : vector<16xi32>
      %eq3A_3115 = arith.cmpf oeq, %select_n3A_2996, %max3A_3055 : vector<16xf32>
      %jit3A_3116 = arith.constant 4096 : i32
      %broadcast_in_dim3A_3117 = vector.broadcast %jit3A_3116 : i32 to vector<16xi32>
      %select_n3A_3118 = arith.select %eq3A_3115, %get3A_2075, %broadcast_in_dim3A_3117 : vector<16xi1>, vector<16xi32>
      %min3A_3119 = arith.minsi %min3A_3114, %select_n3A_3118 : vector<16xi32>
      %eq3A_3120 = arith.cmpf oeq, %select_n3A_3000, %max3A_3055 : vector<16xf32>
      %jit3A_3121 = arith.constant 4096 : i32
      %broadcast_in_dim3A_3122 = vector.broadcast %jit3A_3121 : i32 to vector<16xi32>
      %select_n3A_3123 = arith.select %eq3A_3120, %get3A_2078, %broadcast_in_dim3A_3122 : vector<16xi1>, vector<16xi32>
      %min3A_3124 = arith.minsi %min3A_3119, %select_n3A_3123 : vector<16xi32>
      %eq3A_3125 = arith.cmpf oeq, %select_n3A_3004, %max3A_3055 : vector<16xf32>
      %jit3A_3126 = arith.constant 4096 : i32
      %broadcast_in_dim3A_3127 = vector.broadcast %jit3A_3126 : i32 to vector<16xi32>
      %select_n3A_3128 = arith.select %eq3A_3125, %get3A_2081, %broadcast_in_dim3A_3127 : vector<16xi1>, vector<16xi32>
      %min3A_3129 = arith.minsi %min3A_3124, %select_n3A_3128 : vector<16xi32>
      %eq3A_3130 = arith.cmpf oeq, %select_n3A_3008, %max3A_3055 : vector<16xf32>
      %jit3A_3131 = arith.constant 4096 : i32
      %broadcast_in_dim3A_3132 = vector.broadcast %jit3A_3131 : i32 to vector<16xi32>
      %select_n3A_3133 = arith.select %eq3A_3130, %get3A_2084, %broadcast_in_dim3A_3132 : vector<16xi1>, vector<16xi32>
      %min3A_3134 = arith.minsi %min3A_3129, %select_n3A_3133 : vector<16xi32>
      %iota3A_3135 = tpu.iota {dimensions = array<i32: 0>} : vector<16xi32>
      %xor3A_3136 = arith.constant 8 : i32
      %xor3A_3137 = vector.broadcast %xor3A_3136 : i32 to vector<16xi32>
      %xor3A_3138 = arith.xori %iota3A_3135, %xor3A_3137 : vector<16xi32>
      %reshape3A_3139 = vector.shape_cast %xor3A_3138 : vector<16xi32> to vector<16x1xi32>
      %gather3A_3140 = vector.shape_cast %reshape3A_3139 : vector<16x1xi32> to vector<16xi32>
      %gather3A_3141 = tpu.dynamic_gather %min3A_3134[%gather3A_3140] in [0] : vector<16xi32>, vector<16xi32> -> vector<16xi32>
      %min3A_3142 = arith.minsi %min3A_3134, %gather3A_3141 : vector<16xi32>
      %iota3A_3143 = tpu.iota {dimensions = array<i32: 0>} : vector<16xi32>
      %xor3A_3144 = arith.constant 4 : i32
      %xor3A_3145 = vector.broadcast %xor3A_3144 : i32 to vector<16xi32>
      %xor3A_3146 = arith.xori %iota3A_3143, %xor3A_3145 : vector<16xi32>
      %reshape3A_3147 = vector.shape_cast %xor3A_3146 : vector<16xi32> to vector<16x1xi32>
      %gather3A_3148 = vector.shape_cast %reshape3A_3147 : vector<16x1xi32> to vector<16xi32>
      %gather3A_3149 = tpu.dynamic_gather %min3A_3142[%gather3A_3148] in [0] : vector<16xi32>, vector<16xi32> -> vector<16xi32>
      %min3A_3150 = arith.minsi %min3A_3142, %gather3A_3149 : vector<16xi32>
      %iota3A_3151 = tpu.iota {dimensions = array<i32: 0>} : vector<16xi32>
      %xor3A_3152 = arith.constant 2 : i32
      %xor3A_3153 = vector.broadcast %xor3A_3152 : i32 to vector<16xi32>
      %xor3A_3154 = arith.xori %iota3A_3151, %xor3A_3153 : vector<16xi32>
      %reshape3A_3155 = vector.shape_cast %xor3A_3154 : vector<16xi32> to vector<16x1xi32>
      %gather3A_3156 = vector.shape_cast %reshape3A_3155 : vector<16x1xi32> to vector<16xi32>
      %gather3A_3157 = tpu.dynamic_gather %min3A_3150[%gather3A_3156] in [0] : vector<16xi32>, vector<16xi32> -> vector<16xi32>
      %min3A_3158 = arith.minsi %min3A_3150, %gather3A_3157 : vector<16xi32>
      %iota3A_3159 = tpu.iota {dimensions = array<i32: 0>} : vector<16xi32>
      %xor3A_3160 = arith.constant 1 : i32
      %xor3A_3161 = vector.broadcast %xor3A_3160 : i32 to vector<16xi32>
      %xor3A_3162 = arith.xori %iota3A_3159, %xor3A_3161 : vector<16xi32>
      %reshape3A_3163 = vector.shape_cast %xor3A_3162 : vector<16xi32> to vector<16x1xi32>
      %gather3A_3164 = vector.shape_cast %reshape3A_3163 : vector<16x1xi32> to vector<16xi32>
      %gather3A_3165 = tpu.dynamic_gather %min3A_3158[%gather3A_3164] in [0] : vector<16xi32>, vector<16xi32> -> vector<16xi32>
      %min3A_3166 = arith.minsi %min3A_3158, %gather3A_3165 : vector<16xi32>
      %eq3A_3167 = arith.constant 4 : i32
      %eq3A_3168 = vector.broadcast %eq3A_3167 : i32 to vector<16xi32>
      %eq3A_3169 = arith.cmpi eq, %iota3A_134, %eq3A_3168 : vector<16xi32>
      %select_n3A_3170 = arith.select %eq3A_3169, %max3A_3055, %select_n3A_2940 : vector<16xi1>, vector<16xf32>
      %eq3A_3171 = arith.constant 4 : i32
      %eq3A_3172 = vector.broadcast %eq3A_3171 : i32 to vector<16xi32>
      %eq3A_3173 = arith.cmpi eq, %iota3A_134, %eq3A_3172 : vector<16xi32>
      %select_n3A_3174 = arith.select %eq3A_3173, %min3A_3166, %select_n3A_2944 : vector<16xi1>, vector<16xi32>
      %eq3A_3175 = arith.cmpi eq, %get3A_2039, %min3A_3166 : vector<16xi32>
      %jit3A_3176 = arith.constant 0xFF800000 : f32
      %broadcast_in_dim3A_3177 = vector.broadcast %jit3A_3176 : f32 to vector<16xf32>
      %select_n3A_3178 = arith.select %eq3A_3175, %broadcast_in_dim3A_3177, %select_n3A_2948 : vector<16xi1>, vector<16xf32>
      %eq3A_3179 = arith.cmpi eq, %get3A_2042, %min3A_3166 : vector<16xi32>
      %jit3A_3180 = arith.constant 0xFF800000 : f32
      %broadcast_in_dim3A_3181 = vector.broadcast %jit3A_3180 : f32 to vector<16xf32>
      %select_n3A_3182 = arith.select %eq3A_3179, %broadcast_in_dim3A_3181, %select_n3A_2952 : vector<16xi1>, vector<16xf32>
      %eq3A_3183 = arith.cmpi eq, %get3A_2045, %min3A_3166 : vector<16xi32>
      %jit3A_3184 = arith.constant 0xFF800000 : f32
      %broadcast_in_dim3A_3185 = vector.broadcast %jit3A_3184 : f32 to vector<16xf32>
      %select_n3A_3186 = arith.select %eq3A_3183, %broadcast_in_dim3A_3185, %select_n3A_2956 : vector<16xi1>, vector<16xf32>
      %eq3A_3187 = arith.cmpi eq, %get3A_2048, %min3A_3166 : vector<16xi32>
      %jit3A_3188 = arith.constant 0xFF800000 : f32
      %broadcast_in_dim3A_3189 = vector.broadcast %jit3A_3188 : f32 to vector<16xf32>
      %select_n3A_3190 = arith.select %eq3A_3187, %broadcast_in_dim3A_3189, %select_n3A_2960 : vector<16xi1>, vector<16xf32>
      %eq3A_3191 = arith.cmpi eq, %get3A_2051, %min3A_3166 : vector<16xi32>
      %jit3A_3192 = arith.constant 0xFF800000 : f32
      %broadcast_in_dim3A_3193 = vector.broadcast %jit3A_3192 : f32 to vector<16xf32>
      %select_n3A_3194 = arith.select %eq3A_3191, %broadcast_in_dim3A_3193, %select_n3A_2964 : vector<16xi1>, vector<16xf32>
      %eq3A_3195 = arith.cmpi eq, %get3A_2054, %min3A_3166 : vector<16xi32>
      %jit3A_3196 = arith.constant 0xFF800000 : f32
      %broadcast_in_dim3A_3197 = vector.broadcast %jit3A_3196 : f32 to vector<16xf32>
      %select_n3A_3198 = arith.select %eq3A_3195, %broadcast_in_dim3A_3197, %select_n3A_2968 : vector<16xi1>, vector<16xf32>
      %eq3A_3199 = arith.cmpi eq, %get3A_2057, %min3A_3166 : vector<16xi32>
      %jit3A_3200 = arith.constant 0xFF800000 : f32
      %broadcast_in_dim3A_3201 = vector.broadcast %jit3A_3200 : f32 to vector<16xf32>
      %select_n3A_3202 = arith.select %eq3A_3199, %broadcast_in_dim3A_3201, %select_n3A_2972 : vector<16xi1>, vector<16xf32>
      %eq3A_3203 = arith.cmpi eq, %get3A_2060, %min3A_3166 : vector<16xi32>
      %jit3A_3204 = arith.constant 0xFF800000 : f32
      %broadcast_in_dim3A_3205 = vector.broadcast %jit3A_3204 : f32 to vector<16xf32>
      %select_n3A_3206 = arith.select %eq3A_3203, %broadcast_in_dim3A_3205, %select_n3A_2976 : vector<16xi1>, vector<16xf32>
      %eq3A_3207 = arith.cmpi eq, %get3A_2063, %min3A_3166 : vector<16xi32>
      %jit3A_3208 = arith.constant 0xFF800000 : f32
      %broadcast_in_dim3A_3209 = vector.broadcast %jit3A_3208 : f32 to vector<16xf32>
      %select_n3A_3210 = arith.select %eq3A_3207, %broadcast_in_dim3A_3209, %select_n3A_2980 : vector<16xi1>, vector<16xf32>
      %eq3A_3211 = arith.cmpi eq, %get3A_2066, %min3A_3166 : vector<16xi32>
      %jit3A_3212 = arith.constant 0xFF800000 : f32
      %broadcast_in_dim3A_3213 = vector.broadcast %jit3A_3212 : f32 to vector<16xf32>
      %select_n3A_3214 = arith.select %eq3A_3211, %broadcast_in_dim3A_3213, %select_n3A_2984 : vector<16xi1>, vector<16xf32>
      %eq3A_3215 = arith.cmpi eq, %get3A_2069, %min3A_3166 : vector<16xi32>
      %jit3A_3216 = arith.constant 0xFF800000 : f32
      %broadcast_in_dim3A_3217 = vector.broadcast %jit3A_3216 : f32 to vector<16xf32>
      %select_n3A_3218 = arith.select %eq3A_3215, %broadcast_in_dim3A_3217, %select_n3A_2988 : vector<16xi1>, vector<16xf32>
      %eq3A_3219 = arith.cmpi eq, %get3A_2072, %min3A_3166 : vector<16xi32>
      %jit3A_3220 = arith.constant 0xFF800000 : f32
      %broadcast_in_dim3A_3221 = vector.broadcast %jit3A_3220 : f32 to vector<16xf32>
      %select_n3A_3222 = arith.select %eq3A_3219, %broadcast_in_dim3A_3221, %select_n3A_2992 : vector<16xi1>, vector<16xf32>
      %eq3A_3223 = arith.cmpi eq, %get3A_2075, %min3A_3166 : vector<16xi32>
      %jit3A_3224 = arith.constant 0xFF800000 : f32
      %broadcast_in_dim3A_3225 = vector.broadcast %jit3A_3224 : f32 to vector<16xf32>
      %select_n3A_3226 = arith.select %eq3A_3223, %broadcast_in_dim3A_3225, %select_n3A_2996 : vector<16xi1>, vector<16xf32>
      %eq3A_3227 = arith.cmpi eq, %get3A_2078, %min3A_3166 : vector<16xi32>
      %jit3A_3228 = arith.constant 0xFF800000 : f32
      %broadcast_in_dim3A_3229 = vector.broadcast %jit3A_3228 : f32 to vector<16xf32>
      %select_n3A_3230 = arith.select %eq3A_3227, %broadcast_in_dim3A_3229, %select_n3A_3000 : vector<16xi1>, vector<16xf32>
      %eq3A_3231 = arith.cmpi eq, %get3A_2081, %min3A_3166 : vector<16xi32>
      %jit3A_3232 = arith.constant 0xFF800000 : f32
      %broadcast_in_dim3A_3233 = vector.broadcast %jit3A_3232 : f32 to vector<16xf32>
      %select_n3A_3234 = arith.select %eq3A_3231, %broadcast_in_dim3A_3233, %select_n3A_3004 : vector<16xi1>, vector<16xf32>
      %eq3A_3235 = arith.cmpi eq, %get3A_2084, %min3A_3166 : vector<16xi32>
      %jit3A_3236 = arith.constant 0xFF800000 : f32
      %broadcast_in_dim3A_3237 = vector.broadcast %jit3A_3236 : f32 to vector<16xf32>
      %select_n3A_3238 = arith.select %eq3A_3235, %broadcast_in_dim3A_3237, %select_n3A_3008 : vector<16xi1>, vector<16xf32>
      %max3A_3239 = arith.maximumf %select_n3A_3178, %select_n3A_3182 : vector<16xf32>
      %max3A_3240 = arith.maximumf %max3A_3239, %select_n3A_3186 : vector<16xf32>
      %max3A_3241 = arith.maximumf %max3A_3240, %select_n3A_3190 : vector<16xf32>
      %max3A_3242 = arith.maximumf %max3A_3241, %select_n3A_3194 : vector<16xf32>
      %max3A_3243 = arith.maximumf %max3A_3242, %select_n3A_3198 : vector<16xf32>
      %max3A_3244 = arith.maximumf %max3A_3243, %select_n3A_3202 : vector<16xf32>
      %max3A_3245 = arith.maximumf %max3A_3244, %select_n3A_3206 : vector<16xf32>
      %max3A_3246 = arith.maximumf %max3A_3245, %select_n3A_3210 : vector<16xf32>
      %max3A_3247 = arith.maximumf %max3A_3246, %select_n3A_3214 : vector<16xf32>
      %max3A_3248 = arith.maximumf %max3A_3247, %select_n3A_3218 : vector<16xf32>
      %max3A_3249 = arith.maximumf %max3A_3248, %select_n3A_3222 : vector<16xf32>
      %max3A_3250 = arith.maximumf %max3A_3249, %select_n3A_3226 : vector<16xf32>
      %max3A_3251 = arith.maximumf %max3A_3250, %select_n3A_3230 : vector<16xf32>
      %max3A_3252 = arith.maximumf %max3A_3251, %select_n3A_3234 : vector<16xf32>
      %max3A_3253 = arith.maximumf %max3A_3252, %select_n3A_3238 : vector<16xf32>
      %iota3A_3254 = tpu.iota {dimensions = array<i32: 0>} : vector<16xi32>
      %xor3A_3255 = arith.constant 8 : i32
      %xor3A_3256 = vector.broadcast %xor3A_3255 : i32 to vector<16xi32>
      %xor3A_3257 = arith.xori %iota3A_3254, %xor3A_3256 : vector<16xi32>
      %reshape3A_3258 = vector.shape_cast %xor3A_3257 : vector<16xi32> to vector<16x1xi32>
      %gather3A_3259 = vector.shape_cast %reshape3A_3258 : vector<16x1xi32> to vector<16xi32>
      %gather3A_3260 = tpu.dynamic_gather %max3A_3253[%gather3A_3259] in [0] : vector<16xf32>, vector<16xi32> -> vector<16xf32>
      %max3A_3261 = arith.maximumf %max3A_3253, %gather3A_3260 : vector<16xf32>
      %iota3A_3262 = tpu.iota {dimensions = array<i32: 0>} : vector<16xi32>
      %xor3A_3263 = arith.constant 4 : i32
      %xor3A_3264 = vector.broadcast %xor3A_3263 : i32 to vector<16xi32>
      %xor3A_3265 = arith.xori %iota3A_3262, %xor3A_3264 : vector<16xi32>
      %reshape3A_3266 = vector.shape_cast %xor3A_3265 : vector<16xi32> to vector<16x1xi32>
      %gather3A_3267 = vector.shape_cast %reshape3A_3266 : vector<16x1xi32> to vector<16xi32>
      %gather3A_3268 = tpu.dynamic_gather %max3A_3261[%gather3A_3267] in [0] : vector<16xf32>, vector<16xi32> -> vector<16xf32>
      %max3A_3269 = arith.maximumf %max3A_3261, %gather3A_3268 : vector<16xf32>
      %iota3A_3270 = tpu.iota {dimensions = array<i32: 0>} : vector<16xi32>
      %xor3A_3271 = arith.constant 2 : i32
      %xor3A_3272 = vector.broadcast %xor3A_3271 : i32 to vector<16xi32>
      %xor3A_3273 = arith.xori %iota3A_3270, %xor3A_3272 : vector<16xi32>
      %reshape3A_3274 = vector.shape_cast %xor3A_3273 : vector<16xi32> to vector<16x1xi32>
      %gather3A_3275 = vector.shape_cast %reshape3A_3274 : vector<16x1xi32> to vector<16xi32>
      %gather3A_3276 = tpu.dynamic_gather %max3A_3269[%gather3A_3275] in [0] : vector<16xf32>, vector<16xi32> -> vector<16xf32>
      %max3A_3277 = arith.maximumf %max3A_3269, %gather3A_3276 : vector<16xf32>
      %iota3A_3278 = tpu.iota {dimensions = array<i32: 0>} : vector<16xi32>
      %xor3A_3279 = arith.constant 1 : i32
      %xor3A_3280 = vector.broadcast %xor3A_3279 : i32 to vector<16xi32>
      %xor3A_3281 = arith.xori %iota3A_3278, %xor3A_3280 : vector<16xi32>
      %reshape3A_3282 = vector.shape_cast %xor3A_3281 : vector<16xi32> to vector<16x1xi32>
      %gather3A_3283 = vector.shape_cast %reshape3A_3282 : vector<16x1xi32> to vector<16xi32>
      %gather3A_3284 = tpu.dynamic_gather %max3A_3277[%gather3A_3283] in [0] : vector<16xf32>, vector<16xi32> -> vector<16xf32>
      %max3A_3285 = arith.maximumf %max3A_3277, %gather3A_3284 : vector<16xf32>
      %eq3A_3286 = arith.cmpf oeq, %select_n3A_3178, %max3A_3285 : vector<16xf32>
      %jit3A_3287 = arith.constant 4096 : i32
      %broadcast_in_dim3A_3288 = vector.broadcast %jit3A_3287 : i32 to vector<16xi32>
      %select_n3A_3289 = arith.select %eq3A_3286, %get3A_2039, %broadcast_in_dim3A_3288 : vector<16xi1>, vector<16xi32>
      %eq3A_3290 = arith.cmpf oeq, %select_n3A_3182, %max3A_3285 : vector<16xf32>
      %jit3A_3291 = arith.constant 4096 : i32
      %broadcast_in_dim3A_3292 = vector.broadcast %jit3A_3291 : i32 to vector<16xi32>
      %select_n3A_3293 = arith.select %eq3A_3290, %get3A_2042, %broadcast_in_dim3A_3292 : vector<16xi1>, vector<16xi32>
      %min3A_3294 = arith.minsi %select_n3A_3289, %select_n3A_3293 : vector<16xi32>
      %eq3A_3295 = arith.cmpf oeq, %select_n3A_3186, %max3A_3285 : vector<16xf32>
      %jit3A_3296 = arith.constant 4096 : i32
      %broadcast_in_dim3A_3297 = vector.broadcast %jit3A_3296 : i32 to vector<16xi32>
      %select_n3A_3298 = arith.select %eq3A_3295, %get3A_2045, %broadcast_in_dim3A_3297 : vector<16xi1>, vector<16xi32>
      %min3A_3299 = arith.minsi %min3A_3294, %select_n3A_3298 : vector<16xi32>
      %eq3A_3300 = arith.cmpf oeq, %select_n3A_3190, %max3A_3285 : vector<16xf32>
      %jit3A_3301 = arith.constant 4096 : i32
      %broadcast_in_dim3A_3302 = vector.broadcast %jit3A_3301 : i32 to vector<16xi32>
      %select_n3A_3303 = arith.select %eq3A_3300, %get3A_2048, %broadcast_in_dim3A_3302 : vector<16xi1>, vector<16xi32>
      %min3A_3304 = arith.minsi %min3A_3299, %select_n3A_3303 : vector<16xi32>
      %eq3A_3305 = arith.cmpf oeq, %select_n3A_3194, %max3A_3285 : vector<16xf32>
      %jit3A_3306 = arith.constant 4096 : i32
      %broadcast_in_dim3A_3307 = vector.broadcast %jit3A_3306 : i32 to vector<16xi32>
      %select_n3A_3308 = arith.select %eq3A_3305, %get3A_2051, %broadcast_in_dim3A_3307 : vector<16xi1>, vector<16xi32>
      %min3A_3309 = arith.minsi %min3A_3304, %select_n3A_3308 : vector<16xi32>
      %eq3A_3310 = arith.cmpf oeq, %select_n3A_3198, %max3A_3285 : vector<16xf32>
      %jit3A_3311 = arith.constant 4096 : i32
      %broadcast_in_dim3A_3312 = vector.broadcast %jit3A_3311 : i32 to vector<16xi32>
      %select_n3A_3313 = arith.select %eq3A_3310, %get3A_2054, %broadcast_in_dim3A_3312 : vector<16xi1>, vector<16xi32>
      %min3A_3314 = arith.minsi %min3A_3309, %select_n3A_3313 : vector<16xi32>
      %eq3A_3315 = arith.cmpf oeq, %select_n3A_3202, %max3A_3285 : vector<16xf32>
      %jit3A_3316 = arith.constant 4096 : i32
      %broadcast_in_dim3A_3317 = vector.broadcast %jit3A_3316 : i32 to vector<16xi32>
      %select_n3A_3318 = arith.select %eq3A_3315, %get3A_2057, %broadcast_in_dim3A_3317 : vector<16xi1>, vector<16xi32>
      %min3A_3319 = arith.minsi %min3A_3314, %select_n3A_3318 : vector<16xi32>
      %eq3A_3320 = arith.cmpf oeq, %select_n3A_3206, %max3A_3285 : vector<16xf32>
      %jit3A_3321 = arith.constant 4096 : i32
      %broadcast_in_dim3A_3322 = vector.broadcast %jit3A_3321 : i32 to vector<16xi32>
      %select_n3A_3323 = arith.select %eq3A_3320, %get3A_2060, %broadcast_in_dim3A_3322 : vector<16xi1>, vector<16xi32>
      %min3A_3324 = arith.minsi %min3A_3319, %select_n3A_3323 : vector<16xi32>
      %eq3A_3325 = arith.cmpf oeq, %select_n3A_3210, %max3A_3285 : vector<16xf32>
      %jit3A_3326 = arith.constant 4096 : i32
      %broadcast_in_dim3A_3327 = vector.broadcast %jit3A_3326 : i32 to vector<16xi32>
      %select_n3A_3328 = arith.select %eq3A_3325, %get3A_2063, %broadcast_in_dim3A_3327 : vector<16xi1>, vector<16xi32>
      %min3A_3329 = arith.minsi %min3A_3324, %select_n3A_3328 : vector<16xi32>
      %eq3A_3330 = arith.cmpf oeq, %select_n3A_3214, %max3A_3285 : vector<16xf32>
      %jit3A_3331 = arith.constant 4096 : i32
      %broadcast_in_dim3A_3332 = vector.broadcast %jit3A_3331 : i32 to vector<16xi32>
      %select_n3A_3333 = arith.select %eq3A_3330, %get3A_2066, %broadcast_in_dim3A_3332 : vector<16xi1>, vector<16xi32>
      %min3A_3334 = arith.minsi %min3A_3329, %select_n3A_3333 : vector<16xi32>
      %eq3A_3335 = arith.cmpf oeq, %select_n3A_3218, %max3A_3285 : vector<16xf32>
      %jit3A_3336 = arith.constant 4096 : i32
      %broadcast_in_dim3A_3337 = vector.broadcast %jit3A_3336 : i32 to vector<16xi32>
      %select_n3A_3338 = arith.select %eq3A_3335, %get3A_2069, %broadcast_in_dim3A_3337 : vector<16xi1>, vector<16xi32>
      %min3A_3339 = arith.minsi %min3A_3334, %select_n3A_3338 : vector<16xi32>
      %eq3A_3340 = arith.cmpf oeq, %select_n3A_3222, %max3A_3285 : vector<16xf32>
      %jit3A_3341 = arith.constant 4096 : i32
      %broadcast_in_dim3A_3342 = vector.broadcast %jit3A_3341 : i32 to vector<16xi32>
      %select_n3A_3343 = arith.select %eq3A_3340, %get3A_2072, %broadcast_in_dim3A_3342 : vector<16xi1>, vector<16xi32>
      %min3A_3344 = arith.minsi %min3A_3339, %select_n3A_3343 : vector<16xi32>
      %eq3A_3345 = arith.cmpf oeq, %select_n3A_3226, %max3A_3285 : vector<16xf32>
      %jit3A_3346 = arith.constant 4096 : i32
      %broadcast_in_dim3A_3347 = vector.broadcast %jit3A_3346 : i32 to vector<16xi32>
      %select_n3A_3348 = arith.select %eq3A_3345, %get3A_2075, %broadcast_in_dim3A_3347 : vector<16xi1>, vector<16xi32>
      %min3A_3349 = arith.minsi %min3A_3344, %select_n3A_3348 : vector<16xi32>
      %eq3A_3350 = arith.cmpf oeq, %select_n3A_3230, %max3A_3285 : vector<16xf32>
      %jit3A_3351 = arith.constant 4096 : i32
      %broadcast_in_dim3A_3352 = vector.broadcast %jit3A_3351 : i32 to vector<16xi32>
      %select_n3A_3353 = arith.select %eq3A_3350, %get3A_2078, %broadcast_in_dim3A_3352 : vector<16xi1>, vector<16xi32>
      %min3A_3354 = arith.minsi %min3A_3349, %select_n3A_3353 : vector<16xi32>
      %eq3A_3355 = arith.cmpf oeq, %select_n3A_3234, %max3A_3285 : vector<16xf32>
      %jit3A_3356 = arith.constant 4096 : i32
      %broadcast_in_dim3A_3357 = vector.broadcast %jit3A_3356 : i32 to vector<16xi32>
      %select_n3A_3358 = arith.select %eq3A_3355, %get3A_2081, %broadcast_in_dim3A_3357 : vector<16xi1>, vector<16xi32>
      %min3A_3359 = arith.minsi %min3A_3354, %select_n3A_3358 : vector<16xi32>
      %eq3A_3360 = arith.cmpf oeq, %select_n3A_3238, %max3A_3285 : vector<16xf32>
      %jit3A_3361 = arith.constant 4096 : i32
      %broadcast_in_dim3A_3362 = vector.broadcast %jit3A_3361 : i32 to vector<16xi32>
      %select_n3A_3363 = arith.select %eq3A_3360, %get3A_2084, %broadcast_in_dim3A_3362 : vector<16xi1>, vector<16xi32>
      %min3A_3364 = arith.minsi %min3A_3359, %select_n3A_3363 : vector<16xi32>
      %iota3A_3365 = tpu.iota {dimensions = array<i32: 0>} : vector<16xi32>
      %xor3A_3366 = arith.constant 8 : i32
      %xor3A_3367 = vector.broadcast %xor3A_3366 : i32 to vector<16xi32>
      %xor3A_3368 = arith.xori %iota3A_3365, %xor3A_3367 : vector<16xi32>
      %reshape3A_3369 = vector.shape_cast %xor3A_3368 : vector<16xi32> to vector<16x1xi32>
      %gather3A_3370 = vector.shape_cast %reshape3A_3369 : vector<16x1xi32> to vector<16xi32>
      %gather3A_3371 = tpu.dynamic_gather %min3A_3364[%gather3A_3370] in [0] : vector<16xi32>, vector<16xi32> -> vector<16xi32>
      %min3A_3372 = arith.minsi %min3A_3364, %gather3A_3371 : vector<16xi32>
      %iota3A_3373 = tpu.iota {dimensions = array<i32: 0>} : vector<16xi32>
      %xor3A_3374 = arith.constant 4 : i32
      %xor3A_3375 = vector.broadcast %xor3A_3374 : i32 to vector<16xi32>
      %xor3A_3376 = arith.xori %iota3A_3373, %xor3A_3375 : vector<16xi32>
      %reshape3A_3377 = vector.shape_cast %xor3A_3376 : vector<16xi32> to vector<16x1xi32>
      %gather3A_3378 = vector.shape_cast %reshape3A_3377 : vector<16x1xi32> to vector<16xi32>
      %gather3A_3379 = tpu.dynamic_gather %min3A_3372[%gather3A_3378] in [0] : vector<16xi32>, vector<16xi32> -> vector<16xi32>
      %min3A_3380 = arith.minsi %min3A_3372, %gather3A_3379 : vector<16xi32>
      %iota3A_3381 = tpu.iota {dimensions = array<i32: 0>} : vector<16xi32>
      %xor3A_3382 = arith.constant 2 : i32
      %xor3A_3383 = vector.broadcast %xor3A_3382 : i32 to vector<16xi32>
      %xor3A_3384 = arith.xori %iota3A_3381, %xor3A_3383 : vector<16xi32>
      %reshape3A_3385 = vector.shape_cast %xor3A_3384 : vector<16xi32> to vector<16x1xi32>
      %gather3A_3386 = vector.shape_cast %reshape3A_3385 : vector<16x1xi32> to vector<16xi32>
      %gather3A_3387 = tpu.dynamic_gather %min3A_3380[%gather3A_3386] in [0] : vector<16xi32>, vector<16xi32> -> vector<16xi32>
      %min3A_3388 = arith.minsi %min3A_3380, %gather3A_3387 : vector<16xi32>
      %iota3A_3389 = tpu.iota {dimensions = array<i32: 0>} : vector<16xi32>
      %xor3A_3390 = arith.constant 1 : i32
      %xor3A_3391 = vector.broadcast %xor3A_3390 : i32 to vector<16xi32>
      %xor3A_3392 = arith.xori %iota3A_3389, %xor3A_3391 : vector<16xi32>
      %reshape3A_3393 = vector.shape_cast %xor3A_3392 : vector<16xi32> to vector<16x1xi32>
      %gather3A_3394 = vector.shape_cast %reshape3A_3393 : vector<16x1xi32> to vector<16xi32>
      %gather3A_3395 = tpu.dynamic_gather %min3A_3388[%gather3A_3394] in [0] : vector<16xi32>, vector<16xi32> -> vector<16xi32>
      %min3A_3396 = arith.minsi %min3A_3388, %gather3A_3395 : vector<16xi32>
      %eq3A_3397 = arith.constant 5 : i32
      %eq3A_3398 = vector.broadcast %eq3A_3397 : i32 to vector<16xi32>
      %eq3A_3399 = arith.cmpi eq, %iota3A_134, %eq3A_3398 : vector<16xi32>
      %select_n3A_3400 = arith.select %eq3A_3399, %max3A_3285, %select_n3A_3170 : vector<16xi1>, vector<16xf32>
      %eq3A_3401 = arith.constant 5 : i32
      %eq3A_3402 = vector.broadcast %eq3A_3401 : i32 to vector<16xi32>
      %eq3A_3403 = arith.cmpi eq, %iota3A_134, %eq3A_3402 : vector<16xi32>
      %select_n3A_3404 = arith.select %eq3A_3403, %min3A_3396, %select_n3A_3174 : vector<16xi1>, vector<16xi32>
      %eq3A_3405 = arith.cmpi eq, %get3A_2039, %min3A_3396 : vector<16xi32>
      %jit3A_3406 = arith.constant 0xFF800000 : f32
      %broadcast_in_dim3A_3407 = vector.broadcast %jit3A_3406 : f32 to vector<16xf32>
      %select_n3A_3408 = arith.select %eq3A_3405, %broadcast_in_dim3A_3407, %select_n3A_3178 : vector<16xi1>, vector<16xf32>
      %eq3A_3409 = arith.cmpi eq, %get3A_2042, %min3A_3396 : vector<16xi32>
      %jit3A_3410 = arith.constant 0xFF800000 : f32
      %broadcast_in_dim3A_3411 = vector.broadcast %jit3A_3410 : f32 to vector<16xf32>
      %select_n3A_3412 = arith.select %eq3A_3409, %broadcast_in_dim3A_3411, %select_n3A_3182 : vector<16xi1>, vector<16xf32>
      %eq3A_3413 = arith.cmpi eq, %get3A_2045, %min3A_3396 : vector<16xi32>
      %jit3A_3414 = arith.constant 0xFF800000 : f32
      %broadcast_in_dim3A_3415 = vector.broadcast %jit3A_3414 : f32 to vector<16xf32>
      %select_n3A_3416 = arith.select %eq3A_3413, %broadcast_in_dim3A_3415, %select_n3A_3186 : vector<16xi1>, vector<16xf32>
      %eq3A_3417 = arith.cmpi eq, %get3A_2048, %min3A_3396 : vector<16xi32>
      %jit3A_3418 = arith.constant 0xFF800000 : f32
      %broadcast_in_dim3A_3419 = vector.broadcast %jit3A_3418 : f32 to vector<16xf32>
      %select_n3A_3420 = arith.select %eq3A_3417, %broadcast_in_dim3A_3419, %select_n3A_3190 : vector<16xi1>, vector<16xf32>
      %eq3A_3421 = arith.cmpi eq, %get3A_2051, %min3A_3396 : vector<16xi32>
      %jit3A_3422 = arith.constant 0xFF800000 : f32
      %broadcast_in_dim3A_3423 = vector.broadcast %jit3A_3422 : f32 to vector<16xf32>
      %select_n3A_3424 = arith.select %eq3A_3421, %broadcast_in_dim3A_3423, %select_n3A_3194 : vector<16xi1>, vector<16xf32>
      %eq3A_3425 = arith.cmpi eq, %get3A_2054, %min3A_3396 : vector<16xi32>
      %jit3A_3426 = arith.constant 0xFF800000 : f32
      %broadcast_in_dim3A_3427 = vector.broadcast %jit3A_3426 : f32 to vector<16xf32>
      %select_n3A_3428 = arith.select %eq3A_3425, %broadcast_in_dim3A_3427, %select_n3A_3198 : vector<16xi1>, vector<16xf32>
      %eq3A_3429 = arith.cmpi eq, %get3A_2057, %min3A_3396 : vector<16xi32>
      %jit3A_3430 = arith.constant 0xFF800000 : f32
      %broadcast_in_dim3A_3431 = vector.broadcast %jit3A_3430 : f32 to vector<16xf32>
      %select_n3A_3432 = arith.select %eq3A_3429, %broadcast_in_dim3A_3431, %select_n3A_3202 : vector<16xi1>, vector<16xf32>
      %eq3A_3433 = arith.cmpi eq, %get3A_2060, %min3A_3396 : vector<16xi32>
      %jit3A_3434 = arith.constant 0xFF800000 : f32
      %broadcast_in_dim3A_3435 = vector.broadcast %jit3A_3434 : f32 to vector<16xf32>
      %select_n3A_3436 = arith.select %eq3A_3433, %broadcast_in_dim3A_3435, %select_n3A_3206 : vector<16xi1>, vector<16xf32>
      %eq3A_3437 = arith.cmpi eq, %get3A_2063, %min3A_3396 : vector<16xi32>
      %jit3A_3438 = arith.constant 0xFF800000 : f32
      %broadcast_in_dim3A_3439 = vector.broadcast %jit3A_3438 : f32 to vector<16xf32>
      %select_n3A_3440 = arith.select %eq3A_3437, %broadcast_in_dim3A_3439, %select_n3A_3210 : vector<16xi1>, vector<16xf32>
      %eq3A_3441 = arith.cmpi eq, %get3A_2066, %min3A_3396 : vector<16xi32>
      %jit3A_3442 = arith.constant 0xFF800000 : f32
      %broadcast_in_dim3A_3443 = vector.broadcast %jit3A_3442 : f32 to vector<16xf32>
      %select_n3A_3444 = arith.select %eq3A_3441, %broadcast_in_dim3A_3443, %select_n3A_3214 : vector<16xi1>, vector<16xf32>
      %eq3A_3445 = arith.cmpi eq, %get3A_2069, %min3A_3396 : vector<16xi32>
      %jit3A_3446 = arith.constant 0xFF800000 : f32
      %broadcast_in_dim3A_3447 = vector.broadcast %jit3A_3446 : f32 to vector<16xf32>
      %select_n3A_3448 = arith.select %eq3A_3445, %broadcast_in_dim3A_3447, %select_n3A_3218 : vector<16xi1>, vector<16xf32>
      %eq3A_3449 = arith.cmpi eq, %get3A_2072, %min3A_3396 : vector<16xi32>
      %jit3A_3450 = arith.constant 0xFF800000 : f32
      %broadcast_in_dim3A_3451 = vector.broadcast %jit3A_3450 : f32 to vector<16xf32>
      %select_n3A_3452 = arith.select %eq3A_3449, %broadcast_in_dim3A_3451, %select_n3A_3222 : vector<16xi1>, vector<16xf32>
      %eq3A_3453 = arith.cmpi eq, %get3A_2075, %min3A_3396 : vector<16xi32>
      %jit3A_3454 = arith.constant 0xFF800000 : f32
      %broadcast_in_dim3A_3455 = vector.broadcast %jit3A_3454 : f32 to vector<16xf32>
      %select_n3A_3456 = arith.select %eq3A_3453, %broadcast_in_dim3A_3455, %select_n3A_3226 : vector<16xi1>, vector<16xf32>
      %eq3A_3457 = arith.cmpi eq, %get3A_2078, %min3A_3396 : vector<16xi32>
      %jit3A_3458 = arith.constant 0xFF800000 : f32
      %broadcast_in_dim3A_3459 = vector.broadcast %jit3A_3458 : f32 to vector<16xf32>
      %select_n3A_3460 = arith.select %eq3A_3457, %broadcast_in_dim3A_3459, %select_n3A_3230 : vector<16xi1>, vector<16xf32>
      %eq3A_3461 = arith.cmpi eq, %get3A_2081, %min3A_3396 : vector<16xi32>
      %jit3A_3462 = arith.constant 0xFF800000 : f32
      %broadcast_in_dim3A_3463 = vector.broadcast %jit3A_3462 : f32 to vector<16xf32>
      %select_n3A_3464 = arith.select %eq3A_3461, %broadcast_in_dim3A_3463, %select_n3A_3234 : vector<16xi1>, vector<16xf32>
      %eq3A_3465 = arith.cmpi eq, %get3A_2084, %min3A_3396 : vector<16xi32>
      %jit3A_3466 = arith.constant 0xFF800000 : f32
      %broadcast_in_dim3A_3467 = vector.broadcast %jit3A_3466 : f32 to vector<16xf32>
      %select_n3A_3468 = arith.select %eq3A_3465, %broadcast_in_dim3A_3467, %select_n3A_3238 : vector<16xi1>, vector<16xf32>
      %max3A_3469 = arith.maximumf %select_n3A_3408, %select_n3A_3412 : vector<16xf32>
      %max3A_3470 = arith.maximumf %max3A_3469, %select_n3A_3416 : vector<16xf32>
      %max3A_3471 = arith.maximumf %max3A_3470, %select_n3A_3420 : vector<16xf32>
      %max3A_3472 = arith.maximumf %max3A_3471, %select_n3A_3424 : vector<16xf32>
      %max3A_3473 = arith.maximumf %max3A_3472, %select_n3A_3428 : vector<16xf32>
      %max3A_3474 = arith.maximumf %max3A_3473, %select_n3A_3432 : vector<16xf32>
      %max3A_3475 = arith.maximumf %max3A_3474, %select_n3A_3436 : vector<16xf32>
      %max3A_3476 = arith.maximumf %max3A_3475, %select_n3A_3440 : vector<16xf32>
      %max3A_3477 = arith.maximumf %max3A_3476, %select_n3A_3444 : vector<16xf32>
      %max3A_3478 = arith.maximumf %max3A_3477, %select_n3A_3448 : vector<16xf32>
      %max3A_3479 = arith.maximumf %max3A_3478, %select_n3A_3452 : vector<16xf32>
      %max3A_3480 = arith.maximumf %max3A_3479, %select_n3A_3456 : vector<16xf32>
      %max3A_3481 = arith.maximumf %max3A_3480, %select_n3A_3460 : vector<16xf32>
      %max3A_3482 = arith.maximumf %max3A_3481, %select_n3A_3464 : vector<16xf32>
      %max3A_3483 = arith.maximumf %max3A_3482, %select_n3A_3468 : vector<16xf32>
      %iota3A_3484 = tpu.iota {dimensions = array<i32: 0>} : vector<16xi32>
      %xor3A_3485 = arith.constant 8 : i32
      %xor3A_3486 = vector.broadcast %xor3A_3485 : i32 to vector<16xi32>
      %xor3A_3487 = arith.xori %iota3A_3484, %xor3A_3486 : vector<16xi32>
      %reshape3A_3488 = vector.shape_cast %xor3A_3487 : vector<16xi32> to vector<16x1xi32>
      %gather3A_3489 = vector.shape_cast %reshape3A_3488 : vector<16x1xi32> to vector<16xi32>
      %gather3A_3490 = tpu.dynamic_gather %max3A_3483[%gather3A_3489] in [0] : vector<16xf32>, vector<16xi32> -> vector<16xf32>
      %max3A_3491 = arith.maximumf %max3A_3483, %gather3A_3490 : vector<16xf32>
      %iota3A_3492 = tpu.iota {dimensions = array<i32: 0>} : vector<16xi32>
      %xor3A_3493 = arith.constant 4 : i32
      %xor3A_3494 = vector.broadcast %xor3A_3493 : i32 to vector<16xi32>
      %xor3A_3495 = arith.xori %iota3A_3492, %xor3A_3494 : vector<16xi32>
      %reshape3A_3496 = vector.shape_cast %xor3A_3495 : vector<16xi32> to vector<16x1xi32>
      %gather3A_3497 = vector.shape_cast %reshape3A_3496 : vector<16x1xi32> to vector<16xi32>
      %gather3A_3498 = tpu.dynamic_gather %max3A_3491[%gather3A_3497] in [0] : vector<16xf32>, vector<16xi32> -> vector<16xf32>
      %max3A_3499 = arith.maximumf %max3A_3491, %gather3A_3498 : vector<16xf32>
      %iota3A_3500 = tpu.iota {dimensions = array<i32: 0>} : vector<16xi32>
      %xor3A_3501 = arith.constant 2 : i32
      %xor3A_3502 = vector.broadcast %xor3A_3501 : i32 to vector<16xi32>
      %xor3A_3503 = arith.xori %iota3A_3500, %xor3A_3502 : vector<16xi32>
      %reshape3A_3504 = vector.shape_cast %xor3A_3503 : vector<16xi32> to vector<16x1xi32>
      %gather3A_3505 = vector.shape_cast %reshape3A_3504 : vector<16x1xi32> to vector<16xi32>
      %gather3A_3506 = tpu.dynamic_gather %max3A_3499[%gather3A_3505] in [0] : vector<16xf32>, vector<16xi32> -> vector<16xf32>
      %max3A_3507 = arith.maximumf %max3A_3499, %gather3A_3506 : vector<16xf32>
      %iota3A_3508 = tpu.iota {dimensions = array<i32: 0>} : vector<16xi32>
      %xor3A_3509 = arith.constant 1 : i32
      %xor3A_3510 = vector.broadcast %xor3A_3509 : i32 to vector<16xi32>
      %xor3A_3511 = arith.xori %iota3A_3508, %xor3A_3510 : vector<16xi32>
      %reshape3A_3512 = vector.shape_cast %xor3A_3511 : vector<16xi32> to vector<16x1xi32>
      %gather3A_3513 = vector.shape_cast %reshape3A_3512 : vector<16x1xi32> to vector<16xi32>
      %gather3A_3514 = tpu.dynamic_gather %max3A_3507[%gather3A_3513] in [0] : vector<16xf32>, vector<16xi32> -> vector<16xf32>
      %max3A_3515 = arith.maximumf %max3A_3507, %gather3A_3514 : vector<16xf32>
      %eq3A_3516 = arith.cmpf oeq, %select_n3A_3408, %max3A_3515 : vector<16xf32>
      %jit3A_3517 = arith.constant 4096 : i32
      %broadcast_in_dim3A_3518 = vector.broadcast %jit3A_3517 : i32 to vector<16xi32>
      %select_n3A_3519 = arith.select %eq3A_3516, %get3A_2039, %broadcast_in_dim3A_3518 : vector<16xi1>, vector<16xi32>
      %eq3A_3520 = arith.cmpf oeq, %select_n3A_3412, %max3A_3515 : vector<16xf32>
      %jit3A_3521 = arith.constant 4096 : i32
      %broadcast_in_dim3A_3522 = vector.broadcast %jit3A_3521 : i32 to vector<16xi32>
      %select_n3A_3523 = arith.select %eq3A_3520, %get3A_2042, %broadcast_in_dim3A_3522 : vector<16xi1>, vector<16xi32>
      %min3A_3524 = arith.minsi %select_n3A_3519, %select_n3A_3523 : vector<16xi32>
      %eq3A_3525 = arith.cmpf oeq, %select_n3A_3416, %max3A_3515 : vector<16xf32>
      %jit3A_3526 = arith.constant 4096 : i32
      %broadcast_in_dim3A_3527 = vector.broadcast %jit3A_3526 : i32 to vector<16xi32>
      %select_n3A_3528 = arith.select %eq3A_3525, %get3A_2045, %broadcast_in_dim3A_3527 : vector<16xi1>, vector<16xi32>
      %min3A_3529 = arith.minsi %min3A_3524, %select_n3A_3528 : vector<16xi32>
      %eq3A_3530 = arith.cmpf oeq, %select_n3A_3420, %max3A_3515 : vector<16xf32>
      %jit3A_3531 = arith.constant 4096 : i32
      %broadcast_in_dim3A_3532 = vector.broadcast %jit3A_3531 : i32 to vector<16xi32>
      %select_n3A_3533 = arith.select %eq3A_3530, %get3A_2048, %broadcast_in_dim3A_3532 : vector<16xi1>, vector<16xi32>
      %min3A_3534 = arith.minsi %min3A_3529, %select_n3A_3533 : vector<16xi32>
      %eq3A_3535 = arith.cmpf oeq, %select_n3A_3424, %max3A_3515 : vector<16xf32>
      %jit3A_3536 = arith.constant 4096 : i32
      %broadcast_in_dim3A_3537 = vector.broadcast %jit3A_3536 : i32 to vector<16xi32>
      %select_n3A_3538 = arith.select %eq3A_3535, %get3A_2051, %broadcast_in_dim3A_3537 : vector<16xi1>, vector<16xi32>
      %min3A_3539 = arith.minsi %min3A_3534, %select_n3A_3538 : vector<16xi32>
      %eq3A_3540 = arith.cmpf oeq, %select_n3A_3428, %max3A_3515 : vector<16xf32>
      %jit3A_3541 = arith.constant 4096 : i32
      %broadcast_in_dim3A_3542 = vector.broadcast %jit3A_3541 : i32 to vector<16xi32>
      %select_n3A_3543 = arith.select %eq3A_3540, %get3A_2054, %broadcast_in_dim3A_3542 : vector<16xi1>, vector<16xi32>
      %min3A_3544 = arith.minsi %min3A_3539, %select_n3A_3543 : vector<16xi32>
      %eq3A_3545 = arith.cmpf oeq, %select_n3A_3432, %max3A_3515 : vector<16xf32>
      %jit3A_3546 = arith.constant 4096 : i32
      %broadcast_in_dim3A_3547 = vector.broadcast %jit3A_3546 : i32 to vector<16xi32>
      %select_n3A_3548 = arith.select %eq3A_3545, %get3A_2057, %broadcast_in_dim3A_3547 : vector<16xi1>, vector<16xi32>
      %min3A_3549 = arith.minsi %min3A_3544, %select_n3A_3548 : vector<16xi32>
      %eq3A_3550 = arith.cmpf oeq, %select_n3A_3436, %max3A_3515 : vector<16xf32>
      %jit3A_3551 = arith.constant 4096 : i32
      %broadcast_in_dim3A_3552 = vector.broadcast %jit3A_3551 : i32 to vector<16xi32>
      %select_n3A_3553 = arith.select %eq3A_3550, %get3A_2060, %broadcast_in_dim3A_3552 : vector<16xi1>, vector<16xi32>
      %min3A_3554 = arith.minsi %min3A_3549, %select_n3A_3553 : vector<16xi32>
      %eq3A_3555 = arith.cmpf oeq, %select_n3A_3440, %max3A_3515 : vector<16xf32>
      %jit3A_3556 = arith.constant 4096 : i32
      %broadcast_in_dim3A_3557 = vector.broadcast %jit3A_3556 : i32 to vector<16xi32>
      %select_n3A_3558 = arith.select %eq3A_3555, %get3A_2063, %broadcast_in_dim3A_3557 : vector<16xi1>, vector<16xi32>
      %min3A_3559 = arith.minsi %min3A_3554, %select_n3A_3558 : vector<16xi32>
      %eq3A_3560 = arith.cmpf oeq, %select_n3A_3444, %max3A_3515 : vector<16xf32>
      %jit3A_3561 = arith.constant 4096 : i32
      %broadcast_in_dim3A_3562 = vector.broadcast %jit3A_3561 : i32 to vector<16xi32>
      %select_n3A_3563 = arith.select %eq3A_3560, %get3A_2066, %broadcast_in_dim3A_3562 : vector<16xi1>, vector<16xi32>
      %min3A_3564 = arith.minsi %min3A_3559, %select_n3A_3563 : vector<16xi32>
      %eq3A_3565 = arith.cmpf oeq, %select_n3A_3448, %max3A_3515 : vector<16xf32>
      %jit3A_3566 = arith.constant 4096 : i32
      %broadcast_in_dim3A_3567 = vector.broadcast %jit3A_3566 : i32 to vector<16xi32>
      %select_n3A_3568 = arith.select %eq3A_3565, %get3A_2069, %broadcast_in_dim3A_3567 : vector<16xi1>, vector<16xi32>
      %min3A_3569 = arith.minsi %min3A_3564, %select_n3A_3568 : vector<16xi32>
      %eq3A_3570 = arith.cmpf oeq, %select_n3A_3452, %max3A_3515 : vector<16xf32>
      %jit3A_3571 = arith.constant 4096 : i32
      %broadcast_in_dim3A_3572 = vector.broadcast %jit3A_3571 : i32 to vector<16xi32>
      %select_n3A_3573 = arith.select %eq3A_3570, %get3A_2072, %broadcast_in_dim3A_3572 : vector<16xi1>, vector<16xi32>
      %min3A_3574 = arith.minsi %min3A_3569, %select_n3A_3573 : vector<16xi32>
      %eq3A_3575 = arith.cmpf oeq, %select_n3A_3456, %max3A_3515 : vector<16xf32>
      %jit3A_3576 = arith.constant 4096 : i32
      %broadcast_in_dim3A_3577 = vector.broadcast %jit3A_3576 : i32 to vector<16xi32>
      %select_n3A_3578 = arith.select %eq3A_3575, %get3A_2075, %broadcast_in_dim3A_3577 : vector<16xi1>, vector<16xi32>
      %min3A_3579 = arith.minsi %min3A_3574, %select_n3A_3578 : vector<16xi32>
      %eq3A_3580 = arith.cmpf oeq, %select_n3A_3460, %max3A_3515 : vector<16xf32>
      %jit3A_3581 = arith.constant 4096 : i32
      %broadcast_in_dim3A_3582 = vector.broadcast %jit3A_3581 : i32 to vector<16xi32>
      %select_n3A_3583 = arith.select %eq3A_3580, %get3A_2078, %broadcast_in_dim3A_3582 : vector<16xi1>, vector<16xi32>
      %min3A_3584 = arith.minsi %min3A_3579, %select_n3A_3583 : vector<16xi32>
      %eq3A_3585 = arith.cmpf oeq, %select_n3A_3464, %max3A_3515 : vector<16xf32>
      %jit3A_3586 = arith.constant 4096 : i32
      %broadcast_in_dim3A_3587 = vector.broadcast %jit3A_3586 : i32 to vector<16xi32>
      %select_n3A_3588 = arith.select %eq3A_3585, %get3A_2081, %broadcast_in_dim3A_3587 : vector<16xi1>, vector<16xi32>
      %min3A_3589 = arith.minsi %min3A_3584, %select_n3A_3588 : vector<16xi32>
      %eq3A_3590 = arith.cmpf oeq, %select_n3A_3468, %max3A_3515 : vector<16xf32>
      %jit3A_3591 = arith.constant 4096 : i32
      %broadcast_in_dim3A_3592 = vector.broadcast %jit3A_3591 : i32 to vector<16xi32>
      %select_n3A_3593 = arith.select %eq3A_3590, %get3A_2084, %broadcast_in_dim3A_3592 : vector<16xi1>, vector<16xi32>
      %min3A_3594 = arith.minsi %min3A_3589, %select_n3A_3593 : vector<16xi32>
      %iota3A_3595 = tpu.iota {dimensions = array<i32: 0>} : vector<16xi32>
      %xor3A_3596 = arith.constant 8 : i32
      %xor3A_3597 = vector.broadcast %xor3A_3596 : i32 to vector<16xi32>
      %xor3A_3598 = arith.xori %iota3A_3595, %xor3A_3597 : vector<16xi32>
      %reshape3A_3599 = vector.shape_cast %xor3A_3598 : vector<16xi32> to vector<16x1xi32>
      %gather3A_3600 = vector.shape_cast %reshape3A_3599 : vector<16x1xi32> to vector<16xi32>
      %gather3A_3601 = tpu.dynamic_gather %min3A_3594[%gather3A_3600] in [0] : vector<16xi32>, vector<16xi32> -> vector<16xi32>
      %min3A_3602 = arith.minsi %min3A_3594, %gather3A_3601 : vector<16xi32>
      %iota3A_3603 = tpu.iota {dimensions = array<i32: 0>} : vector<16xi32>
      %xor3A_3604 = arith.constant 4 : i32
      %xor3A_3605 = vector.broadcast %xor3A_3604 : i32 to vector<16xi32>
      %xor3A_3606 = arith.xori %iota3A_3603, %xor3A_3605 : vector<16xi32>
      %reshape3A_3607 = vector.shape_cast %xor3A_3606 : vector<16xi32> to vector<16x1xi32>
      %gather3A_3608 = vector.shape_cast %reshape3A_3607 : vector<16x1xi32> to vector<16xi32>
      %gather3A_3609 = tpu.dynamic_gather %min3A_3602[%gather3A_3608] in [0] : vector<16xi32>, vector<16xi32> -> vector<16xi32>
      %min3A_3610 = arith.minsi %min3A_3602, %gather3A_3609 : vector<16xi32>
      %iota3A_3611 = tpu.iota {dimensions = array<i32: 0>} : vector<16xi32>
      %xor3A_3612 = arith.constant 2 : i32
      %xor3A_3613 = vector.broadcast %xor3A_3612 : i32 to vector<16xi32>
      %xor3A_3614 = arith.xori %iota3A_3611, %xor3A_3613 : vector<16xi32>
      %reshape3A_3615 = vector.shape_cast %xor3A_3614 : vector<16xi32> to vector<16x1xi32>
      %gather3A_3616 = vector.shape_cast %reshape3A_3615 : vector<16x1xi32> to vector<16xi32>
      %gather3A_3617 = tpu.dynamic_gather %min3A_3610[%gather3A_3616] in [0] : vector<16xi32>, vector<16xi32> -> vector<16xi32>
      %min3A_3618 = arith.minsi %min3A_3610, %gather3A_3617 : vector<16xi32>
      %iota3A_3619 = tpu.iota {dimensions = array<i32: 0>} : vector<16xi32>
      %xor3A_3620 = arith.constant 1 : i32
      %xor3A_3621 = vector.broadcast %xor3A_3620 : i32 to vector<16xi32>
      %xor3A_3622 = arith.xori %iota3A_3619, %xor3A_3621 : vector<16xi32>
      %reshape3A_3623 = vector.shape_cast %xor3A_3622 : vector<16xi32> to vector<16x1xi32>
      %gather3A_3624 = vector.shape_cast %reshape3A_3623 : vector<16x1xi32> to vector<16xi32>
      %gather3A_3625 = tpu.dynamic_gather %min3A_3618[%gather3A_3624] in [0] : vector<16xi32>, vector<16xi32> -> vector<16xi32>
      %min3A_3626 = arith.minsi %min3A_3618, %gather3A_3625 : vector<16xi32>
      %eq3A_3627 = arith.constant 6 : i32
      %eq3A_3628 = vector.broadcast %eq3A_3627 : i32 to vector<16xi32>
      %eq3A_3629 = arith.cmpi eq, %iota3A_134, %eq3A_3628 : vector<16xi32>
      %select_n3A_3630 = arith.select %eq3A_3629, %max3A_3515, %select_n3A_3400 : vector<16xi1>, vector<16xf32>
      %eq3A_3631 = arith.constant 6 : i32
      %eq3A_3632 = vector.broadcast %eq3A_3631 : i32 to vector<16xi32>
      %eq3A_3633 = arith.cmpi eq, %iota3A_134, %eq3A_3632 : vector<16xi32>
      %select_n3A_3634 = arith.select %eq3A_3633, %min3A_3626, %select_n3A_3404 : vector<16xi1>, vector<16xi32>
      %eq3A_3635 = arith.cmpi eq, %get3A_2039, %min3A_3626 : vector<16xi32>
      %jit3A_3636 = arith.constant 0xFF800000 : f32
      %broadcast_in_dim3A_3637 = vector.broadcast %jit3A_3636 : f32 to vector<16xf32>
      %select_n3A_3638 = arith.select %eq3A_3635, %broadcast_in_dim3A_3637, %select_n3A_3408 : vector<16xi1>, vector<16xf32>
      %eq3A_3639 = arith.cmpi eq, %get3A_2042, %min3A_3626 : vector<16xi32>
      %jit3A_3640 = arith.constant 0xFF800000 : f32
      %broadcast_in_dim3A_3641 = vector.broadcast %jit3A_3640 : f32 to vector<16xf32>
      %select_n3A_3642 = arith.select %eq3A_3639, %broadcast_in_dim3A_3641, %select_n3A_3412 : vector<16xi1>, vector<16xf32>
      %eq3A_3643 = arith.cmpi eq, %get3A_2045, %min3A_3626 : vector<16xi32>
      %jit3A_3644 = arith.constant 0xFF800000 : f32
      %broadcast_in_dim3A_3645 = vector.broadcast %jit3A_3644 : f32 to vector<16xf32>
      %select_n3A_3646 = arith.select %eq3A_3643, %broadcast_in_dim3A_3645, %select_n3A_3416 : vector<16xi1>, vector<16xf32>
      %eq3A_3647 = arith.cmpi eq, %get3A_2048, %min3A_3626 : vector<16xi32>
      %jit3A_3648 = arith.constant 0xFF800000 : f32
      %broadcast_in_dim3A_3649 = vector.broadcast %jit3A_3648 : f32 to vector<16xf32>
      %select_n3A_3650 = arith.select %eq3A_3647, %broadcast_in_dim3A_3649, %select_n3A_3420 : vector<16xi1>, vector<16xf32>
      %eq3A_3651 = arith.cmpi eq, %get3A_2051, %min3A_3626 : vector<16xi32>
      %jit3A_3652 = arith.constant 0xFF800000 : f32
      %broadcast_in_dim3A_3653 = vector.broadcast %jit3A_3652 : f32 to vector<16xf32>
      %select_n3A_3654 = arith.select %eq3A_3651, %broadcast_in_dim3A_3653, %select_n3A_3424 : vector<16xi1>, vector<16xf32>
      %eq3A_3655 = arith.cmpi eq, %get3A_2054, %min3A_3626 : vector<16xi32>
      %jit3A_3656 = arith.constant 0xFF800000 : f32
      %broadcast_in_dim3A_3657 = vector.broadcast %jit3A_3656 : f32 to vector<16xf32>
      %select_n3A_3658 = arith.select %eq3A_3655, %broadcast_in_dim3A_3657, %select_n3A_3428 : vector<16xi1>, vector<16xf32>
      %eq3A_3659 = arith.cmpi eq, %get3A_2057, %min3A_3626 : vector<16xi32>
      %jit3A_3660 = arith.constant 0xFF800000 : f32
      %broadcast_in_dim3A_3661 = vector.broadcast %jit3A_3660 : f32 to vector<16xf32>
      %select_n3A_3662 = arith.select %eq3A_3659, %broadcast_in_dim3A_3661, %select_n3A_3432 : vector<16xi1>, vector<16xf32>
      %eq3A_3663 = arith.cmpi eq, %get3A_2060, %min3A_3626 : vector<16xi32>
      %jit3A_3664 = arith.constant 0xFF800000 : f32
      %broadcast_in_dim3A_3665 = vector.broadcast %jit3A_3664 : f32 to vector<16xf32>
      %select_n3A_3666 = arith.select %eq3A_3663, %broadcast_in_dim3A_3665, %select_n3A_3436 : vector<16xi1>, vector<16xf32>
      %eq3A_3667 = arith.cmpi eq, %get3A_2063, %min3A_3626 : vector<16xi32>
      %jit3A_3668 = arith.constant 0xFF800000 : f32
      %broadcast_in_dim3A_3669 = vector.broadcast %jit3A_3668 : f32 to vector<16xf32>
      %select_n3A_3670 = arith.select %eq3A_3667, %broadcast_in_dim3A_3669, %select_n3A_3440 : vector<16xi1>, vector<16xf32>
      %eq3A_3671 = arith.cmpi eq, %get3A_2066, %min3A_3626 : vector<16xi32>
      %jit3A_3672 = arith.constant 0xFF800000 : f32
      %broadcast_in_dim3A_3673 = vector.broadcast %jit3A_3672 : f32 to vector<16xf32>
      %select_n3A_3674 = arith.select %eq3A_3671, %broadcast_in_dim3A_3673, %select_n3A_3444 : vector<16xi1>, vector<16xf32>
      %eq3A_3675 = arith.cmpi eq, %get3A_2069, %min3A_3626 : vector<16xi32>
      %jit3A_3676 = arith.constant 0xFF800000 : f32
      %broadcast_in_dim3A_3677 = vector.broadcast %jit3A_3676 : f32 to vector<16xf32>
      %select_n3A_3678 = arith.select %eq3A_3675, %broadcast_in_dim3A_3677, %select_n3A_3448 : vector<16xi1>, vector<16xf32>
      %eq3A_3679 = arith.cmpi eq, %get3A_2072, %min3A_3626 : vector<16xi32>
      %jit3A_3680 = arith.constant 0xFF800000 : f32
      %broadcast_in_dim3A_3681 = vector.broadcast %jit3A_3680 : f32 to vector<16xf32>
      %select_n3A_3682 = arith.select %eq3A_3679, %broadcast_in_dim3A_3681, %select_n3A_3452 : vector<16xi1>, vector<16xf32>
      %eq3A_3683 = arith.cmpi eq, %get3A_2075, %min3A_3626 : vector<16xi32>
      %jit3A_3684 = arith.constant 0xFF800000 : f32
      %broadcast_in_dim3A_3685 = vector.broadcast %jit3A_3684 : f32 to vector<16xf32>
      %select_n3A_3686 = arith.select %eq3A_3683, %broadcast_in_dim3A_3685, %select_n3A_3456 : vector<16xi1>, vector<16xf32>
      %eq3A_3687 = arith.cmpi eq, %get3A_2078, %min3A_3626 : vector<16xi32>
      %jit3A_3688 = arith.constant 0xFF800000 : f32
      %broadcast_in_dim3A_3689 = vector.broadcast %jit3A_3688 : f32 to vector<16xf32>
      %select_n3A_3690 = arith.select %eq3A_3687, %broadcast_in_dim3A_3689, %select_n3A_3460 : vector<16xi1>, vector<16xf32>
      %eq3A_3691 = arith.cmpi eq, %get3A_2081, %min3A_3626 : vector<16xi32>
      %jit3A_3692 = arith.constant 0xFF800000 : f32
      %broadcast_in_dim3A_3693 = vector.broadcast %jit3A_3692 : f32 to vector<16xf32>
      %select_n3A_3694 = arith.select %eq3A_3691, %broadcast_in_dim3A_3693, %select_n3A_3464 : vector<16xi1>, vector<16xf32>
      %eq3A_3695 = arith.cmpi eq, %get3A_2084, %min3A_3626 : vector<16xi32>
      %jit3A_3696 = arith.constant 0xFF800000 : f32
      %broadcast_in_dim3A_3697 = vector.broadcast %jit3A_3696 : f32 to vector<16xf32>
      %select_n3A_3698 = arith.select %eq3A_3695, %broadcast_in_dim3A_3697, %select_n3A_3468 : vector<16xi1>, vector<16xf32>
      %max3A_3699 = arith.maximumf %select_n3A_3638, %select_n3A_3642 : vector<16xf32>
      %max3A_3700 = arith.maximumf %max3A_3699, %select_n3A_3646 : vector<16xf32>
      %max3A_3701 = arith.maximumf %max3A_3700, %select_n3A_3650 : vector<16xf32>
      %max3A_3702 = arith.maximumf %max3A_3701, %select_n3A_3654 : vector<16xf32>
      %max3A_3703 = arith.maximumf %max3A_3702, %select_n3A_3658 : vector<16xf32>
      %max3A_3704 = arith.maximumf %max3A_3703, %select_n3A_3662 : vector<16xf32>
      %max3A_3705 = arith.maximumf %max3A_3704, %select_n3A_3666 : vector<16xf32>
      %max3A_3706 = arith.maximumf %max3A_3705, %select_n3A_3670 : vector<16xf32>
      %max3A_3707 = arith.maximumf %max3A_3706, %select_n3A_3674 : vector<16xf32>
      %max3A_3708 = arith.maximumf %max3A_3707, %select_n3A_3678 : vector<16xf32>
      %max3A_3709 = arith.maximumf %max3A_3708, %select_n3A_3682 : vector<16xf32>
      %max3A_3710 = arith.maximumf %max3A_3709, %select_n3A_3686 : vector<16xf32>
      %max3A_3711 = arith.maximumf %max3A_3710, %select_n3A_3690 : vector<16xf32>
      %max3A_3712 = arith.maximumf %max3A_3711, %select_n3A_3694 : vector<16xf32>
      %max3A_3713 = arith.maximumf %max3A_3712, %select_n3A_3698 : vector<16xf32>
      %iota3A_3714 = tpu.iota {dimensions = array<i32: 0>} : vector<16xi32>
      %xor3A_3715 = arith.constant 8 : i32
      %xor3A_3716 = vector.broadcast %xor3A_3715 : i32 to vector<16xi32>
      %xor3A_3717 = arith.xori %iota3A_3714, %xor3A_3716 : vector<16xi32>
      %reshape3A_3718 = vector.shape_cast %xor3A_3717 : vector<16xi32> to vector<16x1xi32>
      %gather3A_3719 = vector.shape_cast %reshape3A_3718 : vector<16x1xi32> to vector<16xi32>
      %gather3A_3720 = tpu.dynamic_gather %max3A_3713[%gather3A_3719] in [0] : vector<16xf32>, vector<16xi32> -> vector<16xf32>
      %max3A_3721 = arith.maximumf %max3A_3713, %gather3A_3720 : vector<16xf32>
      %iota3A_3722 = tpu.iota {dimensions = array<i32: 0>} : vector<16xi32>
      %xor3A_3723 = arith.constant 4 : i32
      %xor3A_3724 = vector.broadcast %xor3A_3723 : i32 to vector<16xi32>
      %xor3A_3725 = arith.xori %iota3A_3722, %xor3A_3724 : vector<16xi32>
      %reshape3A_3726 = vector.shape_cast %xor3A_3725 : vector<16xi32> to vector<16x1xi32>
      %gather3A_3727 = vector.shape_cast %reshape3A_3726 : vector<16x1xi32> to vector<16xi32>
      %gather3A_3728 = tpu.dynamic_gather %max3A_3721[%gather3A_3727] in [0] : vector<16xf32>, vector<16xi32> -> vector<16xf32>
      %max3A_3729 = arith.maximumf %max3A_3721, %gather3A_3728 : vector<16xf32>
      %iota3A_3730 = tpu.iota {dimensions = array<i32: 0>} : vector<16xi32>
      %xor3A_3731 = arith.constant 2 : i32
      %xor3A_3732 = vector.broadcast %xor3A_3731 : i32 to vector<16xi32>
      %xor3A_3733 = arith.xori %iota3A_3730, %xor3A_3732 : vector<16xi32>
      %reshape3A_3734 = vector.shape_cast %xor3A_3733 : vector<16xi32> to vector<16x1xi32>
      %gather3A_3735 = vector.shape_cast %reshape3A_3734 : vector<16x1xi32> to vector<16xi32>
      %gather3A_3736 = tpu.dynamic_gather %max3A_3729[%gather3A_3735] in [0] : vector<16xf32>, vector<16xi32> -> vector<16xf32>
      %max3A_3737 = arith.maximumf %max3A_3729, %gather3A_3736 : vector<16xf32>
      %iota3A_3738 = tpu.iota {dimensions = array<i32: 0>} : vector<16xi32>
      %xor3A_3739 = arith.constant 1 : i32
      %xor3A_3740 = vector.broadcast %xor3A_3739 : i32 to vector<16xi32>
      %xor3A_3741 = arith.xori %iota3A_3738, %xor3A_3740 : vector<16xi32>
      %reshape3A_3742 = vector.shape_cast %xor3A_3741 : vector<16xi32> to vector<16x1xi32>
      %gather3A_3743 = vector.shape_cast %reshape3A_3742 : vector<16x1xi32> to vector<16xi32>
      %gather3A_3744 = tpu.dynamic_gather %max3A_3737[%gather3A_3743] in [0] : vector<16xf32>, vector<16xi32> -> vector<16xf32>
      %max3A_3745 = arith.maximumf %max3A_3737, %gather3A_3744 : vector<16xf32>
      %eq3A_3746 = arith.cmpf oeq, %select_n3A_3638, %max3A_3745 : vector<16xf32>
      %jit3A_3747 = arith.constant 4096 : i32
      %broadcast_in_dim3A_3748 = vector.broadcast %jit3A_3747 : i32 to vector<16xi32>
      %select_n3A_3749 = arith.select %eq3A_3746, %get3A_2039, %broadcast_in_dim3A_3748 : vector<16xi1>, vector<16xi32>
      %eq3A_3750 = arith.cmpf oeq, %select_n3A_3642, %max3A_3745 : vector<16xf32>
      %jit3A_3751 = arith.constant 4096 : i32
      %broadcast_in_dim3A_3752 = vector.broadcast %jit3A_3751 : i32 to vector<16xi32>
      %select_n3A_3753 = arith.select %eq3A_3750, %get3A_2042, %broadcast_in_dim3A_3752 : vector<16xi1>, vector<16xi32>
      %min3A_3754 = arith.minsi %select_n3A_3749, %select_n3A_3753 : vector<16xi32>
      %eq3A_3755 = arith.cmpf oeq, %select_n3A_3646, %max3A_3745 : vector<16xf32>
      %jit3A_3756 = arith.constant 4096 : i32
      %broadcast_in_dim3A_3757 = vector.broadcast %jit3A_3756 : i32 to vector<16xi32>
      %select_n3A_3758 = arith.select %eq3A_3755, %get3A_2045, %broadcast_in_dim3A_3757 : vector<16xi1>, vector<16xi32>
      %min3A_3759 = arith.minsi %min3A_3754, %select_n3A_3758 : vector<16xi32>
      %eq3A_3760 = arith.cmpf oeq, %select_n3A_3650, %max3A_3745 : vector<16xf32>
      %jit3A_3761 = arith.constant 4096 : i32
      %broadcast_in_dim3A_3762 = vector.broadcast %jit3A_3761 : i32 to vector<16xi32>
      %select_n3A_3763 = arith.select %eq3A_3760, %get3A_2048, %broadcast_in_dim3A_3762 : vector<16xi1>, vector<16xi32>
      %min3A_3764 = arith.minsi %min3A_3759, %select_n3A_3763 : vector<16xi32>
      %eq3A_3765 = arith.cmpf oeq, %select_n3A_3654, %max3A_3745 : vector<16xf32>
      %jit3A_3766 = arith.constant 4096 : i32
      %broadcast_in_dim3A_3767 = vector.broadcast %jit3A_3766 : i32 to vector<16xi32>
      %select_n3A_3768 = arith.select %eq3A_3765, %get3A_2051, %broadcast_in_dim3A_3767 : vector<16xi1>, vector<16xi32>
      %min3A_3769 = arith.minsi %min3A_3764, %select_n3A_3768 : vector<16xi32>
      %eq3A_3770 = arith.cmpf oeq, %select_n3A_3658, %max3A_3745 : vector<16xf32>
      %jit3A_3771 = arith.constant 4096 : i32
      %broadcast_in_dim3A_3772 = vector.broadcast %jit3A_3771 : i32 to vector<16xi32>
      %select_n3A_3773 = arith.select %eq3A_3770, %get3A_2054, %broadcast_in_dim3A_3772 : vector<16xi1>, vector<16xi32>
      %min3A_3774 = arith.minsi %min3A_3769, %select_n3A_3773 : vector<16xi32>
      %eq3A_3775 = arith.cmpf oeq, %select_n3A_3662, %max3A_3745 : vector<16xf32>
      %jit3A_3776 = arith.constant 4096 : i32
      %broadcast_in_dim3A_3777 = vector.broadcast %jit3A_3776 : i32 to vector<16xi32>
      %select_n3A_3778 = arith.select %eq3A_3775, %get3A_2057, %broadcast_in_dim3A_3777 : vector<16xi1>, vector<16xi32>
      %min3A_3779 = arith.minsi %min3A_3774, %select_n3A_3778 : vector<16xi32>
      %eq3A_3780 = arith.cmpf oeq, %select_n3A_3666, %max3A_3745 : vector<16xf32>
      %jit3A_3781 = arith.constant 4096 : i32
      %broadcast_in_dim3A_3782 = vector.broadcast %jit3A_3781 : i32 to vector<16xi32>
      %select_n3A_3783 = arith.select %eq3A_3780, %get3A_2060, %broadcast_in_dim3A_3782 : vector<16xi1>, vector<16xi32>
      %min3A_3784 = arith.minsi %min3A_3779, %select_n3A_3783 : vector<16xi32>
      %eq3A_3785 = arith.cmpf oeq, %select_n3A_3670, %max3A_3745 : vector<16xf32>
      %jit3A_3786 = arith.constant 4096 : i32
      %broadcast_in_dim3A_3787 = vector.broadcast %jit3A_3786 : i32 to vector<16xi32>
      %select_n3A_3788 = arith.select %eq3A_3785, %get3A_2063, %broadcast_in_dim3A_3787 : vector<16xi1>, vector<16xi32>
      %min3A_3789 = arith.minsi %min3A_3784, %select_n3A_3788 : vector<16xi32>
      %eq3A_3790 = arith.cmpf oeq, %select_n3A_3674, %max3A_3745 : vector<16xf32>
      %jit3A_3791 = arith.constant 4096 : i32
      %broadcast_in_dim3A_3792 = vector.broadcast %jit3A_3791 : i32 to vector<16xi32>
      %select_n3A_3793 = arith.select %eq3A_3790, %get3A_2066, %broadcast_in_dim3A_3792 : vector<16xi1>, vector<16xi32>
      %min3A_3794 = arith.minsi %min3A_3789, %select_n3A_3793 : vector<16xi32>
      %eq3A_3795 = arith.cmpf oeq, %select_n3A_3678, %max3A_3745 : vector<16xf32>
      %jit3A_3796 = arith.constant 4096 : i32
      %broadcast_in_dim3A_3797 = vector.broadcast %jit3A_3796 : i32 to vector<16xi32>
      %select_n3A_3798 = arith.select %eq3A_3795, %get3A_2069, %broadcast_in_dim3A_3797 : vector<16xi1>, vector<16xi32>
      %min3A_3799 = arith.minsi %min3A_3794, %select_n3A_3798 : vector<16xi32>
      %eq3A_3800 = arith.cmpf oeq, %select_n3A_3682, %max3A_3745 : vector<16xf32>
      %jit3A_3801 = arith.constant 4096 : i32
      %broadcast_in_dim3A_3802 = vector.broadcast %jit3A_3801 : i32 to vector<16xi32>
      %select_n3A_3803 = arith.select %eq3A_3800, %get3A_2072, %broadcast_in_dim3A_3802 : vector<16xi1>, vector<16xi32>
      %min3A_3804 = arith.minsi %min3A_3799, %select_n3A_3803 : vector<16xi32>
      %eq3A_3805 = arith.cmpf oeq, %select_n3A_3686, %max3A_3745 : vector<16xf32>
      %jit3A_3806 = arith.constant 4096 : i32
      %broadcast_in_dim3A_3807 = vector.broadcast %jit3A_3806 : i32 to vector<16xi32>
      %select_n3A_3808 = arith.select %eq3A_3805, %get3A_2075, %broadcast_in_dim3A_3807 : vector<16xi1>, vector<16xi32>
      %min3A_3809 = arith.minsi %min3A_3804, %select_n3A_3808 : vector<16xi32>
      %eq3A_3810 = arith.cmpf oeq, %select_n3A_3690, %max3A_3745 : vector<16xf32>
      %jit3A_3811 = arith.constant 4096 : i32
      %broadcast_in_dim3A_3812 = vector.broadcast %jit3A_3811 : i32 to vector<16xi32>
      %select_n3A_3813 = arith.select %eq3A_3810, %get3A_2078, %broadcast_in_dim3A_3812 : vector<16xi1>, vector<16xi32>
      %min3A_3814 = arith.minsi %min3A_3809, %select_n3A_3813 : vector<16xi32>
      %eq3A_3815 = arith.cmpf oeq, %select_n3A_3694, %max3A_3745 : vector<16xf32>
      %jit3A_3816 = arith.constant 4096 : i32
      %broadcast_in_dim3A_3817 = vector.broadcast %jit3A_3816 : i32 to vector<16xi32>
      %select_n3A_3818 = arith.select %eq3A_3815, %get3A_2081, %broadcast_in_dim3A_3817 : vector<16xi1>, vector<16xi32>
      %min3A_3819 = arith.minsi %min3A_3814, %select_n3A_3818 : vector<16xi32>
      %eq3A_3820 = arith.cmpf oeq, %select_n3A_3698, %max3A_3745 : vector<16xf32>
      %jit3A_3821 = arith.constant 4096 : i32
      %broadcast_in_dim3A_3822 = vector.broadcast %jit3A_3821 : i32 to vector<16xi32>
      %select_n3A_3823 = arith.select %eq3A_3820, %get3A_2084, %broadcast_in_dim3A_3822 : vector<16xi1>, vector<16xi32>
      %min3A_3824 = arith.minsi %min3A_3819, %select_n3A_3823 : vector<16xi32>
      %iota3A_3825 = tpu.iota {dimensions = array<i32: 0>} : vector<16xi32>
      %xor3A_3826 = arith.constant 8 : i32
      %xor3A_3827 = vector.broadcast %xor3A_3826 : i32 to vector<16xi32>
      %xor3A_3828 = arith.xori %iota3A_3825, %xor3A_3827 : vector<16xi32>
      %reshape3A_3829 = vector.shape_cast %xor3A_3828 : vector<16xi32> to vector<16x1xi32>
      %gather3A_3830 = vector.shape_cast %reshape3A_3829 : vector<16x1xi32> to vector<16xi32>
      %gather3A_3831 = tpu.dynamic_gather %min3A_3824[%gather3A_3830] in [0] : vector<16xi32>, vector<16xi32> -> vector<16xi32>
      %min3A_3832 = arith.minsi %min3A_3824, %gather3A_3831 : vector<16xi32>
      %iota3A_3833 = tpu.iota {dimensions = array<i32: 0>} : vector<16xi32>
      %xor3A_3834 = arith.constant 4 : i32
      %xor3A_3835 = vector.broadcast %xor3A_3834 : i32 to vector<16xi32>
      %xor3A_3836 = arith.xori %iota3A_3833, %xor3A_3835 : vector<16xi32>
      %reshape3A_3837 = vector.shape_cast %xor3A_3836 : vector<16xi32> to vector<16x1xi32>
      %gather3A_3838 = vector.shape_cast %reshape3A_3837 : vector<16x1xi32> to vector<16xi32>
      %gather3A_3839 = tpu.dynamic_gather %min3A_3832[%gather3A_3838] in [0] : vector<16xi32>, vector<16xi32> -> vector<16xi32>
      %min3A_3840 = arith.minsi %min3A_3832, %gather3A_3839 : vector<16xi32>
      %iota3A_3841 = tpu.iota {dimensions = array<i32: 0>} : vector<16xi32>
      %xor3A_3842 = arith.constant 2 : i32
      %xor3A_3843 = vector.broadcast %xor3A_3842 : i32 to vector<16xi32>
      %xor3A_3844 = arith.xori %iota3A_3841, %xor3A_3843 : vector<16xi32>
      %reshape3A_3845 = vector.shape_cast %xor3A_3844 : vector<16xi32> to vector<16x1xi32>
      %gather3A_3846 = vector.shape_cast %reshape3A_3845 : vector<16x1xi32> to vector<16xi32>
      %gather3A_3847 = tpu.dynamic_gather %min3A_3840[%gather3A_3846] in [0] : vector<16xi32>, vector<16xi32> -> vector<16xi32>
      %min3A_3848 = arith.minsi %min3A_3840, %gather3A_3847 : vector<16xi32>
      %iota3A_3849 = tpu.iota {dimensions = array<i32: 0>} : vector<16xi32>
      %xor3A_3850 = arith.constant 1 : i32
      %xor3A_3851 = vector.broadcast %xor3A_3850 : i32 to vector<16xi32>
      %xor3A_3852 = arith.xori %iota3A_3849, %xor3A_3851 : vector<16xi32>
      %reshape3A_3853 = vector.shape_cast %xor3A_3852 : vector<16xi32> to vector<16x1xi32>
      %gather3A_3854 = vector.shape_cast %reshape3A_3853 : vector<16x1xi32> to vector<16xi32>
      %gather3A_3855 = tpu.dynamic_gather %min3A_3848[%gather3A_3854] in [0] : vector<16xi32>, vector<16xi32> -> vector<16xi32>
      %min3A_3856 = arith.minsi %min3A_3848, %gather3A_3855 : vector<16xi32>
      %eq3A_3857 = arith.constant 7 : i32
      %eq3A_3858 = vector.broadcast %eq3A_3857 : i32 to vector<16xi32>
      %eq3A_3859 = arith.cmpi eq, %iota3A_134, %eq3A_3858 : vector<16xi32>
      %select_n3A_3860 = arith.select %eq3A_3859, %max3A_3745, %select_n3A_3630 : vector<16xi1>, vector<16xf32>
      %eq3A_3861 = arith.constant 7 : i32
      %eq3A_3862 = vector.broadcast %eq3A_3861 : i32 to vector<16xi32>
      %eq3A_3863 = arith.cmpi eq, %iota3A_134, %eq3A_3862 : vector<16xi32>
      %select_n3A_3864 = arith.select %eq3A_3863, %min3A_3856, %select_n3A_3634 : vector<16xi1>, vector<16xi32>
      %eq3A_3865 = arith.cmpi eq, %get3A_2039, %min3A_3856 : vector<16xi32>
      %jit3A_3866 = arith.constant 0xFF800000 : f32
      %broadcast_in_dim3A_3867 = vector.broadcast %jit3A_3866 : f32 to vector<16xf32>
      %select_n3A_3868 = arith.select %eq3A_3865, %broadcast_in_dim3A_3867, %select_n3A_3638 : vector<16xi1>, vector<16xf32>
      %eq3A_3869 = arith.cmpi eq, %get3A_2042, %min3A_3856 : vector<16xi32>
      %jit3A_3870 = arith.constant 0xFF800000 : f32
      %broadcast_in_dim3A_3871 = vector.broadcast %jit3A_3870 : f32 to vector<16xf32>
      %select_n3A_3872 = arith.select %eq3A_3869, %broadcast_in_dim3A_3871, %select_n3A_3642 : vector<16xi1>, vector<16xf32>
      %eq3A_3873 = arith.cmpi eq, %get3A_2045, %min3A_3856 : vector<16xi32>
      %jit3A_3874 = arith.constant 0xFF800000 : f32
      %broadcast_in_dim3A_3875 = vector.broadcast %jit3A_3874 : f32 to vector<16xf32>
      %select_n3A_3876 = arith.select %eq3A_3873, %broadcast_in_dim3A_3875, %select_n3A_3646 : vector<16xi1>, vector<16xf32>
      %eq3A_3877 = arith.cmpi eq, %get3A_2048, %min3A_3856 : vector<16xi32>
      %jit3A_3878 = arith.constant 0xFF800000 : f32
      %broadcast_in_dim3A_3879 = vector.broadcast %jit3A_3878 : f32 to vector<16xf32>
      %select_n3A_3880 = arith.select %eq3A_3877, %broadcast_in_dim3A_3879, %select_n3A_3650 : vector<16xi1>, vector<16xf32>
      %eq3A_3881 = arith.cmpi eq, %get3A_2051, %min3A_3856 : vector<16xi32>
      %jit3A_3882 = arith.constant 0xFF800000 : f32
      %broadcast_in_dim3A_3883 = vector.broadcast %jit3A_3882 : f32 to vector<16xf32>
      %select_n3A_3884 = arith.select %eq3A_3881, %broadcast_in_dim3A_3883, %select_n3A_3654 : vector<16xi1>, vector<16xf32>
      %eq3A_3885 = arith.cmpi eq, %get3A_2054, %min3A_3856 : vector<16xi32>
      %jit3A_3886 = arith.constant 0xFF800000 : f32
      %broadcast_in_dim3A_3887 = vector.broadcast %jit3A_3886 : f32 to vector<16xf32>
      %select_n3A_3888 = arith.select %eq3A_3885, %broadcast_in_dim3A_3887, %select_n3A_3658 : vector<16xi1>, vector<16xf32>
      %eq3A_3889 = arith.cmpi eq, %get3A_2057, %min3A_3856 : vector<16xi32>
      %jit3A_3890 = arith.constant 0xFF800000 : f32
      %broadcast_in_dim3A_3891 = vector.broadcast %jit3A_3890 : f32 to vector<16xf32>
      %select_n3A_3892 = arith.select %eq3A_3889, %broadcast_in_dim3A_3891, %select_n3A_3662 : vector<16xi1>, vector<16xf32>
      %eq3A_3893 = arith.cmpi eq, %get3A_2060, %min3A_3856 : vector<16xi32>
      %jit3A_3894 = arith.constant 0xFF800000 : f32
      %broadcast_in_dim3A_3895 = vector.broadcast %jit3A_3894 : f32 to vector<16xf32>
      %select_n3A_3896 = arith.select %eq3A_3893, %broadcast_in_dim3A_3895, %select_n3A_3666 : vector<16xi1>, vector<16xf32>
      %eq3A_3897 = arith.cmpi eq, %get3A_2063, %min3A_3856 : vector<16xi32>
      %jit3A_3898 = arith.constant 0xFF800000 : f32
      %broadcast_in_dim3A_3899 = vector.broadcast %jit3A_3898 : f32 to vector<16xf32>
      %select_n3A_3900 = arith.select %eq3A_3897, %broadcast_in_dim3A_3899, %select_n3A_3670 : vector<16xi1>, vector<16xf32>
      %eq3A_3901 = arith.cmpi eq, %get3A_2066, %min3A_3856 : vector<16xi32>
      %jit3A_3902 = arith.constant 0xFF800000 : f32
      %broadcast_in_dim3A_3903 = vector.broadcast %jit3A_3902 : f32 to vector<16xf32>
      %select_n3A_3904 = arith.select %eq3A_3901, %broadcast_in_dim3A_3903, %select_n3A_3674 : vector<16xi1>, vector<16xf32>
      %eq3A_3905 = arith.cmpi eq, %get3A_2069, %min3A_3856 : vector<16xi32>
      %jit3A_3906 = arith.constant 0xFF800000 : f32
      %broadcast_in_dim3A_3907 = vector.broadcast %jit3A_3906 : f32 to vector<16xf32>
      %select_n3A_3908 = arith.select %eq3A_3905, %broadcast_in_dim3A_3907, %select_n3A_3678 : vector<16xi1>, vector<16xf32>
      %eq3A_3909 = arith.cmpi eq, %get3A_2072, %min3A_3856 : vector<16xi32>
      %jit3A_3910 = arith.constant 0xFF800000 : f32
      %broadcast_in_dim3A_3911 = vector.broadcast %jit3A_3910 : f32 to vector<16xf32>
      %select_n3A_3912 = arith.select %eq3A_3909, %broadcast_in_dim3A_3911, %select_n3A_3682 : vector<16xi1>, vector<16xf32>
      %eq3A_3913 = arith.cmpi eq, %get3A_2075, %min3A_3856 : vector<16xi32>
      %jit3A_3914 = arith.constant 0xFF800000 : f32
      %broadcast_in_dim3A_3915 = vector.broadcast %jit3A_3914 : f32 to vector<16xf32>
      %select_n3A_3916 = arith.select %eq3A_3913, %broadcast_in_dim3A_3915, %select_n3A_3686 : vector<16xi1>, vector<16xf32>
      %eq3A_3917 = arith.cmpi eq, %get3A_2078, %min3A_3856 : vector<16xi32>
      %jit3A_3918 = arith.constant 0xFF800000 : f32
      %broadcast_in_dim3A_3919 = vector.broadcast %jit3A_3918 : f32 to vector<16xf32>
      %select_n3A_3920 = arith.select %eq3A_3917, %broadcast_in_dim3A_3919, %select_n3A_3690 : vector<16xi1>, vector<16xf32>
      %eq3A_3921 = arith.cmpi eq, %get3A_2081, %min3A_3856 : vector<16xi32>
      %jit3A_3922 = arith.constant 0xFF800000 : f32
      %broadcast_in_dim3A_3923 = vector.broadcast %jit3A_3922 : f32 to vector<16xf32>
      %select_n3A_3924 = arith.select %eq3A_3921, %broadcast_in_dim3A_3923, %select_n3A_3694 : vector<16xi1>, vector<16xf32>
      %eq3A_3925 = arith.cmpi eq, %get3A_2084, %min3A_3856 : vector<16xi32>
      %jit3A_3926 = arith.constant 0xFF800000 : f32
      %broadcast_in_dim3A_3927 = vector.broadcast %jit3A_3926 : f32 to vector<16xf32>
      %select_n3A_3928 = arith.select %eq3A_3925, %broadcast_in_dim3A_3927, %select_n3A_3698 : vector<16xi1>, vector<16xf32>
      %iota3A_3929 = tpu.iota {dimensions = array<i32: 0>} : vector<16xi32>
      %xor3A_3930 = arith.constant 8 : i32
      %xor3A_3931 = vector.broadcast %xor3A_3930 : i32 to vector<16xi32>
      %xor3A_3932 = arith.xori %iota3A_3929, %xor3A_3931 : vector<16xi32>
      %reshape3A_3933 = vector.shape_cast %xor3A_3932 : vector<16xi32> to vector<16x1xi32>
      %gather3A_3934 = vector.shape_cast %reshape3A_3933 : vector<16x1xi32> to vector<16xi32>
      %gather3A_3935 = tpu.dynamic_gather %select_n3A_3860[%gather3A_3934] in [0] : vector<16xf32>, vector<16xi32> -> vector<16xf32>
      %max3A_3936 = arith.maximumf %select_n3A_3860, %gather3A_3935 : vector<16xf32>
      %iota3A_3937 = tpu.iota {dimensions = array<i32: 0>} : vector<16xi32>
      %xor3A_3938 = arith.constant 4 : i32
      %xor3A_3939 = vector.broadcast %xor3A_3938 : i32 to vector<16xi32>
      %xor3A_3940 = arith.xori %iota3A_3937, %xor3A_3939 : vector<16xi32>
      %reshape3A_3941 = vector.shape_cast %xor3A_3940 : vector<16xi32> to vector<16x1xi32>
      %gather3A_3942 = vector.shape_cast %reshape3A_3941 : vector<16x1xi32> to vector<16xi32>
      %gather3A_3943 = tpu.dynamic_gather %max3A_3936[%gather3A_3942] in [0] : vector<16xf32>, vector<16xi32> -> vector<16xf32>
      %max3A_3944 = arith.maximumf %max3A_3936, %gather3A_3943 : vector<16xf32>
      %iota3A_3945 = tpu.iota {dimensions = array<i32: 0>} : vector<16xi32>
      %xor3A_3946 = arith.constant 2 : i32
      %xor3A_3947 = vector.broadcast %xor3A_3946 : i32 to vector<16xi32>
      %xor3A_3948 = arith.xori %iota3A_3945, %xor3A_3947 : vector<16xi32>
      %reshape3A_3949 = vector.shape_cast %xor3A_3948 : vector<16xi32> to vector<16x1xi32>
      %gather3A_3950 = vector.shape_cast %reshape3A_3949 : vector<16x1xi32> to vector<16xi32>
      %gather3A_3951 = tpu.dynamic_gather %max3A_3944[%gather3A_3950] in [0] : vector<16xf32>, vector<16xi32> -> vector<16xf32>
      %max3A_3952 = arith.maximumf %max3A_3944, %gather3A_3951 : vector<16xf32>
      %iota3A_3953 = tpu.iota {dimensions = array<i32: 0>} : vector<16xi32>
      %xor3A_3954 = arith.constant 1 : i32
      %xor3A_3955 = vector.broadcast %xor3A_3954 : i32 to vector<16xi32>
      %xor3A_3956 = arith.xori %iota3A_3953, %xor3A_3955 : vector<16xi32>
      %reshape3A_3957 = vector.shape_cast %xor3A_3956 : vector<16xi32> to vector<16x1xi32>
      %gather3A_3958 = vector.shape_cast %reshape3A_3957 : vector<16x1xi32> to vector<16xi32>
      %gather3A_3959 = tpu.dynamic_gather %max3A_3952[%gather3A_3958] in [0] : vector<16xf32>, vector<16xi32> -> vector<16xf32>
      %max3A_3960 = arith.maximumf %max3A_3952, %gather3A_3959 : vector<16xf32>
      %sub3A = arith.subf %select_n3A_3860, %max3A_3960 : vector<16xf32>
      %exp3A = math.exp %sub3A : vector<16xf32>
      %iota3A_3961 = tpu.iota {dimensions = array<i32: 0>} : vector<16xi32>
      %xor3A_3962 = arith.constant 8 : i32
      %xor3A_3963 = vector.broadcast %xor3A_3962 : i32 to vector<16xi32>
      %xor3A_3964 = arith.xori %iota3A_3961, %xor3A_3963 : vector<16xi32>
      %reshape3A_3965 = vector.shape_cast %xor3A_3964 : vector<16xi32> to vector<16x1xi32>
      %gather3A_3966 = vector.shape_cast %reshape3A_3965 : vector<16x1xi32> to vector<16xi32>
      %gather3A_3967 = tpu.dynamic_gather %exp3A[%gather3A_3966] in [0] : vector<16xf32>, vector<16xi32> -> vector<16xf32>
      %add3A_3968 = arith.addf %exp3A, %gather3A_3967 : vector<16xf32>
      %iota3A_3969 = tpu.iota {dimensions = array<i32: 0>} : vector<16xi32>
      %xor3A_3970 = arith.constant 4 : i32
      %xor3A_3971 = vector.broadcast %xor3A_3970 : i32 to vector<16xi32>
      %xor3A_3972 = arith.xori %iota3A_3969, %xor3A_3971 : vector<16xi32>
      %reshape3A_3973 = vector.shape_cast %xor3A_3972 : vector<16xi32> to vector<16x1xi32>
      %gather3A_3974 = vector.shape_cast %reshape3A_3973 : vector<16x1xi32> to vector<16xi32>
      %gather3A_3975 = tpu.dynamic_gather %add3A_3968[%gather3A_3974] in [0] : vector<16xf32>, vector<16xi32> -> vector<16xf32>
      %add3A_3976 = arith.addf %add3A_3968, %gather3A_3975 : vector<16xf32>
      %iota3A_3977 = tpu.iota {dimensions = array<i32: 0>} : vector<16xi32>
      %xor3A_3978 = arith.constant 2 : i32
      %xor3A_3979 = vector.broadcast %xor3A_3978 : i32 to vector<16xi32>
      %xor3A_3980 = arith.xori %iota3A_3977, %xor3A_3979 : vector<16xi32>
      %reshape3A_3981 = vector.shape_cast %xor3A_3980 : vector<16xi32> to vector<16x1xi32>
      %gather3A_3982 = vector.shape_cast %reshape3A_3981 : vector<16x1xi32> to vector<16xi32>
      %gather3A_3983 = tpu.dynamic_gather %add3A_3976[%gather3A_3982] in [0] : vector<16xf32>, vector<16xi32> -> vector<16xf32>
      %add3A_3984 = arith.addf %add3A_3976, %gather3A_3983 : vector<16xf32>
      %iota3A_3985 = tpu.iota {dimensions = array<i32: 0>} : vector<16xi32>
      %xor3A_3986 = arith.constant 1 : i32
      %xor3A_3987 = vector.broadcast %xor3A_3986 : i32 to vector<16xi32>
      %xor3A_3988 = arith.xori %iota3A_3985, %xor3A_3987 : vector<16xi32>
      %reshape3A_3989 = vector.shape_cast %xor3A_3988 : vector<16xi32> to vector<16x1xi32>
      %gather3A_3990 = vector.shape_cast %reshape3A_3989 : vector<16x1xi32> to vector<16xi32>
      %gather3A_3991 = tpu.dynamic_gather %add3A_3984[%gather3A_3990] in [0] : vector<16xf32>, vector<16xi32> -> vector<16xf32>
      %add3A_3992 = arith.addf %add3A_3984, %gather3A_3991 : vector<16xf32>
      %div3A = arith.divf %exp3A, %add3A_3992 : vector<16xf32>
      %swap3A_3993 = arith.constant 0 : index
      %swap3A_3994 = tpu.vector_load %arg13[%swap3A_3993] {strides = array<i32>} : memref<16xi32, #tpu.memory_space<vmem>>, vector<16xi32>,
      %swap3A_3995 = vector.shape_cast %swap3A_3994 : vector<16xi32> to vector<16xi32>
      %swap3A_3996 = vector.shape_cast %select_n3A_3864 : vector<16xi32> to vector<16xi32>
      tpu.vector_store %arg13[%swap3A_3993], %swap3A_3996 {strides = array<i32>} : memref<16xi32, #tpu.memory_space<vmem>>, vector<16xi32>,
      %dma_start3A = arith.constant 0 : i32
      %dma_start3A_3997 = arith.constant 0 : i32
      %dma_start3A_3998 = tpu.memref_slice %arg3[%dma_start3A, %dma_start3A_3997] : memref<4096x128xf32, #tpu.memory_space<hbm>> -> memref<4096x128xf32, #tpu.memory_space<hbm>>
      tpu.enqueue_indirect_dma source(%dma_start3A_3998 : memref<4096x128xf32, #tpu.memory_space<hbm>>) target(%arg12 : memref<16x128xf32, #tpu.memory_space<vmem>>) offsets(%arg13 : memref<16xi32, #tpu.memory_space<vmem>>) semaphore(%arg15 : memref<!tpu.dma_semaphore, #tpu.memory_space<semaphore_mem>>)
      %dma_wait3A = arith.constant 0 : i32
      %dma_wait3A_3999 = arith.constant 0 : i32
      %dma_wait3A_4000 = tpu.memref_slice %arg3[%dma_wait3A, %dma_wait3A_3999] : memref<4096x128xf32, #tpu.memory_space<hbm>> -> memref<4096x128xf32, #tpu.memory_space<hbm>>
      tpu.wait_indirect_dma semaphore(%arg15 : memref<!tpu.dma_semaphore, #tpu.memory_space<semaphore_mem>>) src(%dma_wait3A_4000 : memref<4096x128xf32, #tpu.memory_space<hbm>>) dst(%arg12 : memref<16x128xf32, #tpu.memory_space<vmem>>)
      %broadcast_in_dim3A_4001 = arith.constant 0.000000e+00 : f32
      %broadcast_in_dim3A_4002 = vector.broadcast %broadcast_in_dim3A_4001 : f32 to vector<16xf32>
      %slice3A = vector.extract_strided_slice %div3A {offsets = [0], sizes = [1], strides = [1]} : vector<16xf32> to vector<1xf32>
      %squeeze3A = vector.extract %slice3A[0] : f32 from vector<1xf32>
      %get3A_4003 = arith.constant 0 : i32
      %get3A_4004 = arith.index_cast %get3A_4003 : i32 to index
      %get3A_4005 = arith.constant 0 : index
      %get3A_4006 = tpu.vector_load %arg12[%get3A_4004, %get3A_4005] {strides = array<i32>} : memref<16x128xf32, #tpu.memory_space<vmem>>, vector<1x16xf32>,
      %get3A_4007 = vector.shape_cast %get3A_4006 : vector<1x16xf32> to vector<16xf32>
      %mul3A_4008 = vector.broadcast %squeeze3A : f32 to vector<16xf32>
      %mul3A_4009 = arith.mulf %mul3A_4008, %get3A_4007 : vector<16xf32>
      %add3A_4010 = arith.addf %broadcast_in_dim3A_4002, %mul3A_4009 : vector<16xf32>
      %slice3A_4011 = vector.extract_strided_slice %div3A {offsets = [1], sizes = [1], strides = [1]} : vector<16xf32> to vector<1xf32>
      %squeeze3A_4012 = vector.extract %slice3A_4011[0] : f32 from vector<1xf32>
      %get3A_4013 = arith.constant 1 : i32
      %get3A_4014 = arith.index_cast %get3A_4013 : i32 to index
      %get3A_4015 = arith.constant 0 : index
      %get3A_4016 = tpu.vector_load %arg12[%get3A_4014, %get3A_4015] {strides = array<i32>} : memref<16x128xf32, #tpu.memory_space<vmem>>, vector<1x16xf32>,
      %get3A_4017 = vector.shape_cast %get3A_4016 : vector<1x16xf32> to vector<16xf32>
      %mul3A_4018 = vector.broadcast %squeeze3A_4012 : f32 to vector<16xf32>
      %mul3A_4019 = arith.mulf %mul3A_4018, %get3A_4017 : vector<16xf32>
      %add3A_4020 = arith.addf %add3A_4010, %mul3A_4019 : vector<16xf32>
      %slice3A_4021 = vector.extract_strided_slice %div3A {offsets = [2], sizes = [1], strides = [1]} : vector<16xf32> to vector<1xf32>
      %squeeze3A_4022 = vector.extract %slice3A_4021[0] : f32 from vector<1xf32>
      %get3A_4023 = arith.constant 2 : i32
      %get3A_4024 = arith.index_cast %get3A_4023 : i32 to index
      %get3A_4025 = arith.constant 0 : index
      %get3A_4026 = tpu.vector_load %arg12[%get3A_4024, %get3A_4025] {strides = array<i32>} : memref<16x128xf32, #tpu.memory_space<vmem>>, vector<1x16xf32>,
      %get3A_4027 = vector.shape_cast %get3A_4026 : vector<1x16xf32> to vector<16xf32>
      %mul3A_4028 = vector.broadcast %squeeze3A_4022 : f32 to vector<16xf32>
      %mul3A_4029 = arith.mulf %mul3A_4028, %get3A_4027 : vector<16xf32>
      %add3A_4030 = arith.addf %add3A_4020, %mul3A_4029 : vector<16xf32>
      %slice3A_4031 = vector.extract_strided_slice %div3A {offsets = [3], sizes = [1], strides = [1]} : vector<16xf32> to vector<1xf32>
      %squeeze3A_4032 = vector.extract %slice3A_4031[0] : f32 from vector<1xf32>
      %get3A_4033 = arith.constant 3 : i32
      %get3A_4034 = arith.index_cast %get3A_4033 : i32 to index
      %get3A_4035 = arith.constant 0 : index
      %get3A_4036 = tpu.vector_load %arg12[%get3A_4034, %get3A_4035] {strides = array<i32>} : memref<16x128xf32, #tpu.memory_space<vmem>>, vector<1x16xf32>,
      %get3A_4037 = vector.shape_cast %get3A_4036 : vector<1x16xf32> to vector<16xf32>
      %mul3A_4038 = vector.broadcast %squeeze3A_4032 : f32 to vector<16xf32>
      %mul3A_4039 = arith.mulf %mul3A_4038, %get3A_4037 : vector<16xf32>
      %add3A_4040 = arith.addf %add3A_4030, %mul3A_4039 : vector<16xf32>
      %slice3A_4041 = vector.extract_strided_slice %div3A {offsets = [4], sizes = [1], strides = [1]} : vector<16xf32> to vector<1xf32>
      %squeeze3A_4042 = vector.extract %slice3A_4041[0] : f32 from vector<1xf32>
      %get3A_4043 = arith.constant 4 : i32
      %get3A_4044 = arith.index_cast %get3A_4043 : i32 to index
      %get3A_4045 = arith.constant 0 : index
      %get3A_4046 = tpu.vector_load %arg12[%get3A_4044, %get3A_4045] {strides = array<i32>} : memref<16x128xf32, #tpu.memory_space<vmem>>, vector<1x16xf32>,
      %get3A_4047 = vector.shape_cast %get3A_4046 : vector<1x16xf32> to vector<16xf32>
      %mul3A_4048 = vector.broadcast %squeeze3A_4042 : f32 to vector<16xf32>
      %mul3A_4049 = arith.mulf %mul3A_4048, %get3A_4047 : vector<16xf32>
      %add3A_4050 = arith.addf %add3A_4040, %mul3A_4049 : vector<16xf32>
      %slice3A_4051 = vector.extract_strided_slice %div3A {offsets = [5], sizes = [1], strides = [1]} : vector<16xf32> to vector<1xf32>
      %squeeze3A_4052 = vector.extract %slice3A_4051[0] : f32 from vector<1xf32>
      %get3A_4053 = arith.constant 5 : i32
      %get3A_4054 = arith.index_cast %get3A_4053 : i32 to index
      %get3A_4055 = arith.constant 0 : index
      %get3A_4056 = tpu.vector_load %arg12[%get3A_4054, %get3A_4055] {strides = array<i32>} : memref<16x128xf32, #tpu.memory_space<vmem>>, vector<1x16xf32>,
      %get3A_4057 = vector.shape_cast %get3A_4056 : vector<1x16xf32> to vector<16xf32>
      %mul3A_4058 = vector.broadcast %squeeze3A_4052 : f32 to vector<16xf32>
      %mul3A_4059 = arith.mulf %mul3A_4058, %get3A_4057 : vector<16xf32>
      %add3A_4060 = arith.addf %add3A_4050, %mul3A_4059 : vector<16xf32>
      %slice3A_4061 = vector.extract_strided_slice %div3A {offsets = [6], sizes = [1], strides = [1]} : vector<16xf32> to vector<1xf32>
      %squeeze3A_4062 = vector.extract %slice3A_4061[0] : f32 from vector<1xf32>
      %get3A_4063 = arith.constant 6 : i32
      %get3A_4064 = arith.index_cast %get3A_4063 : i32 to index
      %get3A_4065 = arith.constant 0 : index
      %get3A_4066 = tpu.vector_load %arg12[%get3A_4064, %get3A_4065] {strides = array<i32>} : memref<16x128xf32, #tpu.memory_space<vmem>>, vector<1x16xf32>,
      %get3A_4067 = vector.shape_cast %get3A_4066 : vector<1x16xf32> to vector<16xf32>
      %mul3A_4068 = vector.broadcast %squeeze3A_4062 : f32 to vector<16xf32>
      %mul3A_4069 = arith.mulf %mul3A_4068, %get3A_4067 : vector<16xf32>
      %add3A_4070 = arith.addf %add3A_4060, %mul3A_4069 : vector<16xf32>
      %slice3A_4071 = vector.extract_strided_slice %div3A {offsets = [7], sizes = [1], strides = [1]} : vector<16xf32> to vector<1xf32>
      %squeeze3A_4072 = vector.extract %slice3A_4071[0] : f32 from vector<1xf32>
      %get3A_4073 = arith.constant 7 : i32
      %get3A_4074 = arith.index_cast %get3A_4073 : i32 to index
      %get3A_4075 = arith.constant 0 : index
      %get3A_4076 = tpu.vector_load %arg12[%get3A_4074, %get3A_4075] {strides = array<i32>} : memref<16x128xf32, #tpu.memory_space<vmem>>, vector<1x16xf32>,
      %get3A_4077 = vector.shape_cast %get3A_4076 : vector<1x16xf32> to vector<16xf32>
      %mul3A_4078 = vector.broadcast %squeeze3A_4072 : f32 to vector<16xf32>
      %mul3A_4079 = arith.mulf %mul3A_4078, %get3A_4077 : vector<16xf32>
      %add3A_4080 = arith.addf %add3A_4070, %mul3A_4079 : vector<16xf32>
      %swap3A_4081 = arith.constant 0 : index
      %swap3A_4082 = tpu.vector_load %arg14[%swap3A_4081] {strides = array<i32>} : memref<128xf32, #tpu.memory_space<vmem>>, vector<16xf32>,
      %swap3A_4083 = vector.shape_cast %swap3A_4082 : vector<16xf32> to vector<16xf32>
      %swap3A_4084 = vector.shape_cast %add3A_4080 : vector<16xf32> to vector<16xf32>
      tpu.vector_store %arg14[%swap3A_4081], %swap3A_4084 {strides = array<i32>} : memref<128xf32, #tpu.memory_space<vmem>>, vector<16xf32>,
      %broadcast_in_dim3A_4085 = arith.constant 0.000000e+00 : f32
      %broadcast_in_dim3A_4086 = vector.broadcast %broadcast_in_dim3A_4085 : f32 to vector<16xf32>
      %slice3A_4087 = vector.extract_strided_slice %div3A {offsets = [0], sizes = [1], strides = [1]} : vector<16xf32> to vector<1xf32>
      %squeeze3A_4088 = vector.extract %slice3A_4087[0] : f32 from vector<1xf32>
      %get3A_4089 = arith.constant 0 : i32
      %get3A_4090 = arith.index_cast %get3A_4089 : i32 to index
      %get3A_4091 = arith.constant 16 : index
      %get3A_4092 = tpu.vector_load %arg12[%get3A_4090, %get3A_4091] {strides = array<i32>} : memref<16x128xf32, #tpu.memory_space<vmem>>, vector<1x16xf32>,
      %get3A_4093 = vector.shape_cast %get3A_4092 : vector<1x16xf32> to vector<16xf32>
      %mul3A_4094 = vector.broadcast %squeeze3A_4088 : f32 to vector<16xf32>
      %mul3A_4095 = arith.mulf %mul3A_4094, %get3A_4093 : vector<16xf32>
      %add3A_4096 = arith.addf %broadcast_in_dim3A_4086, %mul3A_4095 : vector<16xf32>
      %slice3A_4097 = vector.extract_strided_slice %div3A {offsets = [1], sizes = [1], strides = [1]} : vector<16xf32> to vector<1xf32>
      %squeeze3A_4098 = vector.extract %slice3A_4097[0] : f32 from vector<1xf32>
      %get3A_4099 = arith.constant 1 : i32
      %get3A_4100 = arith.index_cast %get3A_4099 : i32 to index
      %get3A_4101 = arith.constant 16 : index
      %get3A_4102 = tpu.vector_load %arg12[%get3A_4100, %get3A_4101] {strides = array<i32>} : memref<16x128xf32, #tpu.memory_space<vmem>>, vector<1x16xf32>,
      %get3A_4103 = vector.shape_cast %get3A_4102 : vector<1x16xf32> to vector<16xf32>
      %mul3A_4104 = vector.broadcast %squeeze3A_4098 : f32 to vector<16xf32>
      %mul3A_4105 = arith.mulf %mul3A_4104, %get3A_4103 : vector<16xf32>
      %add3A_4106 = arith.addf %add3A_4096, %mul3A_4105 : vector<16xf32>
      %slice3A_4107 = vector.extract_strided_slice %div3A {offsets = [2], sizes = [1], strides = [1]} : vector<16xf32> to vector<1xf32>
      %squeeze3A_4108 = vector.extract %slice3A_4107[0] : f32 from vector<1xf32>
      %get3A_4109 = arith.constant 2 : i32
      %get3A_4110 = arith.index_cast %get3A_4109 : i32 to index
      %get3A_4111 = arith.constant 16 : index
      %get3A_4112 = tpu.vector_load %arg12[%get3A_4110, %get3A_4111] {strides = array<i32>} : memref<16x128xf32, #tpu.memory_space<vmem>>, vector<1x16xf32>,
      %get3A_4113 = vector.shape_cast %get3A_4112 : vector<1x16xf32> to vector<16xf32>
      %mul3A_4114 = vector.broadcast %squeeze3A_4108 : f32 to vector<16xf32>
      %mul3A_4115 = arith.mulf %mul3A_4114, %get3A_4113 : vector<16xf32>
      %add3A_4116 = arith.addf %add3A_4106, %mul3A_4115 : vector<16xf32>
      %slice3A_4117 = vector.extract_strided_slice %div3A {offsets = [3], sizes = [1], strides = [1]} : vector<16xf32> to vector<1xf32>
      %squeeze3A_4118 = vector.extract %slice3A_4117[0] : f32 from vector<1xf32>
      %get3A_4119 = arith.constant 3 : i32
      %get3A_4120 = arith.index_cast %get3A_4119 : i32 to index
      %get3A_4121 = arith.constant 16 : index
      %get3A_4122 = tpu.vector_load %arg12[%get3A_4120, %get3A_4121] {strides = array<i32>} : memref<16x128xf32, #tpu.memory_space<vmem>>, vector<1x16xf32>,
      %get3A_4123 = vector.shape_cast %get3A_4122 : vector<1x16xf32> to vector<16xf32>
      %mul3A_4124 = vector.broadcast %squeeze3A_4118 : f32 to vector<16xf32>
      %mul3A_4125 = arith.mulf %mul3A_4124, %get3A_4123 : vector<16xf32>
      %add3A_4126 = arith.addf %add3A_4116, %mul3A_4125 : vector<16xf32>
      %slice3A_4127 = vector.extract_strided_slice %div3A {offsets = [4], sizes = [1], strides = [1]} : vector<16xf32> to vector<1xf32>
      %squeeze3A_4128 = vector.extract %slice3A_4127[0] : f32 from vector<1xf32>
      %get3A_4129 = arith.constant 4 : i32
      %get3A_4130 = arith.index_cast %get3A_4129 : i32 to index
      %get3A_4131 = arith.constant 16 : index
      %get3A_4132 = tpu.vector_load %arg12[%get3A_4130, %get3A_4131] {strides = array<i32>} : memref<16x128xf32, #tpu.memory_space<vmem>>, vector<1x16xf32>,
      %get3A_4133 = vector.shape_cast %get3A_4132 : vector<1x16xf32> to vector<16xf32>
      %mul3A_4134 = vector.broadcast %squeeze3A_4128 : f32 to vector<16xf32>
      %mul3A_4135 = arith.mulf %mul3A_4134, %get3A_4133 : vector<16xf32>
      %add3A_4136 = arith.addf %add3A_4126, %mul3A_4135 : vector<16xf32>
      %slice3A_4137 = vector.extract_strided_slice %div3A {offsets = [5], sizes = [1], strides = [1]} : vector<16xf32> to vector<1xf32>
      %squeeze3A_4138 = vector.extract %slice3A_4137[0] : f32 from vector<1xf32>
      %get3A_4139 = arith.constant 5 : i32
      %get3A_4140 = arith.index_cast %get3A_4139 : i32 to index
      %get3A_4141 = arith.constant 16 : index
      %get3A_4142 = tpu.vector_load %arg12[%get3A_4140, %get3A_4141] {strides = array<i32>} : memref<16x128xf32, #tpu.memory_space<vmem>>, vector<1x16xf32>,
      %get3A_4143 = vector.shape_cast %get3A_4142 : vector<1x16xf32> to vector<16xf32>
      %mul3A_4144 = vector.broadcast %squeeze3A_4138 : f32 to vector<16xf32>
      %mul3A_4145 = arith.mulf %mul3A_4144, %get3A_4143 : vector<16xf32>
      %add3A_4146 = arith.addf %add3A_4136, %mul3A_4145 : vector<16xf32>
      %slice3A_4147 = vector.extract_strided_slice %div3A {offsets = [6], sizes = [1], strides = [1]} : vector<16xf32> to vector<1xf32>
      %squeeze3A_4148 = vector.extract %slice3A_4147[0] : f32 from vector<1xf32>
      %get3A_4149 = arith.constant 6 : i32
      %get3A_4150 = arith.index_cast %get3A_4149 : i32 to index
      %get3A_4151 = arith.constant 16 : index
      %get3A_4152 = tpu.vector_load %arg12[%get3A_4150, %get3A_4151] {strides = array<i32>} : memref<16x128xf32, #tpu.memory_space<vmem>>, vector<1x16xf32>,
      %get3A_4153 = vector.shape_cast %get3A_4152 : vector<1x16xf32> to vector<16xf32>
      %mul3A_4154 = vector.broadcast %squeeze3A_4148 : f32 to vector<16xf32>
      %mul3A_4155 = arith.mulf %mul3A_4154, %get3A_4153 : vector<16xf32>
      %add3A_4156 = arith.addf %add3A_4146, %mul3A_4155 : vector<16xf32>
      %slice3A_4157 = vector.extract_strided_slice %div3A {offsets = [7], sizes = [1], strides = [1]} : vector<16xf32> to vector<1xf32>
      %squeeze3A_4158 = vector.extract %slice3A_4157[0] : f32 from vector<1xf32>
      %get3A_4159 = arith.constant 7 : i32
      %get3A_4160 = arith.index_cast %get3A_4159 : i32 to index
      %get3A_4161 = arith.constant 16 : index
      %get3A_4162 = tpu.vector_load %arg12[%get3A_4160, %get3A_4161] {strides = array<i32>} : memref<16x128xf32, #tpu.memory_space<vmem>>, vector<1x16xf32>,
      %get3A_4163 = vector.shape_cast %get3A_4162 : vector<1x16xf32> to vector<16xf32>
      %mul3A_4164 = vector.broadcast %squeeze3A_4158 : f32 to vector<16xf32>
      %mul3A_4165 = arith.mulf %mul3A_4164, %get3A_4163 : vector<16xf32>
      %add3A_4166 = arith.addf %add3A_4156, %mul3A_4165 : vector<16xf32>
      %swap3A_4167 = arith.constant 16 : index
      %swap3A_4168 = tpu.vector_load %arg14[%swap3A_4167] {strides = array<i32>} : memref<128xf32, #tpu.memory_space<vmem>>, vector<16xf32>,
      %swap3A_4169 = vector.shape_cast %swap3A_4168 : vector<16xf32> to vector<16xf32>
      %swap3A_4170 = vector.shape_cast %add3A_4166 : vector<16xf32> to vector<16xf32>
      tpu.vector_store %arg14[%swap3A_4167], %swap3A_4170 {strides = array<i32>} : memref<128xf32, #tpu.memory_space<vmem>>, vector<16xf32>,
      %broadcast_in_dim3A_4171 = arith.constant 0.000000e+00 : f32
      %broadcast_in_dim3A_4172 = vector.broadcast %broadcast_in_dim3A_4171 : f32 to vector<16xf32>
      %slice3A_4173 = vector.extract_strided_slice %div3A {offsets = [0], sizes = [1], strides = [1]} : vector<16xf32> to vector<1xf32>
      %squeeze3A_4174 = vector.extract %slice3A_4173[0] : f32 from vector<1xf32>
      %get3A_4175 = arith.constant 0 : i32
      %get3A_4176 = arith.index_cast %get3A_4175 : i32 to index
      %get3A_4177 = arith.constant 32 : index
      %get3A_4178 = tpu.vector_load %arg12[%get3A_4176, %get3A_4177] {strides = array<i32>} : memref<16x128xf32, #tpu.memory_space<vmem>>, vector<1x16xf32>,
      %get3A_4179 = vector.shape_cast %get3A_4178 : vector<1x16xf32> to vector<16xf32>
      %mul3A_4180 = vector.broadcast %squeeze3A_4174 : f32 to vector<16xf32>
      %mul3A_4181 = arith.mulf %mul3A_4180, %get3A_4179 : vector<16xf32>
      %add3A_4182 = arith.addf %broadcast_in_dim3A_4172, %mul3A_4181 : vector<16xf32>
      %slice3A_4183 = vector.extract_strided_slice %div3A {offsets = [1], sizes = [1], strides = [1]} : vector<16xf32> to vector<1xf32>
      %squeeze3A_4184 = vector.extract %slice3A_4183[0] : f32 from vector<1xf32>
      %get3A_4185 = arith.constant 1 : i32
      %get3A_4186 = arith.index_cast %get3A_4185 : i32 to index
      %get3A_4187 = arith.constant 32 : index
      %get3A_4188 = tpu.vector_load %arg12[%get3A_4186, %get3A_4187] {strides = array<i32>} : memref<16x128xf32, #tpu.memory_space<vmem>>, vector<1x16xf32>,
      %get3A_4189 = vector.shape_cast %get3A_4188 : vector<1x16xf32> to vector<16xf32>
      %mul3A_4190 = vector.broadcast %squeeze3A_4184 : f32 to vector<16xf32>
      %mul3A_4191 = arith.mulf %mul3A_4190, %get3A_4189 : vector<16xf32>
      %add3A_4192 = arith.addf %add3A_4182, %mul3A_4191 : vector<16xf32>
      %slice3A_4193 = vector.extract_strided_slice %div3A {offsets = [2], sizes = [1], strides = [1]} : vector<16xf32> to vector<1xf32>
      %squeeze3A_4194 = vector.extract %slice3A_4193[0] : f32 from vector<1xf32>
      %get3A_4195 = arith.constant 2 : i32
      %get3A_4196 = arith.index_cast %get3A_4195 : i32 to index
      %get3A_4197 = arith.constant 32 : index
      %get3A_4198 = tpu.vector_load %arg12[%get3A_4196, %get3A_4197] {strides = array<i32>} : memref<16x128xf32, #tpu.memory_space<vmem>>, vector<1x16xf32>,
      %get3A_4199 = vector.shape_cast %get3A_4198 : vector<1x16xf32> to vector<16xf32>
      %mul3A_4200 = vector.broadcast %squeeze3A_4194 : f32 to vector<16xf32>
      %mul3A_4201 = arith.mulf %mul3A_4200, %get3A_4199 : vector<16xf32>
      %add3A_4202 = arith.addf %add3A_4192, %mul3A_4201 : vector<16xf32>
      %slice3A_4203 = vector.extract_strided_slice %div3A {offsets = [3], sizes = [1], strides = [1]} : vector<16xf32> to vector<1xf32>
      %squeeze3A_4204 = vector.extract %slice3A_4203[0] : f32 from vector<1xf32>
      %get3A_4205 = arith.constant 3 : i32
      %get3A_4206 = arith.index_cast %get3A_4205 : i32 to index
      %get3A_4207 = arith.constant 32 : index
      %get3A_4208 = tpu.vector_load %arg12[%get3A_4206, %get3A_4207] {strides = array<i32>} : memref<16x128xf32, #tpu.memory_space<vmem>>, vector<1x16xf32>,
      %get3A_4209 = vector.shape_cast %get3A_4208 : vector<1x16xf32> to vector<16xf32>
      %mul3A_4210 = vector.broadcast %squeeze3A_4204 : f32 to vector<16xf32>
      %mul3A_4211 = arith.mulf %mul3A_4210, %get3A_4209 : vector<16xf32>
      %add3A_4212 = arith.addf %add3A_4202, %mul3A_4211 : vector<16xf32>
      %slice3A_4213 = vector.extract_strided_slice %div3A {offsets = [4], sizes = [1], strides = [1]} : vector<16xf32> to vector<1xf32>
      %squeeze3A_4214 = vector.extract %slice3A_4213[0] : f32 from vector<1xf32>
      %get3A_4215 = arith.constant 4 : i32
      %get3A_4216 = arith.index_cast %get3A_4215 : i32 to index
      %get3A_4217 = arith.constant 32 : index
      %get3A_4218 = tpu.vector_load %arg12[%get3A_4216, %get3A_4217] {strides = array<i32>} : memref<16x128xf32, #tpu.memory_space<vmem>>, vector<1x16xf32>,
      %get3A_4219 = vector.shape_cast %get3A_4218 : vector<1x16xf32> to vector<16xf32>
      %mul3A_4220 = vector.broadcast %squeeze3A_4214 : f32 to vector<16xf32>
      %mul3A_4221 = arith.mulf %mul3A_4220, %get3A_4219 : vector<16xf32>
      %add3A_4222 = arith.addf %add3A_4212, %mul3A_4221 : vector<16xf32>
      %slice3A_4223 = vector.extract_strided_slice %div3A {offsets = [5], sizes = [1], strides = [1]} : vector<16xf32> to vector<1xf32>
      %squeeze3A_4224 = vector.extract %slice3A_4223[0] : f32 from vector<1xf32>
      %get3A_4225 = arith.constant 5 : i32
      %get3A_4226 = arith.index_cast %get3A_4225 : i32 to index
      %get3A_4227 = arith.constant 32 : index
      %get3A_4228 = tpu.vector_load %arg12[%get3A_4226, %get3A_4227] {strides = array<i32>} : memref<16x128xf32, #tpu.memory_space<vmem>>, vector<1x16xf32>,
      %get3A_4229 = vector.shape_cast %get3A_4228 : vector<1x16xf32> to vector<16xf32>
      %mul3A_4230 = vector.broadcast %squeeze3A_4224 : f32 to vector<16xf32>
      %mul3A_4231 = arith.mulf %mul3A_4230, %get3A_4229 : vector<16xf32>
      %add3A_4232 = arith.addf %add3A_4222, %mul3A_4231 : vector<16xf32>
      %slice3A_4233 = vector.extract_strided_slice %div3A {offsets = [6], sizes = [1], strides = [1]} : vector<16xf32> to vector<1xf32>
      %squeeze3A_4234 = vector.extract %slice3A_4233[0] : f32 from vector<1xf32>
      %get3A_4235 = arith.constant 6 : i32
      %get3A_4236 = arith.index_cast %get3A_4235 : i32 to index
      %get3A_4237 = arith.constant 32 : index
      %get3A_4238 = tpu.vector_load %arg12[%get3A_4236, %get3A_4237] {strides = array<i32>} : memref<16x128xf32, #tpu.memory_space<vmem>>, vector<1x16xf32>,
      %get3A_4239 = vector.shape_cast %get3A_4238 : vector<1x16xf32> to vector<16xf32>
      %mul3A_4240 = vector.broadcast %squeeze3A_4234 : f32 to vector<16xf32>
      %mul3A_4241 = arith.mulf %mul3A_4240, %get3A_4239 : vector<16xf32>
      %add3A_4242 = arith.addf %add3A_4232, %mul3A_4241 : vector<16xf32>
      %slice3A_4243 = vector.extract_strided_slice %div3A {offsets = [7], sizes = [1], strides = [1]} : vector<16xf32> to vector<1xf32>
      %squeeze3A_4244 = vector.extract %slice3A_4243[0] : f32 from vector<1xf32>
      %get3A_4245 = arith.constant 7 : i32
      %get3A_4246 = arith.index_cast %get3A_4245 : i32 to index
      %get3A_4247 = arith.constant 32 : index
      %get3A_4248 = tpu.vector_load %arg12[%get3A_4246, %get3A_4247] {strides = array<i32>} : memref<16x128xf32, #tpu.memory_space<vmem>>, vector<1x16xf32>,
      %get3A_4249 = vector.shape_cast %get3A_4248 : vector<1x16xf32> to vector<16xf32>
      %mul3A_4250 = vector.broadcast %squeeze3A_4244 : f32 to vector<16xf32>
      %mul3A_4251 = arith.mulf %mul3A_4250, %get3A_4249 : vector<16xf32>
      %add3A_4252 = arith.addf %add3A_4242, %mul3A_4251 : vector<16xf32>
      %swap3A_4253 = arith.constant 32 : index
      %swap3A_4254 = tpu.vector_load %arg14[%swap3A_4253] {strides = array<i32>} : memref<128xf32, #tpu.memory_space<vmem>>, vector<16xf32>,
      %swap3A_4255 = vector.shape_cast %swap3A_4254 : vector<16xf32> to vector<16xf32>
      %swap3A_4256 = vector.shape_cast %add3A_4252 : vector<16xf32> to vector<16xf32>
      tpu.vector_store %arg14[%swap3A_4253], %swap3A_4256 {strides = array<i32>} : memref<128xf32, #tpu.memory_space<vmem>>, vector<16xf32>,
      %broadcast_in_dim3A_4257 = arith.constant 0.000000e+00 : f32
      %broadcast_in_dim3A_4258 = vector.broadcast %broadcast_in_dim3A_4257 : f32 to vector<16xf32>
      %slice3A_4259 = vector.extract_strided_slice %div3A {offsets = [0], sizes = [1], strides = [1]} : vector<16xf32> to vector<1xf32>
      %squeeze3A_4260 = vector.extract %slice3A_4259[0] : f32 from vector<1xf32>
      %get3A_4261 = arith.constant 0 : i32
      %get3A_4262 = arith.index_cast %get3A_4261 : i32 to index
      %get3A_4263 = arith.constant 48 : index
      %get3A_4264 = tpu.vector_load %arg12[%get3A_4262, %get3A_4263] {strides = array<i32>} : memref<16x128xf32, #tpu.memory_space<vmem>>, vector<1x16xf32>,
      %get3A_4265 = vector.shape_cast %get3A_4264 : vector<1x16xf32> to vector<16xf32>
      %mul3A_4266 = vector.broadcast %squeeze3A_4260 : f32 to vector<16xf32>
      %mul3A_4267 = arith.mulf %mul3A_4266, %get3A_4265 : vector<16xf32>
      %add3A_4268 = arith.addf %broadcast_in_dim3A_4258, %mul3A_4267 : vector<16xf32>
      %slice3A_4269 = vector.extract_strided_slice %div3A {offsets = [1], sizes = [1], strides = [1]} : vector<16xf32> to vector<1xf32>
      %squeeze3A_4270 = vector.extract %slice3A_4269[0] : f32 from vector<1xf32>
      %get3A_4271 = arith.constant 1 : i32
      %get3A_4272 = arith.index_cast %get3A_4271 : i32 to index
      %get3A_4273 = arith.constant 48 : index
      %get3A_4274 = tpu.vector_load %arg12[%get3A_4272, %get3A_4273] {strides = array<i32>} : memref<16x128xf32, #tpu.memory_space<vmem>>, vector<1x16xf32>,
      %get3A_4275 = vector.shape_cast %get3A_4274 : vector<1x16xf32> to vector<16xf32>
      %mul3A_4276 = vector.broadcast %squeeze3A_4270 : f32 to vector<16xf32>
      %mul3A_4277 = arith.mulf %mul3A_4276, %get3A_4275 : vector<16xf32>
      %add3A_4278 = arith.addf %add3A_4268, %mul3A_4277 : vector<16xf32>
      %slice3A_4279 = vector.extract_strided_slice %div3A {offsets = [2], sizes = [1], strides = [1]} : vector<16xf32> to vector<1xf32>
      %squeeze3A_4280 = vector.extract %slice3A_4279[0] : f32 from vector<1xf32>
      %get3A_4281 = arith.constant 2 : i32
      %get3A_4282 = arith.index_cast %get3A_4281 : i32 to index
      %get3A_4283 = arith.constant 48 : index
      %get3A_4284 = tpu.vector_load %arg12[%get3A_4282, %get3A_4283] {strides = array<i32>} : memref<16x128xf32, #tpu.memory_space<vmem>>, vector<1x16xf32>,
      %get3A_4285 = vector.shape_cast %get3A_4284 : vector<1x16xf32> to vector<16xf32>
      %mul3A_4286 = vector.broadcast %squeeze3A_4280 : f32 to vector<16xf32>
      %mul3A_4287 = arith.mulf %mul3A_4286, %get3A_4285 : vector<16xf32>
      %add3A_4288 = arith.addf %add3A_4278, %mul3A_4287 : vector<16xf32>
      %slice3A_4289 = vector.extract_strided_slice %div3A {offsets = [3], sizes = [1], strides = [1]} : vector<16xf32> to vector<1xf32>
      %squeeze3A_4290 = vector.extract %slice3A_4289[0] : f32 from vector<1xf32>
      %get3A_4291 = arith.constant 3 : i32
      %get3A_4292 = arith.index_cast %get3A_4291 : i32 to index
      %get3A_4293 = arith.constant 48 : index
      %get3A_4294 = tpu.vector_load %arg12[%get3A_4292, %get3A_4293] {strides = array<i32>} : memref<16x128xf32, #tpu.memory_space<vmem>>, vector<1x16xf32>,
      %get3A_4295 = vector.shape_cast %get3A_4294 : vector<1x16xf32> to vector<16xf32>
      %mul3A_4296 = vector.broadcast %squeeze3A_4290 : f32 to vector<16xf32>
      %mul3A_4297 = arith.mulf %mul3A_4296, %get3A_4295 : vector<16xf32>
      %add3A_4298 = arith.addf %add3A_4288, %mul3A_4297 : vector<16xf32>
      %slice3A_4299 = vector.extract_strided_slice %div3A {offsets = [4], sizes = [1], strides = [1]} : vector<16xf32> to vector<1xf32>
      %squeeze3A_4300 = vector.extract %slice3A_4299[0] : f32 from vector<1xf32>
      %get3A_4301 = arith.constant 4 : i32
      %get3A_4302 = arith.index_cast %get3A_4301 : i32 to index
      %get3A_4303 = arith.constant 48 : index
      %get3A_4304 = tpu.vector_load %arg12[%get3A_4302, %get3A_4303] {strides = array<i32>} : memref<16x128xf32, #tpu.memory_space<vmem>>, vector<1x16xf32>,
      %get3A_4305 = vector.shape_cast %get3A_4304 : vector<1x16xf32> to vector<16xf32>
      %mul3A_4306 = vector.broadcast %squeeze3A_4300 : f32 to vector<16xf32>
      %mul3A_4307 = arith.mulf %mul3A_4306, %get3A_4305 : vector<16xf32>
      %add3A_4308 = arith.addf %add3A_4298, %mul3A_4307 : vector<16xf32>
      %slice3A_4309 = vector.extract_strided_slice %div3A {offsets = [5], sizes = [1], strides = [1]} : vector<16xf32> to vector<1xf32>
      %squeeze3A_4310 = vector.extract %slice3A_4309[0] : f32 from vector<1xf32>
      %get3A_4311 = arith.constant 5 : i32
      %get3A_4312 = arith.index_cast %get3A_4311 : i32 to index
      %get3A_4313 = arith.constant 48 : index
      %get3A_4314 = tpu.vector_load %arg12[%get3A_4312, %get3A_4313] {strides = array<i32>} : memref<16x128xf32, #tpu.memory_space<vmem>>, vector<1x16xf32>,
      %get3A_4315 = vector.shape_cast %get3A_4314 : vector<1x16xf32> to vector<16xf32>
      %mul3A_4316 = vector.broadcast %squeeze3A_4310 : f32 to vector<16xf32>
      %mul3A_4317 = arith.mulf %mul3A_4316, %get3A_4315 : vector<16xf32>
      %add3A_4318 = arith.addf %add3A_4308, %mul3A_4317 : vector<16xf32>
      %slice3A_4319 = vector.extract_strided_slice %div3A {offsets = [6], sizes = [1], strides = [1]} : vector<16xf32> to vector<1xf32>
      %squeeze3A_4320 = vector.extract %slice3A_4319[0] : f32 from vector<1xf32>
      %get3A_4321 = arith.constant 6 : i32
      %get3A_4322 = arith.index_cast %get3A_4321 : i32 to index
      %get3A_4323 = arith.constant 48 : index
      %get3A_4324 = tpu.vector_load %arg12[%get3A_4322, %get3A_4323] {strides = array<i32>} : memref<16x128xf32, #tpu.memory_space<vmem>>, vector<1x16xf32>,
      %get3A_4325 = vector.shape_cast %get3A_4324 : vector<1x16xf32> to vector<16xf32>
      %mul3A_4326 = vector.broadcast %squeeze3A_4320 : f32 to vector<16xf32>
      %mul3A_4327 = arith.mulf %mul3A_4326, %get3A_4325 : vector<16xf32>
      %add3A_4328 = arith.addf %add3A_4318, %mul3A_4327 : vector<16xf32>
      %slice3A_4329 = vector.extract_strided_slice %div3A {offsets = [7], sizes = [1], strides = [1]} : vector<16xf32> to vector<1xf32>
      %squeeze3A_4330 = vector.extract %slice3A_4329[0] : f32 from vector<1xf32>
      %get3A_4331 = arith.constant 7 : i32
      %get3A_4332 = arith.index_cast %get3A_4331 : i32 to index
      %get3A_4333 = arith.constant 48 : index
      %get3A_4334 = tpu.vector_load %arg12[%get3A_4332, %get3A_4333] {strides = array<i32>} : memref<16x128xf32, #tpu.memory_space<vmem>>, vector<1x16xf32>,
      %get3A_4335 = vector.shape_cast %get3A_4334 : vector<1x16xf32> to vector<16xf32>
      %mul3A_4336 = vector.broadcast %squeeze3A_4330 : f32 to vector<16xf32>
      %mul3A_4337 = arith.mulf %mul3A_4336, %get3A_4335 : vector<16xf32>
      %add3A_4338 = arith.addf %add3A_4328, %mul3A_4337 : vector<16xf32>
      %swap3A_4339 = arith.constant 48 : index
      %swap3A_4340 = tpu.vector_load %arg14[%swap3A_4339] {strides = array<i32>} : memref<128xf32, #tpu.memory_space<vmem>>, vector<16xf32>,
      %swap3A_4341 = vector.shape_cast %swap3A_4340 : vector<16xf32> to vector<16xf32>
      %swap3A_4342 = vector.shape_cast %add3A_4338 : vector<16xf32> to vector<16xf32>
      tpu.vector_store %arg14[%swap3A_4339], %swap3A_4342 {strides = array<i32>} : memref<128xf32, #tpu.memory_space<vmem>>, vector<16xf32>,
      %broadcast_in_dim3A_4343 = arith.constant 0.000000e+00 : f32
      %broadcast_in_dim3A_4344 = vector.broadcast %broadcast_in_dim3A_4343 : f32 to vector<16xf32>
      %slice3A_4345 = vector.extract_strided_slice %div3A {offsets = [0], sizes = [1], strides = [1]} : vector<16xf32> to vector<1xf32>
      %squeeze3A_4346 = vector.extract %slice3A_4345[0] : f32 from vector<1xf32>
      %get3A_4347 = arith.constant 0 : i32
      %get3A_4348 = arith.index_cast %get3A_4347 : i32 to index
      %get3A_4349 = arith.constant 64 : index
      %get3A_4350 = tpu.vector_load %arg12[%get3A_4348, %get3A_4349] {strides = array<i32>} : memref<16x128xf32, #tpu.memory_space<vmem>>, vector<1x16xf32>,
      %get3A_4351 = vector.shape_cast %get3A_4350 : vector<1x16xf32> to vector<16xf32>
      %mul3A_4352 = vector.broadcast %squeeze3A_4346 : f32 to vector<16xf32>
      %mul3A_4353 = arith.mulf %mul3A_4352, %get3A_4351 : vector<16xf32>
      %add3A_4354 = arith.addf %broadcast_in_dim3A_4344, %mul3A_4353 : vector<16xf32>
      %slice3A_4355 = vector.extract_strided_slice %div3A {offsets = [1], sizes = [1], strides = [1]} : vector<16xf32> to vector<1xf32>
      %squeeze3A_4356 = vector.extract %slice3A_4355[0] : f32 from vector<1xf32>
      %get3A_4357 = arith.constant 1 : i32
      %get3A_4358 = arith.index_cast %get3A_4357 : i32 to index
      %get3A_4359 = arith.constant 64 : index
      %get3A_4360 = tpu.vector_load %arg12[%get3A_4358, %get3A_4359] {strides = array<i32>} : memref<16x128xf32, #tpu.memory_space<vmem>>, vector<1x16xf32>,
      %get3A_4361 = vector.shape_cast %get3A_4360 : vector<1x16xf32> to vector<16xf32>
      %mul3A_4362 = vector.broadcast %squeeze3A_4356 : f32 to vector<16xf32>
      %mul3A_4363 = arith.mulf %mul3A_4362, %get3A_4361 : vector<16xf32>
      %add3A_4364 = arith.addf %add3A_4354, %mul3A_4363 : vector<16xf32>
      %slice3A_4365 = vector.extract_strided_slice %div3A {offsets = [2], sizes = [1], strides = [1]} : vector<16xf32> to vector<1xf32>
      %squeeze3A_4366 = vector.extract %slice3A_4365[0] : f32 from vector<1xf32>
      %get3A_4367 = arith.constant 2 : i32
      %get3A_4368 = arith.index_cast %get3A_4367 : i32 to index
      %get3A_4369 = arith.constant 64 : index
      %get3A_4370 = tpu.vector_load %arg12[%get3A_4368, %get3A_4369] {strides = array<i32>} : memref<16x128xf32, #tpu.memory_space<vmem>>, vector<1x16xf32>,
      %get3A_4371 = vector.shape_cast %get3A_4370 : vector<1x16xf32> to vector<16xf32>
      %mul3A_4372 = vector.broadcast %squeeze3A_4366 : f32 to vector<16xf32>
      %mul3A_4373 = arith.mulf %mul3A_4372, %get3A_4371 : vector<16xf32>
      %add3A_4374 = arith.addf %add3A_4364, %mul3A_4373 : vector<16xf32>
      %slice3A_4375 = vector.extract_strided_slice %div3A {offsets = [3], sizes = [1], strides = [1]} : vector<16xf32> to vector<1xf32>
      %squeeze3A_4376 = vector.extract %slice3A_4375[0] : f32 from vector<1xf32>
      %get3A_4377 = arith.constant 3 : i32
      %get3A_4378 = arith.index_cast %get3A_4377 : i32 to index
      %get3A_4379 = arith.constant 64 : index
      %get3A_4380 = tpu.vector_load %arg12[%get3A_4378, %get3A_4379] {strides = array<i32>} : memref<16x128xf32, #tpu.memory_space<vmem>>, vector<1x16xf32>,
      %get3A_4381 = vector.shape_cast %get3A_4380 : vector<1x16xf32> to vector<16xf32>
      %mul3A_4382 = vector.broadcast %squeeze3A_4376 : f32 to vector<16xf32>
      %mul3A_4383 = arith.mulf %mul3A_4382, %get3A_4381 : vector<16xf32>
      %add3A_4384 = arith.addf %add3A_4374, %mul3A_4383 : vector<16xf32>
      %slice3A_4385 = vector.extract_strided_slice %div3A {offsets = [4], sizes = [1], strides = [1]} : vector<16xf32> to vector<1xf32>
      %squeeze3A_4386 = vector.extract %slice3A_4385[0] : f32 from vector<1xf32>
      %get3A_4387 = arith.constant 4 : i32
      %get3A_4388 = arith.index_cast %get3A_4387 : i32 to index
      %get3A_4389 = arith.constant 64 : index
      %get3A_4390 = tpu.vector_load %arg12[%get3A_4388, %get3A_4389] {strides = array<i32>} : memref<16x128xf32, #tpu.memory_space<vmem>>, vector<1x16xf32>,
      %get3A_4391 = vector.shape_cast %get3A_4390 : vector<1x16xf32> to vector<16xf32>
      %mul3A_4392 = vector.broadcast %squeeze3A_4386 : f32 to vector<16xf32>
      %mul3A_4393 = arith.mulf %mul3A_4392, %get3A_4391 : vector<16xf32>
      %add3A_4394 = arith.addf %add3A_4384, %mul3A_4393 : vector<16xf32>
      %slice3A_4395 = vector.extract_strided_slice %div3A {offsets = [5], sizes = [1], strides = [1]} : vector<16xf32> to vector<1xf32>
      %squeeze3A_4396 = vector.extract %slice3A_4395[0] : f32 from vector<1xf32>
      %get3A_4397 = arith.constant 5 : i32
      %get3A_4398 = arith.index_cast %get3A_4397 : i32 to index
      %get3A_4399 = arith.constant 64 : index
      %get3A_4400 = tpu.vector_load %arg12[%get3A_4398, %get3A_4399] {strides = array<i32>} : memref<16x128xf32, #tpu.memory_space<vmem>>, vector<1x16xf32>,
      %get3A_4401 = vector.shape_cast %get3A_4400 : vector<1x16xf32> to vector<16xf32>
      %mul3A_4402 = vector.broadcast %squeeze3A_4396 : f32 to vector<16xf32>
      %mul3A_4403 = arith.mulf %mul3A_4402, %get3A_4401 : vector<16xf32>
      %add3A_4404 = arith.addf %add3A_4394, %mul3A_4403 : vector<16xf32>
      %slice3A_4405 = vector.extract_strided_slice %div3A {offsets = [6], sizes = [1], strides = [1]} : vector<16xf32> to vector<1xf32>
      %squeeze3A_4406 = vector.extract %slice3A_4405[0] : f32 from vector<1xf32>
      %get3A_4407 = arith.constant 6 : i32
      %get3A_4408 = arith.index_cast %get3A_4407 : i32 to index
      %get3A_4409 = arith.constant 64 : index
      %get3A_4410 = tpu.vector_load %arg12[%get3A_4408, %get3A_4409] {strides = array<i32>} : memref<16x128xf32, #tpu.memory_space<vmem>>, vector<1x16xf32>,
      %get3A_4411 = vector.shape_cast %get3A_4410 : vector<1x16xf32> to vector<16xf32>
      %mul3A_4412 = vector.broadcast %squeeze3A_4406 : f32 to vector<16xf32>
      %mul3A_4413 = arith.mulf %mul3A_4412, %get3A_4411 : vector<16xf32>
      %add3A_4414 = arith.addf %add3A_4404, %mul3A_4413 : vector<16xf32>
      %slice3A_4415 = vector.extract_strided_slice %div3A {offsets = [7], sizes = [1], strides = [1]} : vector<16xf32> to vector<1xf32>
      %squeeze3A_4416 = vector.extract %slice3A_4415[0] : f32 from vector<1xf32>
      %get3A_4417 = arith.constant 7 : i32
      %get3A_4418 = arith.index_cast %get3A_4417 : i32 to index
      %get3A_4419 = arith.constant 64 : index
      %get3A_4420 = tpu.vector_load %arg12[%get3A_4418, %get3A_4419] {strides = array<i32>} : memref<16x128xf32, #tpu.memory_space<vmem>>, vector<1x16xf32>,
      %get3A_4421 = vector.shape_cast %get3A_4420 : vector<1x16xf32> to vector<16xf32>
      %mul3A_4422 = vector.broadcast %squeeze3A_4416 : f32 to vector<16xf32>
      %mul3A_4423 = arith.mulf %mul3A_4422, %get3A_4421 : vector<16xf32>
      %add3A_4424 = arith.addf %add3A_4414, %mul3A_4423 : vector<16xf32>
      %swap3A_4425 = arith.constant 64 : index
      %swap3A_4426 = tpu.vector_load %arg14[%swap3A_4425] {strides = array<i32>} : memref<128xf32, #tpu.memory_space<vmem>>, vector<16xf32>,
      %swap3A_4427 = vector.shape_cast %swap3A_4426 : vector<16xf32> to vector<16xf32>
      %swap3A_4428 = vector.shape_cast %add3A_4424 : vector<16xf32> to vector<16xf32>
      tpu.vector_store %arg14[%swap3A_4425], %swap3A_4428 {strides = array<i32>} : memref<128xf32, #tpu.memory_space<vmem>>, vector<16xf32>,
      %broadcast_in_dim3A_4429 = arith.constant 0.000000e+00 : f32
      %broadcast_in_dim3A_4430 = vector.broadcast %broadcast_in_dim3A_4429 : f32 to vector<16xf32>
      %slice3A_4431 = vector.extract_strided_slice %div3A {offsets = [0], sizes = [1], strides = [1]} : vector<16xf32> to vector<1xf32>
      %squeeze3A_4432 = vector.extract %slice3A_4431[0] : f32 from vector<1xf32>
      %get3A_4433 = arith.constant 0 : i32
      %get3A_4434 = arith.index_cast %get3A_4433 : i32 to index
      %get3A_4435 = arith.constant 80 : index
      %get3A_4436 = tpu.vector_load %arg12[%get3A_4434, %get3A_4435] {strides = array<i32>} : memref<16x128xf32, #tpu.memory_space<vmem>>, vector<1x16xf32>,
      %get3A_4437 = vector.shape_cast %get3A_4436 : vector<1x16xf32> to vector<16xf32>
      %mul3A_4438 = vector.broadcast %squeeze3A_4432 : f32 to vector<16xf32>
      %mul3A_4439 = arith.mulf %mul3A_4438, %get3A_4437 : vector<16xf32>
      %add3A_4440 = arith.addf %broadcast_in_dim3A_4430, %mul3A_4439 : vector<16xf32>
      %slice3A_4441 = vector.extract_strided_slice %div3A {offsets = [1], sizes = [1], strides = [1]} : vector<16xf32> to vector<1xf32>
      %squeeze3A_4442 = vector.extract %slice3A_4441[0] : f32 from vector<1xf32>
      %get3A_4443 = arith.constant 1 : i32
      %get3A_4444 = arith.index_cast %get3A_4443 : i32 to index
      %get3A_4445 = arith.constant 80 : index
      %get3A_4446 = tpu.vector_load %arg12[%get3A_4444, %get3A_4445] {strides = array<i32>} : memref<16x128xf32, #tpu.memory_space<vmem>>, vector<1x16xf32>,
      %get3A_4447 = vector.shape_cast %get3A_4446 : vector<1x16xf32> to vector<16xf32>
      %mul3A_4448 = vector.broadcast %squeeze3A_4442 : f32 to vector<16xf32>
      %mul3A_4449 = arith.mulf %mul3A_4448, %get3A_4447 : vector<16xf32>
      %add3A_4450 = arith.addf %add3A_4440, %mul3A_4449 : vector<16xf32>
      %slice3A_4451 = vector.extract_strided_slice %div3A {offsets = [2], sizes = [1], strides = [1]} : vector<16xf32> to vector<1xf32>
      %squeeze3A_4452 = vector.extract %slice3A_4451[0] : f32 from vector<1xf32>
      %get3A_4453 = arith.constant 2 : i32
      %get3A_4454 = arith.index_cast %get3A_4453 : i32 to index
      %get3A_4455 = arith.constant 80 : index
      %get3A_4456 = tpu.vector_load %arg12[%get3A_4454, %get3A_4455] {strides = array<i32>} : memref<16x128xf32, #tpu.memory_space<vmem>>, vector<1x16xf32>,
      %get3A_4457 = vector.shape_cast %get3A_4456 : vector<1x16xf32> to vector<16xf32>
      %mul3A_4458 = vector.broadcast %squeeze3A_4452 : f32 to vector<16xf32>
      %mul3A_4459 = arith.mulf %mul3A_4458, %get3A_4457 : vector<16xf32>
      %add3A_4460 = arith.addf %add3A_4450, %mul3A_4459 : vector<16xf32>
      %slice3A_4461 = vector.extract_strided_slice %div3A {offsets = [3], sizes = [1], strides = [1]} : vector<16xf32> to vector<1xf32>
      %squeeze3A_4462 = vector.extract %slice3A_4461[0] : f32 from vector<1xf32>
      %get3A_4463 = arith.constant 3 : i32
      %get3A_4464 = arith.index_cast %get3A_4463 : i32 to index
      %get3A_4465 = arith.constant 80 : index
      %get3A_4466 = tpu.vector_load %arg12[%get3A_4464, %get3A_4465] {strides = array<i32>} : memref<16x128xf32, #tpu.memory_space<vmem>>, vector<1x16xf32>,
      %get3A_4467 = vector.shape_cast %get3A_4466 : vector<1x16xf32> to vector<16xf32>
      %mul3A_4468 = vector.broadcast %squeeze3A_4462 : f32 to vector<16xf32>
      %mul3A_4469 = arith.mulf %mul3A_4468, %get3A_4467 : vector<16xf32>
      %add3A_4470 = arith.addf %add3A_4460, %mul3A_4469 : vector<16xf32>
      %slice3A_4471 = vector.extract_strided_slice %div3A {offsets = [4], sizes = [1], strides = [1]} : vector<16xf32> to vector<1xf32>
      %squeeze3A_4472 = vector.extract %slice3A_4471[0] : f32 from vector<1xf32>
      %get3A_4473 = arith.constant 4 : i32
      %get3A_4474 = arith.index_cast %get3A_4473 : i32 to index
      %get3A_4475 = arith.constant 80 : index
      %get3A_4476 = tpu.vector_load %arg12[%get3A_4474, %get3A_4475] {strides = array<i32>} : memref<16x128xf32, #tpu.memory_space<vmem>>, vector<1x16xf32>,
      %get3A_4477 = vector.shape_cast %get3A_4476 : vector<1x16xf32> to vector<16xf32>
      %mul3A_4478 = vector.broadcast %squeeze3A_4472 : f32 to vector<16xf32>
      %mul3A_4479 = arith.mulf %mul3A_4478, %get3A_4477 : vector<16xf32>
      %add3A_4480 = arith.addf %add3A_4470, %mul3A_4479 : vector<16xf32>
      %slice3A_4481 = vector.extract_strided_slice %div3A {offsets = [5], sizes = [1], strides = [1]} : vector<16xf32> to vector<1xf32>
      %squeeze3A_4482 = vector.extract %slice3A_4481[0] : f32 from vector<1xf32>
      %get3A_4483 = arith.constant 5 : i32
      %get3A_4484 = arith.index_cast %get3A_4483 : i32 to index
      %get3A_4485 = arith.constant 80 : index
      %get3A_4486 = tpu.vector_load %arg12[%get3A_4484, %get3A_4485] {strides = array<i32>} : memref<16x128xf32, #tpu.memory_space<vmem>>, vector<1x16xf32>,
      %get3A_4487 = vector.shape_cast %get3A_4486 : vector<1x16xf32> to vector<16xf32>
      %mul3A_4488 = vector.broadcast %squeeze3A_4482 : f32 to vector<16xf32>
      %mul3A_4489 = arith.mulf %mul3A_4488, %get3A_4487 : vector<16xf32>
      %add3A_4490 = arith.addf %add3A_4480, %mul3A_4489 : vector<16xf32>
      %slice3A_4491 = vector.extract_strided_slice %div3A {offsets = [6], sizes = [1], strides = [1]} : vector<16xf32> to vector<1xf32>
      %squeeze3A_4492 = vector.extract %slice3A_4491[0] : f32 from vector<1xf32>
      %get3A_4493 = arith.constant 6 : i32
      %get3A_4494 = arith.index_cast %get3A_4493 : i32 to index
      %get3A_4495 = arith.constant 80 : index
      %get3A_4496 = tpu.vector_load %arg12[%get3A_4494, %get3A_4495] {strides = array<i32>} : memref<16x128xf32, #tpu.memory_space<vmem>>, vector<1x16xf32>,
      %get3A_4497 = vector.shape_cast %get3A_4496 : vector<1x16xf32> to vector<16xf32>
      %mul3A_4498 = vector.broadcast %squeeze3A_4492 : f32 to vector<16xf32>
      %mul3A_4499 = arith.mulf %mul3A_4498, %get3A_4497 : vector<16xf32>
      %add3A_4500 = arith.addf %add3A_4490, %mul3A_4499 : vector<16xf32>
      %slice3A_4501 = vector.extract_strided_slice %div3A {offsets = [7], sizes = [1], strides = [1]} : vector<16xf32> to vector<1xf32>
      %squeeze3A_4502 = vector.extract %slice3A_4501[0] : f32 from vector<1xf32>
      %get3A_4503 = arith.constant 7 : i32
      %get3A_4504 = arith.index_cast %get3A_4503 : i32 to index
      %get3A_4505 = arith.constant 80 : index
      %get3A_4506 = tpu.vector_load %arg12[%get3A_4504, %get3A_4505] {strides = array<i32>} : memref<16x128xf32, #tpu.memory_space<vmem>>, vector<1x16xf32>,
      %get3A_4507 = vector.shape_cast %get3A_4506 : vector<1x16xf32> to vector<16xf32>
      %mul3A_4508 = vector.broadcast %squeeze3A_4502 : f32 to vector<16xf32>
      %mul3A_4509 = arith.mulf %mul3A_4508, %get3A_4507 : vector<16xf32>
      %add3A_4510 = arith.addf %add3A_4500, %mul3A_4509 : vector<16xf32>
      %swap3A_4511 = arith.constant 80 : index
      %swap3A_4512 = tpu.vector_load %arg14[%swap3A_4511] {strides = array<i32>} : memref<128xf32, #tpu.memory_space<vmem>>, vector<16xf32>,
      %swap3A_4513 = vector.shape_cast %swap3A_4512 : vector<16xf32> to vector<16xf32>
      %swap3A_4514 = vector.shape_cast %add3A_4510 : vector<16xf32> to vector<16xf32>
      tpu.vector_store %arg14[%swap3A_4511], %swap3A_4514 {strides = array<i32>} : memref<128xf32, #tpu.memory_space<vmem>>, vector<16xf32>,
      %broadcast_in_dim3A_4515 = arith.constant 0.000000e+00 : f32
      %broadcast_in_dim3A_4516 = vector.broadcast %broadcast_in_dim3A_4515 : f32 to vector<16xf32>
      %slice3A_4517 = vector.extract_strided_slice %div3A {offsets = [0], sizes = [1], strides = [1]} : vector<16xf32> to vector<1xf32>
      %squeeze3A_4518 = vector.extract %slice3A_4517[0] : f32 from vector<1xf32>
      %get3A_4519 = arith.constant 0 : i32
      %get3A_4520 = arith.index_cast %get3A_4519 : i32 to index
      %get3A_4521 = arith.constant 96 : index
      %get3A_4522 = tpu.vector_load %arg12[%get3A_4520, %get3A_4521] {strides = array<i32>} : memref<16x128xf32, #tpu.memory_space<vmem>>, vector<1x16xf32>,
      %get3A_4523 = vector.shape_cast %get3A_4522 : vector<1x16xf32> to vector<16xf32>
      %mul3A_4524 = vector.broadcast %squeeze3A_4518 : f32 to vector<16xf32>
      %mul3A_4525 = arith.mulf %mul3A_4524, %get3A_4523 : vector<16xf32>
      %add3A_4526 = arith.addf %broadcast_in_dim3A_4516, %mul3A_4525 : vector<16xf32>
      %slice3A_4527 = vector.extract_strided_slice %div3A {offsets = [1], sizes = [1], strides = [1]} : vector<16xf32> to vector<1xf32>
      %squeeze3A_4528 = vector.extract %slice3A_4527[0] : f32 from vector<1xf32>
      %get3A_4529 = arith.constant 1 : i32
      %get3A_4530 = arith.index_cast %get3A_4529 : i32 to index
      %get3A_4531 = arith.constant 96 : index
      %get3A_4532 = tpu.vector_load %arg12[%get3A_4530, %get3A_4531] {strides = array<i32>} : memref<16x128xf32, #tpu.memory_space<vmem>>, vector<1x16xf32>,
      %get3A_4533 = vector.shape_cast %get3A_4532 : vector<1x16xf32> to vector<16xf32>
      %mul3A_4534 = vector.broadcast %squeeze3A_4528 : f32 to vector<16xf32>
      %mul3A_4535 = arith.mulf %mul3A_4534, %get3A_4533 : vector<16xf32>
      %add3A_4536 = arith.addf %add3A_4526, %mul3A_4535 : vector<16xf32>
      %slice3A_4537 = vector.extract_strided_slice %div3A {offsets = [2], sizes = [1], strides = [1]} : vector<16xf32> to vector<1xf32>
      %squeeze3A_4538 = vector.extract %slice3A_4537[0] : f32 from vector<1xf32>
      %get3A_4539 = arith.constant 2 : i32
      %get3A_4540 = arith.index_cast %get3A_4539 : i32 to index
      %get3A_4541 = arith.constant 96 : index
      %get3A_4542 = tpu.vector_load %arg12[%get3A_4540, %get3A_4541] {strides = array<i32>} : memref<16x128xf32, #tpu.memory_space<vmem>>, vector<1x16xf32>,
      %get3A_4543 = vector.shape_cast %get3A_4542 : vector<1x16xf32> to vector<16xf32>
      %mul3A_4544 = vector.broadcast %squeeze3A_4538 : f32 to vector<16xf32>
      %mul3A_4545 = arith.mulf %mul3A_4544, %get3A_4543 : vector<16xf32>
      %add3A_4546 = arith.addf %add3A_4536, %mul3A_4545 : vector<16xf32>
      %slice3A_4547 = vector.extract_strided_slice %div3A {offsets = [3], sizes = [1], strides = [1]} : vector<16xf32> to vector<1xf32>
      %squeeze3A_4548 = vector.extract %slice3A_4547[0] : f32 from vector<1xf32>
      %get3A_4549 = arith.constant 3 : i32
      %get3A_4550 = arith.index_cast %get3A_4549 : i32 to index
      %get3A_4551 = arith.constant 96 : index
      %get3A_4552 = tpu.vector_load %arg12[%get3A_4550, %get3A_4551] {strides = array<i32>} : memref<16x128xf32, #tpu.memory_space<vmem>>, vector<1x16xf32>,
      %get3A_4553 = vector.shape_cast %get3A_4552 : vector<1x16xf32> to vector<16xf32>
      %mul3A_4554 = vector.broadcast %squeeze3A_4548 : f32 to vector<16xf32>
      %mul3A_4555 = arith.mulf %mul3A_4554, %get3A_4553 : vector<16xf32>
      %add3A_4556 = arith.addf %add3A_4546, %mul3A_4555 : vector<16xf32>
      %slice3A_4557 = vector.extract_strided_slice %div3A {offsets = [4], sizes = [1], strides = [1]} : vector<16xf32> to vector<1xf32>
      %squeeze3A_4558 = vector.extract %slice3A_4557[0] : f32 from vector<1xf32>
      %get3A_4559 = arith.constant 4 : i32
      %get3A_4560 = arith.index_cast %get3A_4559 : i32 to index
      %get3A_4561 = arith.constant 96 : index
      %get3A_4562 = tpu.vector_load %arg12[%get3A_4560, %get3A_4561] {strides = array<i32>} : memref<16x128xf32, #tpu.memory_space<vmem>>, vector<1x16xf32>,
      %get3A_4563 = vector.shape_cast %get3A_4562 : vector<1x16xf32> to vector<16xf32>
      %mul3A_4564 = vector.broadcast %squeeze3A_4558 : f32 to vector<16xf32>
      %mul3A_4565 = arith.mulf %mul3A_4564, %get3A_4563 : vector<16xf32>
      %add3A_4566 = arith.addf %add3A_4556, %mul3A_4565 : vector<16xf32>
      %slice3A_4567 = vector.extract_strided_slice %div3A {offsets = [5], sizes = [1], strides = [1]} : vector<16xf32> to vector<1xf32>
      %squeeze3A_4568 = vector.extract %slice3A_4567[0] : f32 from vector<1xf32>
      %get3A_4569 = arith.constant 5 : i32
      %get3A_4570 = arith.index_cast %get3A_4569 : i32 to index
      %get3A_4571 = arith.constant 96 : index
      %get3A_4572 = tpu.vector_load %arg12[%get3A_4570, %get3A_4571] {strides = array<i32>} : memref<16x128xf32, #tpu.memory_space<vmem>>, vector<1x16xf32>,
      %get3A_4573 = vector.shape_cast %get3A_4572 : vector<1x16xf32> to vector<16xf32>
      %mul3A_4574 = vector.broadcast %squeeze3A_4568 : f32 to vector<16xf32>
      %mul3A_4575 = arith.mulf %mul3A_4574, %get3A_4573 : vector<16xf32>
      %add3A_4576 = arith.addf %add3A_4566, %mul3A_4575 : vector<16xf32>
      %slice3A_4577 = vector.extract_strided_slice %div3A {offsets = [6], sizes = [1], strides = [1]} : vector<16xf32> to vector<1xf32>
      %squeeze3A_4578 = vector.extract %slice3A_4577[0] : f32 from vector<1xf32>
      %get3A_4579 = arith.constant 6 : i32
      %get3A_4580 = arith.index_cast %get3A_4579 : i32 to index
      %get3A_4581 = arith.constant 96 : index
      %get3A_4582 = tpu.vector_load %arg12[%get3A_4580, %get3A_4581] {strides = array<i32>} : memref<16x128xf32, #tpu.memory_space<vmem>>, vector<1x16xf32>,
      %get3A_4583 = vector.shape_cast %get3A_4582 : vector<1x16xf32> to vector<16xf32>
      %mul3A_4584 = vector.broadcast %squeeze3A_4578 : f32 to vector<16xf32>
      %mul3A_4585 = arith.mulf %mul3A_4584, %get3A_4583 : vector<16xf32>
      %add3A_4586 = arith.addf %add3A_4576, %mul3A_4585 : vector<16xf32>
      %slice3A_4587 = vector.extract_strided_slice %div3A {offsets = [7], sizes = [1], strides = [1]} : vector<16xf32> to vector<1xf32>
      %squeeze3A_4588 = vector.extract %slice3A_4587[0] : f32 from vector<1xf32>
      %get3A_4589 = arith.constant 7 : i32
      %get3A_4590 = arith.index_cast %get3A_4589 : i32 to index
      %get3A_4591 = arith.constant 96 : index
      %get3A_4592 = tpu.vector_load %arg12[%get3A_4590, %get3A_4591] {strides = array<i32>} : memref<16x128xf32, #tpu.memory_space<vmem>>, vector<1x16xf32>,
      %get3A_4593 = vector.shape_cast %get3A_4592 : vector<1x16xf32> to vector<16xf32>
      %mul3A_4594 = vector.broadcast %squeeze3A_4588 : f32 to vector<16xf32>
      %mul3A_4595 = arith.mulf %mul3A_4594, %get3A_4593 : vector<16xf32>
      %add3A_4596 = arith.addf %add3A_4586, %mul3A_4595 : vector<16xf32>
      %swap3A_4597 = arith.constant 96 : index
      %swap3A_4598 = tpu.vector_load %arg14[%swap3A_4597] {strides = array<i32>} : memref<128xf32, #tpu.memory_space<vmem>>, vector<16xf32>,
      %swap3A_4599 = vector.shape_cast %swap3A_4598 : vector<16xf32> to vector<16xf32>
      %swap3A_4600 = vector.shape_cast %add3A_4596 : vector<16xf32> to vector<16xf32>
      tpu.vector_store %arg14[%swap3A_4597], %swap3A_4600 {strides = array<i32>} : memref<128xf32, #tpu.memory_space<vmem>>, vector<16xf32>,
      %broadcast_in_dim3A_4601 = arith.constant 0.000000e+00 : f32
      %broadcast_in_dim3A_4602 = vector.broadcast %broadcast_in_dim3A_4601 : f32 to vector<16xf32>
      %slice3A_4603 = vector.extract_strided_slice %div3A {offsets = [0], sizes = [1], strides = [1]} : vector<16xf32> to vector<1xf32>
      %squeeze3A_4604 = vector.extract %slice3A_4603[0] : f32 from vector<1xf32>
      %get3A_4605 = arith.constant 0 : i32
      %get3A_4606 = arith.index_cast %get3A_4605 : i32 to index
      %get3A_4607 = arith.constant 112 : index
      %get3A_4608 = tpu.vector_load %arg12[%get3A_4606, %get3A_4607] {strides = array<i32>} : memref<16x128xf32, #tpu.memory_space<vmem>>, vector<1x16xf32>,
      %get3A_4609 = vector.shape_cast %get3A_4608 : vector<1x16xf32> to vector<16xf32>
      %mul3A_4610 = vector.broadcast %squeeze3A_4604 : f32 to vector<16xf32>
      %mul3A_4611 = arith.mulf %mul3A_4610, %get3A_4609 : vector<16xf32>
      %add3A_4612 = arith.addf %broadcast_in_dim3A_4602, %mul3A_4611 : vector<16xf32>
      %slice3A_4613 = vector.extract_strided_slice %div3A {offsets = [1], sizes = [1], strides = [1]} : vector<16xf32> to vector<1xf32>
      %squeeze3A_4614 = vector.extract %slice3A_4613[0] : f32 from vector<1xf32>
      %get3A_4615 = arith.constant 1 : i32
      %get3A_4616 = arith.index_cast %get3A_4615 : i32 to index
      %get3A_4617 = arith.constant 112 : index
      %get3A_4618 = tpu.vector_load %arg12[%get3A_4616, %get3A_4617] {strides = array<i32>} : memref<16x128xf32, #tpu.memory_space<vmem>>, vector<1x16xf32>,
      %get3A_4619 = vector.shape_cast %get3A_4618 : vector<1x16xf32> to vector<16xf32>
      %mul3A_4620 = vector.broadcast %squeeze3A_4614 : f32 to vector<16xf32>
      %mul3A_4621 = arith.mulf %mul3A_4620, %get3A_4619 : vector<16xf32>
      %add3A_4622 = arith.addf %add3A_4612, %mul3A_4621 : vector<16xf32>
      %slice3A_4623 = vector.extract_strided_slice %div3A {offsets = [2], sizes = [1], strides = [1]} : vector<16xf32> to vector<1xf32>
      %squeeze3A_4624 = vector.extract %slice3A_4623[0] : f32 from vector<1xf32>
      %get3A_4625 = arith.constant 2 : i32
      %get3A_4626 = arith.index_cast %get3A_4625 : i32 to index
      %get3A_4627 = arith.constant 112 : index
      %get3A_4628 = tpu.vector_load %arg12[%get3A_4626, %get3A_4627] {strides = array<i32>} : memref<16x128xf32, #tpu.memory_space<vmem>>, vector<1x16xf32>,
      %get3A_4629 = vector.shape_cast %get3A_4628 : vector<1x16xf32> to vector<16xf32>
      %mul3A_4630 = vector.broadcast %squeeze3A_4624 : f32 to vector<16xf32>
      %mul3A_4631 = arith.mulf %mul3A_4630, %get3A_4629 : vector<16xf32>
      %add3A_4632 = arith.addf %add3A_4622, %mul3A_4631 : vector<16xf32>
      %slice3A_4633 = vector.extract_strided_slice %div3A {offsets = [3], sizes = [1], strides = [1]} : vector<16xf32> to vector<1xf32>
      %squeeze3A_4634 = vector.extract %slice3A_4633[0] : f32 from vector<1xf32>
      %get3A_4635 = arith.constant 3 : i32
      %get3A_4636 = arith.index_cast %get3A_4635 : i32 to index
      %get3A_4637 = arith.constant 112 : index
      %get3A_4638 = tpu.vector_load %arg12[%get3A_4636, %get3A_4637] {strides = array<i32>} : memref<16x128xf32, #tpu.memory_space<vmem>>, vector<1x16xf32>,
      %get3A_4639 = vector.shape_cast %get3A_4638 : vector<1x16xf32> to vector<16xf32>
      %mul3A_4640 = vector.broadcast %squeeze3A_4634 : f32 to vector<16xf32>
      %mul3A_4641 = arith.mulf %mul3A_4640, %get3A_4639 : vector<16xf32>
      %add3A_4642 = arith.addf %add3A_4632, %mul3A_4641 : vector<16xf32>
      %slice3A_4643 = vector.extract_strided_slice %div3A {offsets = [4], sizes = [1], strides = [1]} : vector<16xf32> to vector<1xf32>
      %squeeze3A_4644 = vector.extract %slice3A_4643[0] : f32 from vector<1xf32>
      %get3A_4645 = arith.constant 4 : i32
      %get3A_4646 = arith.index_cast %get3A_4645 : i32 to index
      %get3A_4647 = arith.constant 112 : index
      %get3A_4648 = tpu.vector_load %arg12[%get3A_4646, %get3A_4647] {strides = array<i32>} : memref<16x128xf32, #tpu.memory_space<vmem>>, vector<1x16xf32>,
      %get3A_4649 = vector.shape_cast %get3A_4648 : vector<1x16xf32> to vector<16xf32>
      %mul3A_4650 = vector.broadcast %squeeze3A_4644 : f32 to vector<16xf32>
      %mul3A_4651 = arith.mulf %mul3A_4650, %get3A_4649 : vector<16xf32>
      %add3A_4652 = arith.addf %add3A_4642, %mul3A_4651 : vector<16xf32>
      %slice3A_4653 = vector.extract_strided_slice %div3A {offsets = [5], sizes = [1], strides = [1]} : vector<16xf32> to vector<1xf32>
      %squeeze3A_4654 = vector.extract %slice3A_4653[0] : f32 from vector<1xf32>
      %get3A_4655 = arith.constant 5 : i32
      %get3A_4656 = arith.index_cast %get3A_4655 : i32 to index
      %get3A_4657 = arith.constant 112 : index
      %get3A_4658 = tpu.vector_load %arg12[%get3A_4656, %get3A_4657] {strides = array<i32>} : memref<16x128xf32, #tpu.memory_space<vmem>>, vector<1x16xf32>,
      %get3A_4659 = vector.shape_cast %get3A_4658 : vector<1x16xf32> to vector<16xf32>
      %mul3A_4660 = vector.broadcast %squeeze3A_4654 : f32 to vector<16xf32>
      %mul3A_4661 = arith.mulf %mul3A_4660, %get3A_4659 : vector<16xf32>
      %add3A_4662 = arith.addf %add3A_4652, %mul3A_4661 : vector<16xf32>
      %slice3A_4663 = vector.extract_strided_slice %div3A {offsets = [6], sizes = [1], strides = [1]} : vector<16xf32> to vector<1xf32>
      %squeeze3A_4664 = vector.extract %slice3A_4663[0] : f32 from vector<1xf32>
      %get3A_4665 = arith.constant 6 : i32
      %get3A_4666 = arith.index_cast %get3A_4665 : i32 to index
      %get3A_4667 = arith.constant 112 : index
      %get3A_4668 = tpu.vector_load %arg12[%get3A_4666, %get3A_4667] {strides = array<i32>} : memref<16x128xf32, #tpu.memory_space<vmem>>, vector<1x16xf32>,
      %get3A_4669 = vector.shape_cast %get3A_4668 : vector<1x16xf32> to vector<16xf32>
      %mul3A_4670 = vector.broadcast %squeeze3A_4664 : f32 to vector<16xf32>
      %mul3A_4671 = arith.mulf %mul3A_4670, %get3A_4669 : vector<16xf32>
      %add3A_4672 = arith.addf %add3A_4662, %mul3A_4671 : vector<16xf32>
      %slice3A_4673 = vector.extract_strided_slice %div3A {offsets = [7], sizes = [1], strides = [1]} : vector<16xf32> to vector<1xf32>
      %squeeze3A_4674 = vector.extract %slice3A_4673[0] : f32 from vector<1xf32>
      %get3A_4675 = arith.constant 7 : i32
      %get3A_4676 = arith.index_cast %get3A_4675 : i32 to index
      %get3A_4677 = arith.constant 112 : index
      %get3A_4678 = tpu.vector_load %arg12[%get3A_4676, %get3A_4677] {strides = array<i32>} : memref<16x128xf32, #tpu.memory_space<vmem>>, vector<1x16xf32>,
      %get3A_4679 = vector.shape_cast %get3A_4678 : vector<1x16xf32> to vector<16xf32>
      %mul3A_4680 = vector.broadcast %squeeze3A_4674 : f32 to vector<16xf32>
      %mul3A_4681 = arith.mulf %mul3A_4680, %get3A_4679 : vector<16xf32>
      %add3A_4682 = arith.addf %add3A_4672, %mul3A_4681 : vector<16xf32>
      %swap3A_4683 = arith.constant 112 : index
      %swap3A_4684 = tpu.vector_load %arg14[%swap3A_4683] {strides = array<i32>} : memref<128xf32, #tpu.memory_space<vmem>>, vector<16xf32>,
      %swap3A_4685 = vector.shape_cast %swap3A_4684 : vector<16xf32> to vector<16xf32>
      %swap3A_4686 = vector.shape_cast %add3A_4682 : vector<16xf32> to vector<16xf32>
      tpu.vector_store %arg14[%swap3A_4683], %swap3A_4686 {strides = array<i32>} : memref<128xf32, #tpu.memory_space<vmem>>, vector<16xf32>,
      %mul3A_4687 = arith.constant 128 : i32
      %mul3A_4688 = arith.muli %arg0, %mul3A_4687 : i32
      "tpu.region"() ({
        %run_scoped3A = tpu.sem_alloc : memref<!tpu.dma_semaphore, #tpu.memory_space<semaphore_mem>>
        %dma_start3A_4689 = tpu.memref_slice %arg4[%mul3A_4688] : memref<256xf32, #tpu.memory_space<hbm>> -> memref<128xf32, #tpu.memory_space<hbm>>
        %dma_start3A_4690 = tpu.memref_slice %arg4[%mul3A_4688] : memref<256xf32, #tpu.memory_space<hbm>> -> memref<128xf32, #tpu.memory_space<hbm>>
        tpu.enqueue_dma source(%arg14 : memref<128xf32, #tpu.memory_space<vmem>>) target(%dma_start3A_4690 : memref<128xf32, #tpu.memory_space<hbm>>) target_semaphore(%run_scoped3A : memref<!tpu.dma_semaphore, #tpu.memory_space<semaphore_mem>>)
        %dma_wait3A_4691 = tpu.memref_slice %arg4[%mul3A_4688] : memref<256xf32, #tpu.memory_space<hbm>> -> memref<128xf32, #tpu.memory_space<hbm>>
        %dma_wait3A_4692 = tpu.memref_slice %arg4[%mul3A_4688] : memref<256xf32, #tpu.memory_space<hbm>> -> memref<128xf32, #tpu.memory_space<hbm>>
        tpu.wait_dma2 semaphore(%run_scoped3A : memref<!tpu.dma_semaphore, #tpu.memory_space<semaphore_mem>>) src(%arg14 : memref<128xf32, #tpu.memory_space<vmem>>) dst(%dma_wait3A_4692 : memref<128xf32, #tpu.memory_space<hbm>>)
        tpu.yield
      }) : () -> ()
    } else {
    }
    return
  }
}

module attributes {stable_mosaic.version = 14 : i64} {
  func.func @_scores_kernel(%arg0: i32, %arg1: memref<2x1024xf32, #tpu.memory_space<vmem>>, %arg2: memref<1024x128xf32, #tpu.memory_space<vmem>>, %arg3: memref<1x128xf32, #tpu.memory_space<vmem>>, %arg4: memref<4096x128xf32, #tpu.memory_space<vmem>>, %arg5: memref<128x128xf32, #tpu.memory_space<vmem>>, %arg6: memref<1x128xf32, #tpu.memory_space<vmem>>, %arg7: memref<2x4096xf32, #tpu.memory_space<vmem>>) attributes {dimension_semantics = [#tpu.dimension_semantics<arbitrary>], iteration_bounds = array<i64: 1>, scalar_prefetch = 0 : i64, scratch_operands = 0 : i64, tpu.core_type = #tpu.core_type<tc>, window_params = [{pipeline_mode = #tpu.pipeline_mode<synchronous>, transform_indices = @transform_0, window_bounds = array<i64: 2, 1024>}, {pipeline_mode = #tpu.pipeline_mode<synchronous>, transform_indices = @transform_1, window_bounds = array<i64: 1024, 128>}, {pipeline_mode = #tpu.pipeline_mode<synchronous>, transform_indices = @transform_2, window_bounds = array<i64: 1, 128>}, {pipeline_mode = #tpu.pipeline_mode<synchronous>, transform_indices = @transform_3, window_bounds = array<i64: 4096, 128>}, {pipeline_mode = #tpu.pipeline_mode<synchronous>, transform_indices = @transform_4, window_bounds = array<i64: 128, 128>}, {pipeline_mode = #tpu.pipeline_mode<synchronous>, transform_indices = @transform_5, window_bounds = array<i64: 1, 128>}, {pipeline_mode = #tpu.pipeline_mode<synchronous>, transform_indices = @transform_6, window_bounds = array<i64: 2, 4096>}]} {
    %get3A = arith.constant 0 : index
    %get3A_0 = arith.constant 0 : index
    %get3A_1 = vector.load %arg1[%get3A, %get3A_0] : memref<2x1024xf32, #tpu.memory_space<vmem>>, vector<2x1024xf32>
    %get3A_2 = arith.constant 0 : index
    %get3A_3 = arith.constant 0 : index
    %get3A_4 = vector.load %arg2[%get3A_2, %get3A_3] : memref<1024x128xf32, #tpu.memory_space<vmem>>, vector<1024x128xf32>
    %dot_general3A = arith.constant dense<0.000000e+00> : vector<2x128xf32>
    %dot_general3A_5 = tpu.matmul %get3A_1, %get3A_4, %dot_general3A {dimension_numbers = #tpu.dot_dimension_numbers<[1], [0], [0], [1], [0, 0, 1, 1], [], []>, transpose_lhs_hint = false} : vector<2x1024xf32>, vector<1024x128xf32>, vector<2x128xf32> -> vector<2x128xf32>
    %get3A_6 = arith.constant 0 : index
    %get3A_7 = arith.constant 0 : index
    %get3A_8 = vector.load %arg3[%get3A_6, %get3A_7] : memref<1x128xf32, #tpu.memory_space<vmem>>, vector<1x128xf32>
    %add3A = vector.broadcast %get3A_8 : vector<1x128xf32> to vector<2x128xf32>
    %add3A_9 = arith.addf %dot_general3A_5, %add3A : vector<2x128xf32>
    %get3A_10 = arith.constant 0 : index
    %get3A_11 = arith.constant 0 : index
    %get3A_12 = vector.load %arg4[%get3A_10, %get3A_11] : memref<4096x128xf32, #tpu.memory_space<vmem>>, vector<4096x128xf32>
    %get3A_13 = arith.constant 0 : index
    %get3A_14 = arith.constant 0 : index
    %get3A_15 = vector.load %arg5[%get3A_13, %get3A_14] : memref<128x128xf32, #tpu.memory_space<vmem>>, vector<128x128xf32>
    %dot_general3A_16 = arith.constant dense<0.000000e+00> : vector<4096x128xf32>
    %dot_general3A_17 = tpu.matmul %get3A_12, %get3A_15, %dot_general3A_16 {dimension_numbers = #tpu.dot_dimension_numbers<[1], [0], [0], [1], [0, 0, 1, 1], [], []>, transpose_lhs_hint = false} : vector<4096x128xf32>, vector<128x128xf32>, vector<4096x128xf32> -> vector<4096x128xf32>
    %get3A_18 = arith.constant 0 : index
    %get3A_19 = arith.constant 0 : index
    %get3A_20 = vector.load %arg6[%get3A_18, %get3A_19] : memref<1x128xf32, #tpu.memory_space<vmem>>, vector<1x128xf32>
    %add3A_21 = vector.broadcast %get3A_20 : vector<1x128xf32> to vector<4096x128xf32>
    %add3A_22 = arith.addf %dot_general3A_17, %add3A_21 : vector<4096x128xf32>
    %transpose3A = tpu.transpose %add3A_22, [1, 0] : vector<4096x128xf32> -> vector<128x4096xf32>
    %dot_general3A_23 = arith.constant dense<0.000000e+00> : vector<2x4096xf32>
    %dot_general3A_24 = tpu.matmul %add3A_9, %transpose3A, %dot_general3A_23 {dimension_numbers = #tpu.dot_dimension_numbers<[1], [0], [0], [1], [0, 0, 1, 1], [], []>, transpose_lhs_hint = false} : vector<2x128xf32>, vector<128x4096xf32>, vector<2x4096xf32> -> vector<2x4096xf32>
    %mul3A = arith.constant 0.0883883461 : f32
    %mul3A_25 = vector.broadcast %mul3A : f32 to vector<2x4096xf32>
    %mul3A_26 = arith.mulf %dot_general3A_24, %mul3A_25 : vector<2x4096xf32>
    %swap3A = arith.constant 0 : index
    %swap3A_27 = arith.constant 0 : index
    %swap3A_28 = vector.load %arg7[%swap3A, %swap3A_27] : memref<2x4096xf32, #tpu.memory_space<vmem>>, vector<2x4096xf32>
    tpu.vector_store %arg7[%swap3A, %swap3A_27], %mul3A_26 {strides = array<i32>} : memref<2x4096xf32, #tpu.memory_space<vmem>>, vector<2x4096xf32>,
    return
  }
  func.func @transform_0(%arg0: i32) -> (i32, i32) {
    %c0_i32 = arith.constant 0 : i32
    %c0_i32_0 = arith.constant 0 : i32
    %c0_i32_1 = arith.constant 0 : i32
    return %c0_i32, %c0_i32_0 : i32, i32
  }
  func.func @transform_1(%arg0: i32) -> (i32, i32) {
    %c0_i32 = arith.constant 0 : i32
    %c0_i32_0 = arith.constant 0 : i32
    %c0_i32_1 = arith.constant 0 : i32
    return %c0_i32, %c0_i32_0 : i32, i32
  }
  func.func @transform_2(%arg0: i32) -> (i32, i32) {
    %c0_i32 = arith.constant 0 : i32
    %c0_i32_0 = arith.constant 0 : i32
    %c0_i32_1 = arith.constant 0 : i32
    return %c0_i32, %c0_i32_0 : i32, i32
  }
  func.func @transform_3(%arg0: i32) -> (i32, i32) {
    %c0_i32 = arith.constant 0 : i32
    %c0_i32_0 = arith.constant 0 : i32
    %c0_i32_1 = arith.constant 0 : i32
    return %c0_i32, %c0_i32_0 : i32, i32
  }
  func.func @transform_4(%arg0: i32) -> (i32, i32) {
    %c0_i32 = arith.constant 0 : i32
    %c0_i32_0 = arith.constant 0 : i32
    %c0_i32_1 = arith.constant 0 : i32
    return %c0_i32, %c0_i32_0 : i32, i32
  }
  func.func @transform_5(%arg0: i32) -> (i32, i32) {
    %c0_i32 = arith.constant 0 : i32
    %c0_i32_0 = arith.constant 0 : i32
    %c0_i32_1 = arith.constant 0 : i32
    return %c0_i32, %c0_i32_0 : i32, i32
  }
  func.func @transform_6(%arg0: i32) -> (i32, i32) {
    %c0_i32 = arith.constant 0 : i32
    %c0_i32_0 = arith.constant 0 : i32
    %c0_i32_1 = arith.constant 0 : i32
    return %c0_i32, %c0_i32_0 : i32, i32
  }
}

module attributes {stable_mosaic.version = 14 : i64} {
  func.func @_project_kernel(%arg0: i32, %arg1: memref<2x128xf32, #tpu.memory_space<vmem>>, %arg2: memref<128x1024xf32, #tpu.memory_space<vmem>>, %arg3: memref<1x1024xf32, #tpu.memory_space<vmem>>, %arg4: memref<1024x1024xf32, #tpu.memory_space<vmem>>, %arg5: memref<2x2048x1024xf32, #tpu.memory_space<vmem>>) attributes {dimension_semantics = [#tpu.dimension_semantics<arbitrary>], iteration_bounds = array<i64: 1>, scalar_prefetch = 0 : i64, scratch_operands = 0 : i64, tpu.core_type = #tpu.core_type<tc>, window_params = [{pipeline_mode = #tpu.pipeline_mode<synchronous>, transform_indices = @transform_0, window_bounds = array<i64: 2, 128>}, {transform_indices = @transform_1, window_bounds = array<i64: 128, 1024>}, {transform_indices = @transform_2, window_bounds = array<i64: 1, 1024>}, {pipeline_mode = #tpu.pipeline_mode<synchronous>, transform_indices = @transform_3, window_bounds = array<i64: 1024, 1024>}, {pipeline_mode = #tpu.pipeline_mode<synchronous>, transform_indices = @transform_4, window_bounds = array<i64: 2, 2048, 1024>}]} {
    %get3A = arith.constant 0 : index
    %get3A_0 = arith.constant 0 : index
    %get3A_1 = vector.load %arg1[%get3A, %get3A_0] : memref<2x128xf32, #tpu.memory_space<vmem>>, vector<2x128xf32>
    %get3A_2 = arith.constant 0 : index
    %get3A_3 = arith.constant 0 : index
    %get3A_4 = vector.load %arg2[%get3A_2, %get3A_3] : memref<128x1024xf32, #tpu.memory_space<vmem>>, vector<128x1024xf32>
    %dot_general3A = arith.constant dense<0.000000e+00> : vector<2x1024xf32>
    %dot_general3A_5 = tpu.matmul %get3A_1, %get3A_4, %dot_general3A {dimension_numbers = #tpu.dot_dimension_numbers<[1], [0], [0], [1], [0, 0, 1, 1], [], []>, transpose_lhs_hint = false} : vector<2x128xf32>, vector<128x1024xf32>, vector<2x1024xf32> -> vector<2x1024xf32>
    %get3A_6 = arith.constant 0 : index
    %get3A_7 = arith.constant 0 : index
    %get3A_8 = vector.load %arg3[%get3A_6, %get3A_7] : memref<1x1024xf32, #tpu.memory_space<vmem>>, vector<1x1024xf32>
    %add3A = vector.broadcast %get3A_8 : vector<1x1024xf32> to vector<2x1024xf32>
    %add3A_9 = arith.addf %dot_general3A_5, %add3A : vector<2x1024xf32>
    %get3A_10 = arith.constant 0 : index
    %get3A_11 = arith.constant 0 : index
    %get3A_12 = vector.load %arg4[%get3A_10, %get3A_11] : memref<1024x1024xf32, #tpu.memory_space<vmem>>, vector<1024x1024xf32>
    %dot_general3A_13 = arith.constant dense<0.000000e+00> : vector<2x1024xf32>
    %dot_general3A_14 = tpu.matmul %add3A_9, %get3A_12, %dot_general3A_13 {dimension_numbers = #tpu.dot_dimension_numbers<[1], [0], [0], [1], [0, 0, 1, 1], [], []>, transpose_lhs_hint = false} : vector<2x1024xf32>, vector<1024x1024xf32>, vector<2x1024xf32> -> vector<2x1024xf32>
    %broadcast_in_dim3A = vector.shape_cast %dot_general3A_14 : vector<2x1024xf32> to vector<2x1x1024xf32>
    %broadcast_in_dim3A_15 = vector.shape_cast %broadcast_in_dim3A : vector<2x1x1024xf32> to vector<2x1x1024xf32>
    %broadcast_in_dim3A_16 = vector.broadcast %broadcast_in_dim3A_15 : vector<2x1x1024xf32> to vector<2x2048x1024xf32>
    %swap3A = arith.constant 0 : index
    %swap3A_17 = arith.constant 0 : index
    %swap3A_18 = arith.constant 0 : index
    %swap3A_19 = vector.load %arg5[%swap3A, %swap3A_17, %swap3A_18] : memref<2x2048x1024xf32, #tpu.memory_space<vmem>>, vector<2x2048x1024xf32>
    tpu.vector_store %arg5[%swap3A, %swap3A_17, %swap3A_18], %broadcast_in_dim3A_16 {strides = array<i32>} : memref<2x2048x1024xf32, #tpu.memory_space<vmem>>, vector<2x2048x1024xf32>,
    return
  }
  func.func @transform_0(%arg0: i32) -> (i32, i32) {
    %c0_i32 = arith.constant 0 : i32
    %c0_i32_0 = arith.constant 0 : i32
    %c0_i32_1 = arith.constant 0 : i32
    return %c0_i32, %c0_i32_0 : i32, i32
  }
  func.func @transform_1(%arg0: i32) -> (i32, i32) {
    %c0_i32 = arith.constant 0 : i32
    %c1_i32 = arith.constant 1 : i32
    %c0_i32_0 = arith.constant 0 : i32
    return %c0_i32, %c1_i32 : i32, i32
  }
  func.func @transform_2(%arg0: i32) -> (i32, i32) {
    %c0_i32 = arith.constant 0 : i32
    %c1_i32 = arith.constant 1 : i32
    %c0_i32_0 = arith.constant 0 : i32
    return %c0_i32, %c1_i32 : i32, i32
  }
  func.func @transform_3(%arg0: i32) -> (i32, i32) {
    %c0_i32 = arith.constant 0 : i32
    %c0_i32_0 = arith.constant 0 : i32
    %c0_i32_1 = arith.constant 0 : i32
    return %c0_i32, %c0_i32_0 : i32, i32
  }
  func.func @transform_4(%arg0: i32) -> (i32, i32, i32) {
    %c0_i32 = arith.constant 0 : i32
    %c0_i32_0 = arith.constant 0 : i32
    %c0_i32_1 = arith.constant 0 : i32
    %c0_i32_2 = arith.constant 0 : i32
    return %c0_i32, %c0_i32_0, %c0_i32_1 : i32, i32, i32
  }
}

</mosaic_0001>

<sc_bundles>
// kernel: kernel.5.cloned.1.call-start
scs
__scs_entry_jumppad:
0x0: {  	(pc) =	sbr.rel $0x88, $3  }
0x1: {  	(tag) =	ssettag $0x0;
	lr =	simm.s32 $0x1  }
0x2: {  	[smem:$0x3F98] =	sst lr;
	_ =	strace $0xD0000000  }
0x3: {  	_ = 	snop  }
0x4: {  	_ = 	snop  }
0x5: {  	_ = 	snop  }
0x6: {  	_ = 	snop  }
0x7: {  	_ = 	snop  }
__scs_overlays_trampoline_lowered:
0x8: {  	[smem:$0x3FA7] =	sst s0  }
0x9: {  	[smem:$0x3FA8] =	sst s1  }
0xa: {  	[smem:$0x3FA9] =	sst s2  }
0xb: {  	[smem:$0x3FAA] =	sst s3  }
0xc: {  	[smem:$0x3FAB] =	sst s4  }
0xd: {  	[smem:$0x3FAC] =	sst s5  }
0xe: {  	[smem:$0x3FAD] =	sst s6  }
0xf: {  	[smem:$0x3FAE] =	sst s7  }
0x10: {  	[smem:$0x3FAF] =	sst s8  }
0x11: {  	[smem:$0x3FB0] =	sst s9;
	s0 =	simm.s32 @!p0 $0x0  }
0x12: {  	s1 =	sld [smem:$0x3F96];
	s0 =	simm.s32 @p0 $0x1  }
0x13: {  	[smem:$0x3FB1] =	sst s0;
	s0 =	simm.s32 @!p1 $0x0  }
0x14: {  	s2 =	sld [smem:$0x3F95];
	s0 =	simm.s32 @p1 $0x1  }
0x15: {  	[smem:$0x3FB2] =	sst s0;
	s0 =	simm.s32 @!p2 $0x0  }
0x16: {  	s3 =	sld [smem:$0x3FDB];
	s0 =	simm.s32 @p2 $0x1  }
0x17: {  	s4 =	simm.s32 $0x1BF5;
	[smem:$0x3FB4] =	sst s0  }
0x18: {  	s0 =	sld [smem:$0x3F97];
	_ =	swait.ge [sflag:s4], $0x0  }
0x19: {  	s7 =	sld [smem:$0x3F98]  }
0x1a: {  	s8 =	sadd.s32 $0xFFFFE003, lr  }
0x1b: {  	s9 =	sadd.s32 $0xFFFFFEF7, lr;
	s5 =	simm.s32 $0xFFFFFFFF;
	p2 =	slt.u32 s8, $0xFFFFF086  }
0x1c: {  	p1 =	slt.u32 s9, $0xF7A;
	s5 =	simm.s32 @!p2 $0x0  }
0x1d: {  	s5 =	simm.s32 @p1 $0x1;
	p0 =	seq.s32 s7, s2  }
0x1e: {  	s7 =	smul.u32 @!p0 $0xF7A, s2;
	p2 =	seq.s32 @!p0 s5, $0x0  }
0x1f: {  	s9 =	smul.u32 $0xF7A, s1;
	s8 =	simm.s32 @!p0 $0x1BF5;
	p2 =	por !p2, p0  }
0x20: {  	[sflag:s8] =	ssyncset.s32 @!p0 $0xFFFFF086;
	s6 =	sadd.s32 @!p0 s3, s7;
	s7 =	simm.s32 @!p0 $0x108  }
0x21: {  	s3 =	sadd.s32 s3, s9;
	s6 =	sadd.s32 @!p0 $0x88, s6;
	s7 =	simm.s32 @p2 $0x1082  }
0x22: {  	[simem:s7], [sflag:s8] =	dma.local @!p0 [hbm:s6], $0xF7A  }
0x23: {  	s9 =	sor.u32 $0xD0000000, s2;
	s6 =	simm.s32 $0x108;
	_ =	swait.ge @!p0 [sflag:s8], $0x0  }
0x24: {  	s3 =	sadd.s32 $0x88, s3;
	s6 =	simm.s32 @!p1 $0x1082;
	[sflag:s4] =	ssyncset.s32 $0xFFFFF086  }
0x25: {  	[simem:s6], [sflag:s4] =	dma.local [hbm:s3], $0xF7A  }
0x26: {  	[smem:$0x3F98] =	sst s1;
	(tag) =	ssettag s2;
	_ =	strace s9  }
0x27: {  	s1 =	sld [smem:$0x3FA8]  }
0x28: {  	s2 =	sld [smem:$0x3FA9]  }
0x29: {  	s4 =	sld [smem:$0x3FAB]  }
0x2a: {  	p0 =	seq.s32 s5, $0x0;
	s5 =	sld [smem:$0x3FAC]  }
0x2b: {  	s6 =	sld [smem:$0x3FAD]  }
0x2c: {  	s7 =	sld [smem:$0x3FAE]  }
0x2d: {  	s3 =	simm.s32 $0x108;
	s8 =	sld [smem:$0x3FAF]  }
0x2e: {  	s3 =	simm.s32 @!p0 $0x1082;
	s9 =	sld [smem:$0x3FB0]  }
0x2f: {  	lr =	sadd.s32 s0, s3;
	s0 =	sld [smem:$0x3FA7]  }
0x30: {  	s3 =	sld [smem:$0x3FAA]  }
0x31: {  	[smem:$0x3FB3] =	sst s10  }
0x32: {  	s10 =	sld [smem:$0x3FB1];
	_ =	sdelay $0x3  }
0x33: {  	p0 =	seq.s32 s10, $0x1;
	s10 =	sld [smem:$0x3FB3];
	_ =	sdelay $0x3  }
0x34: {  	[smem:$0x3FB3] =	sst s10  }
0x35: {  	s10 =	sld [smem:$0x3FB2];
	_ =	sdelay $0x3  }
0x36: {  	p1 =	seq.s32 s10, $0x1;
	s10 =	sld [smem:$0x3FB3];
	_ =	sdelay $0x3  }
0x37: {  	[smem:$0x3FB3] =	sst s10  }
0x38: {  	s10 =	sld [smem:$0x3FB4]  }
0x39: {  	_ = 	snop;
	(pc) =	sbr.ind lr, $3  }
0x3a: {  	_ = 	snop  }
0x3b: {  	_ = 	snop  }
0x3c: {  	p2 =	seq.s32 s10, $0x1;
	s10 =	sld [smem:$0x3FB3]  }
0x3d: {  	_ =	shalt  }
0x3e: {  	_ =	shalt  }
0x3f: {  	_ =	shalt  }
0x40: {  	_ =	shalt  }
0x41: {  	_ =	shalt  }
0x42: {  	_ =	shalt  }
0x43: {  	_ =	shalt  }
0x44: {  	_ =	shalt  }
0x45: {  	_ =	shalt  }
0x46: {  	_ =	shalt  }
0x47: {  	_ =	shalt  }
0x48: {  	_ =	shalt  }
0x49: {  	_ =	shalt  }
0x4a: {  	_ =	shalt  }
0x4b: {  	_ =	shalt  }
0x4c: {  	_ =	shalt  }
0x4d: {  	_ =	shalt  }
0x4e: {  	_ =	shalt  }
0x4f: {  	_ =	shalt  }
0x50: {  	_ =	shalt  }
0x51: {  	_ =	shalt  }
0x52: {  	_ =	shalt  }
0x53: {  	_ =	shalt  }
0x54: {  	_ =	shalt  }
0x55: {  	_ =	shalt  }
0x56: {  	_ =	shalt  }
0x57: {  	_ =	shalt  }
0x58: {  	_ =	shalt  }
0x59: {  	_ =	shalt  }
0x5a: {  	_ =	shalt  }
0x5b: {  	_ =	shalt  }
0x5c: {  	_ =	shalt  }
0x5d: {  	_ =	shalt  }
0x5e: {  	_ =	shalt  }
0x5f: {  	_ =	shalt  }
0x60: {  	_ =	shalt  }
0x61: {  	_ =	shalt  }
0x62: {  	_ =	shalt  }
0x63: {  	_ =	shalt  }
0x64: {  	_ =	shalt  }
0x65: {  	_ =	shalt  }
0x66: {  	_ =	shalt  }
0x67: {  	_ =	shalt  }
0x68: {  	_ =	shalt  }
0x69: {  	_ =	shalt  }
0x6a: {  	_ =	shalt  }
0x6b: {  	_ =	shalt  }
0x6c: {  	_ =	shalt  }
0x6d: {  	_ =	shalt  }
0x6e: {  	_ =	shalt  }
0x6f: {  	_ =	shalt  }
0x70: {  	_ =	shalt  }
0x71: {  	_ =	shalt  }
0x72: {  	_ =	shalt  }
0x73: {  	_ =	shalt  }
0x74: {  	_ =	shalt  }
0x75: {  	_ =	shalt  }
0x76: {  	_ =	shalt  }
0x77: {  	_ =	shalt  }
0x78: {  	_ =	shalt  }
0x79: {  	_ =	shalt  }
0x7a: {  	_ =	shalt  }
0x7b: {  	_ =	shalt  }
0x7c: {  	_ =	shalt  }
0x7d: {  	_ =	shalt  }
0x7e: {  	_ =	shalt  }
0x7f: {  	_ =	shalt  }
0x80: {  	_ =	shalt  }
0x81: {  	_ =	shalt  }
0x82: {  	_ =	shalt  }
0x83: {  	_ =	shalt  }
0x84: {  	_ =	shalt  }
0x85: {  	_ =	shalt  }
0x86: {  	_ =	shalt  }
0x87: {  	_ =	shalt  }
.Lfunc_end0:
.L_simem_size_0:
called_computation_lowered:
.L_overlay_start_0:
0x88: {  	s2 =	sld [smem:$0x3FD9]  }
0x89: {  	s3 =	sld [smem:$0x3FFE];
	_ =	sdelay $0x1  }
0x8a: {  	s1 =	srdreg.scid  }
0x8b: {  	s0 =	sand.u32 $0x1, s1  }
0x8c: {  	s14 =	sshll.u32 s0, $0xA;
	s2 =	sadd.s32 s3, s2  }
0x8d: {  	s2 =	sadd.s32 s2, s14  }
0x8e: {  	[smem:$0x3FBF] =	sst s2  }
0x8f: {  	_ = 	snop  }
0x90: {  	s2 =	sld [smem:$0x3FD0];
	_ =	sdelay $0x2  }
0x91: {  	s4 =	simm.s32 $0xA;
	s5 =	simm.s32 $0x10;
	s15 =	sld [smem:$0x3FC8]  }
0x92: {  	[smem:s5], [sflag:s4] =	dma.local [hbm:s2], $0x1  }
0x93: {  	_ =	swait.eq [sflag:s4], $0x1  }
0x94: {  	[sflag:s4] =	ssyncset.done $0x0  }
0x95: {  	s16 =	sld [smem:$0x10];
	[sflag:s4] =	ssyncadd.s32 $0xFFFFFFFF  }
0x96: {  	s17 =	sld [smem:$0x11];
	(tm) =	ssettm $0x1  }
0x97: {  	s18 =	sld [smem:$0x3FFB];
	_ =	sdelay $0x3  }
0x98: {  	_ =	strace s18  }
0x99: {  	s5 =	sld [smem:$0x3FFC];
	_ =	sdelay $0x3  }
0x9a: {  	_ =	strace s5  }
0x9b: {  	s5 =	sld [smem:$0x3FFD];
	_ =	sdelay $0x3  }
0x9c: {  	_ =	strace s5  }
0x9d: {  	_ =	strace $0x8FFFFFFF  }
0x9e: {  	s19 =	sld [smem:$0x3FDB];
	_ =	sdelay $0x1  }
0x9f: {  	s6 =	simm.s32 $_scs_section_size  }
0xa0: {  	s7 =	simm.s32 $_size__tile_overlayer_lowered;
	s8 =	simm.s32 $_tile_overlayer_lowered  }
0xa1: {  	s22 =	simm.s32 $0x1BFF;
	s21 =	sshll.u32 s8, $0x1;
	s5 =	sadd.s32 s6, s19  }
0xa2: {  	s9 =	simm.s32 $0x0;
	s20 =	sshll.u32 s7, $0x1;
	s7 =	sadd.s32 s21, s5  }
0xa3: {  	[timem:s9], [sflag:s22] =	dma.local [hbm:s7], s20  }
0xa4: {  	_ =	swait.ge [sflag:s22], s20  }
0xa5: {  	s6 =	ssub.s32 $0x0, s20;
	[sflag:s22] =	ssyncset.done $0x0  }
0xa6: {  	[sflag:s22] =	ssyncadd.s32 s6;
	_ =	sdelay $0x1  }
0xa7: {  	s23 =	simm.s32 $0x1B8B  }
0xa8: {  	_ =	swait.ge [sflag:s23], $0x1  }
0xa9: {  	[sflag:s23] =	ssyncset.done $0x0  }
0xaa: {  	s25 =	simm.s32 $0x1B8E;
	s24 =	sld [smem:$0x3FFE];
	[sflag:s23] =	ssyncadd.s32 $0xFFFFFFFF  }
0xab: {  	s26 =	simm.s32 $execute0_lowered;
	[smem:$0x3FD2] =	sst s25  }
0xac: {  	s7 =	sshll.u32 s26, $0x1;
	_ =	strace $0x80000046;
	[dreg:$0x1] =	wrdreg $0xFFFFFFFF  }
0xad: {  	s28 =	simm.s32 $_size_execute0_lowered;
	s5 =	sadd.s32 s5, s7;
	[dreg:$0x0] =	wrdreg $0x0  }
0xae: {  	s7 =	sshll.u32 s28, $0x1;
	[dreg:$0x2] =	wrdreg s5  }
0xaf: {  	[dreg:$0x3] =	wrdreg s7  }
0xb0: {  	[dreg:$0x4] =	wrdreg $0xC0  }
0xb1: {  	_ =	task [dreg:s9], $0x5FFFF  }
0xb2: {  	[dreg:$0x1] =	wrdreg $0xFFFFFFFF  }
0xb3: {  	[dreg:$0x0] =	wrdreg $0x60  }
0xb4: {  	[dreg:$0x2] =	wrdreg s16  }
0xb5: {  	[dreg:$0x3] =	wrdreg s15  }
0xb6: {  	[dreg:$0x4] =	wrdreg s17  }
0xb7: {  	[dreg:$0x5] =	wrdreg s24  }
0xb8: {  	[dreg:$0x6] =	wrdreg $0x9  }
0xb9: {  	_ =	task.clear_ibuf [dreg:s9], $0x7FFFF;
	_ =	strace $0x90000046  }
0xba: {  	s29 =	simm.s32 $0x9;
	_ =	strace $0x80000048  }
0xbb: {  	_ =	swait.ge [sflag:s29], $0x1  }
0xbc: {  	[sflag:s29] =	ssyncadd.s32 $0xFFFFFFFF  }
0xbd: {  	_ =	strace $0x90000048  }
0xbe: {  	_ =	sfence  }
0xbf: {  	s30 =	sld [smem:$0x0];
	_ =	sdelay $0x2  }
0xc0: {  	s31 =	sshll.u32 s1, $0xD;
	s1 =	sshrl.u32 s1, $0x2  }
0xc1: {  	s3 =	sand.u32 $0x4000, s31;
	s1 =	sadd.s32 s1, s30  }
0xc2: {  	s0 =	sor.u32 s3, s0;
	s1 =	sshll.u32 s1, $0x11  }
0xc3: {  	s0 =	sor.u32 s1, s0  }
0xc4: {  	s0 =	sadd.s32 $0x8F2B, s0  }
0xc5: {  	[sflag:s0] =	ssyncadd.remote.s32 $0x1  }
0xc6: {  	_ =	sfence.sel $0xFFFF  }
0xc7: {  	[dreg:$0x0] =	wrdreg $0xFFFFFFFF;
	(pc) =	sbr.abs _section_cstart, $3  }
0xc8: {  	[dreg:$0x1] =	wrdreg $0xFFFFFFFF  }
0xc9: {  	_ =	task.clear_ibuf [dreg:s9], $0x2FFFF;
	_ =	strace $0x9FFFFFFF  }
0xca: {  	(tm) =	ssettm $0x7FFFFFFF  }
0xcb: {  	_ =	shalt  }
tec
execute0_lowered:
.L_overlay_start_1:
0x0: {  	(tag) =	ssettag $0x1  }
0x1: {  	s3 =	rddreg [dreg:$0x0]  }
0x2: {  	s10 =	stileid.u32;
	v0 =	vlaneseq.u32;
	v11 =	vimm.s32 $0xBA98FEDC;
	s8 =	rddreg [dreg:$0x2];
	v12 =	vimm.s32 $0x76543210  }
0x3: {  	s5 =	rddreg [dreg:$0x3];
	s6 =	srdreg.scid;
	v15 =	vimm.s32 $0x32107654;
	v16 =	vimm.s32 $0xDCFE98BA;
	v17 =	vimm.s32 $0x54761032  }
0x4: {  	v18 =	vimm.s32 $0xEFCDAB89;
	v19 =	vimm.s32 $0x67452301;
	vm0 =	vmmov $0x1;
	s17 =	simm.s32 $0x400;
	s4 =	sshll.u32 s10, $0x8;
	s6 =	sand.u32 $0x1, s6  }
0x5: {  	vm1 =	vcmask $0x320;
	vm2 =	vcmask $0x720;
	vm3 =	vcmask $0xB20;
	s11 =	sadd.s32 $0x1A00, s5;
	s14 =	sadd.s32 $0x1C00, s5;
	p0 =	sne.s32 s10, $0x0  }
0x6: {  	vm4 =	vcmask $0xF20;
	vm5 =	vcmask $0x1320;
	vm6 =	vcmask $0x1720;
	s0 =	sor.u32 $0x10, s4;
	s18 =	sor.u32 $0x20, s4;
	s1 =	sor.u32 $0x30, s4  }
0x7: {  	vm7 =	vcmask $0x1B20;
	v13 =	vunpack.c.l.s4.s8 v11;
	v14 =	vunpack.c.l.s4.s8 v12;
	s2 =	sor.u32 $0x40, s4;
	s19 =	sor.u32 $0x50, s4;
	s20 =	sor.u32 $0x60, s4  }
0x8: {  	v12 =	vimm.s32 $0xFEDCBA98;
	v15 =	vunpack.c.l.s4.s8 v15;
	v16 =	vunpack.c.l.s4.s8 v16;
	s21 =	sor.u32 $0x70, s4;
	s22 =	sor.u32 $0x80, s4;
	s23 =	sor.u32 $0x90, s4  }
0x9: {  	v17 =	vunpack.c.l.s4.s8 v17;
	v18 =	vunpack.c.l.s4.s8 v18;
	v19 =	vunpack.c.l.s4.s8 v19;
	s24 =	sor.u32 $0xA0, s4;
	s25 =	sor.u32 $0xB0, s4;
	s7 =	ssub.s32 $0x2, s6  }
0xa: {  	v34 =	vor.u32 s4, v0;
	s9 =	sshll.u32 s6, $0x4;
	v20 =	vunpack.c.l.s4.s8 v12;
	s28 =	sor.u32 $0xC0, s4;
	s29 =	sor.u32 $0xD0, s4;
	v1 =	vor.u32 s0, v0  }
0xb: {  	s15 =	sor.u32 $0xE0, s4;
	s16 =	sor.u32 $0xF0, s4;
	v2 =	vor.u32 s18, v0;
	v3 =	vor.u32 s1, v0;
	v4 =	vor.u32 s2, v0;
	s0 =	rddreg [dreg:$0x1]  }
0xc: {  	s31 =	sshll.u32 s6, $0x5;
	v5 =	vor.u32 s19, v0;
	v6 =	vor.u32 s20, v0;
	v7 =	vor.u32 s21, v0;
	s1 =	rddreg [dreg:$0x4];
	s2 =	simm.s32 $0x0  }
0xd: {  	v8 =	vor.u32 s22, v0;
	v9 =	vor.u32 s23, v0;
	v10 =	vor.u32 s24, v0;
	s12 =	sshrl.u32 s7, $0x1;
	s13 =	sor.u32 s10, s9;
	[tilespmem:$0x1FF80] =	vst v6;
	[smem:$0x7FF] =	sst s2  }
0xe: {  	v11 =	vor.u32 s25, v0;
	v13 =	vunpack.c.0.s8.s32 v13;
	v15 =	vunpack.c.0.s8.s32 v15;
	s6 =	sadd.s32 s11, s31;
	s8 =	sadd.s32 s8, s9;
	_ =	strace $0x80000047;
	[tilespmem:$0x1FF90] =	vst v34  }
0xf: {  	v16 =	vunpack.c.0.s8.s32 v16;
	v17 =	vunpack.c.0.s8.s32 v17;
	v12 =	vor.u32 s28, v0;
	s10 =	simm.s32 $0x2;
	s18 =	simm.s32 $0x1;
	s19 =	simm.s32 $0xC80;
	[tilespmem:$0x1FFA0] =	vst v1  }
.Ltmp0:
0x10: {  	s12 =	ssub.s32 s7, s12;
	s26 =	sshll.u32 s13, $0x5;
	v21 =	vcombine.low v15, v13;
	v15 =	vunpack.c.0.s8.s32 v18;
	v18 =	vunpack.c.0.s8.s32 v19;
	[tilespmem:$0x1FFB0] =	vst v2;
	(pc) =	sbr.rel .LBB2_1-.Ltmp0, $4  }
0x11: {  	s30 =	sshll.u32 s13, $0x1;
	s7 =	sadd.s32 s14, s31;
	s13 =	simm.s32 $0x200;
	v19 =	vunpack.c.0.s8.s32 v20;
	v20 =	vcombine.low v17, v16;
	v13 =	vor.u32 s29, v0;
	[tilespmem:$0x1FFC0] =	vst v3  }
0x12: {  	s3 =	sadd.s32 s3, s26;
	s4 =	sadd.s32 s11, s30;
	s5 =	sadd.s32 s14, s30;
	v16 =	vunpack.c.0.s8.s32 v14;
	v14 =	vor.u32 s15, v0;
	[tilespmem:$0x1FFD0] =	vst v4;
	v22 =	vcombine.low v18, v15  }
0x13: {  	s9 =	smax.u32 s12, $0x1;
	s11 =	simm.s32 $0x100;
	s12 =	simm.s32 $0x180;
	[tilespmem:$0x1FFE0] =	vst v5;
	v15 =	vor.u32 s16, v0;
	v0 =	vand.u32 $0xF, v19;
	v17 =	vand.u32 $0xF, v21  }
0x14: {  	s14 =	simm.s32 $0x300;
	s15 =	simm.s32 $0x10;
	v18 =	vand.u32 $0xF, v20;
	s16 =	simm.s32 $0xC00;
	v16 =	vcombine.low v0, v16;
	[tilespmem:$0x1FFF0] =	vst v15;
	v19 =	vand.u32 $0xF, v22  }
.LBB2_3:
0x15: {  	s9 =	sadd.s32 $0xFFFFFFFF, s9  }
0x16: {  	p1 =	sne.s32 s9, $0x0  }
.Ltmp1:
0x17: {  	_ = 	snop;
	(pc) =	sbr.rel @!p1 .LBB2_4-.Ltmp1, $1  }
0x18: {  	_ =	sdelay $0x3  }
.LBB2_1:
0x19: {  	[tilespmem:s2], [sflag:$0x2] =	stream.linear.gather [hbm4b:s3+s2], $0x100, $0x38;
	[tilespmem:$0xD00] =	vst v63  }
0x1a: {  	_ =	swait.ge [sflag:s10], $0x100  }
0x1b: {  	[sflag:s10] =	ssyncset.done $0x0  }
0x1c: {  	[sflag:s10] =	ssyncadd.s32 $0xFFFFFF00  }
0x1d: {  	v0 =	vld [tilespmem:$0x0]  }
0x1e: {  	v22 =	vld [tilespmem:$0x10]  }
0x1f: {  	v23 =	vld [tilespmem:$0x20]  }
0x20: {  	v24 =	vld [tilespmem:$0x30]  }
0x21: {  	v25 =	vld [tilespmem:$0x40]  }
0x22: {  	v26 =	vld [tilespmem:$0x50]  }
0x23: {  	v27 =	vld [tilespmem:$0x60];
	v20 =	vmax.f32 v0, v22  }
0x24: {  	v28 =	vld [tilespmem:$0x70];
	v20 =	vmax.f32 v20, v23  }
0x25: {  	v29 =	vld [tilespmem:$0x80];
	v20 =	vmax.f32 v20, v24  }
0x26: {  	v30 =	vld [tilespmem:$0x90];
	v20 =	vmax.f32 v20, v25  }
0x27: {  	v31 =	vld [tilespmem:$0xA0];
	v20 =	vmax.f32 v20, v26  }
0x28: {  	v32 =	vld [tilespmem:$0xB0];
	v20 =	vmax.f32 v20, v27  }
0x29: {  	v33 =	vld [tilespmem:$0xC0];
	v20 =	vmax.f32 v20, v28  }
0x2a: {  	v35 =	vld [tilespmem:$0xD0];
	v20 =	vmax.f32 v20, v29  }
0x2b: {  	v36 =	vld [tilespmem:$0xE0];
	v20 =	vmax.f32 v20, v30  }
0x2c: {  	v37 =	vld [tilespmem:$0xF0];
	v20 =	vmax.f32 v20, v31  }
0x2d: {  	v20 =	vmax.f32 v20, v32  }
0x2e: {  	v20 =	vmax.f32 v20, v33  }
0x2f: {  	v20 =	vmax.f32 v20, v35  }
0x30: {  	v20 =	vmax.f32 v20, v36  }
0x31: {  	v20 =	vmax.f32 v20, v37  }
0x32: {  	v21 =	vperm.xlane v20, v16;
	_ =	sdelay $0x1  }
0x33: {  	v20 =	vmax.f32 v20, v21  }
0x34: {  	v21 =	vperm.xlane v20, v17;
	_ =	sdelay $0x1  }
0x35: {  	v20 =	vmax.f32 v20, v21  }
0x36: {  	v21 =	vperm.xlane v20, v18;
	_ =	sdelay $0x1  }
0x37: {  	v20 =	vmax.f32 v20, v21  }
0x38: {  	v21 =	vperm.xlane v20, v19;
	_ =	sdelay $0x1  }
0x39: {  	v20 =	vmax.f32 v20, v21  }
0x3a: {  	vm8 =	veq.f32 v0, v20;
	vm9 =	veq.f32 v22, v20  }
0x3b: {  	v6 =	vld [tilespmem:$0x1FF80];
	v58 =	vnsel vm8, $0x1000, v34;
	v38 =	vnsel vm9, $0x1000, v1;
	vm8 =	veq.f32 v23, v20  }
0x3c: {  	v21 =	vmin.u32 v58, v38;
	v59 =	vnsel vm8, $0x1000, v2;
	vm8 =	veq.f32 v24, v20  }
0x3d: {  	v21 =	vmin.u32 v21, v59;
	v60 =	vnsel vm8, $0x1000, v3;
	vm8 =	veq.f32 v25, v20  }
0x3e: {  	v21 =	vmin.u32 v21, v60;
	v61 =	vnsel vm8, $0x1000, v4;
	vm8 =	veq.f32 v26, v20  }
0x3f: {  	v21 =	vmin.u32 v21, v61;
	v62 =	vnsel vm8, $0x1000, v5;
	vm8 =	veq.f32 v27, v20  }
0x40: {  	v21 =	vmin.u32 v21, v62;
	v63 =	vnsel vm8, $0x1000, v6;
	vm8 =	veq.f32 v28, v20  }
0x41: {  	v21 =	vmin.u32 v21, v63;
	v40 =	vnsel vm8, $0x1000, v7;
	vm8 =	veq.f32 v29, v20  }
0x42: {  	v21 =	vmin.u32 v21, v40;
	v41 =	vnsel vm8, $0x1000, v8;
	vm8 =	veq.f32 v30, v20  }
0x43: {  	v21 =	vmin.u32 v21, v41;
	v42 =	vnsel vm8, $0x1000, v9;
	vm8 =	veq.f32 v31, v20  }
0x44: {  	v21 =	vmin.u32 v21, v42;
	v43 =	vnsel vm8, $0x1000, v10;
	vm8 =	veq.f32 v32, v20  }
0x45: {  	v21 =	vmin.u32 v21, v43;
	v44 =	vnsel vm8, $0x1000, v11;
	vm8 =	veq.f32 v33, v20  }
0x46: {  	v21 =	vmin.u32 v21, v44;
	v45 =	vnsel vm8, $0x1000, v12;
	vm8 =	veq.f32 v35, v20  }
0x47: {  	v21 =	vmin.u32 v21, v45;
	v46 =	vnsel vm8, $0x1000, v13;
	vm8 =	veq.f32 v36, v20  }
0x48: {  	v21 =	vmin.u32 v21, v46;
	v47 =	vnsel vm8, $0x1000, v14;
	vm8 =	veq.f32 v37, v20  }
0x49: {  	v21 =	vmin.u32 v21, v47;
	v48 =	vnsel vm8, $0x1000, v15  }
0x4a: {  	v21 =	vmin.u32 v21, v48  }
0x4b: {  	v38 =	vperm.xlane v21, v16;
	_ =	sdelay $0x1  }
0x4c: {  	vm8 =	vlt.s32 v21, v38  }
0x4d: {  	v21 =	vsel vm8, v21, v38  }
0x4e: {  	v38 =	vperm.xlane v21, v17;
	_ =	sdelay $0x1  }
0x4f: {  	vm8 =	vlt.s32 v21, v38  }
0x50: {  	v21 =	vsel vm8, v21, v38  }
0x51: {  	v38 =	vperm.xlane v21, v18;
	_ =	sdelay $0x1  }
0x52: {  	vm8 =	vlt.s32 v21, v38  }
0x53: {  	v21 =	vsel vm8, v21, v38  }
0x54: {  	v38 =	vperm.xlane v21, v19;
	_ =	sdelay $0x1  }
0x55: {  	vm8 =	vlt.s32 v21, v38  }
0x56: {  	v21 =	vsel vm8, v21, v38  }
0x57: {  	vm8 =	veq.s32 v34, v21;
	vm13 =	veq.s32 v1, v21  }
0x58: {  	v0 =	vsel vm8, $0xFF800000, v0;
	v49 =	vsel vm13, $0xFF800000, v22;
	vm8 =	veq.s32 v2, v21  }
0x59: {  	v39 =	vsel vm8, $0xFF800000, v23;
	vm8 =	veq.s32 v3, v21;
	v22 =	vmax.f32 v0, v49  }
0x5a: {  	v24 =	vsel vm8, $0xFF800000, v24;
	vm8 =	veq.s32 v4, v21;
	v22 =	vmax.f32 v22, v39  }
0x5b: {  	v25 =	vsel vm8, $0xFF800000, v25;
	vm8 =	veq.s32 v5, v21;
	v22 =	vmax.f32 v22, v24  }
0x5c: {  	v26 =	vsel vm8, $0xFF800000, v26;
	vm8 =	veq.s32 v6, v21;
	v22 =	vmax.f32 v22, v25  }
0x5d: {  	v27 =	vsel vm8, $0xFF800000, v27;
	vm8 =	veq.s32 v7, v21;
	v22 =	vmax.f32 v22, v26  }
0x5e: {  	v28 =	vsel vm8, $0xFF800000, v28;
	vm8 =	veq.s32 v8, v21;
	v22 =	vmax.f32 v22, v27  }
0x5f: {  	v29 =	vsel vm8, $0xFF800000, v29;
	vm8 =	veq.s32 v9, v21;
	v22 =	vmax.f32 v22, v28  }
0x60: {  	v30 =	vsel vm8, $0xFF800000, v30;
	vm8 =	veq.s32 v10, v21;
	v22 =	vmax.f32 v22, v29  }
0x61: {  	v31 =	vsel vm8, $0xFF800000, v31;
	vm8 =	veq.s32 v11, v21;
	v22 =	vmax.f32 v22, v30  }
0x62: {  	v32 =	vsel vm8, $0xFF800000, v32;
	vm8 =	veq.s32 v12, v21;
	v22 =	vmax.f32 v22, v31  }
0x63: {  	v33 =	vsel vm8, $0xFF800000, v33;
	vm8 =	veq.s32 v13, v21;
	v22 =	vmax.f32 v22, v32  }
0x64: {  	v35 =	vsel vm8, $0xFF800000, v35;
	vm8 =	veq.s32 v14, v21;
	v22 =	vmax.f32 v22, v33  }
0x65: {  	v36 =	vsel vm8, $0xFF800000, v36;
	vm8 =	veq.s32 v15, v21;
	v22 =	vmax.f32 v22, v35  }
0x66: {  	v37 =	vsel vm8, $0xFF800000, v37;
	v22 =	vmax.f32 v22, v36  }
0x67: {  	v22 =	vmax.f32 v22, v37  }
0x68: {  	v50 =	vperm.xlane v22, v16;
	_ =	sdelay $0x1  }
0x69: {  	v22 =	vmax.f32 v22, v50  }
0x6a: {  	v23 =	vperm.xlane v22, v17;
	_ =	sdelay $0x1  }
0x6b: {  	v22 =	vmax.f32 v22, v23  }
0x6c: {  	v23 =	vperm.xlane v22, v18;
	_ =	sdelay $0x1  }
0x6d: {  	v22 =	vmax.f32 v22, v23  }
0x6e: {  	v23 =	vperm.xlane v22, v19;
	_ =	sdelay $0x1  }
0x6f: {  	v22 =	vmax.f32 v22, v23  }
0x70: {  	vm8 =	veq.f32 v0, v22;
	vm9 =	veq.f32 v49, v22  }
0x71: {  	v51 =	vnsel vm8, $0x1000, v34;
	v40 =	vnsel vm9, $0x1000, v1;
	vm8 =	veq.f32 v39, v22  }
0x72: {  	v23 =	vmin.u32 v51, v40;
	v52 =	vnsel vm8, $0x1000, v2;
	vm8 =	veq.f32 v24, v22  }
0x73: {  	v23 =	vmin.u32 v23, v52;
	v53 =	vnsel vm8, $0x1000, v3;
	vm8 =	veq.f32 v25, v22  }
0x74: {  	v23 =	vmin.u32 v23, v53;
	v54 =	vnsel vm8, $0x1000, v4;
	vm8 =	veq.f32 v26, v22  }
0x75: {  	v23 =	vmin.u32 v23, v54;
	v55 =	vnsel vm8, $0x1000, v5;
	vm8 =	veq.f32 v27, v22  }
0x76: {  	v23 =	vmin.u32 v23, v55;
	v56 =	vnsel vm8, $0x1000, v6;
	vm8 =	veq.f32 v28, v22  }
0x77: {  	v23 =	vmin.u32 v23, v56;
	v57 =	vnsel vm8, $0x1000, v7;
	vm8 =	veq.f32 v29, v22  }
0x78: {  	v23 =	vmin.u32 v23, v57;
	v58 =	vnsel vm8, $0x1000, v8;
	vm8 =	veq.f32 v30, v22  }
0x79: {  	v23 =	vmin.u32 v23, v58;
	v59 =	vnsel vm8, $0x1000, v9;
	vm8 =	veq.f32 v31, v22  }
0x7a: {  	v23 =	vmin.u32 v23, v59;
	v60 =	vnsel vm8, $0x1000, v10;
	vm8 =	veq.f32 v32, v22  }
0x7b: {  	v23 =	vmin.u32 v23, v60;
	v61 =	vnsel vm8, $0x1000, v11;
	vm8 =	veq.f32 v33, v22  }
0x7c: {  	v23 =	vmin.u32 v23, v61;
	v62 =	vnsel vm8, $0x1000, v12;
	vm8 =	veq.f32 v35, v22  }
0x7d: {  	v23 =	vmin.u32 v23, v62;
	v63 =	vnsel vm8, $0x1000, v13;
	vm8 =	veq.f32 v36, v22  }
0x7e: {  	v23 =	vmin.u32 v23, v63;
	v44 =	vnsel vm8, $0x1000, v14;
	vm8 =	veq.f32 v37, v22  }
0x7f: {  	v23 =	vmin.u32 v23, v44;
	v45 =	vnsel vm8, $0x1000, v15  }
0x80: {  	v23 =	vmin.u32 v23, v45  }
0x81: {  	v40 =	vperm.xlane v23, v16;
	_ =	sdelay $0x1  }
0x82: {  	vm8 =	vlt.s32 v23, v40  }
0x83: {  	v23 =	vsel vm8, v23, v40  }
0x84: {  	v40 =	vperm.xlane v23, v17;
	_ =	sdelay $0x1  }
0x85: {  	vm8 =	vlt.s32 v23, v40  }
0x86: {  	v23 =	vsel vm8, v23, v40  }
0x87: {  	v40 =	vperm.xlane v23, v18;
	_ =	sdelay $0x1  }
0x88: {  	vm8 =	vlt.s32 v23, v40  }
0x89: {  	v23 =	vsel vm8, v23, v40  }
0x8a: {  	v40 =	vperm.xlane v23, v19;
	_ =	sdelay $0x1  }
0x8b: {  	vm8 =	vlt.s32 v23, v40  }
0x8c: {  	v23 =	vsel vm8, v23, v40  }
0x8d: {  	vm8 =	veq.s32 v34, v23;
	vm14 =	veq.s32 v1, v23  }
0x8e: {  	v0 =	vsel vm8, $0xFF800000, v0;
	v38 =	vsel vm14, $0xFF800000, v49;
	vm8 =	veq.s32 v2, v23  }
0x8f: {  	v39 =	vsel vm8, $0xFF800000, v39;
	vm8 =	veq.s32 v3, v23;
	v46 =	vmax.f32 v0, v38  }
0x90: {  	v41 =	vsel vm8, $0xFF800000, v24;
	vm8 =	veq.s32 v4, v23;
	v47 =	vmax.f32 v46, v39  }
0x91: {  	v48 =	vsel vm8, $0xFF800000, v25;
	vm8 =	veq.s32 v5, v23;
	v24 =	vmax.f32 v47, v41  }
0x92: {  	v26 =	vsel vm8, $0xFF800000, v26;
	vm8 =	veq.s32 v6, v23;
	v24 =	vmax.f32 v24, v48  }
0x93: {  	v27 =	vsel vm8, $0xFF800000, v27;
	vm8 =	veq.s32 v7, v23;
	v24 =	vmax.f32 v24, v26  }
0x94: {  	v28 =	vsel vm8, $0xFF800000, v28;
	vm8 =	veq.s32 v8, v23;
	v24 =	vmax.f32 v24, v27  }
0x95: {  	v29 =	vsel vm8, $0xFF800000, v29;
	vm8 =	veq.s32 v9, v23;
	v24 =	vmax.f32 v24, v28  }
0x96: {  	v30 =	vsel vm8, $0xFF800000, v30;
	vm8 =	veq.s32 v10, v23;
	v24 =	vmax.f32 v24, v29  }
0x97: {  	v31 =	vsel vm8, $0xFF800000, v31;
	vm8 =	veq.s32 v11, v23;
	v24 =	vmax.f32 v24, v30  }
0x98: {  	v32 =	vsel vm8, $0xFF800000, v32;
	vm8 =	veq.s32 v12, v23;
	v24 =	vmax.f32 v24, v31  }
0x99: {  	v33 =	vsel vm8, $0xFF800000, v33;
	vm8 =	veq.s32 v13, v23;
	v24 =	vmax.f32 v24, v32  }
0x9a: {  	v35 =	vsel vm8, $0xFF800000, v35;
	vm8 =	veq.s32 v14, v23;
	v24 =	vmax.f32 v24, v33  }
0x9b: {  	v36 =	vsel vm8, $0xFF800000, v36;
	vm8 =	veq.s32 v15, v23;
	v24 =	vmax.f32 v24, v35  }
0x9c: {  	v37 =	vsel vm8, $0xFF800000, v37;
	v24 =	vmax.f32 v24, v36  }
0x9d: {  	v24 =	vmax.f32 v24, v37  }
0x9e: {  	v49 =	vperm.xlane v24, v16;
	_ =	sdelay $0x1  }
0x9f: {  	v24 =	vmax.f32 v24, v49  }
0xa0: {  	v25 =	vperm.xlane v24, v17;
	_ =	sdelay $0x1  }
0xa1: {  	v24 =	vmax.f32 v24, v25  }
0xa2: {  	v25 =	vperm.xlane v24, v18;
	_ =	sdelay $0x1  }
0xa3: {  	v24 =	vmax.f32 v24, v25  }
0xa4: {  	v25 =	vperm.xlane v24, v19;
	_ =	sdelay $0x1  }
0xa5: {  	v24 =	vmax.f32 v24, v25  }
0xa6: {  	vm8 =	veq.f32 v0, v24;
	vm9 =	veq.f32 v38, v24  }
0xa7: {  	v50 =	vnsel vm8, $0x1000, v34;
	v42 =	vnsel vm9, $0x1000, v1;
	vm8 =	veq.f32 v39, v24  }
0xa8: {  	v25 =	vmin.u32 v50, v42;
	v51 =	vnsel vm8, $0x1000, v2;
	vm8 =	veq.f32 v41, v24  }
0xa9: {  	v25 =	vmin.u32 v25, v51;
	v52 =	vnsel vm8, $0x1000, v3;
	vm8 =	veq.f32 v48, v24  }
0xaa: {  	v25 =	vmin.u32 v25, v52;
	v53 =	vnsel vm8, $0x1000, v4;
	vm8 =	veq.f32 v26, v24  }
0xab: {  	v25 =	vmin.u32 v25, v53;
	v54 =	vnsel vm8, $0x1000, v5;
	vm8 =	veq.f32 v27, v24  }
0xac: {  	v25 =	vmin.u32 v25, v54;
	v55 =	vnsel vm8, $0x1000, v6;
	vm8 =	veq.f32 v28, v24  }
0xad: {  	v25 =	vmin.u32 v25, v55;
	v56 =	vnsel vm8, $0x1000, v7;
	vm8 =	veq.f32 v29, v24  }
0xae: {  	v25 =	vmin.u32 v25, v56;
	v57 =	vnsel vm8, $0x1000, v8;
	vm8 =	veq.f32 v30, v24  }
0xaf: {  	v25 =	vmin.u32 v25, v57;
	v58 =	vnsel vm8, $0x1000, v9;
	vm8 =	veq.f32 v31, v24  }
0xb0: {  	v25 =	vmin.u32 v25, v58;
	v59 =	vnsel vm8, $0x1000, v10;
	vm8 =	veq.f32 v32, v24  }
0xb1: {  	v25 =	vmin.u32 v25, v59;
	v60 =	vnsel vm8, $0x1000, v11;
	vm8 =	veq.f32 v33, v24  }
0xb2: {  	v25 =	vmin.u32 v25, v60;
	v61 =	vnsel vm8, $0x1000, v12;
	vm8 =	veq.f32 v35, v24  }
0xb3: {  	v25 =	vmin.u32 v25, v61;
	v62 =	vnsel vm8, $0x1000, v13;
	vm8 =	veq.f32 v36, v24  }
0xb4: {  	v25 =	vmin.u32 v25, v62;
	v63 =	vnsel vm8, $0x1000, v14;
	vm8 =	veq.f32 v37, v24  }
0xb5: {  	v25 =	vmin.u32 v25, v63;
	v45 =	vnsel vm8, $0x1000, v15  }
0xb6: {  	v25 =	vmin.u32 v25, v45  }
0xb7: {  	v42 =	vperm.xlane v25, v16;
	_ =	sdelay $0x1  }
0xb8: {  	vm8 =	vlt.s32 v25, v42  }
0xb9: {  	v25 =	vsel vm8, v25, v42  }
0xba: {  	v42 =	vperm.xlane v25, v17;
	_ =	sdelay $0x1  }
0xbb: {  	vm8 =	vlt.s32 v25, v42  }
0xbc: {  	v25 =	vsel vm8, v25, v42  }
0xbd: {  	v42 =	vperm.xlane v25, v18;
	_ =	sdelay $0x1  }
0xbe: {  	vm8 =	vlt.s32 v25, v42  }
0xbf: {  	v25 =	vsel vm8, v25, v42  }
0xc0: {  	v42 =	vperm.xlane v25, v19;
	_ =	sdelay $0x1  }
0xc1: {  	vm8 =	vlt.s32 v25, v42  }
0xc2: {  	v25 =	vsel vm8, v25, v42  }
0xc3: {  	vm8 =	veq.s32 v34, v25;
	vm15 =	veq.s32 v1, v25  }
0xc4: {  	v0 =	vsel vm8, $0xFF800000, v0;
	v38 =	vsel vm15, $0xFF800000, v38;
	vm8 =	veq.s32 v2, v25  }
0xc5: {  	v39 =	vsel vm8, $0xFF800000, v39;
	vm8 =	veq.s32 v3, v25;
	v46 =	vmax.f32 v0, v38  }
0xc6: {  	v41 =	vsel vm8, $0xFF800000, v41;
	vm8 =	veq.s32 v4, v25;
	v42 =	vmax.f32 v46, v39  }
0xc7: {  	v40 =	vsel vm8, $0xFF800000, v48;
	vm8 =	veq.s32 v5, v25;
	v42 =	vmax.f32 v42, v41  }
0xc8: {  	v43 =	vsel vm8, $0xFF800000, v26;
	vm8 =	veq.s32 v6, v25;
	v47 =	vmax.f32 v42, v40  }
0xc9: {  	v42 =	vsel vm8, $0xFF800000, v27;
	vm8 =	veq.s32 v7, v25;
	v26 =	vmax.f32 v47, v43  }
0xca: {  	v28 =	vsel vm8, $0xFF800000, v28;
	vm8 =	veq.s32 v8, v25;
	v26 =	vmax.f32 v26, v42  }
0xcb: {  	v29 =	vsel vm8, $0xFF800000, v29;
	vm8 =	veq.s32 v9, v25;
	v26 =	vmax.f32 v26, v28  }
0xcc: {  	v30 =	vsel vm8, $0xFF800000, v30;
	vm8 =	veq.s32 v10, v25;
	v26 =	vmax.f32 v26, v29  }
0xcd: {  	v31 =	vsel vm8, $0xFF800000, v31;
	vm8 =	veq.s32 v11, v25;
	v26 =	vmax.f32 v26, v30  }
0xce: {  	v32 =	vsel vm8, $0xFF800000, v32;
	vm8 =	veq.s32 v12, v25;
	v26 =	vmax.f32 v26, v31  }
0xcf: {  	v33 =	vsel vm8, $0xFF800000, v33;
	vm8 =	veq.s32 v13, v25;
	v26 =	vmax.f32 v26, v32  }
0xd0: {  	v35 =	vsel vm8, $0xFF800000, v35;
	vm8 =	veq.s32 v14, v25;
	v26 =	vmax.f32 v26, v33  }
0xd1: {  	v36 =	vsel vm8, $0xFF800000, v36;
	vm8 =	veq.s32 v15, v25;
	v26 =	vmax.f32 v26, v35  }
0xd2: {  	v37 =	vsel vm8, $0xFF800000, v37;
	v26 =	vmax.f32 v26, v36  }
0xd3: {  	v26 =	vmax.f32 v26, v37  }
0xd4: {  	v48 =	vperm.xlane v26, v16;
	_ =	sdelay $0x1  }
0xd5: {  	v26 =	vmax.f32 v26, v48  }
0xd6: {  	v27 =	vperm.xlane v26, v17;
	_ =	sdelay $0x1  }
0xd7: {  	v26 =	vmax.f32 v26, v27  }
0xd8: {  	v27 =	vperm.xlane v26, v18;
	_ =	sdelay $0x1  }
0xd9: {  	v26 =	vmax.f32 v26, v27  }
0xda: {  	v27 =	vperm.xlane v26, v19;
	_ =	sdelay $0x1  }
0xdb: {  	v26 =	vmax.f32 v26, v27  }
0xdc: {  	vm8 =	veq.f32 v0, v26;
	vm9 =	veq.f32 v38, v26  }
0xdd: {  	v49 =	vnsel vm8, $0x1000, v34;
	v44 =	vnsel vm9, $0x1000, v1;
	vm8 =	veq.f32 v39, v26  }
0xde: {  	v27 =	vmin.u32 v49, v44;
	v50 =	vnsel vm8, $0x1000, v2;
	vm8 =	veq.f32 v41, v26  }
0xdf: {  	v27 =	vmin.u32 v27, v50;
	v51 =	vnsel vm8, $0x1000, v3;
	vm8 =	veq.f32 v40, v26  }
0xe0: {  	v27 =	vmin.u32 v27, v51;
	v52 =	vnsel vm8, $0x1000, v4;
	vm8 =	veq.f32 v43, v26  }
0xe1: {  	v27 =	vmin.u32 v27, v52;
	v53 =	vnsel vm8, $0x1000, v5;
	vm8 =	veq.f32 v42, v26  }
0xe2: {  	v27 =	vmin.u32 v27, v53;
	v54 =	vnsel vm8, $0x1000, v6;
	vm8 =	veq.f32 v28, v26  }
0xe3: {  	v27 =	vmin.u32 v27, v54;
	v55 =	vnsel vm8, $0x1000, v7;
	vm8 =	veq.f32 v29, v26  }
0xe4: {  	v27 =	vmin.u32 v27, v55;
	v56 =	vnsel vm8, $0x1000, v8;
	vm8 =	veq.f32 v30, v26  }
0xe5: {  	v27 =	vmin.u32 v27, v56;
	v57 =	vnsel vm8, $0x1000, v9;
	vm8 =	veq.f32 v31, v26  }
0xe6: {  	v27 =	vmin.u32 v27, v57;
	v58 =	vnsel vm8, $0x1000, v10;
	vm8 =	veq.f32 v32, v26  }
0xe7: {  	v27 =	vmin.u32 v27, v58;
	v59 =	vnsel vm8, $0x1000, v11;
	vm8 =	veq.f32 v33, v26  }
0xe8: {  	v27 =	vmin.u32 v27, v59;
	v60 =	vnsel vm8, $0x1000, v12;
	vm8 =	veq.f32 v35, v26  }
0xe9: {  	v27 =	vmin.u32 v27, v60;
	v61 =	vnsel vm8, $0x1000, v13;
	vm8 =	veq.f32 v36, v26  }
0xea: {  	v27 =	vmin.u32 v27, v61;
	v62 =	vnsel vm8, $0x1000, v14;
	vm8 =	veq.f32 v37, v26  }
0xeb: {  	v27 =	vmin.u32 v27, v62;
	v63 =	vnsel vm8, $0x1000, v15  }
0xec: {  	v27 =	vmin.u32 v27, v63  }
0xed: {  	v44 =	vperm.xlane v27, v16;
	_ =	sdelay $0x1  }
0xee: {  	vm8 =	vlt.s32 v27, v44  }
0xef: {  	v27 =	vsel vm8, v27, v44  }
0xf0: {  	v44 =	vperm.xlane v27, v17;
	_ =	sdelay $0x1  }
0xf1: {  	vm8 =	vlt.s32 v27, v44  }
0xf2: {  	v27 =	vsel vm8, v27, v44  }
0xf3: {  	v44 =	vperm.xlane v27, v18;
	_ =	sdelay $0x1  }
0xf4: {  	vm8 =	vlt.s32 v27, v44  }
0xf5: {  	v27 =	vsel vm8, v27, v44  }
0xf6: {  	v44 =	vperm.xlane v27, v19;
	_ =	sdelay $0x1  }
0xf7: {  	vm8 =	vlt.s32 v27, v44  }
0xf8: {  	v27 =	vsel vm8, v27, v44  }
0xf9: {  	vm8 =	veq.s32 v34, v27;
	vm12 =	veq.s32 v1, v27  }
0xfa: {  	v0 =	vsel vm8, $0xFF800000, v0;
	v38 =	vsel vm12, $0xFF800000, v38;
	vm8 =	veq.s32 v2, v27  }
0xfb: {  	v39 =	vsel vm8, $0xFF800000, v39;
	vm8 =	veq.s32 v3, v27;
	v48 =	vmax.f32 v0, v38  }
0xfc: {  	v41 =	vsel vm8, $0xFF800000, v41;
	vm8 =	veq.s32 v4, v27;
	v44 =	vmax.f32 v48, v39  }
0xfd: {  	v40 =	vsel vm8, $0xFF800000, v40;
	vm8 =	veq.s32 v5, v27;
	v44 =	vmax.f32 v44, v41  }
0xfe: {  	v43 =	vsel vm8, $0xFF800000, v43;
	vm8 =	veq.s32 v6, v27;
	v44 =	vmax.f32 v44, v40  }
0xff: {  	v42 =	vsel vm8, $0xFF800000, v42;
	vm8 =	veq.s32 v7, v27;
	v44 =	vmax.f32 v44, v43  }
0x100: {  	v45 =	vsel vm8, $0xFF800000, v28;
	vm8 =	veq.s32 v8, v27;
	v49 =	vmax.f32 v44, v42  }
0x101: {  	v44 =	vsel vm8, $0xFF800000, v29;
	vm8 =	veq.s32 v9, v27;
	v28 =	vmax.f32 v49, v45  }
0x102: {  	v30 =	vsel vm8, $0xFF800000, v30;
	vm8 =	veq.s32 v10, v27;
	v28 =	vmax.f32 v28, v44  }
0x103: {  	v31 =	vsel vm8, $0xFF800000, v31;
	vm8 =	veq.s32 v11, v27;
	v28 =	vmax.f32 v28, v30  }
0x104: {  	v32 =	vsel vm8, $0xFF800000, v32;
	vm8 =	veq.s32 v12, v27;
	v28 =	vmax.f32 v28, v31  }
0x105: {  	v33 =	vsel vm8, $0xFF800000, v33;
	vm8 =	veq.s32 v13, v27;
	v28 =	vmax.f32 v28, v32  }
0x106: {  	v35 =	vsel vm8, $0xFF800000, v35;
	vm8 =	veq.s32 v14, v27;
	v28 =	vmax.f32 v28, v33  }
0x107: {  	v36 =	vsel vm8, $0xFF800000, v36;
	vm8 =	veq.s32 v15, v27;
	v28 =	vmax.f32 v28, v35  }
0x108: {  	v37 =	vsel vm8, $0xFF800000, v37;
	v28 =	vmax.f32 v28, v36  }
0x109: {  	v28 =	vmax.f32 v28, v37  }
0x10a: {  	v50 =	vperm.xlane v28, v16;
	_ =	sdelay $0x1  }
0x10b: {  	v28 =	vmax.f32 v28, v50  }
0x10c: {  	v29 =	vperm.xlane v28, v17;
	_ =	sdelay $0x1  }
0x10d: {  	v28 =	vmax.f32 v28, v29  }
0x10e: {  	v29 =	vperm.xlane v28, v18;
	_ =	sdelay $0x1  }
0x10f: {  	v28 =	vmax.f32 v28, v29  }
0x110: {  	v29 =	vperm.xlane v28, v19;
	_ =	sdelay $0x1  }
0x111: {  	v28 =	vmax.f32 v28, v29  }
0x112: {  	vm8 =	veq.f32 v0, v28;
	vm9 =	veq.f32 v38, v28  }
0x113: {  	v51 =	vnsel vm8, $0x1000, v34;
	v46 =	vnsel vm9, $0x1000, v1;
	vm8 =	veq.f32 v39, v28  }
0x114: {  	v29 =	vmin.u32 v51, v46;
	v52 =	vnsel vm8, $0x1000, v2;
	vm8 =	veq.f32 v41, v28  }
0x115: {  	v29 =	vmin.u32 v29, v52;
	v53 =	vnsel vm8, $0x1000, v3;
	vm8 =	veq.f32 v40, v28  }
0x116: {  	v29 =	vmin.u32 v29, v53;
	v54 =	vnsel vm8, $0x1000, v4;
	vm8 =	veq.f32 v43, v28  }
0x117: {  	v29 =	vmin.u32 v29, v54;
	v55 =	vnsel vm8, $0x1000, v5;
	vm8 =	veq.f32 v42, v28  }
0x118: {  	v29 =	vmin.u32 v29, v55;
	v56 =	vnsel vm8, $0x1000, v6;
	vm8 =	veq.f32 v45, v28  }
0x119: {  	v29 =	vmin.u32 v29, v56;
	v57 =	vnsel vm8, $0x1000, v7;
	vm8 =	veq.f32 v44, v28  }
0x11a: {  	v29 =	vmin.u32 v29, v57;
	v58 =	vnsel vm8, $0x1000, v8;
	vm8 =	veq.f32 v30, v28  }
0x11b: {  	v29 =	vmin.u32 v29, v58;
	v59 =	vnsel vm8, $0x1000, v9;
	vm8 =	veq.f32 v31, v28  }
0x11c: {  	v29 =	vmin.u32 v29, v59;
	v60 =	vnsel vm8, $0x1000, v10;
	vm8 =	veq.f32 v32, v28  }
0x11d: {  	v29 =	vmin.u32 v29, v60;
	v61 =	vnsel vm8, $0x1000, v11;
	vm8 =	veq.f32 v33, v28  }
0x11e: {  	v29 =	vmin.u32 v29, v61;
	v62 =	vnsel vm8, $0x1000, v12;
	vm8 =	veq.f32 v35, v28  }
0x11f: {  	v29 =	vmin.u32 v29, v62;
	v63 =	vnsel vm8, $0x1000, v13;
	vm8 =	veq.f32 v36, v28  }
0x120: {  	v29 =	vmin.u32 v29, v63;
	v48 =	vnsel vm8, $0x1000, v14;
	vm8 =	veq.f32 v37, v28  }
0x121: {  	v29 =	vmin.u32 v29, v48;
	v49 =	vnsel vm8, $0x1000, v15  }
0x122: {  	v29 =	vmin.u32 v29, v49  }
0x123: {  	v46 =	vperm.xlane v29, v16;
	_ =	sdelay $0x1  }
0x124: {  	vm8 =	vlt.s32 v29, v46  }
0x125: {  	v29 =	vsel vm8, v29, v46  }
0x126: {  	v46 =	vperm.xlane v29, v17;
	_ =	sdelay $0x1  }
0x127: {  	vm8 =	vlt.s32 v29, v46  }
0x128: {  	v29 =	vsel vm8, v29, v46  }
0x129: {  	v46 =	vperm.xlane v29, v18;
	_ =	sdelay $0x1  }
0x12a: {  	vm8 =	vlt.s32 v29, v46  }
0x12b: {  	v29 =	vsel vm8, v29, v46  }
0x12c: {  	v46 =	vperm.xlane v29, v19;
	_ =	sdelay $0x1  }
0x12d: {  	vm8 =	vlt.s32 v29, v46  }
0x12e: {  	v29 =	vsel vm8, v29, v46  }
0x12f: {  	vm8 =	veq.s32 v34, v29;
	vm13 =	veq.s32 v1, v29  }
0x130: {  	v0 =	vsel vm8, $0xFF800000, v0;
	v38 =	vsel vm13, $0xFF800000, v38;
	vm8 =	veq.s32 v2, v29  }
0x131: {  	v39 =	vsel vm8, $0xFF800000, v39;
	vm8 =	veq.s32 v3, v29;
	v50 =	vmax.f32 v0, v38  }
0x132: {  	v41 =	vsel vm8, $0xFF800000, v41;
	vm8 =	veq.s32 v4, v29;
	v46 =	vmax.f32 v50, v39  }
0x133: {  	v40 =	vsel vm8, $0xFF800000, v40;
	vm8 =	veq.s32 v5, v29;
	v46 =	vmax.f32 v46, v41  }
0x134: {  	v43 =	vsel vm8, $0xFF800000, v43;
	vm8 =	veq.s32 v6, v29;
	v46 =	vmax.f32 v46, v40  }
0x135: {  	v42 =	vsel vm8, $0xFF800000, v42;
	vm8 =	veq.s32 v7, v29;
	v46 =	vmax.f32 v46, v43  }
0x136: {  	v45 =	vsel vm8, $0xFF800000, v45;
	vm8 =	veq.s32 v8, v29;
	v46 =	vmax.f32 v46, v42  }
0x137: {  	v44 =	vsel vm8, $0xFF800000, v44;
	vm8 =	veq.s32 v9, v29;
	v46 =	vmax.f32 v46, v45  }
0x138: {  	v47 =	vsel vm8, $0xFF800000, v30;
	vm8 =	veq.s32 v10, v29;
	v51 =	vmax.f32 v46, v44  }
0x139: {  	v46 =	vsel vm8, $0xFF800000, v31;
	vm8 =	veq.s32 v11, v29;
	v30 =	vmax.f32 v51, v47  }
0x13a: {  	v32 =	vsel vm8, $0xFF800000, v32;
	vm8 =	veq.s32 v12, v29;
	v30 =	vmax.f32 v30, v46  }
0x13b: {  	v33 =	vsel vm8, $0xFF800000, v33;
	vm8 =	veq.s32 v13, v29;
	v30 =	vmax.f32 v30, v32  }
0x13c: {  	v35 =	vsel vm8, $0xFF800000, v35;
	vm8 =	veq.s32 v14, v29;
	v30 =	vmax.f32 v30, v33  }
0x13d: {  	v36 =	vsel vm8, $0xFF800000, v36;
	vm8 =	veq.s32 v15, v29;
	v30 =	vmax.f32 v30, v35  }
0x13e: {  	v37 =	vsel vm8, $0xFF800000, v37;
	v30 =	vmax.f32 v30, v36  }
0x13f: {  	v30 =	vmax.f32 v30, v37  }
0x140: {  	v52 =	vperm.xlane v30, v16;
	_ =	sdelay $0x1  }
0x141: {  	v30 =	vmax.f32 v30, v52  }
0x142: {  	v31 =	vperm.xlane v30, v17;
	_ =	sdelay $0x1  }
0x143: {  	v30 =	vmax.f32 v30, v31  }
0x144: {  	v31 =	vperm.xlane v30, v18;
	_ =	sdelay $0x1  }
0x145: {  	v30 =	vmax.f32 v30, v31  }
0x146: {  	v31 =	vperm.xlane v30, v19;
	_ =	sdelay $0x1  }
0x147: {  	v30 =	vmax.f32 v30, v31  }
0x148: {  	vm8 =	veq.f32 v0, v30;
	vm9 =	veq.f32 v38, v30  }
0x149: {  	v53 =	vnsel vm8, $0x1000, v34;
	v48 =	vnsel vm9, $0x1000, v1;
	vm8 =	veq.f32 v39, v30  }
0x14a: {  	v31 =	vmin.u32 v53, v48;
	v54 =	vnsel vm8, $0x1000, v2;
	vm8 =	veq.f32 v41, v30  }
0x14b: {  	v31 =	vmin.u32 v31, v54;
	v55 =	vnsel vm8, $0x1000, v3;
	vm8 =	veq.f32 v40, v30  }
0x14c: {  	v31 =	vmin.u32 v31, v55;
	v56 =	vnsel vm8, $0x1000, v4;
	vm8 =	veq.f32 v43, v30  }
0x14d: {  	v31 =	vmin.u32 v31, v56;
	v57 =	vnsel vm8, $0x1000, v5;
	vm8 =	veq.f32 v42, v30  }
0x14e: {  	v31 =	vmin.u32 v31, v57;
	v58 =	vnsel vm8, $0x1000, v6;
	vm8 =	veq.f32 v45, v30  }
0x14f: {  	v31 =	vmin.u32 v31, v58;
	v59 =	vnsel vm8, $0x1000, v7;
	vm8 =	veq.f32 v44, v30  }
0x150: {  	v31 =	vmin.u32 v31, v59;
	v60 =	vnsel vm8, $0x1000, v8;
	vm8 =	veq.f32 v47, v30  }
0x151: {  	v31 =	vmin.u32 v31, v60;
	v61 =	vnsel vm8, $0x1000, v9;
	vm8 =	veq.f32 v46, v30  }
0x152: {  	v31 =	vmin.u32 v31, v61;
	v62 =	vnsel vm8, $0x1000, v10;
	vm8 =	veq.f32 v32, v30  }
0x153: {  	v31 =	vmin.u32 v31, v62;
	v63 =	vnsel vm8, $0x1000, v11;
	vm8 =	veq.f32 v33, v30  }
0x154: {  	v31 =	vmin.u32 v31, v63;
	v52 =	vnsel vm8, $0x1000, v12;
	vm8 =	veq.f32 v35, v30  }
0x155: {  	v31 =	vmin.u32 v31, v52;
	v53 =	vnsel vm8, $0x1000, v13;
	vm8 =	veq.f32 v36, v30  }
0x156: {  	v31 =	vmin.u32 v31, v53;
	v54 =	vnsel vm8, $0x1000, v14;
	vm8 =	veq.f32 v37, v30  }
0x157: {  	v31 =	vmin.u32 v31, v54;
	v55 =	vnsel vm8, $0x1000, v15  }
0x158: {  	v31 =	vmin.u32 v31, v55  }
0x159: {  	v48 =	vperm.xlane v31, v16;
	_ =	sdelay $0x1  }
0x15a: {  	vm8 =	vlt.s32 v31, v48  }
0x15b: {  	v31 =	vsel vm8, v31, v48  }
0x15c: {  	v48 =	vperm.xlane v31, v17;
	_ =	sdelay $0x1  }
0x15d: {  	vm8 =	vlt.s32 v31, v48  }
0x15e: {  	v31 =	vsel vm8, v31, v48  }
0x15f: {  	v48 =	vperm.xlane v31, v18;
	_ =	sdelay $0x1  }
0x160: {  	vm8 =	vlt.s32 v31, v48  }
0x161: {  	v31 =	vsel vm8, v31, v48  }
0x162: {  	v48 =	vperm.xlane v31, v19;
	_ =	sdelay $0x1  }
0x163: {  	vm8 =	vlt.s32 v31, v48  }
0x164: {  	v31 =	vsel vm8, v31, v48  }
0x165: {  	vm8 =	veq.s32 v34, v31;
	vm14 =	veq.s32 v1, v31  }
0x166: {  	v0 =	vsel vm8, $0xFF800000, v0;
	v38 =	vsel vm14, $0xFF800000, v38;
	vm8 =	veq.s32 v2, v31  }
0x167: {  	v39 =	vsel vm8, $0xFF800000, v39;
	vm8 =	veq.s32 v3, v31;
	v56 =	vmax.f32 v0, v38  }
0x168: {  	v41 =	vsel vm8, $0xFF800000, v41;
	vm8 =	veq.s32 v4, v31;
	v48 =	vmax.f32 v56, v39  }
0x169: {  	v40 =	vsel vm8, $0xFF800000, v40;
	vm8 =	veq.s32 v5, v31;
	v48 =	vmax.f32 v48, v41  }
0x16a: {  	v43 =	vsel vm8, $0xFF800000, v43;
	vm8 =	veq.s32 v6, v31;
	v48 =	vmax.f32 v48, v40  }
0x16b: {  	v42 =	vsel vm8, $0xFF800000, v42;
	vm8 =	veq.s32 v7, v31;
	v48 =	vmax.f32 v48, v43  }
0x16c: {  	v45 =	vsel vm8, $0xFF800000, v45;
	vm8 =	veq.s32 v8, v31;
	v48 =	vmax.f32 v48, v42  }
0x16d: {  	v44 =	vsel vm8, $0xFF800000, v44;
	vm8 =	veq.s32 v9, v31;
	v48 =	vmax.f32 v48, v45  }
0x16e: {  	v47 =	vsel vm8, $0xFF800000, v47;
	vm8 =	veq.s32 v10, v31;
	v48 =	vmax.f32 v48, v44  }
0x16f: {  	v46 =	vsel vm8, $0xFF800000, v46;
	vm8 =	veq.s32 v11, v31;
	v48 =	vmax.f32 v48, v47  }
0x170: {  	v49 =	vsel vm8, $0xFF800000, v32;
	vm8 =	veq.s32 v12, v31;
	v57 =	vmax.f32 v48, v46  }
0x171: {  	v33 =	vsel vm8, $0xFF800000, v33;
	vm8 =	veq.s32 v13, v31;
	v32 =	vmax.f32 v57, v49  }
0x172: {  	v35 =	vsel vm8, $0xFF800000, v35;
	vm8 =	veq.s32 v14, v31;
	v32 =	vmax.f32 v32, v33  }
0x173: {  	v36 =	vsel vm8, $0xFF800000, v36;
	vm8 =	veq.s32 v15, v31;
	v32 =	vmax.f32 v32, v35  }
0x174: {  	v37 =	vsel vm8, $0xFF800000, v37;
	v32 =	vmax.f32 v32, v36  }
0x175: {  	v32 =	vmax.f32 v32, v37  }
0x176: {  	v58 =	vperm.xlane v32, v16;
	_ =	sdelay $0x1  }
0x177: {  	v32 =	vmax.f32 v32, v58  }
0x178: {  	v48 =	vperm.xlane v32, v17;
	_ =	sdelay $0x1  }
0x179: {  	v32 =	vmax.f32 v32, v48  }
0x17a: {  	v48 =	vperm.xlane v32, v18;
	_ =	sdelay $0x1  }
0x17b: {  	v32 =	vmax.f32 v32, v48  }
0x17c: {  	v48 =	vperm.xlane v32, v19;
	_ =	sdelay $0x1  }
0x17d: {  	v32 =	vmax.f32 v32, v48  }
0x17e: {  	vm8 =	veq.f32 v0, v32;
	vm9 =	veq.f32 v38, v32  }
0x17f: {  	v59 =	vnsel vm8, $0x1000, v34;
	v50 =	vnsel vm9, $0x1000, v1;
	vm8 =	veq.f32 v39, v32  }
0x180: {  	v48 =	vmin.u32 v59, v50;
	v60 =	vnsel vm8, $0x1000, v2;
	vm8 =	veq.f32 v41, v32  }
0x181: {  	v48 =	vmin.u32 v48, v60;
	v61 =	vnsel vm8, $0x1000, v3;
	vm8 =	veq.f32 v40, v32  }
0x182: {  	v48 =	vmin.u32 v48, v61;
	v62 =	vnsel vm8, $0x1000, v4;
	vm8 =	veq.f32 v43, v32  }
0x183: {  	v48 =	vmin.u32 v48, v62;
	v63 =	vnsel vm8, $0x1000, v5;
	vm8 =	veq.f32 v42, v32  }
0x184: {  	v48 =	vmin.u32 v48, v63;
	v52 =	vnsel vm8, $0x1000, v6;
	vm8 =	veq.f32 v45, v32  }
0x185: {  	v48 =	vmin.u32 v48, v52;
	v53 =	vnsel vm8, $0x1000, v7;
	vm8 =	veq.f32 v44, v32  }
0x186: {  	v48 =	vmin.u32 v48, v53;
	v54 =	vnsel vm8, $0x1000, v8;
	vm8 =	veq.f32 v47, v32  }
0x187: {  	v48 =	vmin.u32 v48, v54;
	v55 =	vnsel vm8, $0x1000, v9;
	vm8 =	veq.f32 v46, v32  }
0x188: {  	v48 =	vmin.u32 v48, v55;
	v56 =	vnsel vm8, $0x1000, v10;
	vm8 =	veq.f32 v49, v32  }
0x189: {  	v48 =	vmin.u32 v48, v56;
	v57 =	vnsel vm8, $0x1000, v11;
	vm8 =	veq.f32 v33, v32  }
0x18a: {  	v48 =	vmin.u32 v48, v57;
	v58 =	vnsel vm8, $0x1000, v12;
	vm8 =	veq.f32 v35, v32  }
0x18b: {  	v48 =	vmin.u32 v48, v58;
	v59 =	vnsel vm8, $0x1000, v13;
	vm8 =	veq.f32 v36, v32  }
0x18c: {  	v48 =	vmin.u32 v48, v59;
	v60 =	vnsel vm8, $0x1000, v14;
	vm8 =	veq.f32 v37, v32  }
0x18d: {  	v48 =	vmin.u32 v48, v60;
	v61 =	vnsel vm8, $0x1000, v15  }
0x18e: {  	v48 =	vmin.u32 v48, v61  }
0x18f: {  	v50 =	vperm.xlane v48, v16;
	_ =	sdelay $0x1  }
0x190: {  	vm8 =	vlt.s32 v48, v50  }
0x191: {  	v48 =	vsel vm8, v48, v50  }
0x192: {  	v50 =	vperm.xlane v48, v17;
	_ =	sdelay $0x1  }
0x193: {  	vm8 =	vlt.s32 v48, v50  }
0x194: {  	v48 =	vsel vm8, v48, v50  }
0x195: {  	v50 =	vperm.xlane v48, v18;
	_ =	sdelay $0x1  }
0x196: {  	vm8 =	vlt.s32 v48, v50  }
0x197: {  	v48 =	vsel vm8, v48, v50  }
0x198: {  	v50 =	vperm.xlane v48, v19;
	_ =	sdelay $0x1  }
0x199: {  	vm8 =	vlt.s32 v48, v50  }
0x19a: {  	v48 =	vsel vm8, v48, v50  }
0x19b: {  	vm8 =	veq.s32 v34, v48;
	vm15 =	veq.s32 v1, v48  }
0x19c: {  	v0 =	vsel vm8, $0xFF800000, v0;
	v38 =	vsel vm15, $0xFF800000, v38;
	vm8 =	veq.s32 v2, v48  }
0x19d: {  	v39 =	vsel vm8, $0xFF800000, v39;
	vm8 =	veq.s32 v3, v48;
	v62 =	vmax.f32 v0, v38  }
0x19e: {  	v41 =	vsel vm8, $0xFF800000, v41;
	vm8 =	veq.s32 v4, v48;
	v50 =	vmax.f32 v62, v39  }
0x19f: {  	v40 =	vsel vm8, $0xFF800000, v40;
	vm8 =	veq.s32 v5, v48;
	v50 =	vmax.f32 v50, v41  }
0x1a0: {  	v43 =	vsel vm8, $0xFF800000, v43;
	vm8 =	veq.s32 v6, v48;
	v50 =	vmax.f32 v50, v40  }
0x1a1: {  	v42 =	vsel vm8, $0xFF800000, v42;
	vm8 =	veq.s32 v7, v48;
	v50 =	vmax.f32 v50, v43  }
0x1a2: {  	v45 =	vsel vm8, $0xFF800000, v45;
	vm8 =	veq.s32 v8, v48;
	v50 =	vmax.f32 v50, v42  }
0x1a3: {  	v44 =	vsel vm8, $0xFF800000, v44;
	vm8 =	veq.s32 v9, v48;
	v50 =	vmax.f32 v50, v45  }
0x1a4: {  	v47 =	vsel vm8, $0xFF800000, v47;
	vm8 =	veq.s32 v10, v48;
	v50 =	vmax.f32 v50, v44  }
0x1a5: {  	v46 =	vsel vm8, $0xFF800000, v46;
	vm8 =	veq.s32 v11, v48;
	v50 =	vmax.f32 v50, v47  }
0x1a6: {  	v49 =	vsel vm8, $0xFF800000, v49;
	vm8 =	veq.s32 v12, v48;
	v50 =	vmax.f32 v50, v46  }
0x1a7: {  	v33 =	vsel vm8, $0xFF800000, v33;
	vm8 =	veq.s32 v13, v48;
	v50 =	vmax.f32 v50, v49  }
0x1a8: {  	v35 =	vsel vm8, $0xFF800000, v35;
	vm8 =	veq.s32 v14, v48;
	v50 =	vmax.f32 v50, v33  }
0x1a9: {  	v36 =	vsel vm8, $0xFF800000, v36;
	vm8 =	veq.s32 v15, v48;
	v50 =	vmax.f32 v50, v35  }
0x1aa: {  	v37 =	vsel vm8, $0xFF800000, v37;
	v50 =	vmax.f32 v50, v36  }
0x1ab: {  	v50 =	vmax.f32 v50, v37  }
0x1ac: {  	v51 =	vperm.xlane v50, v16;
	_ =	sdelay $0x1  }
0x1ad: {  	v50 =	vmax.f32 v50, v51  }
0x1ae: {  	v51 =	vperm.xlane v50, v17;
	_ =	sdelay $0x1  }
0x1af: {  	v50 =	vmax.f32 v50, v51  }
0x1b0: {  	v51 =	vperm.xlane v50, v18;
	_ =	sdelay $0x1  }
0x1b1: {  	v50 =	vmax.f32 v50, v51  }
0x1b2: {  	v51 =	vperm.xlane v50, v19;
	_ =	sdelay $0x1  }
0x1b3: {  	v50 =	vmax.f32 v50, v51  }
0x1b4: {  	vm8 =	veq.f32 v0, v50;
	vm9 =	veq.f32 v38, v50  }
0x1b5: {  	v0 =	vnsel vm8, $0x1000, v34;
	v38 =	vnsel vm9, $0x1000, v1;
	vm8 =	veq.f32 v39, v50  }
0x1b6: {  	v0 =	vmin.u32 v0, v38;
	v63 =	vnsel vm8, $0x1000, v2;
	vm8 =	veq.f32 v41, v50  }
0x1b7: {  	v0 =	vmin.u32 v0, v63;
	v51 =	vnsel vm8, $0x1000, v3;
	vm8 =	veq.f32 v40, v50  }
0x1b8: {  	v0 =	vmin.u32 v0, v51;
	v52 =	vnsel vm8, $0x1000, v4;
	vm8 =	veq.f32 v43, v50  }
0x1b9: {  	v0 =	vmin.u32 v0, v52;
	v53 =	vnsel vm8, $0x1000, v5;
	vm8 =	veq.f32 v42, v50  }
0x1ba: {  	v0 =	vmin.u32 v0, v53;
	v54 =	vnsel vm8, $0x1000, v6;
	vm8 =	veq.f32 v45, v50  }
0x1bb: {  	v0 =	vmin.u32 v0, v54;
	v55 =	vnsel vm8, $0x1000, v7;
	vm8 =	veq.f32 v44, v50  }
0x1bc: {  	v0 =	vmin.u32 v0, v55;
	v56 =	vnsel vm8, $0x1000, v8;
	vm8 =	veq.f32 v47, v50  }
0x1bd: {  	v0 =	vmin.u32 v0, v56;
	v57 =	vnsel vm8, $0x1000, v9;
	vm8 =	veq.f32 v46, v50  }
0x1be: {  	v0 =	vmin.u32 v0, v57;
	v58 =	vnsel vm8, $0x1000, v10;
	vm8 =	veq.f32 v49, v50  }
0x1bf: {  	v0 =	vmin.u32 v0, v58;
	v59 =	vnsel vm8, $0x1000, v11;
	vm8 =	veq.f32 v33, v50  }
0x1c0: {  	v0 =	vmin.u32 v0, v59;
	v33 =	vnsel vm8, $0x1000, v12;
	vm8 =	veq.f32 v35, v50  }
0x1c1: {  	v0 =	vmin.u32 v0, v33;
	v60 =	vnsel vm8, $0x1000, v13;
	vm8 =	veq.f32 v36, v50  }
0x1c2: {  	v0 =	vmin.u32 v0, v60;
	v61 =	vnsel vm8, $0x1000, v14;
	vm8 =	veq.f32 v37, v50  }
0x1c3: {  	v0 =	vmin.u32 v0, v61;
	v62 =	vnsel vm8, $0x1000, v15  }
0x1c4: {  	v0 =	vmin.u32 v0, v62  }
0x1c5: {  	v33 =	vperm.xlane v0, v16;
	_ =	sdelay $0x1  }
0x1c6: {  	vm8 =	vlt.s32 v0, v33  }
0x1c7: {  	v0 =	vsel vm8, v0, v33  }
0x1c8: {  	v33 =	vperm.xlane v0, v17;
	_ =	sdelay $0x1  }
0x1c9: {  	vm8 =	vlt.s32 v0, v33  }
0x1ca: {  	v0 =	vsel vm8, v0, v33  }
0x1cb: {  	v20 =	vnsel vm0, $0xFF800000, v20;
	v33 =	vperm.xlane v0, v18  }
0x1cc: {  	v21 =	vnsel vm0, $0x0, v21;
	v20 =	vsel vm1, v20, v22  }
0x1cd: {  	v21 =	vsel vm1, v21, v23;
	v20 =	vsel vm2, v20, v24;
	vm8 =	vlt.s32 v0, v33  }
0x1ce: {  	v21 =	vsel vm2, v21, v25;
	v20 =	vsel vm3, v20, v26;
	v0 =	vsel vm8, v0, v33  }
0x1cf: {  	v21 =	vsel vm3, v21, v27;
	v20 =	vsel vm4, v20, v28;
	v63 =	vperm.xlane v0, v19  }
0x1d0: {  	v21 =	vsel vm4, v21, v29;
	v20 =	vsel vm5, v20, v30  }
0x1d1: {  	v21 =	vsel vm5, v21, v31;
	v20 =	vsel vm6, v20, v32;
	vm8 =	vlt.s32 v0, v63  }
0x1d2: {  	v21 =	vsel vm6, v21, v48;
	v20 =	vsel vm7, v20, v50;
	v0 =	vsel vm8, v0, v63  }
0x1d3: {  	[tilespmem:$0x100] =	vst v20;
	v0 =	vsel vm7, v21, v0  }
0x1d4: {  	[tilespmem:$0x180] =	vst v0  }
0x1d5: {  	[hbm4b:s4+s2] =	stream.linear.scatter [tilespmem:s11], [sflag:$0x2], $0x10, $0x38;
	[tilespmem:$0xD00] =	vst v63  }
0x1d6: {  	_ =	swait.ge [sflag:s10], $0x10  }
0x1d7: {  	[sflag:s10] =	ssyncset.done $0x0  }
0x1d8: {  	[sflag:s10] =	ssyncadd.s32 $0xFFFFFFF0  }
0x1d9: {  	[hbm4b:s5+s2] =	stream.linear.scatter [tilespmem:s12], [sflag:$0x2], $0x10, $0x38;
	[tilespmem:$0xD00] =	vst v63  }
.Ltmp2:
0x1da: {  	_ =	swait.ge [sflag:s10], $0x10;
	(pc) =	sbr.rel @p0 .LBB2_3-.Ltmp2, $3  }
0x1db: {  	[sflag:s10] =	ssyncset.done $0x0  }
0x1dc: {  	[sflag:s10] =	ssyncadd.s32 $0xFFFFFFF0  }
0x1dd: {  	[bflag:$0x0] =	sbarrier.arrive $0xFFFF;
	_ =	sdelay $0x1  }
0x1de: {  	[tilespmem:s13], [sflag:$0x2] =	stream.linear.gather [hbm4b:s6+s2], $0x100, $0x38;
	[tilespmem:$0xD00] =	vst v63  }
0x1df: {  	_ =	swait.ge [sflag:s10], $0x100  }
0x1e0: {  	[sflag:s10] =	ssyncset.done $0x0  }
0x1e1: {  	[sflag:s10] =	ssyncadd.s32 $0xFFFFFF00  }
0x1e2: {  	[tilespmem:s14], [sflag:$0x2] =	stream.linear.gather [hbm4b:s7+s2], $0x100, $0x38;
	[tilespmem:$0xD00] =	vst v63  }
0x1e3: {  	_ =	swait.ge [sflag:s10], $0x100  }
0x1e4: {  	[sflag:s10] =	ssyncset.done $0x0  }
0x1e5: {  	[sflag:s10] =	ssyncadd.s32 $0xFFFFFF00  }
0x1e6: {  	v52 =	vld [tilespmem:$0x200]  }
0x1e7: {  	v53 =	vld [tilespmem:$0x210]  }
0x1e8: {  	v51 =	vld [tilespmem:$0x220]  }
0x1e9: {  	v50 =	vld [tilespmem:$0x230]  }
0x1ea: {  	v49 =	vld [tilespmem:$0x240]  }
0x1eb: {  	v48 =	vld [tilespmem:$0x250]  }
0x1ec: {  	v47 =	vld [tilespmem:$0x260];
	v0 =	vmax.f32 v52, v53  }
0x1ed: {  	v46 =	vld [tilespmem:$0x270];
	v0 =	vmax.f32 v0, v51  }
0x1ee: {  	v45 =	vld [tilespmem:$0x280];
	v0 =	vmax.f32 v0, v50  }
0x1ef: {  	v44 =	vld [tilespmem:$0x290];
	v0 =	vmax.f32 v0, v49  }
0x1f0: {  	v43 =	vld [tilespmem:$0x2A0];
	v0 =	vmax.f32 v0, v48  }
0x1f1: {  	v42 =	vld [tilespmem:$0x2B0];
	v0 =	vmax.f32 v0, v47  }
0x1f2: {  	v41 =	vld [tilespmem:$0x2C0];
	v0 =	vmax.f32 v0, v46  }
0x1f3: {  	v40 =	vld [tilespmem:$0x2D0];
	v0 =	vmax.f32 v0, v45  }
0x1f4: {  	v39 =	vld [tilespmem:$0x2E0];
	v0 =	vmax.f32 v0, v44  }
0x1f5: {  	v38 =	vld [tilespmem:$0x2F0];
	v0 =	vmax.f32 v0, v43  }
0x1f6: {  	v0 =	vmax.f32 v0, v42  }
0x1f7: {  	v0 =	vmax.f32 v0, v41  }
0x1f8: {  	v0 =	vmax.f32 v0, v40  }
0x1f9: {  	v0 =	vmax.f32 v0, v39  }
0x1fa: {  	v0 =	vmax.f32 v0, v38  }
0x1fb: {  	v20 =	vperm.xlane v0, v16;
	_ =	sdelay $0x1  }
0x1fc: {  	v0 =	vmax.f32 v0, v20  }
0x1fd: {  	v20 =	vperm.xlane v0, v17;
	_ =	sdelay $0x1  }
0x1fe: {  	v0 =	vmax.f32 v0, v20  }
0x1ff: {  	v21 =	vperm.xlane v0, v18  }
0x200: {  	v35 =	vld [tilespmem:$0x310]  }
0x201: {  	v20 =	vld [tilespmem:$0x300];
	v0 =	vmax.f32 v0, v21  }
0x202: {  	v22 =	vperm.xlane v0, v19  }
0x203: {  	v21 =	vld [tilespmem:$0x320]  }
0x204: {  	v37 =	vmax.f32 v0, v22  }
0x205: {  	v58 =	vld [tilespmem:$0x330];
	vm8 =	veq.f32 v52, v37;
	vm9 =	veq.f32 v53, v37  }
0x206: {  	v0 =	vnsel vm8, $0x1000, v20;
	v62 =	vnsel vm9, $0x1000, v35  }
0x207: {  	v26 =	vld [tilespmem:$0x340];
	vm14 =	veq.f32 v51, v37;
	vm8 =	vlt.s32 v0, v62  }
0x208: {  	v63 =	vnsel vm14, $0x1000, v21;
	v0 =	vsel vm8, v0, v62  }
0x209: {  	v54 =	vld [tilespmem:$0x350];
	vm15 =	veq.f32 v50, v37;
	vm8 =	vlt.s32 v0, v63  }
0x20a: {  	v24 =	vnsel vm15, $0x1000, v58;
	v0 =	vsel vm8, v0, v63  }
0x20b: {  	v56 =	vld [tilespmem:$0x360];
	vm12 =	veq.f32 v49, v37;
	vm8 =	vlt.s32 v0, v24  }
0x20c: {  	v23 =	vnsel vm12, $0x1000, v26;
	v0 =	vsel vm8, v0, v24  }
0x20d: {  	v6 =	vld [tilespmem:$0x370];
	vm13 =	veq.f32 v48, v37;
	vm8 =	vlt.s32 v0, v23  }
0x20e: {  	v24 =	vnsel vm13, $0x1000, v54;
	v0 =	vsel vm8, v0, v23  }
0x20f: {  	vm14 =	veq.f32 v47, v37;
	v63 =	vld [tilespmem:$0x380];
	vm8 =	vlt.s32 v0, v24  }
0x210: {  	v27 =	vnsel vm14, $0x1000, v56;
	v0 =	vsel vm8, v0, v24  }
0x211: {  	vm15 =	veq.f32 v46, v37;
	v24 =	vld [tilespmem:$0x390];
	vm8 =	vlt.s32 v0, v27  }
0x212: {  	v28 =	vnsel vm15, $0x1000, v6;
	v0 =	vsel vm8, v0, v27  }
0x213: {  	vm12 =	veq.f32 v45, v37;
	v27 =	vld [tilespmem:$0x3A0];
	vm8 =	vlt.s32 v0, v28  }
0x214: {  	v29 =	vnsel vm12, $0x1000, v63;
	v0 =	vsel vm8, v0, v28  }
0x215: {  	vm13 =	veq.f32 v44, v37;
	v23 =	vld [tilespmem:$0x3B0];
	vm8 =	vlt.s32 v0, v29  }
0x216: {  	v30 =	vnsel vm13, $0x1000, v24;
	v0 =	vsel vm8, v0, v29  }
0x217: {  	vm14 =	veq.f32 v43, v37;
	v28 =	vld [tilespmem:$0x3C0];
	vm8 =	vlt.s32 v0, v30  }
0x218: {  	v31 =	vnsel vm14, $0x1000, v27;
	v0 =	vsel vm8, v0, v30  }
0x219: {  	v25 =	vld [tilespmem:$0x3D0];
	vm15 =	veq.f32 v42, v37;
	vm8 =	vlt.s32 v0, v31  }
0x21a: {  	v32 =	vnsel vm15, $0x1000, v23;
	v0 =	vsel vm8, v0, v31  }
0x21b: {  	vm12 =	veq.f32 v41, v37;
	v31 =	vld [tilespmem:$0x3E0];
	vm8 =	vlt.s32 v0, v32  }
0x21c: {  	v33 =	vnsel vm12, $0x1000, v28;
	v0 =	vsel vm8, v0, v32  }
0x21d: {  	v15 =	vld [tilespmem:$0x3F0];
	vm13 =	veq.f32 v40, v37;
	vm8 =	vlt.s32 v0, v33  }
0x21e: {  	v36 =	vnsel vm13, $0x1000, v25;
	v0 =	vsel vm8, v0, v33  }
0x21f: {  	vm14 =	veq.f32 v39, v37;
	vm8 =	vlt.s32 v0, v36  }
0x220: {  	v55 =	vnsel vm14, $0x1000, v31;
	v0 =	vsel vm8, v0, v36  }
0x221: {  	vm15 =	veq.f32 v38, v37;
	vm8 =	vlt.s32 v0, v55  }
0x222: {  	v57 =	vnsel vm15, $0x1000, v15;
	v0 =	vsel vm8, v0, v55  }
0x223: {  	vm8 =	vlt.s32 v0, v57  }
0x224: {  	v0 =	vsel vm8, v0, v57  }
0x225: {  	v33 =	vperm.xlane v0, v16;
	_ =	sdelay $0x1  }
0x226: {  	vm8 =	vlt.s32 v0, v33  }
0x227: {  	v0 =	vsel vm8, v0, v33  }
0x228: {  	v33 =	vperm.xlane v0, v17;
	_ =	sdelay $0x1  }
0x229: {  	vm8 =	vlt.s32 v0, v33  }
0x22a: {  	v0 =	vsel vm8, v0, v33  }
0x22b: {  	v33 =	vperm.xlane v0, v18;
	_ =	sdelay $0x1  }
0x22c: {  	vm8 =	vlt.s32 v0, v33  }
0x22d: {  	v0 =	vsel vm8, v0, v33  }
0x22e: {  	v33 =	vperm.xlane v0, v19;
	_ =	sdelay $0x1  }
0x22f: {  	vm8 =	vlt.s32 v0, v33  }
0x230: {  	v36 =	vsel vm8, v0, v33  }
0x231: {  	vm8 =	veq.s32 v20, v36;
	vm12 =	veq.s32 v35, v36  }
0x232: {  	v52 =	vsel vm8, $0xFF800000, v52;
	v53 =	vsel vm12, $0xFF800000, v53;
	vm8 =	veq.s32 v21, v36  }
0x233: {  	v51 =	vsel vm8, $0xFF800000, v51;
	vm8 =	veq.s32 v58, v36;
	v0 =	vmax.f32 v52, v53  }
0x234: {  	v50 =	vsel vm8, $0xFF800000, v50;
	vm8 =	veq.s32 v26, v36;
	v0 =	vmax.f32 v0, v51  }
0x235: {  	v49 =	vsel vm8, $0xFF800000, v49;
	vm8 =	veq.s32 v54, v36;
	v0 =	vmax.f32 v0, v50  }
0x236: {  	v48 =	vsel vm8, $0xFF800000, v48;
	vm8 =	veq.s32 v56, v36;
	v0 =	vmax.f32 v0, v49  }
0x237: {  	v47 =	vsel vm8, $0xFF800000, v47;
	vm8 =	veq.s32 v6, v36;
	v0 =	vmax.f32 v0, v48  }
0x238: {  	v46 =	vsel vm8, $0xFF800000, v46;
	vm8 =	veq.s32 v63, v36;
	v0 =	vmax.f32 v0, v47  }
0x239: {  	v45 =	vsel vm8, $0xFF800000, v45;
	vm8 =	veq.s32 v24, v36;
	v0 =	vmax.f32 v0, v46  }
0x23a: {  	v44 =	vsel vm8, $0xFF800000, v44;
	vm8 =	veq.s32 v27, v36;
	v0 =	vmax.f32 v0, v45  }
0x23b: {  	v43 =	vsel vm8, $0xFF800000, v43;
	vm8 =	veq.s32 v23, v36;
	v0 =	vmax.f32 v0, v44  }
0x23c: {  	v32 =	vmovc v25;
	v42 =	vsel vm8, $0xFF800000, v42;
	vm8 =	veq.s32 v28, v36;
	v0 =	vmax.f32 v0, v43  }
0x23d: {  	v41 =	vsel vm8, $0xFF800000, v41;
	vm8 =	veq.s32 v32, v36;
	v0 =	vmax.f32 v0, v42  }
0x23e: {  	v40 =	vsel vm8, $0xFF800000, v40;
	vm8 =	veq.s32 v31, v36;
	v0 =	vmax.f32 v0, v41  }
0x23f: {  	v22 =	vmovc v54;
	v54 =	vsel vm8, $0xFF800000, v39;
	vm8 =	veq.s32 v15, v36;
	v0 =	vmax.f32 v0, v40  }
0x240: {  	v55 =	vsel vm8, $0xFF800000, v38;
	v0 =	vmax.f32 v0, v54  }
0x241: {  	v0 =	vmax.f32 v0, v55  }
0x242: {  	v59 =	vperm.xlane v0, v16;
	_ =	sdelay $0x1  }
0x243: {  	v0 =	vmax.f32 v0, v59  }
0x244: {  	v33 =	vperm.xlane v0, v17;
	_ =	sdelay $0x1  }
0x245: {  	v0 =	vmax.f32 v0, v33  }
0x246: {  	v33 =	vperm.xlane v0, v18;
	_ =	sdelay $0x1  }
0x247: {  	v0 =	vmax.f32 v0, v33  }
0x248: {  	v33 =	vperm.xlane v0, v19;
	_ =	sdelay $0x1  }
0x249: {  	v39 =	vmax.f32 v0, v33  }
0x24a: {  	vm8 =	veq.f32 v52, v39;
	vm9 =	veq.f32 v53, v39  }
0x24b: {  	v0 =	vnsel vm8, $0x1000, v20;
	v60 =	vnsel vm9, $0x1000, v35  }
0x24c: {  	vm13 =	veq.f32 v51, v39;
	vm8 =	vlt.s32 v0, v60  }
0x24d: {  	v61 =	vnsel vm13, $0x1000, v21;
	v0 =	vsel vm8, v0, v60  }
0x24e: {  	vm14 =	veq.f32 v50, v39;
	vm8 =	vlt.s32 v0, v61  }
0x24f: {  	v62 =	vnsel vm14, $0x1000, v58;
	v0 =	vsel vm8, v0, v61  }
0x250: {  	vm15 =	veq.f32 v49, v39;
	vm8 =	vlt.s32 v0, v62  }
0x251: {  	v25 =	vmov v26;
	v26 =	vnsel vm15, $0x1000, v26;
	v0 =	vsel vm8, v0, v62  }
0x252: {  	vm12 =	veq.f32 v48, v39;
	vm8 =	vlt.s32 v0, v26  }
0x253: {  	v30 =	vnsel vm12, $0x1000, v22;
	v0 =	vsel vm8, v0, v26  }
0x254: {  	vm13 =	veq.f32 v47, v39;
	vm8 =	vlt.s32 v0, v30  }
0x255: {  	v38 =	vnsel vm13, $0x1000, v56;
	v0 =	vsel vm8, v0, v30  }
0x256: {  	vm14 =	veq.f32 v46, v39;
	vm8 =	vlt.s32 v0, v38  }
0x257: {  	v57 =	vnsel vm14, $0x1000, v6;
	v0 =	vsel vm8, v0, v38  }
0x258: {  	vm15 =	veq.f32 v45, v39;
	vm8 =	vlt.s32 v0, v57  }
0x259: {  	v59 =	vnsel vm15, $0x1000, v63;
	v0 =	vsel vm8, v0, v57  }
0x25a: {  	vm12 =	veq.f32 v44, v39;
	vm8 =	vlt.s32 v0, v59  }
0x25b: {  	v60 =	vnsel vm12, $0x1000, v24;
	v0 =	vsel vm8, v0, v59  }
0x25c: {  	vm13 =	veq.f32 v43, v39;
	vm8 =	vlt.s32 v0, v60  }
0x25d: {  	v61 =	vnsel vm13, $0x1000, v27;
	v0 =	vsel vm8, v0, v60  }
0x25e: {  	vm14 =	veq.f32 v42, v39;
	vm8 =	vlt.s32 v0, v61  }
0x25f: {  	v62 =	vnsel vm14, $0x1000, v23;
	v0 =	vsel vm8, v0, v61  }
0x260: {  	vm15 =	veq.f32 v41, v39;
	vm8 =	vlt.s32 v0, v62  }
0x261: {  	v29 =	vmov v23;
	v23 =	vnsel vm15, $0x1000, v28;
	v0 =	vsel vm8, v0, v62  }
0x262: {  	vm12 =	veq.f32 v40, v39;
	vm8 =	vlt.s32 v0, v23  }
0x263: {  	v26 =	vnsel vm12, $0x1000, v32;
	v0 =	vsel vm8, v0, v23  }
0x264: {  	vm13 =	veq.f32 v54, v39;
	vm8 =	vlt.s32 v0, v26  }
0x265: {  	v30 =	vnsel vm13, $0x1000, v31;
	v0 =	vsel vm8, v0, v26  }
0x266: {  	vm14 =	veq.f32 v55, v39;
	vm8 =	vlt.s32 v0, v30  }
0x267: {  	v38 =	vnsel vm14, $0x1000, v15;
	v0 =	vsel vm8, v0, v30  }
0x268: {  	vm8 =	vlt.s32 v0, v38  }
0x269: {  	v0 =	vsel vm8, v0, v38  }
0x26a: {  	v33 =	vperm.xlane v0, v16;
	_ =	sdelay $0x1  }
0x26b: {  	vm8 =	vlt.s32 v0, v33  }
0x26c: {  	v0 =	vsel vm8, v0, v33  }
0x26d: {  	v33 =	vperm.xlane v0, v17;
	_ =	sdelay $0x1  }
0x26e: {  	vm8 =	vlt.s32 v0, v33  }
0x26f: {  	v0 =	vsel vm8, v0, v33  }
0x270: {  	v33 =	vperm.xlane v0, v18;
	_ =	sdelay $0x1  }
0x271: {  	vm8 =	vlt.s32 v0, v33  }
0x272: {  	v0 =	vsel vm8, v0, v33  }
0x273: {  	v33 =	vperm.xlane v0, v19;
	_ =	sdelay $0x1  }
0x274: {  	vm8 =	vlt.s32 v0, v33  }
0x275: {  	v38 =	vsel vm8, v0, v33  }
0x276: {  	vm8 =	veq.s32 v20, v38;
	vm15 =	veq.s32 v35, v38  }
0x277: {  	v52 =	vsel vm8, $0xFF800000, v52;
	v53 =	vsel vm15, $0xFF800000, v53;
	vm8 =	veq.s32 v21, v38  }
0x278: {  	v51 =	vsel vm8, $0xFF800000, v51;
	vm8 =	veq.s32 v58, v38;
	v0 =	vmax.f32 v52, v53  }
0x279: {  	v50 =	vsel vm8, $0xFF800000, v50;
	vm8 =	veq.s32 v25, v38;
	v0 =	vmax.f32 v0, v51  }
0x27a: {  	v49 =	vsel vm8, $0xFF800000, v49;
	vm8 =	veq.s32 v22, v38;
	v0 =	vmax.f32 v0, v50  }
0x27b: {  	v48 =	vsel vm8, $0xFF800000, v48;
	vm8 =	veq.s32 v56, v38;
	v0 =	vmax.f32 v0, v49  }
0x27c: {  	v47 =	vsel vm8, $0xFF800000, v47;
	vm8 =	veq.s32 v6, v38;
	v0 =	vmax.f32 v0, v48  }
0x27d: {  	v46 =	vsel vm8, $0xFF800000, v46;
	vm8 =	veq.s32 v63, v38;
	v0 =	vmax.f32 v0, v47  }
0x27e: {  	v45 =	vsel vm8, $0xFF800000, v45;
	vm8 =	veq.s32 v24, v38;
	v0 =	vmax.f32 v0, v46  }
0x27f: {  	v44 =	vsel vm8, $0xFF800000, v44;
	vm8 =	veq.s32 v27, v38;
	v0 =	vmax.f32 v0, v45  }
0x280: {  	v43 =	vsel vm8, $0xFF800000, v43;
	vm8 =	veq.s32 v29, v38;
	v0 =	vmax.f32 v0, v44  }
0x281: {  	v42 =	vsel vm8, $0xFF800000, v42;
	vm8 =	veq.s32 v28, v38;
	v0 =	vmax.f32 v0, v43  }
0x282: {  	v23 =	vmovc v58;
	v58 =	vmovc v56;
	v56 =	vsel vm8, $0xFF800000, v41;
	vm8 =	veq.s32 v32, v38;
	v0 =	vmax.f32 v0, v42  }
0x283: {  	v57 =	vsel vm8, $0xFF800000, v40;
	vm8 =	veq.s32 v31, v38;
	v0 =	vmax.f32 v0, v56  }
0x284: {  	v54 =	vsel vm8, $0xFF800000, v54;
	vm8 =	veq.s32 v15, v38;
	v0 =	vmax.f32 v0, v57  }
0x285: {  	v55 =	vsel vm8, $0xFF800000, v55;
	v0 =	vmax.f32 v0, v54  }
0x286: {  	v0 =	vmax.f32 v0, v55  }
0x287: {  	v41 =	vperm.xlane v0, v16;
	_ =	sdelay $0x1  }
0x288: {  	v0 =	vmax.f32 v0, v41  }
0x289: {  	v33 =	vperm.xlane v0, v17;
	_ =	sdelay $0x1  }
0x28a: {  	v0 =	vmax.f32 v0, v33  }
0x28b: {  	v33 =	vperm.xlane v0, v18;
	_ =	sdelay $0x1  }
0x28c: {  	v0 =	vmax.f32 v0, v33  }
0x28d: {  	v33 =	vperm.xlane v0, v19;
	_ =	sdelay $0x1  }
0x28e: {  	v41 =	vmax.f32 v0, v33  }
0x28f: {  	vm8 =	veq.f32 v52, v41;
	vm9 =	veq.f32 v53, v41  }
0x290: {  	v0 =	vnsel vm8, $0x1000, v20;
	v59 =	vnsel vm9, $0x1000, v35  }
0x291: {  	v26 =	vmov v21;
	vm12 =	veq.f32 v51, v41;
	vm8 =	vlt.s32 v0, v59  }
0x292: {  	v61 =	vnsel vm12, $0x1000, v26;
	v0 =	vsel vm8, v0, v59  }
0x293: {  	vm13 =	veq.f32 v50, v41;
	vm8 =	vlt.s32 v0, v61  }
0x294: {  	v62 =	vnsel vm13, $0x1000, v23;
	v0 =	vsel vm8, v0, v61  }
0x295: {  	vm14 =	veq.f32 v49, v41;
	vm8 =	vlt.s32 v0, v62  }
0x296: {  	v30 =	vnsel vm14, $0x1000, v25;
	v0 =	vsel vm8, v0, v62  }
0x297: {  	vm15 =	veq.f32 v48, v41;
	vm8 =	vlt.s32 v0, v30  }
0x298: {  	v40 =	vnsel vm15, $0x1000, v22;
	v0 =	vsel vm8, v0, v30  }
0x299: {  	vm12 =	veq.f32 v47, v41;
	vm8 =	vlt.s32 v0, v40  }
0x29a: {  	v59 =	vnsel vm12, $0x1000, v58;
	v0 =	vsel vm8, v0, v40  }
0x29b: {  	vm13 =	veq.f32 v46, v41;
	vm8 =	vlt.s32 v0, v59  }
0x29c: {  	v61 =	vnsel vm13, $0x1000, v6;
	v0 =	vsel vm8, v0, v59  }
0x29d: {  	vm14 =	veq.f32 v45, v41;
	vm8 =	vlt.s32 v0, v61  }
0x29e: {  	v62 =	vnsel vm14, $0x1000, v63;
	v0 =	vsel vm8, v0, v61  }
0x29f: {  	v21 =	vmov v24;
	vm15 =	veq.f32 v44, v41;
	vm8 =	vlt.s32 v0, v62  }
0x2a0: {  	v30 =	vnsel vm15, $0x1000, v21;
	v0 =	vsel vm8, v0, v62  }
0x2a1: {  	vm12 =	veq.f32 v43, v41;
	vm8 =	vlt.s32 v0, v30  }
0x2a2: {  	v40 =	vnsel vm12, $0x1000, v27;
	v0 =	vsel vm8, v0, v30  }
0x2a3: {  	vm13 =	veq.f32 v42, v41;
	vm8 =	vlt.s32 v0, v40  }
0x2a4: {  	v59 =	vnsel vm13, $0x1000, v29;
	v0 =	vsel vm8, v0, v40  }
0x2a5: {  	vm14 =	veq.f32 v56, v41;
	vm8 =	vlt.s32 v0, v59  }
0x2a6: {  	v61 =	vnsel vm14, $0x1000, v28;
	v0 =	vsel vm8, v0, v59  }
0x2a7: {  	vm15 =	veq.f32 v57, v41;
	vm8 =	vlt.s32 v0, v61  }
0x2a8: {  	v62 =	vnsel vm15, $0x1000, v32;
	v0 =	vsel vm8, v0, v61  }
0x2a9: {  	vm12 =	veq.f32 v54, v41;
	vm8 =	vlt.s32 v0, v62  }
0x2aa: {  	v30 =	vnsel vm12, $0x1000, v31;
	v0 =	vsel vm8, v0, v62  }
0x2ab: {  	vm13 =	veq.f32 v55, v41;
	vm8 =	vlt.s32 v0, v30  }
0x2ac: {  	v40 =	vnsel vm13, $0x1000, v15;
	v0 =	vsel vm8, v0, v30  }
0x2ad: {  	vm8 =	vlt.s32 v0, v40  }
0x2ae: {  	v0 =	vsel vm8, v0, v40  }
0x2af: {  	v33 =	vperm.xlane v0, v16;
	_ =	sdelay $0x1  }
0x2b0: {  	vm8 =	vlt.s32 v0, v33  }
0x2b1: {  	v0 =	vsel vm8, v0, v33  }
0x2b2: {  	v33 =	vperm.xlane v0, v17;
	_ =	sdelay $0x1  }
0x2b3: {  	vm8 =	vlt.s32 v0, v33  }
0x2b4: {  	v0 =	vsel vm8, v0, v33  }
0x2b5: {  	v33 =	vperm.xlane v0, v18;
	_ =	sdelay $0x1  }
0x2b6: {  	vm8 =	vlt.s32 v0, v33  }
0x2b7: {  	v0 =	vsel vm8, v0, v33  }
0x2b8: {  	v33 =	vperm.xlane v0, v19;
	_ =	sdelay $0x1  }
0x2b9: {  	vm8 =	vlt.s32 v0, v33  }
0x2ba: {  	v24 =	vmov v20;
	v40 =	vsel vm8, v0, v33  }
0x2bb: {  	vm8 =	veq.s32 v24, v40;
	vm14 =	veq.s32 v35, v40  }
0x2bc: {  	v52 =	vsel vm8, $0xFF800000, v52;
	v53 =	vsel vm14, $0xFF800000, v53;
	vm8 =	veq.s32 v26, v40  }
0x2bd: {  	v51 =	vsel vm8, $0xFF800000, v51;
	vm8 =	veq.s32 v23, v40;
	v0 =	vmax.f32 v52, v53  }
0x2be: {  	v50 =	vsel vm8, $0xFF800000, v50;
	vm8 =	veq.s32 v25, v40;
	v0 =	vmax.f32 v0, v51  }
0x2bf: {  	v49 =	vsel vm8, $0xFF800000, v49;
	vm8 =	veq.s32 v22, v40;
	v0 =	vmax.f32 v0, v50  }
0x2c0: {  	v48 =	vsel vm8, $0xFF800000, v48;
	vm8 =	veq.s32 v58, v40;
	v0 =	vmax.f32 v0, v49  }
0x2c1: {  	v47 =	vsel vm8, $0xFF800000, v47;
	vm8 =	veq.s32 v6, v40;
	v0 =	vmax.f32 v0, v48  }
0x2c2: {  	v46 =	vsel vm8, $0xFF800000, v46;
	vm8 =	veq.s32 v63, v40;
	v0 =	vmax.f32 v0, v47  }
0x2c3: {  	v45 =	vsel vm8, $0xFF800000, v45;
	vm8 =	veq.s32 v21, v40;
	v0 =	vmax.f32 v0, v46  }
0x2c4: {  	v44 =	vsel vm8, $0xFF800000, v44;
	vm8 =	veq.s32 v27, v40;
	v0 =	vmax.f32 v0, v45  }
0x2c5: {  	v60 =	vmovc v22;
	v22 =	vmovc v58;
	v58 =	vsel vm8, $0xFF800000, v43;
	vm8 =	veq.s32 v29, v40;
	v0 =	vmax.f32 v0, v44  }
0x2c6: {  	v59 =	vsel vm8, $0xFF800000, v42;
	vm8 =	veq.s32 v28, v40;
	v0 =	vmax.f32 v0, v58  }
0x2c7: {  	v56 =	vsel vm8, $0xFF800000, v56;
	vm8 =	veq.s32 v32, v40;
	v0 =	vmax.f32 v0, v59  }
0x2c8: {  	v57 =	vsel vm8, $0xFF800000, v57;
	vm8 =	veq.s32 v31, v40;
	v0 =	vmax.f32 v0, v56  }
0x2c9: {  	v54 =	vsel vm8, $0xFF800000, v54;
	vm8 =	veq.s32 v15, v40;
	v0 =	vmax.f32 v0, v57  }
0x2ca: {  	v55 =	vsel vm8, $0xFF800000, v55;
	v0 =	vmax.f32 v0, v54  }
0x2cb: {  	v0 =	vmax.f32 v0, v55  }
0x2cc: {  	v43 =	vperm.xlane v0, v16;
	_ =	sdelay $0x1  }
0x2cd: {  	v0 =	vmax.f32 v0, v43  }
0x2ce: {  	v33 =	vperm.xlane v0, v17;
	_ =	sdelay $0x1  }
0x2cf: {  	v0 =	vmax.f32 v0, v33  }
0x2d0: {  	v33 =	vperm.xlane v0, v18;
	_ =	sdelay $0x1  }
0x2d1: {  	v0 =	vmax.f32 v0, v33  }
0x2d2: {  	v33 =	vperm.xlane v0, v19;
	_ =	sdelay $0x1  }
0x2d3: {  	v43 =	vmax.f32 v0, v33  }
0x2d4: {  	vm8 =	veq.f32 v52, v43;
	vm9 =	veq.f32 v53, v43  }
0x2d5: {  	v0 =	vnsel vm8, $0x1000, v24;
	v61 =	vnsel vm9, $0x1000, v35  }
0x2d6: {  	vm15 =	veq.f32 v51, v43;
	vm8 =	vlt.s32 v0, v61  }
0x2d7: {  	v62 =	vnsel vm15, $0x1000, v26;
	v0 =	vsel vm8, v0, v61  }
0x2d8: {  	v20 =	vmov v23;
	vm12 =	veq.f32 v50, v43;
	vm8 =	vlt.s32 v0, v62  }
0x2d9: {  	v30 =	vnsel vm12, $0x1000, v20;
	v0 =	vsel vm8, v0, v62  }
0x2da: {  	vm13 =	veq.f32 v49, v43;
	vm8 =	vlt.s32 v0, v30  }
0x2db: {  	v42 =	vnsel vm13, $0x1000, v25;
	v0 =	vsel vm8, v0, v30  }
0x2dc: {  	vm14 =	veq.f32 v48, v43;
	vm8 =	vlt.s32 v0, v42  }
0x2dd: {  	v61 =	vnsel vm14, $0x1000, v60;
	v0 =	vsel vm8, v0, v42  }
0x2de: {  	vm15 =	veq.f32 v47, v43;
	vm8 =	vlt.s32 v0, v61  }
0x2df: {  	v62 =	vnsel vm15, $0x1000, v22;
	v0 =	vsel vm8, v0, v61  }
0x2e0: {  	vm12 =	veq.f32 v46, v43;
	vm8 =	vlt.s32 v0, v62  }
0x2e1: {  	v1 =	vmov v22;
	v22 =	vnsel vm12, $0x1000, v6;
	v0 =	vsel vm8, v0, v62  }
0x2e2: {  	vm13 =	veq.f32 v45, v43;
	vm8 =	vlt.s32 v0, v22  }
0x2e3: {  	v30 =	vnsel vm13, $0x1000, v63;
	v0 =	vsel vm8, v0, v22  }
0x2e4: {  	vm14 =	veq.f32 v44, v43;
	vm8 =	vlt.s32 v0, v30  }
0x2e5: {  	v42 =	vnsel vm14, $0x1000, v21;
	v0 =	vsel vm8, v0, v30  }
0x2e6: {  	vm15 =	veq.f32 v58, v43;
	vm8 =	vlt.s32 v0, v42  }
0x2e7: {  	v61 =	vnsel vm15, $0x1000, v27;
	v0 =	vsel vm8, v0, v42  }
0x2e8: {  	vm12 =	veq.f32 v59, v43;
	vm8 =	vlt.s32 v0, v61  }
0x2e9: {  	v62 =	vnsel vm12, $0x1000, v29;
	v0 =	vsel vm8, v0, v61  }
0x2ea: {  	vm13 =	veq.f32 v56, v43;
	vm8 =	vlt.s32 v0, v62  }
0x2eb: {  	v22 =	vnsel vm13, $0x1000, v28;
	v0 =	vsel vm8, v0, v62  }
0x2ec: {  	vm14 =	veq.f32 v57, v43;
	vm8 =	vlt.s32 v0, v22  }
0x2ed: {  	v30 =	vnsel vm14, $0x1000, v32;
	v0 =	vsel vm8, v0, v22  }
0x2ee: {  	vm15 =	veq.f32 v54, v43;
	vm8 =	vlt.s32 v0, v30  }
0x2ef: {  	v42 =	vnsel vm15, $0x1000, v31;
	v0 =	vsel vm8, v0, v30  }
0x2f0: {  	vm12 =	veq.f32 v55, v43;
	vm8 =	vlt.s32 v0, v42  }
0x2f1: {  	v61 =	vnsel vm12, $0x1000, v15;
	v0 =	vsel vm8, v0, v42  }
0x2f2: {  	vm8 =	vlt.s32 v0, v61  }
0x2f3: {  	v0 =	vsel vm8, v0, v61  }
0x2f4: {  	v33 =	vperm.xlane v0, v16;
	_ =	sdelay $0x1  }
0x2f5: {  	vm8 =	vlt.s32 v0, v33  }
0x2f6: {  	v0 =	vsel vm8, v0, v33  }
0x2f7: {  	v33 =	vperm.xlane v0, v17;
	_ =	sdelay $0x1  }
0x2f8: {  	vm8 =	vlt.s32 v0, v33  }
0x2f9: {  	v0 =	vsel vm8, v0, v33  }
0x2fa: {  	v33 =	vperm.xlane v0, v18;
	_ =	sdelay $0x1  }
0x2fb: {  	vm8 =	vlt.s32 v0, v33  }
0x2fc: {  	v0 =	vsel vm8, v0, v33  }
0x2fd: {  	v33 =	vperm.xlane v0, v19;
	_ =	sdelay $0x1  }
0x2fe: {  	vm8 =	vlt.s32 v0, v33  }
0x2ff: {  	v42 =	vsel vm8, v0, v33  }
0x300: {  	vm8 =	veq.s32 v24, v42;
	vm13 =	veq.s32 v35, v42  }
0x301: {  	v52 =	vsel vm8, $0xFF800000, v52;
	v53 =	vsel vm13, $0xFF800000, v53;
	vm8 =	veq.s32 v26, v42  }
0x302: {  	v51 =	vsel vm8, $0xFF800000, v51;
	vm8 =	veq.s32 v20, v42;
	v0 =	vmax.f32 v52, v53  }
0x303: {  	v50 =	vsel vm8, $0xFF800000, v50;
	vm8 =	veq.s32 v25, v42;
	v0 =	vmax.f32 v0, v51  }
0x304: {  	v49 =	vsel vm8, $0xFF800000, v49;
	vm8 =	veq.s32 v60, v42;
	v0 =	vmax.f32 v0, v50  }
0x305: {  	v48 =	vsel vm8, $0xFF800000, v48;
	vm8 =	veq.s32 v1, v42;
	v0 =	vmax.f32 v0, v49  }
0x306: {  	v47 =	vsel vm8, $0xFF800000, v47;
	vm8 =	veq.s32 v6, v42;
	v0 =	vmax.f32 v0, v48  }
0x307: {  	v46 =	vsel vm8, $0xFF800000, v46;
	vm8 =	veq.s32 v63, v42;
	v0 =	vmax.f32 v0, v47  }
0x308: {  	v22 =	vmovc v60;
	v60 =	vsel vm8, $0xFF800000, v45;
	vm8 =	veq.s32 v21, v42;
	v0 =	vmax.f32 v0, v46  }
0x309: {  	v61 =	vsel vm8, $0xFF800000, v44;
	vm8 =	veq.s32 v27, v42;
	v0 =	vmax.f32 v0, v60  }
0x30a: {  	v58 =	vsel vm8, $0xFF800000, v58;
	vm8 =	veq.s32 v29, v42;
	v0 =	vmax.f32 v0, v61  }
0x30b: {  	v59 =	vsel vm8, $0xFF800000, v59;
	vm8 =	veq.s32 v28, v42;
	v0 =	vmax.f32 v0, v58  }
0x30c: {  	v56 =	vsel vm8, $0xFF800000, v56;
	vm8 =	veq.s32 v32, v42;
	v0 =	vmax.f32 v0, v59  }
0x30d: {  	v57 =	vsel vm8, $0xFF800000, v57;
	vm8 =	veq.s32 v31, v42;
	v0 =	vmax.f32 v0, v56  }
0x30e: {  	v54 =	vsel vm8, $0xFF800000, v54;
	vm8 =	veq.s32 v15, v42;
	v0 =	vmax.f32 v0, v57  }
0x30f: {  	v55 =	vsel vm8, $0xFF800000, v55;
	v0 =	vmax.f32 v0, v54  }
0x310: {  	v0 =	vmax.f32 v0, v55  }
0x311: {  	v62 =	vperm.xlane v0, v16;
	_ =	sdelay $0x1  }
0x312: {  	v0 =	vmax.f32 v0, v62  }
0x313: {  	v33 =	vperm.xlane v0, v17;
	_ =	sdelay $0x1  }
0x314: {  	v0 =	vmax.f32 v0, v33  }
0x315: {  	v33 =	vperm.xlane v0, v18;
	_ =	sdelay $0x1  }
0x316: {  	v0 =	vmax.f32 v0, v33  }
0x317: {  	v33 =	vperm.xlane v0, v19;
	_ =	sdelay $0x1  }
0x318: {  	v45 =	vmax.f32 v0, v33  }
0x319: {  	vm8 =	veq.f32 v52, v45;
	vm9 =	veq.f32 v53, v45  }
0x31a: {  	v0 =	vnsel vm8, $0x1000, v24;
	v30 =	vnsel vm9, $0x1000, v35  }
0x31b: {  	vm14 =	veq.f32 v51, v45;
	vm8 =	vlt.s32 v0, v30  }
0x31c: {  	v44 =	vnsel vm14, $0x1000, v26;
	v0 =	vsel vm8, v0, v30  }
0x31d: {  	vm15 =	veq.f32 v50, v45;
	vm8 =	vlt.s32 v0, v44  }
0x31e: {  	v62 =	vnsel vm15, $0x1000, v20;
	v0 =	vsel vm8, v0, v44  }
0x31f: {  	vm12 =	veq.f32 v49, v45;
	vm8 =	vlt.s32 v0, v62  }
0x320: {  	v30 =	vnsel vm12, $0x1000, v25;
	v0 =	vsel vm8, v0, v62  }
0x321: {  	vm13 =	veq.f32 v48, v45;
	vm8 =	vlt.s32 v0, v30  }
0x322: {  	v44 =	vnsel vm13, $0x1000, v22;
	v0 =	vsel vm8, v0, v30  }
0x323: {  	vm14 =	veq.f32 v47, v45;
	vm8 =	vlt.s32 v0, v44  }
0x324: {  	v62 =	vnsel vm14, $0x1000, v1;
	v0 =	vsel vm8, v0, v44  }
0x325: {  	vm15 =	veq.f32 v46, v45;
	vm8 =	vlt.s32 v0, v62  }
0x326: {  	v2 =	vmov v22;
	v22 =	vnsel vm15, $0x1000, v6;
	v0 =	vsel vm8, v0, v62  }
0x327: {  	vm12 =	veq.f32 v60, v45;
	vm8 =	vlt.s32 v0, v22  }
0x328: {  	v30 =	vnsel vm12, $0x1000, v63;
	v0 =	vsel vm8, v0, v22  }
0x329: {  	vm13 =	veq.f32 v61, v45;
	vm8 =	vlt.s32 v0, v30  }
0x32a: {  	v44 =	vnsel vm13, $0x1000, v21;
	v0 =	vsel vm8, v0, v30  }
0x32b: {  	vm14 =	veq.f32 v58, v45;
	vm8 =	vlt.s32 v0, v44  }
0x32c: {  	v62 =	vnsel vm14, $0x1000, v27;
	v0 =	vsel vm8, v0, v44  }
0x32d: {  	vm15 =	veq.f32 v59, v45;
	vm8 =	vlt.s32 v0, v62  }
0x32e: {  	v22 =	vmov v63;
	v63 =	vnsel vm15, $0x1000, v29;
	v0 =	vsel vm8, v0, v62  }
0x32f: {  	v23 =	vmov v28;
	vm12 =	veq.f32 v56, v45;
	vm8 =	vlt.s32 v0, v63  }
0x330: {  	v30 =	vnsel vm12, $0x1000, v23;
	v0 =	vsel vm8, v0, v63  }
0x331: {  	vm13 =	veq.f32 v57, v45;
	vm8 =	vlt.s32 v0, v30  }
0x332: {  	v44 =	vnsel vm13, $0x1000, v32;
	v0 =	vsel vm8, v0, v30  }
0x333: {  	vm14 =	veq.f32 v54, v45;
	vm8 =	vlt.s32 v0, v44  }
0x334: {  	v62 =	vnsel vm14, $0x1000, v31;
	v0 =	vsel vm8, v0, v44  }
0x335: {  	vm15 =	veq.f32 v55, v45;
	vm8 =	vlt.s32 v0, v62  }
0x336: {  	v63 =	vnsel vm15, $0x1000, v15;
	v0 =	vsel vm8, v0, v62  }
0x337: {  	vm8 =	vlt.s32 v0, v63  }
0x338: {  	v0 =	vsel vm8, v0, v63  }
0x339: {  	v33 =	vperm.xlane v0, v16;
	_ =	sdelay $0x1  }
0x33a: {  	vm8 =	vlt.s32 v0, v33  }
0x33b: {  	v0 =	vsel vm8, v0, v33  }
0x33c: {  	v33 =	vperm.xlane v0, v17;
	_ =	sdelay $0x1  }
0x33d: {  	vm8 =	vlt.s32 v0, v33  }
0x33e: {  	v0 =	vsel vm8, v0, v33  }
0x33f: {  	v33 =	vperm.xlane v0, v18;
	_ =	sdelay $0x1  }
0x340: {  	vm8 =	vlt.s32 v0, v33  }
0x341: {  	v0 =	vsel vm8, v0, v33  }
0x342: {  	v33 =	vperm.xlane v0, v19;
	_ =	sdelay $0x1  }
0x343: {  	vm8 =	vlt.s32 v0, v33  }
0x344: {  	v44 =	vsel vm8, v0, v33  }
0x345: {  	vm8 =	veq.s32 v24, v44;
	vm12 =	veq.s32 v35, v44  }
0x346: {  	v52 =	vsel vm8, $0xFF800000, v52;
	v53 =	vsel vm12, $0xFF800000, v53;
	vm8 =	veq.s32 v26, v44  }
0x347: {  	v51 =	vsel vm8, $0xFF800000, v51;
	vm8 =	veq.s32 v20, v44;
	v0 =	vmax.f32 v52, v53  }
0x348: {  	v50 =	vsel vm8, $0xFF800000, v50;
	vm8 =	veq.s32 v25, v44;
	v0 =	vmax.f32 v0, v51  }
0x349: {  	v49 =	vsel vm8, $0xFF800000, v49;
	vm8 =	veq.s32 v2, v44;
	v0 =	vmax.f32 v0, v50  }
0x34a: {  	v48 =	vsel vm8, $0xFF800000, v48;
	vm8 =	veq.s32 v1, v44;
	v0 =	vmax.f32 v0, v49  }
0x34b: {  	v62 =	vsel vm8, $0xFF800000, v47;
	vm8 =	veq.s32 v6, v44;
	v0 =	vmax.f32 v0, v48  }
0x34c: {  	v63 =	vsel vm8, $0xFF800000, v46;
	vm8 =	veq.s32 v22, v44;
	v0 =	vmax.f32 v0, v62  }
0x34d: {  	v60 =	vsel vm8, $0xFF800000, v60;
	vm8 =	veq.s32 v21, v44;
	v0 =	vmax.f32 v0, v63  }
0x34e: {  	v61 =	vsel vm8, $0xFF800000, v61;
	vm8 =	veq.s32 v27, v44;
	v0 =	vmax.f32 v0, v60  }
0x34f: {  	v58 =	vsel vm8, $0xFF800000, v58;
	vm8 =	veq.s32 v29, v44;
	v0 =	vmax.f32 v0, v61  }
0x350: {  	v59 =	vsel vm8, $0xFF800000, v59;
	vm8 =	veq.s32 v23, v44;
	v0 =	vmax.f32 v0, v58  }
0x351: {  	v56 =	vsel vm8, $0xFF800000, v56;
	vm8 =	veq.s32 v32, v44;
	v0 =	vmax.f32 v0, v59  }
0x352: {  	v57 =	vsel vm8, $0xFF800000, v57;
	vm8 =	veq.s32 v31, v44;
	v0 =	vmax.f32 v0, v56  }
0x353: {  	v54 =	vsel vm8, $0xFF800000, v54;
	vm8 =	veq.s32 v15, v44;
	v0 =	vmax.f32 v0, v57  }
0x354: {  	v55 =	vsel vm8, $0xFF800000, v55;
	v0 =	vmax.f32 v0, v54  }
0x355: {  	v0 =	vmax.f32 v0, v55  }
0x356: {  	v23 =	vperm.xlane v0, v16;
	_ =	sdelay $0x1  }
0x357: {  	v0 =	vmax.f32 v0, v23  }
0x358: {  	v33 =	vperm.xlane v0, v17;
	_ =	sdelay $0x1  }
0x359: {  	v0 =	vmax.f32 v0, v33  }
0x35a: {  	v33 =	vperm.xlane v0, v18;
	_ =	sdelay $0x1  }
0x35b: {  	v0 =	vmax.f32 v0, v33  }
0x35c: {  	v33 =	vperm.xlane v0, v19;
	_ =	sdelay $0x1  }
0x35d: {  	v47 =	vmax.f32 v0, v33  }
0x35e: {  	vm8 =	veq.f32 v52, v47;
	vm9 =	veq.f32 v53, v47  }
0x35f: {  	v0 =	vnsel vm8, $0x1000, v24;
	v30 =	vnsel vm9, $0x1000, v35  }
0x360: {  	vm13 =	veq.f32 v51, v47;
	vm8 =	vlt.s32 v0, v30  }
0x361: {  	v46 =	vnsel vm13, $0x1000, v26;
	v0 =	vsel vm8, v0, v30  }
0x362: {  	vm14 =	veq.f32 v50, v47;
	vm8 =	vlt.s32 v0, v46  }
0x363: {  	v23 =	vnsel vm14, $0x1000, v20;
	v0 =	vsel vm8, v0, v46  }
0x364: {  	vm15 =	veq.f32 v49, v47;
	vm8 =	vlt.s32 v0, v23  }
0x365: {  	v30 =	vnsel vm15, $0x1000, v25;
	v0 =	vsel vm8, v0, v23  }
0x366: {  	vm12 =	veq.f32 v48, v47;
	vm8 =	vlt.s32 v0, v30  }
0x367: {  	v46 =	vnsel vm12, $0x1000, v2;
	v0 =	vsel vm8, v0, v30  }
0x368: {  	vm13 =	veq.f32 v62, v47;
	vm8 =	vlt.s32 v0, v46  }
0x369: {  	v23 =	vnsel vm13, $0x1000, v1;
	v0 =	vsel vm8, v0, v46  }
0x36a: {  	vm14 =	veq.f32 v63, v47;
	vm8 =	vlt.s32 v0, v23  }
0x36b: {  	v30 =	vnsel vm14, $0x1000, v6;
	v0 =	vsel vm8, v0, v23  }
0x36c: {  	vm15 =	veq.f32 v60, v47;
	vm8 =	vlt.s32 v0, v30  }
0x36d: {  	v46 =	vnsel vm15, $0x1000, v22;
	v0 =	vsel vm8, v0, v30  }
0x36e: {  	vm12 =	veq.f32 v61, v47;
	vm8 =	vlt.s32 v0, v46  }
0x36f: {  	v23 =	vmov v21;
	v21 =	vnsel vm12, $0x1000, v21;
	v0 =	vsel vm8, v0, v46  }
0x370: {  	vm13 =	veq.f32 v58, v47;
	vm8 =	vlt.s32 v0, v21  }
0x371: {  	v30 =	vmov v22;
	v22 =	vnsel vm13, $0x1000, v27;
	v0 =	vsel vm8, v0, v21  }
0x372: {  	vm14 =	veq.f32 v59, v47;
	vm8 =	vlt.s32 v0, v22  }
0x373: {  	v46 =	vnsel vm14, $0x1000, v29;
	v0 =	vsel vm8, v0, v22  }
0x374: {  	vm15 =	veq.f32 v56, v47;
	vm8 =	vlt.s32 v0, v46  }
0x375: {  	v21 =	vnsel vm15, $0x1000, v28;
	v0 =	vsel vm8, v0, v46  }
0x376: {  	vm12 =	veq.f32 v57, v47;
	vm8 =	vlt.s32 v0, v21  }
0x377: {  	v22 =	vnsel vm12, $0x1000, v32;
	v0 =	vsel vm8, v0, v21  }
0x378: {  	vm13 =	veq.f32 v54, v47;
	vm8 =	vlt.s32 v0, v22  }
0x379: {  	v21 =	vmov v31;
	v31 =	vnsel vm13, $0x1000, v31;
	v0 =	vsel vm8, v0, v22  }
0x37a: {  	vm14 =	veq.f32 v55, v47;
	v22 =	vmov v15;
	vm8 =	vlt.s32 v0, v31  }
0x37b: {  	v46 =	vnsel vm14, $0x1000, v22;
	v0 =	vsel vm8, v0, v31  }
0x37c: {  	vm8 =	vlt.s32 v0, v46  }
0x37d: {  	v0 =	vsel vm8, v0, v46  }
0x37e: {  	v33 =	vperm.xlane v0, v16;
	_ =	sdelay $0x1  }
0x37f: {  	vm8 =	vlt.s32 v0, v33  }
0x380: {  	v0 =	vsel vm8, v0, v33  }
0x381: {  	v33 =	vperm.xlane v0, v17;
	_ =	sdelay $0x1  }
0x382: {  	vm8 =	vlt.s32 v0, v33  }
0x383: {  	v0 =	vsel vm8, v0, v33  }
0x384: {  	v33 =	vperm.xlane v0, v18;
	_ =	sdelay $0x1  }
0x385: {  	vm8 =	vlt.s32 v0, v33  }
0x386: {  	v0 =	vsel vm8, v0, v33  }
0x387: {  	v33 =	vperm.xlane v0, v19;
	_ =	sdelay $0x1  }
0x388: {  	vm8 =	vlt.s32 v0, v33  }
0x389: {  	v46 =	vsel vm8, v0, v33  }
0x38a: {  	vm8 =	veq.s32 v24, v46;
	vm15 =	veq.s32 v35, v46  }
0x38b: {  	v52 =	vsel vm8, $0xFF800000, v52;
	v53 =	vsel vm15, $0xFF800000, v53;
	vm8 =	veq.s32 v26, v46  }
0x38c: {  	v51 =	vsel vm8, $0xFF800000, v51;
	vm8 =	veq.s32 v20, v46;
	v0 =	vmax.f32 v52, v53  }
0x38d: {  	v50 =	vsel vm8, $0xFF800000, v50;
	vm8 =	veq.s32 v25, v46;
	v31 =	vmax.f32 v0, v51  }
0x38e: {  	v0 =	vsel vm8, $0xFF800000, v49;
	vm8 =	veq.s32 v2, v46;
	v31 =	vmax.f32 v31, v50  }
0x38f: {  	v33 =	vsel vm8, $0xFF800000, v48;
	vm8 =	veq.s32 v1, v46;
	v31 =	vmax.f32 v31, v0  }
0x390: {  	v62 =	vsel vm8, $0xFF800000, v62;
	vm8 =	veq.s32 v6, v46;
	v48 =	vmax.f32 v31, v33  }
0x391: {  	v63 =	vsel vm8, $0xFF800000, v63;
	vm8 =	veq.s32 v30, v46;
	v48 =	vmax.f32 v48, v62  }
0x392: {  	v60 =	vsel vm8, $0xFF800000, v60;
	vm8 =	veq.s32 v23, v46;
	v48 =	vmax.f32 v48, v63  }
0x393: {  	v61 =	vsel vm8, $0xFF800000, v61;
	vm8 =	veq.s32 v27, v46;
	v48 =	vmax.f32 v48, v60  }
0x394: {  	v58 =	vsel vm8, $0xFF800000, v58;
	vm8 =	veq.s32 v29, v46;
	v48 =	vmax.f32 v48, v61  }
0x395: {  	v59 =	vsel vm8, $0xFF800000, v59;
	vm8 =	veq.s32 v28, v46;
	v48 =	vmax.f32 v48, v58  }
0x396: {  	v56 =	vsel vm8, $0xFF800000, v56;
	vm8 =	veq.s32 v32, v46;
	v48 =	vmax.f32 v48, v59  }
0x397: {  	v57 =	vsel vm8, $0xFF800000, v57;
	vm8 =	veq.s32 v21, v46;
	v48 =	vmax.f32 v48, v56  }
0x398: {  	v54 =	vsel vm8, $0xFF800000, v54;
	vm8 =	veq.s32 v22, v46;
	v48 =	vmax.f32 v48, v57  }
0x399: {  	v55 =	vsel vm8, $0xFF800000, v55;
	v48 =	vmax.f32 v48, v54  }
0x39a: {  	v48 =	vmax.f32 v48, v55  }
0x39b: {  	v34 =	vperm.xlane v48, v16;
	_ =	sdelay $0x1  }
0x39c: {  	v48 =	vmax.f32 v48, v34  }
0x39d: {  	v49 =	vperm.xlane v48, v17;
	_ =	sdelay $0x1  }
0x39e: {  	v48 =	vmax.f32 v48, v49  }
0x39f: {  	v49 =	vperm.xlane v48, v18;
	_ =	sdelay $0x1  }
0x3a0: {  	v48 =	vmax.f32 v48, v49  }
0x3a1: {  	v49 =	vperm.xlane v48, v19;
	_ =	sdelay $0x1  }
0x3a2: {  	v49 =	vmax.f32 v48, v49  }
0x3a3: {  	vm8 =	veq.f32 v52, v49;
	vm9 =	veq.f32 v53, v49  }
0x3a4: {  	v31 =	vmovc v30;
	v30 =	vmovc v23;
	v23 =	vmov v22;
	v22 =	vnsel vm8, $0x1000, v24;
	v34 =	vnsel vm9, $0x1000, v35  }
0x3a5: {  	vm12 =	veq.f32 v51, v49;
	vm8 =	vlt.s32 v22, v34  }
0x3a6: {  	v34 =	vsel vm8, v22, v34;
	v22 =	vnsel vm12, $0x1000, v26  }
0x3a7: {  	vm13 =	veq.f32 v50, v49;
	vm8 =	vlt.s32 v34, v22  }
0x3a8: {  	v34 =	vsel vm8, v34, v22;
	v22 =	vnsel vm13, $0x1000, v20  }
0x3a9: {  	vm14 =	veq.f32 v0, v49;
	vm8 =	vlt.s32 v34, v22  }
0x3aa: {  	v34 =	vsel vm8, v34, v22;
	v22 =	vnsel vm14, $0x1000, v25  }
0x3ab: {  	vm15 =	veq.f32 v33, v49;
	vm8 =	vlt.s32 v34, v22  }
0x3ac: {  	v34 =	vsel vm8, v34, v22;
	v22 =	vnsel vm15, $0x1000, v2  }
0x3ad: {  	vm12 =	veq.f32 v62, v49;
	vm8 =	vlt.s32 v34, v22  }
0x3ae: {  	v3 =	vmov v25;
	v25 =	vnsel vm12, $0x1000, v1;
	v34 =	vsel vm8, v34, v22  }
0x3af: {  	vm13 =	veq.f32 v63, v49;
	vm8 =	vlt.s32 v34, v25  }
0x3b0: {  	v22 =	vnsel vm13, $0x1000, v6;
	v34 =	vsel vm8, v34, v25  }
0x3b1: {  	vm14 =	veq.f32 v60, v49;
	vm8 =	vlt.s32 v34, v22  }
0x3b2: {  	v25 =	vnsel vm14, $0x1000, v31;
	v34 =	vsel vm8, v34, v22  }
0x3b3: {  	vm15 =	veq.f32 v61, v49;
	vm8 =	vlt.s32 v34, v25  }
0x3b4: {  	v22 =	vnsel vm15, $0x1000, v30;
	v34 =	vsel vm8, v34, v25  }
0x3b5: {  	vm12 =	veq.f32 v58, v49;
	vm8 =	vlt.s32 v34, v22  }
0x3b6: {  	v25 =	vnsel vm12, $0x1000, v27;
	v34 =	vsel vm8, v34, v22  }
0x3b7: {  	vm13 =	veq.f32 v59, v49;
	vm8 =	vlt.s32 v34, v25  }
0x3b8: {  	vm14 =	veq.f32 v56, v49;
	v22 =	vmovc v29;
	v29 =	vnsel vm13, $0x1000, v29;
	v34 =	vsel vm8, v34, v25  }
0x3b9: {  	v25 =	vnsel vm14, $0x1000, v28;
	vm8 =	vlt.s32 v34, v29  }
0x3ba: {  	v34 =	vsel vm8, v34, v29  }
0x3bb: {  	vm15 =	veq.f32 v57, v49;
	vm8 =	vlt.s32 v34, v25  }
0x3bc: {  	v34 =	vsel vm8, v34, v25;
	v25 =	vmov v32;
	v32 =	vnsel vm15, $0x1000, v32  }
0x3bd: {  	vm12 =	veq.f32 v54, v49;
	vm8 =	vlt.s32 v34, v32  }
0x3be: {  	v29 =	vmov v28;
	v28 =	vnsel vm12, $0x1000, v21;
	v34 =	vsel vm8, v34, v32  }
0x3bf: {  	vm13 =	veq.f32 v55, v49;
	vm8 =	vlt.s32 v34, v28  }
0x3c0: {  	v32 =	vnsel vm13, $0x1000, v23;
	v34 =	vsel vm8, v34, v28  }
0x3c1: {  	vm8 =	vlt.s32 v34, v32  }
0x3c2: {  	v34 =	vsel vm8, v34, v32  }
0x3c3: {  	v48 =	vperm.xlane v34, v16;
	_ =	sdelay $0x1  }
0x3c4: {  	vm8 =	vlt.s32 v34, v48  }
0x3c5: {  	v34 =	vsel vm8, v34, v48  }
0x3c6: {  	v48 =	vperm.xlane v34, v17;
	_ =	sdelay $0x1  }
0x3c7: {  	vm8 =	vlt.s32 v34, v48  }
0x3c8: {  	v34 =	vsel vm8, v34, v48  }
0x3c9: {  	v48 =	vperm.xlane v34, v18;
	_ =	sdelay $0x1  }
0x3ca: {  	vm8 =	vlt.s32 v34, v48  }
0x3cb: {  	v34 =	vsel vm8, v34, v48  }
0x3cc: {  	v48 =	vperm.xlane v34, v19;
	_ =	sdelay $0x1  }
0x3cd: {  	vm8 =	vlt.s32 v34, v48  }
0x3ce: {  	v48 =	vsel vm8, v34, v48  }
0x3cf: {  	vm8 =	veq.s32 v24, v48;
	vm14 =	veq.s32 v35, v48  }
0x3d0: {  	v34 =	vsel vm8, $0xFF800000, v52;
	v52 =	vsel vm14, $0xFF800000, v53;
	vm8 =	veq.s32 v26, v48  }
0x3d1: {  	v51 =	vsel vm8, $0xFF800000, v51;
	vm8 =	veq.s32 v20, v48;
	v53 =	vmax.f32 v34, v52  }
0x3d2: {  	v50 =	vsel vm8, $0xFF800000, v50;
	vm8 =	veq.s32 v3, v48;
	v53 =	vmax.f32 v53, v51  }
0x3d3: {  	v0 =	vsel vm8, $0xFF800000, v0;
	vm8 =	veq.s32 v2, v48;
	v53 =	vmax.f32 v53, v50  }
0x3d4: {  	v33 =	vsel vm8, $0xFF800000, v33;
	vm8 =	veq.s32 v1, v48;
	v53 =	vmax.f32 v53, v0  }
0x3d5: {  	v62 =	vsel vm8, $0xFF800000, v62;
	vm8 =	veq.s32 v6, v48;
	v53 =	vmax.f32 v53, v33  }
0x3d6: {  	v63 =	vsel vm8, $0xFF800000, v63;
	vm8 =	veq.s32 v31, v48;
	v53 =	vmax.f32 v53, v62  }
0x3d7: {  	v60 =	vsel vm8, $0xFF800000, v60;
	vm8 =	veq.s32 v30, v48;
	v53 =	vmax.f32 v53, v63  }
0x3d8: {  	v61 =	vsel vm8, $0xFF800000, v61;
	vm8 =	veq.s32 v27, v48;
	v53 =	vmax.f32 v53, v60  }
0x3d9: {  	v58 =	vsel vm8, $0xFF800000, v58;
	vm8 =	veq.s32 v22, v48;
	v53 =	vmax.f32 v53, v61  }
0x3da: {  	v59 =	vsel vm8, $0xFF800000, v59;
	vm8 =	veq.s32 v29, v48;
	v53 =	vmax.f32 v53, v58  }
0x3db: {  	v56 =	vsel vm8, $0xFF800000, v56;
	vm8 =	veq.s32 v25, v48;
	v53 =	vmax.f32 v53, v59  }
0x3dc: {  	v57 =	vsel vm8, $0xFF800000, v57;
	vm8 =	veq.s32 v21, v48;
	v53 =	vmax.f32 v53, v56  }
0x3dd: {  	v54 =	vsel vm8, $0xFF800000, v54;
	vm8 =	veq.s32 v23, v48;
	v53 =	vmax.f32 v53, v57  }
0x3de: {  	v55 =	vsel vm8, $0xFF800000, v55;
	v53 =	vmax.f32 v53, v54  }
0x3df: {  	v53 =	vmax.f32 v53, v55  }
0x3e0: {  	v32 =	vmov v27;
	v27 =	vmov v25;
	v25 =	vperm.xlane v53, v16  }
0x3e1: {  	v28 =	vmovc v14;
	v14 =	vmovc v13;
	v13 =	vmov v12;
	v12 =	vmov v11;
	v11 =	vmov v10  }
0x3e2: {  	v10 =	vmovc v9;
	v9 =	vmovc v8;
	v8 =	vmov v7;
	v7 =	vmov v22;
	v22 =	vmax.f32 v53, v25  }
0x3e3: {  	v53 =	vperm.xlane v22, v17;
	_ =	sdelay $0x1  }
0x3e4: {  	v22 =	vmax.f32 v22, v53  }
0x3e5: {  	v25 =	vperm.xlane v22, v18  }
0x3e6: {  	v37 =	vnsel vm0, $0xFF800000, v37  }
0x3e7: {  	v37 =	vsel vm1, v37, v39;
	v22 =	vmax.f32 v22, v25  }
0x3e8: {  	v37 =	vsel vm2, v37, v41;
	v39 =	vperm.xlane v22, v19  }
0x3e9: {  	v37 =	vsel vm3, v37, v43  }
0x3ea: {  	v37 =	vsel vm4, v37, v45;
	v22 =	vmax.f32 v22, v39  }
0x3eb: {  	v37 =	vsel vm5, v37, v47;
	vm8 =	veq.f32 v34, v22;
	vm9 =	veq.f32 v52, v22  }
0x3ec: {  	v4 =	vmovc v20;
	v37 =	vsel vm6, v37, v49;
	v20 =	vnsel vm8, $0x1000, v24;
	v47 =	vnsel vm9, $0x1000, v35  }
0x3ed: {  	v37 =	vsel vm7, v37, v22;
	vm15 =	veq.f32 v51, v22;
	vm8 =	vlt.s32 v20, v47  }
0x3ee: {  	v45 =	vperm.xlane v37, v16;
	v52 =	vnsel vm15, $0x1000, v26;
	v20 =	vsel vm8, v20, v47  }
0x3ef: {  	vm8 =	veq.f32 v50, v22;
	vm9 =	vlt.s32 v20, v52  }
0x3f0: {  	v49 =	vmax.f32 v37, v45;
	v35 =	vnsel vm8, $0x1000, v4;
	v20 =	vsel vm9, v20, v52  }
0x3f1: {  	vm12 =	veq.f32 v0, v22;
	v39 =	vperm.xlane v49, v17;
	vm8 =	vlt.s32 v20, v35  }
0x3f2: {  	v0 =	vsel vm8, v20, v35;
	v20 =	vnsel vm12, $0x1000, v3  }
0x3f3: {  	vm13 =	veq.f32 v33, v22;
	v53 =	vmax.f32 v49, v39;
	vm8 =	vlt.s32 v0, v20  }
0x3f4: {  	v39 =	vperm.xlane v53, v18;
	v0 =	vsel vm8, v0, v20;
	v20 =	vnsel vm13, $0x1000, v2  }
0x3f5: {  	vm14 =	veq.f32 v62, v22;
	vm8 =	vlt.s32 v0, v20  }
0x3f6: {  	v41 =	vmax.f32 v53, v39;
	v0 =	vsel vm8, v0, v20;
	v20 =	vnsel vm14, $0x1000, v1  }
0x3f7: {  	vm15 =	veq.f32 v63, v22;
	v25 =	vperm.xlane v41, v19;
	vm8 =	vlt.s32 v0, v20  }
0x3f8: {  	v0 =	vsel vm8, v0, v20;
	v20 =	vnsel vm15, $0x1000, v6  }
0x3f9: {  	[tilespmem:$0x1FF60] =	vst v21;
	vm12 =	veq.f32 v60, v22;
	v21 =	vmax.f32 v41, v25;
	vm8 =	vlt.s32 v0, v20  }
0x3fa: {  	v21 =	vsub.f32 v37, v21;
	v0 =	vsel vm8, v0, v20;
	v20 =	vnsel vm12, $0x1000, v31  }
0x3fb: {  	vm13 =	veq.f32 v61, v22;
	vm8 =	vlt.s32 v0, v20  }
0x3fc: {  	v21 =	vmul.f32 $1.442695020e+00, v21;
	v0 =	vsel vm8, v0, v20;
	v20 =	vnsel vm13, $0x1000, v30  }
0x3fd: {  	vm14 =	veq.f32 v58, v22;
	vm8 =	vlt.s32 v0, v20  }
0x3fe: {  	(erf) = vpow2.f32 v21;
	v0 =	vsel vm8, v0, v20;
	v20 =	vnsel vm14, $0x1000, v32  }
0x3ff: {  	vm15 =	veq.f32 v59, v22;
	vm8 =	vlt.s32 v0, v20  }
0x400: {  	v0 =	vsel vm8, v0, v20;
	v20 =	vnsel vm15, $0x1000, v7  }
0x401: {  	v6 =	vld [tilespmem:$0x1FF60];
	vm12 =	veq.f32 v56, v22;
	vm8 =	vlt.s32 v0, v20  }
0x402: {  	v0 =	vsel vm8, v0, v20;
	v20 =	vnsel vm12, $0x1000, v29  }
0x403: {  	vm13 =	veq.f32 v57, v22;
	vm8 =	vlt.s32 v0, v20  }
0x404: {  	v0 =	vsel vm8, v0, v20;
	v20 =	vnsel vm13, $0x1000, v27  }
0x405: {  	[tilespmem:$0x1FF70] =	vst v23;
	vm14 =	veq.f32 v54, v22;
	vm8 =	vlt.s32 v0, v20  }
0x406: {  	v0 =	vsel vm8, v0, v20;
	v20 =	vnsel vm14, $0x1000, v6;
	v6 =	vld [tilespmem:$0x1FF70]  }
0x407: {  	v21 =	vpop (erf)  }
0x408: {  	v43 =	vperm.xlane v21, v16;
	_ =	sdelay $0x1  }
0x409: {  	vm15 =	veq.f32 v55, v22;
	vm8 =	vlt.s32 v0, v20;
	v23 =	vadd.f32 v21, v43  }
0x40a: {  	v0 =	vsel vm8, v0, v20;
	v20 =	vnsel vm15, $0x1000, v6  }
0x40b: {  	v45 =	vperm.xlane v23, v17;
	vm8 =	vlt.s32 v0, v20  }
0x40c: {  	v0 =	vsel vm8, v0, v20  }
0x40d: {  	v20 =	vadd.f32 v23, v45;
	v47 =	vperm.xlane v0, v16;
	_ =	sdelay $0x1  }
0x40e: {  	v23 =	vperm.xlane v20, v18;
	vm8 =	vlt.s32 v0, v47  }
0x40f: {  	v0 =	vsel vm8, v0, v47  }
0x410: {  	v20 =	vadd.f32 v20, v23;
	v22 =	vperm.xlane v0, v17;
	_ =	sdelay $0x1  }
0x411: {  	v23 =	vperm.xlane v20, v19;
	vm8 =	vlt.s32 v0, v22  }
0x412: {  	v0 =	vsel vm8, v0, v22  }
0x413: {  	v20 =	vadd.f32 v20, v23;
	v22 =	vperm.xlane v0, v18  }
0x414: {  	v49 =	vnsel vm0, $0x0, v36  }
0x415: {  	(erf) = vrcp.f32 v20;
	v20 =	vsel vm1, v49, v38;
	vm8 =	vlt.s32 v0, v22  }
0x416: {  	v20 =	vsel vm2, v20, v40;
	v0 =	vsel vm8, v0, v22  }
0x417: {  	v20 =	vsel vm3, v20, v42;
	v22 =	vperm.xlane v0, v19  }
0x418: {  	v20 =	vsel vm4, v20, v44  }
0x419: {  	v20 =	vsel vm5, v20, v46;
	vm8 =	vlt.s32 v0, v22  }
0x41a: {  	v5 =	vld [tilespmem:$0x1FFE0];
	v20 =	vsel vm6, v20, v48;
	v0 =	vsel vm8, v0, v22  }
0x41b: {  	v15 =	vld [tilespmem:$0x1FFF0];
	v0 =	vsel vm7, v20, v0  }
0x41c: {  	v4 =	vld [tilespmem:$0x1FFD0]  }
0x41d: {  	v3 =	vld [tilespmem:$0x1FFC0];
	[tilespmem:$0xC00] =	vst v0  }
0x41e: {  	v2 =	vld [tilespmem:$0x1FFB0];
	[tilespmem:s17], [sflag:$0x1] =	stream.indirect.gather [hbm4b:s0+s15], $0x80, s16, s15, $0xb8;
	v0 =	vpop (erf)  }
0x41f: {  	v1 =	vld [tilespmem:$0x1FFA0];
	_ =	swait.ge [sflag:s18], $0x800  }
0x420: {  	[sflag:s18] =	ssyncset.done $0x0  }
0x421: {  	[sflag:s18] =	ssyncadd.s32 $0xFFFFF800  }
0x422: {  	v20 =	vld [tilespmem:$0x400]  }
0x423: {  	v50 =	vld [tilespmem:$0x480]  }
0x424: {  	v51 =	vld [tilespmem:$0x500]  }
0x425: {  	v52 =	vld [tilespmem:$0x580]  }
0x426: {  	v53 =	vld [tilespmem:$0x600]  }
0x427: {  	v54 =	vld [tilespmem:$0x680]  }
0x428: {  	v29 =	vld [tilespmem:$0x700]  }
0x429: {  	v30 =	vld [tilespmem:$0x780]  }
0x42a: {  	v55 =	vld [tilespmem:$0x410]  }
0x42b: {  	v56 =	vld [tilespmem:$0x490]  }
0x42c: {  	v57 =	vld [tilespmem:$0x510]  }
0x42d: {  	v58 =	vld [tilespmem:$0x590]  }
0x42e: {  	v35 =	vld [tilespmem:$0x610]  }
0x42f: {  	v36 =	vld [tilespmem:$0x690]  }
0x430: {  	v37 =	vld [tilespmem:$0x710]  }
0x431: {  	v39 =	vld [tilespmem:$0x790]  }
0x432: {  	v40 =	vld [tilespmem:$0x420]  }
0x433: {  	v41 =	vld [tilespmem:$0x4A0]  }
0x434: {  	v42 =	vld [tilespmem:$0x520]  }
0x435: {  	v43 =	vld [tilespmem:$0x5A0]  }
0x436: {  	v38 =	vmul.f32 v0, v21;
	v44 =	vld [tilespmem:$0x620]  }
0x437: {  	v45 =	vld [tilespmem:$0x6A0]  }
0x438: {  	v0 =	vbroadcast v38, $0x0;
	v46 =	vld [tilespmem:$0x720]  }
0x439: {  	v26 =	vbroadcast v38, $0x1;
	v24 =	vbroadcast v38, $0x2;
	v47 =	vld [tilespmem:$0x7A0]  }
0x43a: {  	v23 =	vbroadcast v38, $0x3;
	v22 =	vbroadcast v38, $0x4;
	v61 =	vld [tilespmem:$0x430]  }
0x43b: {  	v21 =	vbroadcast v38, $0x5;
	v63 =	vld [tilespmem:$0x4B0];
	v20 =	vmul.f32 v0, v20  }
0x43c: {  	v7 =	vmov v8;
	v31 =	vld [tilespmem:$0x530];
	v59 =	vmul.f32 v26, v50;
	v60 =	vmul.f32 v24, v51  }
0x43d: {  	v8 =	vmovc v9;
	v9 =	vmovc v10;
	v10 =	vmov v11;
	v33 =	vld [tilespmem:$0x730];
	v62 =	vmul.f32 v23, v52;
	v55 =	vmul.f32 v0, v55  }
0x43e: {  	v11 =	vmovc v12;
	v12 =	vmovc v13;
	v34 =	vld [tilespmem:$0x440];
	v27 =	vmul.f32 v22, v53;
	v32 =	vmul.f32 v26, v56;
	v20 =	vadd.f32 $0.0e+00, v20  }
0x43f: {  	v13 =	vmovc v14;
	v14 =	vmovc v28;
	v50 =	vld [tilespmem:$0x5B0];
	v28 =	vmul.f32 v21, v54;
	v56 =	vmul.f32 v24, v57;
	v25 =	vadd.f32 $0.0e+00, v55  }
0x440: {  	v49 =	vld [tilespmem:$0x640];
	v58 =	vmul.f32 v23, v58;
	v35 =	vmul.f32 v22, v35;
	v20 =	vadd.f32 v20, v59  }
0x441: {  	v51 =	vld [tilespmem:$0x630];
	v48 =	vmul.f32 v0, v61;
	v36 =	vmul.f32 v21, v36;
	v25 =	vadd.f32 v25, v32  }
0x442: {  	v52 =	vld [tilespmem:$0x6B0];
	v31 =	vmul.f32 v24, v31;
	v54 =	vmul.f32 v23, v43;
	v20 =	vadd.f32 v20, v60  }
0x443: {  	v53 =	vld [tilespmem:$0x540];
	v61 =	vadd.f32 $0.0e+00, v48;
	v59 =	vmul.f32 v0, v40;
	v25 =	vadd.f32 v25, v56  }
0x444: {  	v55 =	vmul.f32 v23, v50;
	v60 =	vmul.f32 v26, v41;
	v56 =	vld [tilespmem:$0x450];
	v20 =	vadd.f32 v20, v62  }
0x445: {  	v48 =	vld [tilespmem:$0x740];
	v32 =	vadd.f32 v25, v58;
	v25 =	vbroadcast v38, $0x7;
	v62 =	vmul.f32 v26, v63  }
0x446: {  	v40 =	vld [tilespmem:$0x4C0];
	v63 =	vmul.f32 v24, v42;
	v27 =	vadd.f32 v20, v27;
	v20 =	vbroadcast v38, $0x6  }
0x447: {  	v41 =	vld [tilespmem:$0x5C0];
	v32 =	vadd.f32 v32, v35;
	v30 =	vmul.f32 v25, v30;
	v39 =	vmul.f32 v25, v39  }
0x448: {  	v58 =	vld [tilespmem:$0x4D0];
	v35 =	vadd.f32 v61, v62;
	v61 =	vmul.f32 v21, v45;
	v62 =	vmul.f32 v21, v52  }
0x449: {  	v42 =	vld [tilespmem:$0x6C0];
	v52 =	vmul.f32 v25, v47;
	v43 =	vmul.f32 v0, v56;
	v27 =	vadd.f32 v27, v28  }
0x44a: {  	v38 =	vld [tilespmem:$0x7C0];
	v57 =	vmul.f32 v20, v29;
	v28 =	vadd.f32 $0.0e+00, v59;
	v37 =	vmul.f32 v20, v37  }
0x44b: {  	v45 =	vld [tilespmem:$0x650];
	v32 =	vadd.f32 v32, v36;
	v59 =	vmul.f32 v22, v51;
	v50 =	vmul.f32 v20, v46  }
0x44c: {  	v29 =	vld [tilespmem:$0x7B0];
	v31 =	vadd.f32 v35, v31;
	v33 =	vmul.f32 v20, v33;
	v51 =	vmul.f32 v24, v53  }
0x44d: {  	v35 =	vld [tilespmem:$0x750];
	v56 =	vadd.f32 $0.0e+00, v43;
	v36 =	vmul.f32 v26, v58;
	v28 =	vadd.f32 v28, v60  }
0x44e: {  	v53 =	vld [tilespmem:$0x460];
	v58 =	vmul.f32 v22, v49;
	v27 =	vadd.f32 v27, v57;
	v31 =	vadd.f32 v31, v55  }
0x44f: {  	v46 =	vld [tilespmem:$0x7D0];
	v32 =	vadd.f32 v32, v37;
	v60 =	vmul.f32 v0, v34;
	v28 =	vadd.f32 v28, v63  }
0x450: {  	v57 =	vmul.f32 v22, v44;
	v34 =	vld [tilespmem:$0x5D0];
	v27 =	vadd.f32 v27, v30;
	v31 =	vadd.f32 v31, v59  }
0x451: {  	v55 =	vld [tilespmem:$0x470];
	v30 =	vadd.f32 $0.0e+00, v60;
	v63 =	vmul.f32 v26, v40;
	v28 =	vadd.f32 v28, v54  }
0x452: {  	v37 =	vld [tilespmem:$0x550];
	v32 =	vadd.f32 v32, v39;
	v60 =	vadd.f32 v56, v36;
	v29 =	vmul.f32 v25, v29  }
0x453: {  	v59 =	vld [tilespmem:$0x4F0];
	v47 =	vmul.f32 v0, v53;
	v30 =	vadd.f32 v30, v63;
	v28 =	vadd.f32 v28, v57  }
0x454: {  	v31 =	vadd.f32 v31, v62;
	v54 =	vmul.f32 v23, v41;
	v63 =	vmul.f32 v21, v42;
	v57 =	vld [tilespmem:$0x4E0]  }
0x455: {  	v62 =	vld [tilespmem:$0x560];
	v34 =	vmul.f32 v23, v34;
	v30 =	vadd.f32 v30, v51;
	v28 =	vadd.f32 v28, v61  }
0x456: {  	v49 =	vld [tilespmem:$0x570];
	v0 =	vmul.f32 v0, v55;
	v31 =	vadd.f32 v31, v33;
	v51 =	vadd.f32 $0.0e+00, v47  }
0x457: {  	v40 =	vld [tilespmem:$0x6D0];
	v55 =	vmul.f32 v22, v45;
	v30 =	vadd.f32 v30, v54;
	v28 =	vadd.f32 v28, v50  }
0x458: {  	v0 =	vadd.f32 $0.0e+00, v0;
	v29 =	vadd.f32 v31, v29;
	v61 =	vmul.f32 v24, v37;
	v50 =	vld [tilespmem:$0x5E0]  }
0x459: {  	v53 =	vld [tilespmem:$0x5F0];
	v30 =	vadd.f32 v30, v58;
	v28 =	vadd.f32 v28, v52;
	v52 =	vmul.f32 v26, v57  }
0x45a: {  	v54 =	vld [tilespmem:$0x660];
	v37 =	vmul.f32 v24, v62;
	v31 =	vadd.f32 v60, v61;
	v26 =	vmul.f32 v26, v59  }
0x45b: {  	v56 =	vld [tilespmem:$0x670];
	v24 =	vmul.f32 v24, v49;
	v30 =	vadd.f32 v30, v63;
	v33 =	vadd.f32 v51, v52  }
0x45c: {  	v58 =	vld [tilespmem:$0x6E0];
	v31 =	vadd.f32 v31, v34;
	v57 =	vmul.f32 v20, v48;
	v0 =	vadd.f32 v0, v26  }
0x45d: {  	v62 =	vld [tilespmem:$0x6F0];
	v63 =	vmul.f32 v21, v40;
	v61 =	vmul.f32 v23, v50;
	v60 =	vadd.f32 v33, v37  }
0x45e: {  	v47 =	vld [tilespmem:$0x760];
	v59 =	vadd.f32 v31, v55;
	v23 =	vmul.f32 v23, v53;
	v0 =	vadd.f32 v0, v24  }
0x45f: {  	v48 =	vadd.f32 v30, v57;
	v51 =	vld [tilespmem:$0x770];
	v50 =	vmul.f32 v22, v54;
	v49 =	vadd.f32 v60, v61  }
0x460: {  	v52 =	vld [tilespmem:$0x7E0];
	v22 =	vmul.f32 v22, v56;
	v53 =	vmul.f32 v20, v35;
	v0 =	vadd.f32 v0, v23  }
0x461: {  	v55 =	vld [tilespmem:$0x7F0];
	v54 =	vmul.f32 v21, v58;
	v26 =	vadd.f32 v59, v63;
	v30 =	vadd.f32 v49, v50  }
0x462: {  	v56 =	vmul.f32 v25, v38;
	v21 =	vmul.f32 v21, v62;
	v0 =	vadd.f32 v0, v22  }
0x463: {  	[tilespmem:$0xC80] =	vst v27;
	v59 =	vmul.f32 v20, v47;
	v57 =	vadd.f32 v26, v53;
	v58 =	vadd.f32 v30, v54  }
0x464: {  	[tilespmem:$0xC90] =	vst v32;
	v60 =	vmul.f32 v25, v46;
	v20 =	vmul.f32 v20, v51;
	v0 =	vadd.f32 v0, v21  }
0x465: {  	[tilespmem:$0xCB0] =	vst v29;
	v61 =	vadd.f32 v48, v56;
	v62 =	vmul.f32 v25, v52;
	v23 =	vadd.f32 v58, v59  }
0x466: {  	[tilespmem:$0xCA0] =	vst v28;
	v22 =	vadd.f32 v57, v60;
	v0 =	vadd.f32 v0, v20;
	v20 =	vmul.f32 v25, v55  }
0x467: {  	[tilespmem:$0xCC0] =	vst v61;
	v63 =	vadd.f32 v23, v62  }
0x468: {  	[tilespmem:$0xCD0] =	vst v22;
	v0 =	vadd.f32 v0, v20  }
0x469: {  	[tilespmem:$0xCE0] =	vst v63  }
.Ltmp3:
0x46a: {  	[tilespmem:$0xCF0] =	vst v0;
	(pc) =	sbr.rel .LBB2_3-.Ltmp3, $4  }
0x46b: {  	[hbm4b:s8+s2] =	stream.linear.scatter [tilespmem:s19], [sflag:$0x2], $0x80, $0x38;
	[tilespmem:$0xD00] =	vst v63  }
0x46c: {  	v34 =	vld [tilespmem:$0x1FF90];
	_ =	swait.ge [sflag:s10], $0x80  }
0x46d: {  	[sflag:s10] =	ssyncset.done $0x0  }
0x46e: {  	[sflag:s10] =	ssyncadd.s32 $0xFFFFFF80  }
.LBB2_4:
0x46f: {  	_ =	sfence.sel $0x180000  }
0x470: {  	[bflag:$0x0] =	sbarrier.arrive $0xFFFF  }
0x471: {  	_ =	strace $0x90000047  }
0x472: {  	s0 =	sadd.s32 @!p0 $0x100000, s1;
	[bflag:$0x2] =	sbarrier.arrive $0xFFFF  }
0x473: {  	[sflag:s0] =	ssyncadd.tile.s32 @!p0 $0x1;
	_ =	shalt  }
.Lfunc_end2:
_tile_overlayer_lowered:
.L_overlay_start_2:
0x474: {  	(tag) =	ssettag $0x2  }
0x475: {  	s0 =	rddreg [dreg:$0x0];
	s2 =	stileid.u32  }
0x476: {  	s1 =	rddreg [dreg:$0x1];
	p0 =	sne.s32 s2, $0x0  }
0x477: {  	s3 =	rddreg [dreg:$0x2];
	[bflag:$0x3] =	sbarrier.arrive $0xFFFF;
	s2 =	simm.s32 @!p0 $0x1C02  }
0x478: {  	[timem:s3], [sflag:s2] =	dma.local @!p0 [hbm:s0], s1  }
0x479: {  	s0 =	simm.s32 @!p0 $0x2  }
0x47a: {  	_ =	swait.ge @!p0 [sflag:s0], s1  }
0x47b: {  	s1 =	ssub.s32 @!p0 $0x0, s1;
	[sflag:s0] =	ssyncset.done @!p0 $0x0  }
0x47c: {  	[sflag:s0] =	ssyncadd.s32 @!p0 s1  }
0x47d: {  	[bflag:$0x3] =	sbarrier.arrive $0xFFFF  }
0x47e: {  	_ =	shalt  }

</sc_bundles>
